<compile_context>
chip_gen: v7x
topology: tpu7x:2x2x1
jax: 0.10.2.dev20260603
libtpu: 0.0.44.dev20260713+nightly
codegen_flags: <defaults>
</compile_context>

<pallas_src>
import functools

import jax
import jax.numpy as jnp
from jax import lax
from jax.experimental import pallas as pl
from jax.experimental.pallas import tpu as pltpu
from jax.experimental.pallas import tpu_sc as plsc

N = 10000
E = 320000
IN_FEATS = 128
HIDDEN = 256
NUM_LAYERS = 3
NUM_GRAPHS = 64
BN_EPS = 1e-5

NC = 2
NS = 16
F2 = 128
C = 125
IB = 40
RCHUNK = 80
RSLICES = 8


def _make_sc_agg(split_edges):
  ept = (E // NC if split_edges else E) // NS
  nchunk = ept // C
  nblk = nchunk // IB
  mesh = plsc.VectorSubcoreMesh(
      core_axis_name="c", subcore_axis_name="s", num_cores=NC, num_subcores=NS)

  @functools.partial(
      pl.kernel,
      out_type=jax.ShapeDtypeStruct((2 * N, F2), jnp.float32),
      mesh=mesh,
      scratch_types=[
          pltpu.VMEM((IB, C), jnp.int32),
          pltpu.VMEM((IB, C), jnp.int32),
          pltpu.VMEM((C, F2), jnp.float32),
          pltpu.VMEM((C, F2), jnp.float32),
          pltpu.VMEM_SHARED((N, F2), jnp.float32),
          pltpu.SemaphoreType.DMA,
          pltpu.SemaphoreType.DMA,
          pltpu.SemaphoreType.DMA,
      ],
  )
  def agg(h_hbm, src_hbm, dst_hbm, out_hbm, srcblk, dstblk, rows0, rows1,
          accum, sem0, sem1, semi):
    c = lax.axis_index("c")
    s = lax.axis_index("s")

    if split_edges:
      src_row0 = c * ((E // NC) // C) + s * nchunk
      dst_row0 = src_row0
    else:
      src_row0 = c * (E // C) + s * nchunk
      dst_row0 = s * nchunk

    def zrow(r, carry):
      for k in range(F2 // 16):
        rows0[r, pl.ds(k * 16, 16)] = jnp.zeros((16,), jnp.float32)
      return carry

    lax.fori_loop(0, RCHUNK, zrow, 0)
    zslice = rows0.at[pl.ds(0, RCHUNK)]
    for j in range(RSLICES):
      off = pl.multiple_of(s * (RCHUNK * RSLICES) + j * RCHUNK, 8)
      @pl.when(off < N)
      def _():
        pltpu.sync_copy(zslice, accum.at[pl.ds(off, RCHUNK)])
    plsc.subcore_barrier()

    def start(i, buf, sem):
      pltpu.async_copy(h_hbm.at[srcblk.at[i]], buf, sem)

    def finish(i, buf, sem):
      pltpu.make_async_copy(h_hbm.at[srcblk.at[i]], buf, sem).wait()
      pltpu.sync_copy(buf, accum.at[dstblk.at[i]], add=True)

    def block(b, carry):
      sb = pl.multiple_of(src_row0 + b * IB, 8)
      db = pl.multiple_of(dst_row0 + b * IB, 8)
      cp_s = pltpu.async_copy(src_hbm.at[pl.ds(sb, IB)], srcblk, semi)
      cp_d = pltpu.async_copy(dst_hbm.at[pl.ds(db, IB)], dstblk, semi)
      cp_s.wait()
      cp_d.wait()
      start(0, rows0, sem0)

      def pair(k, carry2):
        i0 = 2 * k
        start(i0 + 1, rows1, sem1)
        finish(i0, rows0, sem0)
        @pl.when(i0 + 2 < IB)
        def _():
          start(i0 + 2, rows0, sem0)
        finish(i0 + 1, rows1, sem1)
        return carry2

      lax.fori_loop(0, IB // 2, pair, 0)
      return carry

    lax.fori_loop(0, nblk, block, 0)
    plsc.subcore_barrier()

    stage = rows0.at[pl.ds(0, RCHUNK)]
    for j in range(RSLICES):
      off = pl.multiple_of(s * (RCHUNK * RSLICES) + j * RCHUNK, 8)
      @pl.when(off < N)
      def _():
        pltpu.sync_copy(accum.at[pl.ds(off, RCHUNK)], stage)
        pltpu.sync_copy(stage, out_hbm.at[pl.ds(c * N + off, RCHUNK)])

  return agg


def _make_mlp(layer0):

  def body(h_ref, ac_ref, eps_ref, w1_ref, g1_ref, bb1_ref,
           w2_ref, g2_ref, bb2_ref, onehot_ref, outc_ref, pool_ref):
    if layer0:
      h = h_ref[...]
      agg = ac_ref[:N] + ac_ref[N:]
    else:
      h = jnp.concatenate([h_ref[:N], h_ref[N:]], axis=1)
      agg = jnp.concatenate([ac_ref[:N], ac_ref[N:]], axis=1)
    z = (1.0 + eps_ref[0, 0]) * h + agg
    z = jnp.dot(z, w1_ref[...], preferred_element_type=jnp.float32)
    mu = jnp.mean(z, axis=0, keepdims=True)
    var = jnp.mean(z * z, axis=0, keepdims=True) - mu * mu
    a1 = g1_ref[...] * lax.rsqrt(var + BN_EPS)
    c1 = bb1_ref[...] - mu * a1
    z = jnp.maximum(z * a1 + c1, 0.0)
    z = jnp.dot(z, w2_ref[...], preferred_element_type=jnp.float32)
    mu2 = jnp.mean(z, axis=0, keepdims=True)
    var2 = jnp.mean(z * z, axis=0, keepdims=True) - mu2 * mu2
    a2 = g2_ref[...] * lax.rsqrt(var2 + BN_EPS)
    c2 = bb2_ref[...] - mu2 * a2
    h2 = jnp.maximum(z * a2 + c2, 0.0)
    outc_ref[:N] = h2[:, :HIDDEN // 2]
    outc_ref[N:] = h2[:, HIDDEN // 2:]
    pool_ref[...] = lax.dot_general(
        onehot_ref[...], h2, (((0,), (0,)), ((), ())),
        preferred_element_type=jnp.float32)

  return pl.pallas_call(
      body,
      out_shape=[
          jax.ShapeDtypeStruct((2 * N, HIDDEN // 2), jnp.float32),
          jax.ShapeDtypeStruct((NUM_GRAPHS, HIDDEN), jnp.float32),
      ],
  )


_make_sc_agg = functools.lru_cache(maxsize=None)(_make_sc_agg)
_make_mlp = functools.lru_cache(maxsize=None)(_make_mlp)


@jax.jit
def _encoder(x, edge_index, batch, params):
  src = edge_index[0]
  dst = edge_index[1]
  srcr = src.reshape(E // C, C)
  src2r = jnp.concatenate([src, src + N]).reshape(2 * E // C, C)
  dstr = dst.reshape(E // C, C)
  onehot = (batch.reshape(N, 1) == jnp.arange(NUM_GRAPHS, dtype=jnp.int32)
            .reshape(1, NUM_GRAPHS)).astype(jnp.float32)

  reps = []
  pools = []
  h_in = x
  for i in range(NUM_LAYERS):
    p = params[f"layer{i}"]
    ac = _make_sc_agg(i == 0)(h_in, srcr if i == 0 else src2r, dstr)
    outc, pool = _make_mlp(i == 0)(
        h_in, ac, p["eps"].reshape(1, 1),
        p["W1"], p["bn1_g"].reshape(1, HIDDEN), p["bn1_b"].reshape(1, HIDDEN),
        p["W2"], p["bn_g"].reshape(1, HIDDEN), p["bn_b"].reshape(1, HIDDEN),
        onehot)
    reps.extend([outc[:N], outc[N:]])
    pools.append(pool)
    h_in = outc

  graph_rep = jnp.concatenate(pools, axis=1)
  node_rep = jnp.concatenate(reps, axis=1)
  return graph_rep, node_rep


def kernel(x, edge_index, batch, params):
  return _encoder(x, edge_index, batch, params)

# --- scband reference (transcript-rebuilt; emitter-appended) ---
"""Pipeline reference for scband-encoder-53068615910240 (READ-ONLY COPY).

The authoritative reference and input builder live on the scoring server;
editing this copy changes nothing except your own understanding.
"""

import jax, jax.numpy as jnp
import numpy as np

N = 10000
E = 320000
IN_FEATS = 128
HIDDEN = 256
NUM_LAYERS = 3
NUM_GRAPHS = 64
BN_EPS = 1e-5


def _batchnorm(h, gamma, beta):
    # training-mode batch norm over the node dimension (matches nn.BatchNorm1d in train mode)
    mean = jnp.mean(h, axis=0)
    var = jnp.var(h, axis=0)
    return gamma * (h - mean) / jnp.sqrt(var + BN_EPS) + beta


def _make_params(key):
    params = {}
    for i in range(NUM_LAYERS):
        in_dim = IN_FEATS if i == 0 else HIDDEN
        k1, k2, key = jax.random.split(key, 3)
        params[f"layer{i}"] = {
            "eps": jnp.zeros((), jnp.float32),  # train_eps=True, init 0
            "W1": jax.random.normal(k1, (in_dim, HIDDEN), jnp.float32) * (2.0 / in_dim) ** 0.5,
            "b1": jnp.zeros((HIDDEN,), jnp.float32),
            "bn1_g": jnp.ones((HIDDEN,), jnp.float32),
            "bn1_b": jnp.zeros((HIDDEN,), jnp.float32),
            "W2": jax.random.normal(k2, (HIDDEN, HIDDEN), jnp.float32) * (2.0 / HIDDEN) ** 0.5,
            "b2": jnp.zeros((HIDDEN,), jnp.float32),
            "bn_g": jnp.ones((HIDDEN,), jnp.float32),   # outer BatchNorm1d
            "bn_b": jnp.zeros((HIDDEN,), jnp.float32),
        }
    return params


def setup_inputs(seed: int = 0) -> dict:
    key = jax.random.key(seed)
    kx, ke, kb, kp = jax.random.split(key, 4)
    x = jax.random.normal(kx, (N, IN_FEATS), jnp.float32)
    edge_index = jax.random.randint(ke, (2, E), 0, N, jnp.int32)
    batch = jnp.sort(jax.random.randint(kb, (N,), 0, NUM_GRAPHS, jnp.int32))
    params = _make_params(kp)
    return {"x": x, "edge_index": edge_index, "batch": batch, "params": params}


def _encoder_fwd(x, edge_index, batch, params):
    src = edge_index[0]
    dst = edge_index[1]
    h = x
    layer_rep = []
    for i in range(NUM_LAYERS):
        p = params[f"layer{i}"]
        # GIN aggregation: sum of neighbor features scattered to dst nodes
        agg = jax.ops.segment_sum(h[src], dst, num_segments=N)
        z = (1.0 + p["eps"]) * h + agg
        # GINMLP: Linear -> BN -> ReLU -> Linear
        z = jnp.dot(z, p["W1"]) + p["b1"]
        z = jax.nn.relu(_batchnorm(z, p["bn1_g"], p["bn1_b"]))
        z = jnp.dot(z, p["W2"]) + p["b2"]
        # outer BN + ReLU (Encoder.forward)
        h = jax.nn.relu(_batchnorm(z, p["bn_g"], p["bn_b"]))
        layer_rep.append(h)
    pooled_rep = [jax.ops.segment_sum(hh, batch, num_segments=NUM_GRAPHS) for hh in layer_rep]
    node_rep = jnp.concatenate(layer_rep, axis=1)
    graph_rep = jnp.concatenate(pooled_rep, axis=1)
    return graph_rep, node_rep


def reference(x, edge_index, batch, params):
    return _encoder_fwd(x, edge_index, batch, params)

if __name__ == "__main__":
    import jax
    _d = setup_inputs()
    print(jax.jit(kernel)(*tuple(_d.values())))

</pallas_src>

<mosaic_0001>
#map = affine_map<(d0, d1) -> (0, 0)>
module attributes {stable_mosaic.version = 14 : i64} {
  func.func @agg(%arg0: i32, %arg1: i32, %arg2: memref<20000x128xf32, #tpu.memory_space<hbm>>, %arg3: memref<5120x125xi32, #tpu.memory_space<hbm>>, %arg4: memref<2560x125xi32, #tpu.memory_space<hbm>>, %arg5: memref<20000x128xf32, #tpu.memory_space<hbm>>, %arg6: memref<40x125xi32, #tpu.memory_space<vmem>>, %arg7: memref<40x125xi32, #tpu.memory_space<vmem>>, %arg8: memref<125x128xf32, #tpu.memory_space<vmem>>, %arg9: memref<125x128xf32, #tpu.memory_space<vmem>>, %arg10: memref<10000x128xf32, #tpu.memory_space<vmem_shared>>, %arg11: memref<!tpu.dma_semaphore, #tpu.memory_space<semaphore_mem>>, %arg12: memref<!tpu.dma_semaphore, #tpu.memory_space<semaphore_mem>>, %arg13: memref<!tpu.dma_semaphore, #tpu.memory_space<semaphore_mem>>) attributes {dimension_semantics = [#tpu.dimension_semantics<core_parallel>, #tpu.dimension_semantics<subcore_parallel>], iteration_bounds = array<i64: 2, 16>, scalar_prefetch = 0 : i64, scratch_operands = 8 : i64, tpu.core_type = #tpu.core_type<sc_vector_subcore>, window_params = [{transform_indices = #map}, {transform_indices = #map}, {transform_indices = #map}, {transform_indices = #map}]} {
    %mul3A = arith.constant 2560 : i32
    %mul3A_0 = arith.muli %arg0, %mul3A : i32
    %mul3A_1 = arith.constant 160 : i32
    %mul3A_2 = arith.muli %arg1, %mul3A_1 : i32
    %add3A = arith.addi %mul3A_0, %mul3A_2 : i32
    %mul3A_3 = arith.constant 160 : i32
    %mul3A_4 = arith.muli %arg1, %mul3A_3 : i32
    %scan3A = arith.constant 0 : i32
    %scan3A_5 = arith.constant 0 : i32
    %scan3A_6 = arith.constant 80 : i32
    %scan3A_7 = arith.addi %scan3A_5, %scan3A_6 : i32
    %scan3A_8 = arith.constant 1 : i32
    scf.for %scan3A_173 = %scan3A_5 to %scan3A_7 step %scan3A_8  : i32 {
      %broadcast_in_dim3A = arith.constant 0.000000e+00 : f32
      %broadcast_in_dim3A_174 = vector.broadcast %broadcast_in_dim3A : f32 to vector<16xf32>
      %swap3A = arith.index_cast %scan3A_173 : i32 to index
      %swap3A_175 = arith.constant 0 : index
      %swap3A_176 = tpu.vector_load %arg8[%swap3A, %swap3A_175] {strides = array<i32>} : memref<125x128xf32, #tpu.memory_space<vmem>>, vector<1x16xf32>,
      %swap3A_177 = vector.shape_cast %swap3A_176 : vector<1x16xf32> to vector<16xf32>
      %swap3A_178 = vector.shape_cast %broadcast_in_dim3A_174 : vector<16xf32> to vector<1x16xf32>
      tpu.vector_store %arg8[%swap3A, %swap3A_175], %swap3A_178 {strides = array<i32>} : memref<125x128xf32, #tpu.memory_space<vmem>>, vector<1x16xf32>,
      %broadcast_in_dim3A_179 = arith.constant 0.000000e+00 : f32
      %broadcast_in_dim3A_180 = vector.broadcast %broadcast_in_dim3A_179 : f32 to vector<16xf32>
      %swap3A_181 = arith.index_cast %scan3A_173 : i32 to index
      %swap3A_182 = arith.constant 16 : index
      %swap3A_183 = tpu.vector_load %arg8[%swap3A_181, %swap3A_182] {strides = array<i32>} : memref<125x128xf32, #tpu.memory_space<vmem>>, vector<1x16xf32>,
      %swap3A_184 = vector.shape_cast %swap3A_183 : vector<1x16xf32> to vector<16xf32>
      %swap3A_185 = vector.shape_cast %broadcast_in_dim3A_180 : vector<16xf32> to vector<1x16xf32>
      tpu.vector_store %arg8[%swap3A_181, %swap3A_182], %swap3A_185 {strides = array<i32>} : memref<125x128xf32, #tpu.memory_space<vmem>>, vector<1x16xf32>,
      %broadcast_in_dim3A_186 = arith.constant 0.000000e+00 : f32
      %broadcast_in_dim3A_187 = vector.broadcast %broadcast_in_dim3A_186 : f32 to vector<16xf32>
      %swap3A_188 = arith.index_cast %scan3A_173 : i32 to index
      %swap3A_189 = arith.constant 32 : index
      %swap3A_190 = tpu.vector_load %arg8[%swap3A_188, %swap3A_189] {strides = array<i32>} : memref<125x128xf32, #tpu.memory_space<vmem>>, vector<1x16xf32>,
      %swap3A_191 = vector.shape_cast %swap3A_190 : vector<1x16xf32> to vector<16xf32>
      %swap3A_192 = vector.shape_cast %broadcast_in_dim3A_187 : vector<16xf32> to vector<1x16xf32>
      tpu.vector_store %arg8[%swap3A_188, %swap3A_189], %swap3A_192 {strides = array<i32>} : memref<125x128xf32, #tpu.memory_space<vmem>>, vector<1x16xf32>,
      %broadcast_in_dim3A_193 = arith.constant 0.000000e+00 : f32
      %broadcast_in_dim3A_194 = vector.broadcast %broadcast_in_dim3A_193 : f32 to vector<16xf32>
      %swap3A_195 = arith.index_cast %scan3A_173 : i32 to index
      %swap3A_196 = arith.constant 48 : index
      %swap3A_197 = tpu.vector_load %arg8[%swap3A_195, %swap3A_196] {strides = array<i32>} : memref<125x128xf32, #tpu.memory_space<vmem>>, vector<1x16xf32>,
      %swap3A_198 = vector.shape_cast %swap3A_197 : vector<1x16xf32> to vector<16xf32>
      %swap3A_199 = vector.shape_cast %broadcast_in_dim3A_194 : vector<16xf32> to vector<1x16xf32>
      tpu.vector_store %arg8[%swap3A_195, %swap3A_196], %swap3A_199 {strides = array<i32>} : memref<125x128xf32, #tpu.memory_space<vmem>>, vector<1x16xf32>,
      %broadcast_in_dim3A_200 = arith.constant 0.000000e+00 : f32
      %broadcast_in_dim3A_201 = vector.broadcast %broadcast_in_dim3A_200 : f32 to vector<16xf32>
      %swap3A_202 = arith.index_cast %scan3A_173 : i32 to index
      %swap3A_203 = arith.constant 64 : index
      %swap3A_204 = tpu.vector_load %arg8[%swap3A_202, %swap3A_203] {strides = array<i32>} : memref<125x128xf32, #tpu.memory_space<vmem>>, vector<1x16xf32>,
      %swap3A_205 = vector.shape_cast %swap3A_204 : vector<1x16xf32> to vector<16xf32>
      %swap3A_206 = vector.shape_cast %broadcast_in_dim3A_201 : vector<16xf32> to vector<1x16xf32>
      tpu.vector_store %arg8[%swap3A_202, %swap3A_203], %swap3A_206 {strides = array<i32>} : memref<125x128xf32, #tpu.memory_space<vmem>>, vector<1x16xf32>,
      %broadcast_in_dim3A_207 = arith.constant 0.000000e+00 : f32
      %broadcast_in_dim3A_208 = vector.broadcast %broadcast_in_dim3A_207 : f32 to vector<16xf32>
      %swap3A_209 = arith.index_cast %scan3A_173 : i32 to index
      %swap3A_210 = arith.constant 80 : index
      %swap3A_211 = tpu.vector_load %arg8[%swap3A_209, %swap3A_210] {strides = array<i32>} : memref<125x128xf32, #tpu.memory_space<vmem>>, vector<1x16xf32>,
      %swap3A_212 = vector.shape_cast %swap3A_211 : vector<1x16xf32> to vector<16xf32>
      %swap3A_213 = vector.shape_cast %broadcast_in_dim3A_208 : vector<16xf32> to vector<1x16xf32>
      tpu.vector_store %arg8[%swap3A_209, %swap3A_210], %swap3A_213 {strides = array<i32>} : memref<125x128xf32, #tpu.memory_space<vmem>>, vector<1x16xf32>,
      %broadcast_in_dim3A_214 = arith.constant 0.000000e+00 : f32
      %broadcast_in_dim3A_215 = vector.broadcast %broadcast_in_dim3A_214 : f32 to vector<16xf32>
      %swap3A_216 = arith.index_cast %scan3A_173 : i32 to index
      %swap3A_217 = arith.constant 96 : index
      %swap3A_218 = tpu.vector_load %arg8[%swap3A_216, %swap3A_217] {strides = array<i32>} : memref<125x128xf32, #tpu.memory_space<vmem>>, vector<1x16xf32>,
      %swap3A_219 = vector.shape_cast %swap3A_218 : vector<1x16xf32> to vector<16xf32>
      %swap3A_220 = vector.shape_cast %broadcast_in_dim3A_215 : vector<16xf32> to vector<1x16xf32>
      tpu.vector_store %arg8[%swap3A_216, %swap3A_217], %swap3A_220 {strides = array<i32>} : memref<125x128xf32, #tpu.memory_space<vmem>>, vector<1x16xf32>,
      %broadcast_in_dim3A_221 = arith.constant 0.000000e+00 : f32
      %broadcast_in_dim3A_222 = vector.broadcast %broadcast_in_dim3A_221 : f32 to vector<16xf32>
      %swap3A_223 = arith.index_cast %scan3A_173 : i32 to index
      %swap3A_224 = arith.constant 112 : index
      %swap3A_225 = tpu.vector_load %arg8[%swap3A_223, %swap3A_224] {strides = array<i32>} : memref<125x128xf32, #tpu.memory_space<vmem>>, vector<1x16xf32>,
      %swap3A_226 = vector.shape_cast %swap3A_225 : vector<1x16xf32> to vector<16xf32>
      %swap3A_227 = vector.shape_cast %broadcast_in_dim3A_222 : vector<16xf32> to vector<1x16xf32>
      tpu.vector_store %arg8[%swap3A_223, %swap3A_224], %swap3A_227 {strides = array<i32>} : memref<125x128xf32, #tpu.memory_space<vmem>>, vector<1x16xf32>,
    }
    %scan3A_9 = arith.constant 80 : i32
    %mul3A_10 = arith.constant 640 : i32
    %mul3A_11 = arith.muli %arg1, %mul3A_10 : i32
    %add3A_12 = arith.constant 0 : i32
    %add3A_13 = arith.addi %mul3A_11, %add3A_12 : i32
    %multiple_of3A = tpu.assume_multiple %add3A_13, 8 : i32
    %lt3A = arith.constant 10000 : i32
    %lt3A_14 = arith.cmpi slt, %multiple_of3A, %lt3A : i32
    %convert_element_type3A = arith.extui %lt3A_14 : i1 to i32
    %cond3A = arith.constant 0 : i32
    %cond3A_15 = arith.cmpi ne, %convert_element_type3A, %cond3A : i32
    scf.if %cond3A_15 {
      "tpu.region"() ({
        %run_scoped3A = tpu.sem_alloc : memref<!tpu.dma_semaphore, #tpu.memory_space<semaphore_mem>>
        %dma_start3A = arith.constant 0 : i32
        %dma_start3A_173 = arith.constant 0 : i32
        %dma_start3A_174 = tpu.memref_slice %arg8[%dma_start3A, %dma_start3A_173] : memref<125x128xf32, #tpu.memory_space<vmem>> -> memref<80x128xf32, #tpu.memory_space<vmem>>
        %dma_start3A_175 = arith.constant 0 : i32
        %dma_start3A_176 = tpu.memref_slice %arg10[%multiple_of3A, %dma_start3A_175] : memref<10000x128xf32, #tpu.memory_space<vmem_shared>> -> memref<80x128xf32, #tpu.memory_space<vmem_shared>>
        %dma_start3A_177 = arith.constant 0 : i32
        %dma_start3A_178 = tpu.memref_slice %arg10[%multiple_of3A, %dma_start3A_177] : memref<10000x128xf32, #tpu.memory_space<vmem_shared>> -> memref<80x128xf32, #tpu.memory_space<vmem_shared>>
        %dma_start3A_179 = arith.constant 0 : i32
        %dma_start3A_180 = arith.constant 0 : i32
        %dma_start3A_181 = tpu.memref_slice %arg8[%dma_start3A_179, %dma_start3A_180] : memref<125x128xf32, #tpu.memory_space<vmem>> -> memref<80x128xf32, #tpu.memory_space<vmem>>
        tpu.enqueue_dma source(%dma_start3A_181 : memref<80x128xf32, #tpu.memory_space<vmem>>) target(%dma_start3A_178 : memref<80x128xf32, #tpu.memory_space<vmem_shared>>) target_semaphore(%run_scoped3A : memref<!tpu.dma_semaphore, #tpu.memory_space<semaphore_mem>>)
        %dma_wait3A = arith.constant 0 : i32
        %dma_wait3A_182 = arith.constant 0 : i32
        %dma_wait3A_183 = tpu.memref_slice %arg8[%dma_wait3A, %dma_wait3A_182] : memref<125x128xf32, #tpu.memory_space<vmem>> -> memref<80x128xf32, #tpu.memory_space<vmem>>
        %dma_wait3A_184 = arith.constant 0 : i32
        %dma_wait3A_185 = tpu.memref_slice %arg10[%multiple_of3A, %dma_wait3A_184] : memref<10000x128xf32, #tpu.memory_space<vmem_shared>> -> memref<80x128xf32, #tpu.memory_space<vmem_shared>>
        %dma_wait3A_186 = arith.constant 0 : i32
        %dma_wait3A_187 = tpu.memref_slice %arg10[%multiple_of3A, %dma_wait3A_186] : memref<10000x128xf32, #tpu.memory_space<vmem_shared>> -> memref<80x128xf32, #tpu.memory_space<vmem_shared>>
        %dma_wait3A_188 = arith.constant 0 : i32
        %dma_wait3A_189 = arith.constant 0 : i32
        %dma_wait3A_190 = tpu.memref_slice %arg8[%dma_wait3A_188, %dma_wait3A_189] : memref<125x128xf32, #tpu.memory_space<vmem>> -> memref<80x128xf32, #tpu.memory_space<vmem>>
        tpu.wait_dma2 semaphore(%run_scoped3A : memref<!tpu.dma_semaphore, #tpu.memory_space<semaphore_mem>>) src(%dma_wait3A_190 : memref<80x128xf32, #tpu.memory_space<vmem>>) dst(%dma_wait3A_187 : memref<80x128xf32, #tpu.memory_space<vmem_shared>>)
        tpu.yield
      }) : () -> ()
    } else {
    }
    %mul3A_16 = arith.constant 640 : i32
    %mul3A_17 = arith.muli %arg1, %mul3A_16 : i32
    %add3A_18 = arith.constant 80 : i32
    %add3A_19 = arith.addi %mul3A_17, %add3A_18 : i32
    %multiple_of3A_20 = tpu.assume_multiple %add3A_19, 8 : i32
    %lt3A_21 = arith.constant 10000 : i32
    %lt3A_22 = arith.cmpi slt, %multiple_of3A_20, %lt3A_21 : i32
    %convert_element_type3A_23 = arith.extui %lt3A_22 : i1 to i32
    %cond3A_24 = arith.constant 0 : i32
    %cond3A_25 = arith.cmpi ne, %convert_element_type3A_23, %cond3A_24 : i32
    scf.if %cond3A_25 {
      "tpu.region"() ({
        %run_scoped3A = tpu.sem_alloc : memref<!tpu.dma_semaphore, #tpu.memory_space<semaphore_mem>>
        %dma_start3A = arith.constant 0 : i32
        %dma_start3A_173 = arith.constant 0 : i32
        %dma_start3A_174 = tpu.memref_slice %arg8[%dma_start3A, %dma_start3A_173] : memref<125x128xf32, #tpu.memory_space<vmem>> -> memref<80x128xf32, #tpu.memory_space<vmem>>
        %dma_start3A_175 = arith.constant 0 : i32
        %dma_start3A_176 = tpu.memref_slice %arg10[%multiple_of3A_20, %dma_start3A_175] : memref<10000x128xf32, #tpu.memory_space<vmem_shared>> -> memref<80x128xf32, #tpu.memory_space<vmem_shared>>
        %dma_start3A_177 = arith.constant 0 : i32
        %dma_start3A_178 = tpu.memref_slice %arg10[%multiple_of3A_20, %dma_start3A_177] : memref<10000x128xf32, #tpu.memory_space<vmem_shared>> -> memref<80x128xf32, #tpu.memory_space<vmem_shared>>
        %dma_start3A_179 = arith.constant 0 : i32
        %dma_start3A_180 = arith.constant 0 : i32
        %dma_start3A_181 = tpu.memref_slice %arg8[%dma_start3A_179, %dma_start3A_180] : memref<125x128xf32, #tpu.memory_space<vmem>> -> memref<80x128xf32, #tpu.memory_space<vmem>>
        tpu.enqueue_dma source(%dma_start3A_181 : memref<80x128xf32, #tpu.memory_space<vmem>>) target(%dma_start3A_178 : memref<80x128xf32, #tpu.memory_space<vmem_shared>>) target_semaphore(%run_scoped3A : memref<!tpu.dma_semaphore, #tpu.memory_space<semaphore_mem>>)
        %dma_wait3A = arith.constant 0 : i32
        %dma_wait3A_182 = arith.constant 0 : i32
        %dma_wait3A_183 = tpu.memref_slice %arg8[%dma_wait3A, %dma_wait3A_182] : memref<125x128xf32, #tpu.memory_space<vmem>> -> memref<80x128xf32, #tpu.memory_space<vmem>>
        %dma_wait3A_184 = arith.constant 0 : i32
        %dma_wait3A_185 = tpu.memref_slice %arg10[%multiple_of3A_20, %dma_wait3A_184] : memref<10000x128xf32, #tpu.memory_space<vmem_shared>> -> memref<80x128xf32, #tpu.memory_space<vmem_shared>>
        %dma_wait3A_186 = arith.constant 0 : i32
        %dma_wait3A_187 = tpu.memref_slice %arg10[%multiple_of3A_20, %dma_wait3A_186] : memref<10000x128xf32, #tpu.memory_space<vmem_shared>> -> memref<80x128xf32, #tpu.memory_space<vmem_shared>>
        %dma_wait3A_188 = arith.constant 0 : i32
        %dma_wait3A_189 = arith.constant 0 : i32
        %dma_wait3A_190 = tpu.memref_slice %arg8[%dma_wait3A_188, %dma_wait3A_189] : memref<125x128xf32, #tpu.memory_space<vmem>> -> memref<80x128xf32, #tpu.memory_space<vmem>>
        tpu.wait_dma2 semaphore(%run_scoped3A : memref<!tpu.dma_semaphore, #tpu.memory_space<semaphore_mem>>) src(%dma_wait3A_190 : memref<80x128xf32, #tpu.memory_space<vmem>>) dst(%dma_wait3A_187 : memref<80x128xf32, #tpu.memory_space<vmem_shared>>)
        tpu.yield
      }) : () -> ()
    } else {
    }
    %mul3A_26 = arith.constant 640 : i32
    %mul3A_27 = arith.muli %arg1, %mul3A_26 : i32
    %add3A_28 = arith.constant 160 : i32
    %add3A_29 = arith.addi %mul3A_27, %add3A_28 : i32
    %multiple_of3A_30 = tpu.assume_multiple %add3A_29, 8 : i32
    %lt3A_31 = arith.constant 10000 : i32
    %lt3A_32 = arith.cmpi slt, %multiple_of3A_30, %lt3A_31 : i32
    %convert_element_type3A_33 = arith.extui %lt3A_32 : i1 to i32
    %cond3A_34 = arith.constant 0 : i32
    %cond3A_35 = arith.cmpi ne, %convert_element_type3A_33, %cond3A_34 : i32
    scf.if %cond3A_35 {
      "tpu.region"() ({
        %run_scoped3A = tpu.sem_alloc : memref<!tpu.dma_semaphore, #tpu.memory_space<semaphore_mem>>
        %dma_start3A = arith.constant 0 : i32
        %dma_start3A_173 = arith.constant 0 : i32
        %dma_start3A_174 = tpu.memref_slice %arg8[%dma_start3A, %dma_start3A_173] : memref<125x128xf32, #tpu.memory_space<vmem>> -> memref<80x128xf32, #tpu.memory_space<vmem>>
        %dma_start3A_175 = arith.constant 0 : i32
        %dma_start3A_176 = tpu.memref_slice %arg10[%multiple_of3A_30, %dma_start3A_175] : memref<10000x128xf32, #tpu.memory_space<vmem_shared>> -> memref<80x128xf32, #tpu.memory_space<vmem_shared>>
        %dma_start3A_177 = arith.constant 0 : i32
        %dma_start3A_178 = tpu.memref_slice %arg10[%multiple_of3A_30, %dma_start3A_177] : memref<10000x128xf32, #tpu.memory_space<vmem_shared>> -> memref<80x128xf32, #tpu.memory_space<vmem_shared>>
        %dma_start3A_179 = arith.constant 0 : i32
        %dma_start3A_180 = arith.constant 0 : i32
        %dma_start3A_181 = tpu.memref_slice %arg8[%dma_start3A_179, %dma_start3A_180] : memref<125x128xf32, #tpu.memory_space<vmem>> -> memref<80x128xf32, #tpu.memory_space<vmem>>
        tpu.enqueue_dma source(%dma_start3A_181 : memref<80x128xf32, #tpu.memory_space<vmem>>) target(%dma_start3A_178 : memref<80x128xf32, #tpu.memory_space<vmem_shared>>) target_semaphore(%run_scoped3A : memref<!tpu.dma_semaphore, #tpu.memory_space<semaphore_mem>>)
        %dma_wait3A = arith.constant 0 : i32
        %dma_wait3A_182 = arith.constant 0 : i32
        %dma_wait3A_183 = tpu.memref_slice %arg8[%dma_wait3A, %dma_wait3A_182] : memref<125x128xf32, #tpu.memory_space<vmem>> -> memref<80x128xf32, #tpu.memory_space<vmem>>
        %dma_wait3A_184 = arith.constant 0 : i32
        %dma_wait3A_185 = tpu.memref_slice %arg10[%multiple_of3A_30, %dma_wait3A_184] : memref<10000x128xf32, #tpu.memory_space<vmem_shared>> -> memref<80x128xf32, #tpu.memory_space<vmem_shared>>
        %dma_wait3A_186 = arith.constant 0 : i32
        %dma_wait3A_187 = tpu.memref_slice %arg10[%multiple_of3A_30, %dma_wait3A_186] : memref<10000x128xf32, #tpu.memory_space<vmem_shared>> -> memref<80x128xf32, #tpu.memory_space<vmem_shared>>
        %dma_wait3A_188 = arith.constant 0 : i32
        %dma_wait3A_189 = arith.constant 0 : i32
        %dma_wait3A_190 = tpu.memref_slice %arg8[%dma_wait3A_188, %dma_wait3A_189] : memref<125x128xf32, #tpu.memory_space<vmem>> -> memref<80x128xf32, #tpu.memory_space<vmem>>
        tpu.wait_dma2 semaphore(%run_scoped3A : memref<!tpu.dma_semaphore, #tpu.memory_space<semaphore_mem>>) src(%dma_wait3A_190 : memref<80x128xf32, #tpu.memory_space<vmem>>) dst(%dma_wait3A_187 : memref<80x128xf32, #tpu.memory_space<vmem_shared>>)
        tpu.yield
      }) : () -> ()
    } else {
    }
    %mul3A_36 = arith.constant 640 : i32
    %mul3A_37 = arith.muli %arg1, %mul3A_36 : i32
    %add3A_38 = arith.constant 240 : i32
    %add3A_39 = arith.addi %mul3A_37, %add3A_38 : i32
    %multiple_of3A_40 = tpu.assume_multiple %add3A_39, 8 : i32
    %lt3A_41 = arith.constant 10000 : i32
    %lt3A_42 = arith.cmpi slt, %multiple_of3A_40, %lt3A_41 : i32
    %convert_element_type3A_43 = arith.extui %lt3A_42 : i1 to i32
    %cond3A_44 = arith.constant 0 : i32
    %cond3A_45 = arith.cmpi ne, %convert_element_type3A_43, %cond3A_44 : i32
    scf.if %cond3A_45 {
      "tpu.region"() ({
        %run_scoped3A = tpu.sem_alloc : memref<!tpu.dma_semaphore, #tpu.memory_space<semaphore_mem>>
        %dma_start3A = arith.constant 0 : i32
        %dma_start3A_173 = arith.constant 0 : i32
        %dma_start3A_174 = tpu.memref_slice %arg8[%dma_start3A, %dma_start3A_173] : memref<125x128xf32, #tpu.memory_space<vmem>> -> memref<80x128xf32, #tpu.memory_space<vmem>>
        %dma_start3A_175 = arith.constant 0 : i32
        %dma_start3A_176 = tpu.memref_slice %arg10[%multiple_of3A_40, %dma_start3A_175] : memref<10000x128xf32, #tpu.memory_space<vmem_shared>> -> memref<80x128xf32, #tpu.memory_space<vmem_shared>>
        %dma_start3A_177 = arith.constant 0 : i32
        %dma_start3A_178 = tpu.memref_slice %arg10[%multiple_of3A_40, %dma_start3A_177] : memref<10000x128xf32, #tpu.memory_space<vmem_shared>> -> memref<80x128xf32, #tpu.memory_space<vmem_shared>>
        %dma_start3A_179 = arith.constant 0 : i32
        %dma_start3A_180 = arith.constant 0 : i32
        %dma_start3A_181 = tpu.memref_slice %arg8[%dma_start3A_179, %dma_start3A_180] : memref<125x128xf32, #tpu.memory_space<vmem>> -> memref<80x128xf32, #tpu.memory_space<vmem>>
        tpu.enqueue_dma source(%dma_start3A_181 : memref<80x128xf32, #tpu.memory_space<vmem>>) target(%dma_start3A_178 : memref<80x128xf32, #tpu.memory_space<vmem_shared>>) target_semaphore(%run_scoped3A : memref<!tpu.dma_semaphore, #tpu.memory_space<semaphore_mem>>)
        %dma_wait3A = arith.constant 0 : i32
        %dma_wait3A_182 = arith.constant 0 : i32
        %dma_wait3A_183 = tpu.memref_slice %arg8[%dma_wait3A, %dma_wait3A_182] : memref<125x128xf32, #tpu.memory_space<vmem>> -> memref<80x128xf32, #tpu.memory_space<vmem>>
        %dma_wait3A_184 = arith.constant 0 : i32
        %dma_wait3A_185 = tpu.memref_slice %arg10[%multiple_of3A_40, %dma_wait3A_184] : memref<10000x128xf32, #tpu.memory_space<vmem_shared>> -> memref<80x128xf32, #tpu.memory_space<vmem_shared>>
        %dma_wait3A_186 = arith.constant 0 : i32
        %dma_wait3A_187 = tpu.memref_slice %arg10[%multiple_of3A_40, %dma_wait3A_186] : memref<10000x128xf32, #tpu.memory_space<vmem_shared>> -> memref<80x128xf32, #tpu.memory_space<vmem_shared>>
        %dma_wait3A_188 = arith.constant 0 : i32
        %dma_wait3A_189 = arith.constant 0 : i32
        %dma_wait3A_190 = tpu.memref_slice %arg8[%dma_wait3A_188, %dma_wait3A_189] : memref<125x128xf32, #tpu.memory_space<vmem>> -> memref<80x128xf32, #tpu.memory_space<vmem>>
        tpu.wait_dma2 semaphore(%run_scoped3A : memref<!tpu.dma_semaphore, #tpu.memory_space<semaphore_mem>>) src(%dma_wait3A_190 : memref<80x128xf32, #tpu.memory_space<vmem>>) dst(%dma_wait3A_187 : memref<80x128xf32, #tpu.memory_space<vmem_shared>>)
        tpu.yield
      }) : () -> ()
    } else {
    }
    %mul3A_46 = arith.constant 640 : i32
    %mul3A_47 = arith.muli %arg1, %mul3A_46 : i32
    %add3A_48 = arith.constant 320 : i32
    %add3A_49 = arith.addi %mul3A_47, %add3A_48 : i32
    %multiple_of3A_50 = tpu.assume_multiple %add3A_49, 8 : i32
    %lt3A_51 = arith.constant 10000 : i32
    %lt3A_52 = arith.cmpi slt, %multiple_of3A_50, %lt3A_51 : i32
    %convert_element_type3A_53 = arith.extui %lt3A_52 : i1 to i32
    %cond3A_54 = arith.constant 0 : i32
    %cond3A_55 = arith.cmpi ne, %convert_element_type3A_53, %cond3A_54 : i32
    scf.if %cond3A_55 {
      "tpu.region"() ({
        %run_scoped3A = tpu.sem_alloc : memref<!tpu.dma_semaphore, #tpu.memory_space<semaphore_mem>>
        %dma_start3A = arith.constant 0 : i32
        %dma_start3A_173 = arith.constant 0 : i32
        %dma_start3A_174 = tpu.memref_slice %arg8[%dma_start3A, %dma_start3A_173] : memref<125x128xf32, #tpu.memory_space<vmem>> -> memref<80x128xf32, #tpu.memory_space<vmem>>
        %dma_start3A_175 = arith.constant 0 : i32
        %dma_start3A_176 = tpu.memref_slice %arg10[%multiple_of3A_50, %dma_start3A_175] : memref<10000x128xf32, #tpu.memory_space<vmem_shared>> -> memref<80x128xf32, #tpu.memory_space<vmem_shared>>
        %dma_start3A_177 = arith.constant 0 : i32
        %dma_start3A_178 = tpu.memref_slice %arg10[%multiple_of3A_50, %dma_start3A_177] : memref<10000x128xf32, #tpu.memory_space<vmem_shared>> -> memref<80x128xf32, #tpu.memory_space<vmem_shared>>
        %dma_start3A_179 = arith.constant 0 : i32
        %dma_start3A_180 = arith.constant 0 : i32
        %dma_start3A_181 = tpu.memref_slice %arg8[%dma_start3A_179, %dma_start3A_180] : memref<125x128xf32, #tpu.memory_space<vmem>> -> memref<80x128xf32, #tpu.memory_space<vmem>>
        tpu.enqueue_dma source(%dma_start3A_181 : memref<80x128xf32, #tpu.memory_space<vmem>>) target(%dma_start3A_178 : memref<80x128xf32, #tpu.memory_space<vmem_shared>>) target_semaphore(%run_scoped3A : memref<!tpu.dma_semaphore, #tpu.memory_space<semaphore_mem>>)
        %dma_wait3A = arith.constant 0 : i32
        %dma_wait3A_182 = arith.constant 0 : i32
        %dma_wait3A_183 = tpu.memref_slice %arg8[%dma_wait3A, %dma_wait3A_182] : memref<125x128xf32, #tpu.memory_space<vmem>> -> memref<80x128xf32, #tpu.memory_space<vmem>>
        %dma_wait3A_184 = arith.constant 0 : i32
        %dma_wait3A_185 = tpu.memref_slice %arg10[%multiple_of3A_50, %dma_wait3A_184] : memref<10000x128xf32, #tpu.memory_space<vmem_shared>> -> memref<80x128xf32, #tpu.memory_space<vmem_shared>>
        %dma_wait3A_186 = arith.constant 0 : i32
        %dma_wait3A_187 = tpu.memref_slice %arg10[%multiple_of3A_50, %dma_wait3A_186] : memref<10000x128xf32, #tpu.memory_space<vmem_shared>> -> memref<80x128xf32, #tpu.memory_space<vmem_shared>>
        %dma_wait3A_188 = arith.constant 0 : i32
        %dma_wait3A_189 = arith.constant 0 : i32
        %dma_wait3A_190 = tpu.memref_slice %arg8[%dma_wait3A_188, %dma_wait3A_189] : memref<125x128xf32, #tpu.memory_space<vmem>> -> memref<80x128xf32, #tpu.memory_space<vmem>>
        tpu.wait_dma2 semaphore(%run_scoped3A : memref<!tpu.dma_semaphore, #tpu.memory_space<semaphore_mem>>) src(%dma_wait3A_190 : memref<80x128xf32, #tpu.memory_space<vmem>>) dst(%dma_wait3A_187 : memref<80x128xf32, #tpu.memory_space<vmem_shared>>)
        tpu.yield
      }) : () -> ()
    } else {
    }
    %mul3A_56 = arith.constant 640 : i32
    %mul3A_57 = arith.muli %arg1, %mul3A_56 : i32
    %add3A_58 = arith.constant 400 : i32
    %add3A_59 = arith.addi %mul3A_57, %add3A_58 : i32
    %multiple_of3A_60 = tpu.assume_multiple %add3A_59, 8 : i32
    %lt3A_61 = arith.constant 10000 : i32
    %lt3A_62 = arith.cmpi slt, %multiple_of3A_60, %lt3A_61 : i32
    %convert_element_type3A_63 = arith.extui %lt3A_62 : i1 to i32
    %cond3A_64 = arith.constant 0 : i32
    %cond3A_65 = arith.cmpi ne, %convert_element_type3A_63, %cond3A_64 : i32
    scf.if %cond3A_65 {
      "tpu.region"() ({
        %run_scoped3A = tpu.sem_alloc : memref<!tpu.dma_semaphore, #tpu.memory_space<semaphore_mem>>
        %dma_start3A = arith.constant 0 : i32
        %dma_start3A_173 = arith.constant 0 : i32
        %dma_start3A_174 = tpu.memref_slice %arg8[%dma_start3A, %dma_start3A_173] : memref<125x128xf32, #tpu.memory_space<vmem>> -> memref<80x128xf32, #tpu.memory_space<vmem>>
        %dma_start3A_175 = arith.constant 0 : i32
        %dma_start3A_176 = tpu.memref_slice %arg10[%multiple_of3A_60, %dma_start3A_175] : memref<10000x128xf32, #tpu.memory_space<vmem_shared>> -> memref<80x128xf32, #tpu.memory_space<vmem_shared>>
        %dma_start3A_177 = arith.constant 0 : i32
        %dma_start3A_178 = tpu.memref_slice %arg10[%multiple_of3A_60, %dma_start3A_177] : memref<10000x128xf32, #tpu.memory_space<vmem_shared>> -> memref<80x128xf32, #tpu.memory_space<vmem_shared>>
        %dma_start3A_179 = arith.constant 0 : i32
        %dma_start3A_180 = arith.constant 0 : i32
        %dma_start3A_181 = tpu.memref_slice %arg8[%dma_start3A_179, %dma_start3A_180] : memref<125x128xf32, #tpu.memory_space<vmem>> -> memref<80x128xf32, #tpu.memory_space<vmem>>
        tpu.enqueue_dma source(%dma_start3A_181 : memref<80x128xf32, #tpu.memory_space<vmem>>) target(%dma_start3A_178 : memref<80x128xf32, #tpu.memory_space<vmem_shared>>) target_semaphore(%run_scoped3A : memref<!tpu.dma_semaphore, #tpu.memory_space<semaphore_mem>>)
        %dma_wait3A = arith.constant 0 : i32
        %dma_wait3A_182 = arith.constant 0 : i32
        %dma_wait3A_183 = tpu.memref_slice %arg8[%dma_wait3A, %dma_wait3A_182] : memref<125x128xf32, #tpu.memory_space<vmem>> -> memref<80x128xf32, #tpu.memory_space<vmem>>
        %dma_wait3A_184 = arith.constant 0 : i32
        %dma_wait3A_185 = tpu.memref_slice %arg10[%multiple_of3A_60, %dma_wait3A_184] : memref<10000x128xf32, #tpu.memory_space<vmem_shared>> -> memref<80x128xf32, #tpu.memory_space<vmem_shared>>
        %dma_wait3A_186 = arith.constant 0 : i32
        %dma_wait3A_187 = tpu.memref_slice %arg10[%multiple_of3A_60, %dma_wait3A_186] : memref<10000x128xf32, #tpu.memory_space<vmem_shared>> -> memref<80x128xf32, #tpu.memory_space<vmem_shared>>
        %dma_wait3A_188 = arith.constant 0 : i32
        %dma_wait3A_189 = arith.constant 0 : i32
        %dma_wait3A_190 = tpu.memref_slice %arg8[%dma_wait3A_188, %dma_wait3A_189] : memref<125x128xf32, #tpu.memory_space<vmem>> -> memref<80x128xf32, #tpu.memory_space<vmem>>
        tpu.wait_dma2 semaphore(%run_scoped3A : memref<!tpu.dma_semaphore, #tpu.memory_space<semaphore_mem>>) src(%dma_wait3A_190 : memref<80x128xf32, #tpu.memory_space<vmem>>) dst(%dma_wait3A_187 : memref<80x128xf32, #tpu.memory_space<vmem_shared>>)
        tpu.yield
      }) : () -> ()
    } else {
    }
    %mul3A_66 = arith.constant 640 : i32
    %mul3A_67 = arith.muli %arg1, %mul3A_66 : i32
    %add3A_68 = arith.constant 480 : i32
    %add3A_69 = arith.addi %mul3A_67, %add3A_68 : i32
    %multiple_of3A_70 = tpu.assume_multiple %add3A_69, 8 : i32
    %lt3A_71 = arith.constant 10000 : i32
    %lt3A_72 = arith.cmpi slt, %multiple_of3A_70, %lt3A_71 : i32
    %convert_element_type3A_73 = arith.extui %lt3A_72 : i1 to i32
    %cond3A_74 = arith.constant 0 : i32
    %cond3A_75 = arith.cmpi ne, %convert_element_type3A_73, %cond3A_74 : i32
    scf.if %cond3A_75 {
      "tpu.region"() ({
        %run_scoped3A = tpu.sem_alloc : memref<!tpu.dma_semaphore, #tpu.memory_space<semaphore_mem>>
        %dma_start3A = arith.constant 0 : i32
        %dma_start3A_173 = arith.constant 0 : i32
        %dma_start3A_174 = tpu.memref_slice %arg8[%dma_start3A, %dma_start3A_173] : memref<125x128xf32, #tpu.memory_space<vmem>> -> memref<80x128xf32, #tpu.memory_space<vmem>>
        %dma_start3A_175 = arith.constant 0 : i32
        %dma_start3A_176 = tpu.memref_slice %arg10[%multiple_of3A_70, %dma_start3A_175] : memref<10000x128xf32, #tpu.memory_space<vmem_shared>> -> memref<80x128xf32, #tpu.memory_space<vmem_shared>>
        %dma_start3A_177 = arith.constant 0 : i32
        %dma_start3A_178 = tpu.memref_slice %arg10[%multiple_of3A_70, %dma_start3A_177] : memref<10000x128xf32, #tpu.memory_space<vmem_shared>> -> memref<80x128xf32, #tpu.memory_space<vmem_shared>>
        %dma_start3A_179 = arith.constant 0 : i32
        %dma_start3A_180 = arith.constant 0 : i32
        %dma_start3A_181 = tpu.memref_slice %arg8[%dma_start3A_179, %dma_start3A_180] : memref<125x128xf32, #tpu.memory_space<vmem>> -> memref<80x128xf32, #tpu.memory_space<vmem>>
        tpu.enqueue_dma source(%dma_start3A_181 : memref<80x128xf32, #tpu.memory_space<vmem>>) target(%dma_start3A_178 : memref<80x128xf32, #tpu.memory_space<vmem_shared>>) target_semaphore(%run_scoped3A : memref<!tpu.dma_semaphore, #tpu.memory_space<semaphore_mem>>)
        %dma_wait3A = arith.constant 0 : i32
        %dma_wait3A_182 = arith.constant 0 : i32
        %dma_wait3A_183 = tpu.memref_slice %arg8[%dma_wait3A, %dma_wait3A_182] : memref<125x128xf32, #tpu.memory_space<vmem>> -> memref<80x128xf32, #tpu.memory_space<vmem>>
        %dma_wait3A_184 = arith.constant 0 : i32
        %dma_wait3A_185 = tpu.memref_slice %arg10[%multiple_of3A_70, %dma_wait3A_184] : memref<10000x128xf32, #tpu.memory_space<vmem_shared>> -> memref<80x128xf32, #tpu.memory_space<vmem_shared>>
        %dma_wait3A_186 = arith.constant 0 : i32
        %dma_wait3A_187 = tpu.memref_slice %arg10[%multiple_of3A_70, %dma_wait3A_186] : memref<10000x128xf32, #tpu.memory_space<vmem_shared>> -> memref<80x128xf32, #tpu.memory_space<vmem_shared>>
        %dma_wait3A_188 = arith.constant 0 : i32
        %dma_wait3A_189 = arith.constant 0 : i32
        %dma_wait3A_190 = tpu.memref_slice %arg8[%dma_wait3A_188, %dma_wait3A_189] : memref<125x128xf32, #tpu.memory_space<vmem>> -> memref<80x128xf32, #tpu.memory_space<vmem>>
        tpu.wait_dma2 semaphore(%run_scoped3A : memref<!tpu.dma_semaphore, #tpu.memory_space<semaphore_mem>>) src(%dma_wait3A_190 : memref<80x128xf32, #tpu.memory_space<vmem>>) dst(%dma_wait3A_187 : memref<80x128xf32, #tpu.memory_space<vmem_shared>>)
        tpu.yield
      }) : () -> ()
    } else {
    }
    %mul3A_76 = arith.constant 640 : i32
    %mul3A_77 = arith.muli %arg1, %mul3A_76 : i32
    %add3A_78 = arith.constant 560 : i32
    %add3A_79 = arith.addi %mul3A_77, %add3A_78 : i32
    %multiple_of3A_80 = tpu.assume_multiple %add3A_79, 8 : i32
    %lt3A_81 = arith.constant 10000 : i32
    %lt3A_82 = arith.cmpi slt, %multiple_of3A_80, %lt3A_81 : i32
    %convert_element_type3A_83 = arith.extui %lt3A_82 : i1 to i32
    %cond3A_84 = arith.constant 0 : i32
    %cond3A_85 = arith.cmpi ne, %convert_element_type3A_83, %cond3A_84 : i32
    scf.if %cond3A_85 {
      "tpu.region"() ({
        %run_scoped3A = tpu.sem_alloc : memref<!tpu.dma_semaphore, #tpu.memory_space<semaphore_mem>>
        %dma_start3A = arith.constant 0 : i32
        %dma_start3A_173 = arith.constant 0 : i32
        %dma_start3A_174 = tpu.memref_slice %arg8[%dma_start3A, %dma_start3A_173] : memref<125x128xf32, #tpu.memory_space<vmem>> -> memref<80x128xf32, #tpu.memory_space<vmem>>
        %dma_start3A_175 = arith.constant 0 : i32
        %dma_start3A_176 = tpu.memref_slice %arg10[%multiple_of3A_80, %dma_start3A_175] : memref<10000x128xf32, #tpu.memory_space<vmem_shared>> -> memref<80x128xf32, #tpu.memory_space<vmem_shared>>
        %dma_start3A_177 = arith.constant 0 : i32
        %dma_start3A_178 = tpu.memref_slice %arg10[%multiple_of3A_80, %dma_start3A_177] : memref<10000x128xf32, #tpu.memory_space<vmem_shared>> -> memref<80x128xf32, #tpu.memory_space<vmem_shared>>
        %dma_start3A_179 = arith.constant 0 : i32
        %dma_start3A_180 = arith.constant 0 : i32
        %dma_start3A_181 = tpu.memref_slice %arg8[%dma_start3A_179, %dma_start3A_180] : memref<125x128xf32, #tpu.memory_space<vmem>> -> memref<80x128xf32, #tpu.memory_space<vmem>>
        tpu.enqueue_dma source(%dma_start3A_181 : memref<80x128xf32, #tpu.memory_space<vmem>>) target(%dma_start3A_178 : memref<80x128xf32, #tpu.memory_space<vmem_shared>>) target_semaphore(%run_scoped3A : memref<!tpu.dma_semaphore, #tpu.memory_space<semaphore_mem>>)
        %dma_wait3A = arith.constant 0 : i32
        %dma_wait3A_182 = arith.constant 0 : i32
        %dma_wait3A_183 = tpu.memref_slice %arg8[%dma_wait3A, %dma_wait3A_182] : memref<125x128xf32, #tpu.memory_space<vmem>> -> memref<80x128xf32, #tpu.memory_space<vmem>>
        %dma_wait3A_184 = arith.constant 0 : i32
        %dma_wait3A_185 = tpu.memref_slice %arg10[%multiple_of3A_80, %dma_wait3A_184] : memref<10000x128xf32, #tpu.memory_space<vmem_shared>> -> memref<80x128xf32, #tpu.memory_space<vmem_shared>>
        %dma_wait3A_186 = arith.constant 0 : i32
        %dma_wait3A_187 = tpu.memref_slice %arg10[%multiple_of3A_80, %dma_wait3A_186] : memref<10000x128xf32, #tpu.memory_space<vmem_shared>> -> memref<80x128xf32, #tpu.memory_space<vmem_shared>>
        %dma_wait3A_188 = arith.constant 0 : i32
        %dma_wait3A_189 = arith.constant 0 : i32
        %dma_wait3A_190 = tpu.memref_slice %arg8[%dma_wait3A_188, %dma_wait3A_189] : memref<125x128xf32, #tpu.memory_space<vmem>> -> memref<80x128xf32, #tpu.memory_space<vmem>>
        tpu.wait_dma2 semaphore(%run_scoped3A : memref<!tpu.dma_semaphore, #tpu.memory_space<semaphore_mem>>) src(%dma_wait3A_190 : memref<80x128xf32, #tpu.memory_space<vmem>>) dst(%dma_wait3A_187 : memref<80x128xf32, #tpu.memory_space<vmem_shared>>)
        tpu.yield
      }) : () -> ()
    } else {
    }
    %barrier3A = arith.constant 0 : index
    tpu.barrier barrier_id(%barrier3A)
    %scan3A_86 = arith.constant 0 : i32
    %scan3A_87 = arith.constant 0 : i32
    %scan3A_88 = arith.constant 4 : i32
    %scan3A_89 = arith.addi %scan3A_87, %scan3A_88 : i32
    %scan3A_90 = arith.constant 1 : i32
    scf.for %scan3A_173 = %scan3A_87 to %scan3A_89 step %scan3A_90  : i32 {
      %mul3A_174 = arith.constant 40 : i32
      %mul3A_175 = arith.muli %scan3A_173, %mul3A_174 : i32
      %add3A_176 = arith.addi %add3A, %mul3A_175 : i32
      %multiple_of3A_177 = tpu.assume_multiple %add3A_176, 8 : i32
      %mul3A_178 = arith.constant 40 : i32
      %mul3A_179 = arith.muli %scan3A_173, %mul3A_178 : i32
      %add3A_180 = arith.addi %mul3A_4, %mul3A_179 : i32
      %multiple_of3A_181 = tpu.assume_multiple %add3A_180, 8 : i32
      %dma_start3A = arith.constant 0 : i32
      %dma_start3A_182 = tpu.memref_slice %arg3[%multiple_of3A_177, %dma_start3A] : memref<5120x125xi32, #tpu.memory_space<hbm>> -> memref<40x125xi32, #tpu.memory_space<hbm>>
      %dma_start3A_183 = arith.constant 0 : i32
      %dma_start3A_184 = tpu.memref_slice %arg3[%multiple_of3A_177, %dma_start3A_183] : memref<5120x125xi32, #tpu.memory_space<hbm>> -> memref<40x125xi32, #tpu.memory_space<hbm>>
      tpu.enqueue_dma source(%dma_start3A_184 : memref<40x125xi32, #tpu.memory_space<hbm>>) target(%arg6 : memref<40x125xi32, #tpu.memory_space<vmem>>) target_semaphore(%arg13 : memref<!tpu.dma_semaphore, #tpu.memory_space<semaphore_mem>>)
      %dma_start3A_185 = arith.constant 0 : i32
      %dma_start3A_186 = tpu.memref_slice %arg4[%multiple_of3A_181, %dma_start3A_185] : memref<2560x125xi32, #tpu.memory_space<hbm>> -> memref<40x125xi32, #tpu.memory_space<hbm>>
      %dma_start3A_187 = arith.constant 0 : i32
      %dma_start3A_188 = tpu.memref_slice %arg4[%multiple_of3A_181, %dma_start3A_187] : memref<2560x125xi32, #tpu.memory_space<hbm>> -> memref<40x125xi32, #tpu.memory_space<hbm>>
      tpu.enqueue_dma source(%dma_start3A_188 : memref<40x125xi32, #tpu.memory_space<hbm>>) target(%arg7 : memref<40x125xi32, #tpu.memory_space<vmem>>) target_semaphore(%arg13 : memref<!tpu.dma_semaphore, #tpu.memory_space<semaphore_mem>>)
      %dma_wait3A = arith.constant 0 : i32
      %dma_wait3A_189 = tpu.memref_slice %arg3[%multiple_of3A_177, %dma_wait3A] : memref<5120x125xi32, #tpu.memory_space<hbm>> -> memref<40x125xi32, #tpu.memory_space<hbm>>
      %dma_wait3A_190 = arith.constant 0 : i32
      %dma_wait3A_191 = tpu.memref_slice %arg3[%multiple_of3A_177, %dma_wait3A_190] : memref<5120x125xi32, #tpu.memory_space<hbm>> -> memref<40x125xi32, #tpu.memory_space<hbm>>
      tpu.wait_dma2 semaphore(%arg13 : memref<!tpu.dma_semaphore, #tpu.memory_space<semaphore_mem>>) src(%dma_wait3A_191 : memref<40x125xi32, #tpu.memory_space<hbm>>) dst(%arg6 : memref<40x125xi32, #tpu.memory_space<vmem>>)
      %dma_wait3A_192 = arith.constant 0 : i32
      %dma_wait3A_193 = tpu.memref_slice %arg4[%multiple_of3A_181, %dma_wait3A_192] : memref<2560x125xi32, #tpu.memory_space<hbm>> -> memref<40x125xi32, #tpu.memory_space<hbm>>
      %dma_wait3A_194 = arith.constant 0 : i32
      %dma_wait3A_195 = tpu.memref_slice %arg4[%multiple_of3A_181, %dma_wait3A_194] : memref<2560x125xi32, #tpu.memory_space<hbm>> -> memref<40x125xi32, #tpu.memory_space<hbm>>
      tpu.wait_dma2 semaphore(%arg13 : memref<!tpu.dma_semaphore, #tpu.memory_space<semaphore_mem>>) src(%dma_wait3A_195 : memref<40x125xi32, #tpu.memory_space<hbm>>) dst(%arg7 : memref<40x125xi32, #tpu.memory_space<vmem>>)
      %dma_start3A_196 = arith.constant 0 : i32
      %dma_start3A_197 = arith.constant 0 : i32
      %dma_start3A_198 = tpu.memref_slice %arg6[%dma_start3A_196, %dma_start3A_197] : memref<40x125xi32, #tpu.memory_space<vmem>> -> memref<1x125xi32, #tpu.memory_space<vmem>>
      %dma_start3A_199 = tpu.memref_squeeze %dma_start3A_198 : memref<1x125xi32, #tpu.memory_space<vmem>> -> memref<125xi32, #tpu.memory_space<vmem>>
      %dma_start3A_200 = arith.constant 0 : i32
      %dma_start3A_201 = arith.constant 0 : i32
      %dma_start3A_202 = tpu.memref_slice %arg2[%dma_start3A_200, %dma_start3A_201] : memref<20000x128xf32, #tpu.memory_space<hbm>> -> memref<20000x128xf32, #tpu.memory_space<hbm>>
      tpu.enqueue_indirect_dma source(%dma_start3A_202 : memref<20000x128xf32, #tpu.memory_space<hbm>>) target(%arg8 : memref<125x128xf32, #tpu.memory_space<vmem>>) offsets(%dma_start3A_199 : memref<125xi32, #tpu.memory_space<vmem>>) semaphore(%arg11 : memref<!tpu.dma_semaphore, #tpu.memory_space<semaphore_mem>>)
      %scan3A_203 = arith.constant 0 : i32
      %scan3A_204 = arith.constant 0 : i32
      %scan3A_205 = arith.constant 20 : i32
      %scan3A_206 = arith.addi %scan3A_204, %scan3A_205 : i32
      %scan3A_207 = arith.constant 1 : i32
      scf.for %scan3A_209 = %scan3A_204 to %scan3A_206 step %scan3A_207  : i32 {
        %mul3A_210 = arith.constant 2 : i32
        %mul3A_211 = arith.muli %mul3A_210, %scan3A_209 : i32
        %add3A_212 = arith.constant 1 : i32
        %add3A_213 = arith.addi %mul3A_211, %add3A_212 : i32
        %dma_start3A_214 = arith.constant 0 : i32
        %dma_start3A_215 = tpu.memref_slice %arg6[%add3A_213, %dma_start3A_214] : memref<40x125xi32, #tpu.memory_space<vmem>> -> memref<1x125xi32, #tpu.memory_space<vmem>>
        %dma_start3A_216 = tpu.memref_squeeze %dma_start3A_215 : memref<1x125xi32, #tpu.memory_space<vmem>> -> memref<125xi32, #tpu.memory_space<vmem>>
        %dma_start3A_217 = arith.constant 0 : i32
        %dma_start3A_218 = arith.constant 0 : i32
        %dma_start3A_219 = tpu.memref_slice %arg2[%dma_start3A_217, %dma_start3A_218] : memref<20000x128xf32, #tpu.memory_space<hbm>> -> memref<20000x128xf32, #tpu.memory_space<hbm>>
        tpu.enqueue_indirect_dma source(%dma_start3A_219 : memref<20000x128xf32, #tpu.memory_space<hbm>>) target(%arg9 : memref<125x128xf32, #tpu.memory_space<vmem>>) offsets(%dma_start3A_216 : memref<125xi32, #tpu.memory_space<vmem>>) semaphore(%arg12 : memref<!tpu.dma_semaphore, #tpu.memory_space<semaphore_mem>>)
        %dma_wait3A_220 = arith.constant 0 : i32
        %dma_wait3A_221 = tpu.memref_slice %arg6[%mul3A_211, %dma_wait3A_220] : memref<40x125xi32, #tpu.memory_space<vmem>> -> memref<1x125xi32, #tpu.memory_space<vmem>>
        %dma_wait3A_222 = tpu.memref_squeeze %dma_wait3A_221 : memref<1x125xi32, #tpu.memory_space<vmem>> -> memref<125xi32, #tpu.memory_space<vmem>>
        %dma_wait3A_223 = arith.constant 0 : i32
        %dma_wait3A_224 = arith.constant 0 : i32
        %dma_wait3A_225 = tpu.memref_slice %arg2[%dma_wait3A_223, %dma_wait3A_224] : memref<20000x128xf32, #tpu.memory_space<hbm>> -> memref<20000x128xf32, #tpu.memory_space<hbm>>
        tpu.wait_indirect_dma semaphore(%arg11 : memref<!tpu.dma_semaphore, #tpu.memory_space<semaphore_mem>>) src(%dma_wait3A_225 : memref<20000x128xf32, #tpu.memory_space<hbm>>) dst(%arg8 : memref<125x128xf32, #tpu.memory_space<vmem>>)
        "tpu.region"() ({
          %run_scoped3A = tpu.sem_alloc : memref<!tpu.dma_semaphore, #tpu.memory_space<semaphore_mem>>
          %dma_start3A_241 = arith.constant 0 : i32
          %dma_start3A_242 = tpu.memref_slice %arg7[%mul3A_211, %dma_start3A_241] : memref<40x125xi32, #tpu.memory_space<vmem>> -> memref<1x125xi32, #tpu.memory_space<vmem>>
          %dma_start3A_243 = tpu.memref_squeeze %dma_start3A_242 : memref<1x125xi32, #tpu.memory_space<vmem>> -> memref<125xi32, #tpu.memory_space<vmem>>
          %dma_start3A_244 = arith.constant 0 : i32
          %dma_start3A_245 = arith.constant 0 : i32
          %dma_start3A_246 = tpu.memref_slice %arg10[%dma_start3A_244, %dma_start3A_245] : memref<10000x128xf32, #tpu.memory_space<vmem_shared>> -> memref<10000x128xf32, #tpu.memory_space<vmem_shared>>
          tpu.enqueue_indirect_dma source(%arg8 : memref<125x128xf32, #tpu.memory_space<vmem>>) target(%dma_start3A_246 : memref<10000x128xf32, #tpu.memory_space<vmem_shared>>) offsets(%dma_start3A_243 : memref<125xi32, #tpu.memory_space<vmem>>) semaphore(%run_scoped3A : memref<!tpu.dma_semaphore, #tpu.memory_space<semaphore_mem>>) {add = true}
          %dma_wait3A_247 = arith.constant 0 : i32
          %dma_wait3A_248 = tpu.memref_slice %arg7[%mul3A_211, %dma_wait3A_247] : memref<40x125xi32, #tpu.memory_space<vmem>> -> memref<1x125xi32, #tpu.memory_space<vmem>>
          %dma_wait3A_249 = tpu.memref_squeeze %dma_wait3A_248 : memref<1x125xi32, #tpu.memory_space<vmem>> -> memref<125xi32, #tpu.memory_space<vmem>>
          %dma_wait3A_250 = arith.constant 0 : i32
          %dma_wait3A_251 = arith.constant 0 : i32
          %dma_wait3A_252 = tpu.memref_slice %arg10[%dma_wait3A_250, %dma_wait3A_251] : memref<10000x128xf32, #tpu.memory_space<vmem_shared>> -> memref<10000x128xf32, #tpu.memory_space<vmem_shared>>
          tpu.wait_indirect_dma semaphore(%run_scoped3A : memref<!tpu.dma_semaphore, #tpu.memory_space<semaphore_mem>>) src(%arg8 : memref<125x128xf32, #tpu.memory_space<vmem>>) dst(%dma_wait3A_252 : memref<10000x128xf32, #tpu.memory_space<vmem_shared>>)
          tpu.yield
        }) : () -> ()
        %add3A_226 = arith.constant 2 : i32
        %add3A_227 = arith.addi %mul3A_211, %add3A_226 : i32
        %lt3A_228 = arith.constant 40 : i32
        %lt3A_229 = arith.cmpi slt, %add3A_227, %lt3A_228 : i32
        %convert_element_type3A_230 = arith.extui %lt3A_229 : i1 to i32
        %cond3A_231 = arith.constant 0 : i32
        %cond3A_232 = arith.cmpi ne, %convert_element_type3A_230, %cond3A_231 : i32
        scf.if %cond3A_232 {
          %add3A_241 = arith.constant 2 : i32
          %add3A_242 = arith.addi %mul3A_211, %add3A_241 : i32
          %dma_start3A_243 = arith.constant 0 : i32
          %dma_start3A_244 = tpu.memref_slice %arg6[%add3A_242, %dma_start3A_243] : memref<40x125xi32, #tpu.memory_space<vmem>> -> memref<1x125xi32, #tpu.memory_space<vmem>>
          %dma_start3A_245 = tpu.memref_squeeze %dma_start3A_244 : memref<1x125xi32, #tpu.memory_space<vmem>> -> memref<125xi32, #tpu.memory_space<vmem>>
          %dma_start3A_246 = arith.constant 0 : i32
          %dma_start3A_247 = arith.constant 0 : i32
          %dma_start3A_248 = tpu.memref_slice %arg2[%dma_start3A_246, %dma_start3A_247] : memref<20000x128xf32, #tpu.memory_space<hbm>> -> memref<20000x128xf32, #tpu.memory_space<hbm>>
          tpu.enqueue_indirect_dma source(%dma_start3A_248 : memref<20000x128xf32, #tpu.memory_space<hbm>>) target(%arg8 : memref<125x128xf32, #tpu.memory_space<vmem>>) offsets(%dma_start3A_245 : memref<125xi32, #tpu.memory_space<vmem>>) semaphore(%arg11 : memref<!tpu.dma_semaphore, #tpu.memory_space<semaphore_mem>>)
        } else {
        }
        %add3A_233 = arith.constant 1 : i32
        %add3A_234 = arith.addi %mul3A_211, %add3A_233 : i32
        %dma_wait3A_235 = arith.constant 0 : i32
        %dma_wait3A_236 = tpu.memref_slice %arg6[%add3A_234, %dma_wait3A_235] : memref<40x125xi32, #tpu.memory_space<vmem>> -> memref<1x125xi32, #tpu.memory_space<vmem>>
        %dma_wait3A_237 = tpu.memref_squeeze %dma_wait3A_236 : memref<1x125xi32, #tpu.memory_space<vmem>> -> memref<125xi32, #tpu.memory_space<vmem>>
        %dma_wait3A_238 = arith.constant 0 : i32
        %dma_wait3A_239 = arith.constant 0 : i32
        %dma_wait3A_240 = tpu.memref_slice %arg2[%dma_wait3A_238, %dma_wait3A_239] : memref<20000x128xf32, #tpu.memory_space<hbm>> -> memref<20000x128xf32, #tpu.memory_space<hbm>>
        tpu.wait_indirect_dma semaphore(%arg12 : memref<!tpu.dma_semaphore, #tpu.memory_space<semaphore_mem>>) src(%dma_wait3A_240 : memref<20000x128xf32, #tpu.memory_space<hbm>>) dst(%arg9 : memref<125x128xf32, #tpu.memory_space<vmem>>)
        "tpu.region"() ({
          %run_scoped3A = tpu.sem_alloc : memref<!tpu.dma_semaphore, #tpu.memory_space<semaphore_mem>>
          %dma_start3A_241 = arith.constant 0 : i32
          %dma_start3A_242 = tpu.memref_slice %arg7[%add3A_234, %dma_start3A_241] : memref<40x125xi32, #tpu.memory_space<vmem>> -> memref<1x125xi32, #tpu.memory_space<vmem>>
          %dma_start3A_243 = tpu.memref_squeeze %dma_start3A_242 : memref<1x125xi32, #tpu.memory_space<vmem>> -> memref<125xi32, #tpu.memory_space<vmem>>
          %dma_start3A_244 = arith.constant 0 : i32
          %dma_start3A_245 = arith.constant 0 : i32
          %dma_start3A_246 = tpu.memref_slice %arg10[%dma_start3A_244, %dma_start3A_245] : memref<10000x128xf32, #tpu.memory_space<vmem_shared>> -> memref<10000x128xf32, #tpu.memory_space<vmem_shared>>
          tpu.enqueue_indirect_dma source(%arg9 : memref<125x128xf32, #tpu.memory_space<vmem>>) target(%dma_start3A_246 : memref<10000x128xf32, #tpu.memory_space<vmem_shared>>) offsets(%dma_start3A_243 : memref<125xi32, #tpu.memory_space<vmem>>) semaphore(%run_scoped3A : memref<!tpu.dma_semaphore, #tpu.memory_space<semaphore_mem>>) {add = true}
          %dma_wait3A_247 = arith.constant 0 : i32
          %dma_wait3A_248 = tpu.memref_slice %arg7[%add3A_234, %dma_wait3A_247] : memref<40x125xi32, #tpu.memory_space<vmem>> -> memref<1x125xi32, #tpu.memory_space<vmem>>
          %dma_wait3A_249 = tpu.memref_squeeze %dma_wait3A_248 : memref<1x125xi32, #tpu.memory_space<vmem>> -> memref<125xi32, #tpu.memory_space<vmem>>
          %dma_wait3A_250 = arith.constant 0 : i32
          %dma_wait3A_251 = arith.constant 0 : i32
          %dma_wait3A_252 = tpu.memref_slice %arg10[%dma_wait3A_250, %dma_wait3A_251] : memref<10000x128xf32, #tpu.memory_space<vmem_shared>> -> memref<10000x128xf32, #tpu.memory_space<vmem_shared>>
          tpu.wait_indirect_dma semaphore(%run_scoped3A : memref<!tpu.dma_semaphore, #tpu.memory_space<semaphore_mem>>) src(%arg9 : memref<125x128xf32, #tpu.memory_space<vmem>>) dst(%dma_wait3A_252 : memref<10000x128xf32, #tpu.memory_space<vmem_shared>>)
          tpu.yield
        }) : () -> ()
      }
      %scan3A_208 = arith.constant 20 : i32
    }
    %scan3A_91 = arith.constant 4 : i32
    %barrier3A_92 = arith.constant 0 : index
    tpu.barrier barrier_id(%barrier3A_92)
    %mul3A_93 = arith.constant 640 : i32
    %mul3A_94 = arith.muli %arg1, %mul3A_93 : i32
    %add3A_95 = arith.constant 0 : i32
    %add3A_96 = arith.addi %mul3A_94, %add3A_95 : i32
    %multiple_of3A_97 = tpu.assume_multiple %add3A_96, 8 : i32
    %lt3A_98 = arith.constant 10000 : i32
    %lt3A_99 = arith.cmpi slt, %multiple_of3A_97, %lt3A_98 : i32
    %convert_element_type3A_100 = arith.extui %lt3A_99 : i1 to i32
    %cond3A_101 = arith.constant 0 : i32
    %cond3A_102 = arith.cmpi ne, %convert_element_type3A_100, %cond3A_101 : i32
    scf.if %cond3A_102 {
      "tpu.region"() ({
        %run_scoped3A = tpu.sem_alloc : memref<!tpu.dma_semaphore, #tpu.memory_space<semaphore_mem>>
        %dma_start3A = arith.constant 0 : i32
        %dma_start3A_176 = arith.constant 0 : i32
        %dma_start3A_177 = tpu.memref_slice %arg8[%dma_start3A, %dma_start3A_176] : memref<125x128xf32, #tpu.memory_space<vmem>> -> memref<80x128xf32, #tpu.memory_space<vmem>>
        %dma_start3A_178 = arith.constant 0 : i32
        %dma_start3A_179 = tpu.memref_slice %arg10[%multiple_of3A_97, %dma_start3A_178] : memref<10000x128xf32, #tpu.memory_space<vmem_shared>> -> memref<80x128xf32, #tpu.memory_space<vmem_shared>>
        %dma_start3A_180 = arith.constant 0 : i32
        %dma_start3A_181 = arith.constant 0 : i32
        %dma_start3A_182 = tpu.memref_slice %arg8[%dma_start3A_180, %dma_start3A_181] : memref<125x128xf32, #tpu.memory_space<vmem>> -> memref<80x128xf32, #tpu.memory_space<vmem>>
        %dma_start3A_183 = arith.constant 0 : i32
        %dma_start3A_184 = tpu.memref_slice %arg10[%multiple_of3A_97, %dma_start3A_183] : memref<10000x128xf32, #tpu.memory_space<vmem_shared>> -> memref<80x128xf32, #tpu.memory_space<vmem_shared>>
        tpu.enqueue_dma source(%dma_start3A_184 : memref<80x128xf32, #tpu.memory_space<vmem_shared>>) target(%dma_start3A_182 : memref<80x128xf32, #tpu.memory_space<vmem>>) target_semaphore(%run_scoped3A : memref<!tpu.dma_semaphore, #tpu.memory_space<semaphore_mem>>)
        %dma_wait3A = arith.constant 0 : i32
        %dma_wait3A_185 = arith.constant 0 : i32
        %dma_wait3A_186 = tpu.memref_slice %arg8[%dma_wait3A, %dma_wait3A_185] : memref<125x128xf32, #tpu.memory_space<vmem>> -> memref<80x128xf32, #tpu.memory_space<vmem>>
        %dma_wait3A_187 = arith.constant 0 : i32
        %dma_wait3A_188 = tpu.memref_slice %arg10[%multiple_of3A_97, %dma_wait3A_187] : memref<10000x128xf32, #tpu.memory_space<vmem_shared>> -> memref<80x128xf32, #tpu.memory_space<vmem_shared>>
        %dma_wait3A_189 = arith.constant 0 : i32
        %dma_wait3A_190 = arith.constant 0 : i32
        %dma_wait3A_191 = tpu.memref_slice %arg8[%dma_wait3A_189, %dma_wait3A_190] : memref<125x128xf32, #tpu.memory_space<vmem>> -> memref<80x128xf32, #tpu.memory_space<vmem>>
        %dma_wait3A_192 = arith.constant 0 : i32
        %dma_wait3A_193 = tpu.memref_slice %arg10[%multiple_of3A_97, %dma_wait3A_192] : memref<10000x128xf32, #tpu.memory_space<vmem_shared>> -> memref<80x128xf32, #tpu.memory_space<vmem_shared>>
        tpu.wait_dma2 semaphore(%run_scoped3A : memref<!tpu.dma_semaphore, #tpu.memory_space<semaphore_mem>>) src(%dma_wait3A_193 : memref<80x128xf32, #tpu.memory_space<vmem_shared>>) dst(%dma_wait3A_191 : memref<80x128xf32, #tpu.memory_space<vmem>>)
        tpu.yield
      }) : () -> ()
      %mul3A_173 = arith.constant 10000 : i32
      %mul3A_174 = arith.muli %arg0, %mul3A_173 : i32
      %add3A_175 = arith.addi %mul3A_174, %multiple_of3A_97 : i32
      "tpu.region"() ({
        %run_scoped3A = tpu.sem_alloc : memref<!tpu.dma_semaphore, #tpu.memory_space<semaphore_mem>>
        %dma_start3A = arith.constant 0 : i32
        %dma_start3A_176 = arith.constant 0 : i32
        %dma_start3A_177 = tpu.memref_slice %arg8[%dma_start3A, %dma_start3A_176] : memref<125x128xf32, #tpu.memory_space<vmem>> -> memref<80x128xf32, #tpu.memory_space<vmem>>
        %dma_start3A_178 = arith.constant 0 : i32
        %dma_start3A_179 = tpu.memref_slice %arg5[%add3A_175, %dma_start3A_178] : memref<20000x128xf32, #tpu.memory_space<hbm>> -> memref<80x128xf32, #tpu.memory_space<hbm>>
        %dma_start3A_180 = arith.constant 0 : i32
        %dma_start3A_181 = tpu.memref_slice %arg5[%add3A_175, %dma_start3A_180] : memref<20000x128xf32, #tpu.memory_space<hbm>> -> memref<80x128xf32, #tpu.memory_space<hbm>>
        %dma_start3A_182 = arith.constant 0 : i32
        %dma_start3A_183 = arith.constant 0 : i32
        %dma_start3A_184 = tpu.memref_slice %arg8[%dma_start3A_182, %dma_start3A_183] : memref<125x128xf32, #tpu.memory_space<vmem>> -> memref<80x128xf32, #tpu.memory_space<vmem>>
        tpu.enqueue_dma source(%dma_start3A_184 : memref<80x128xf32, #tpu.memory_space<vmem>>) target(%dma_start3A_181 : memref<80x128xf32, #tpu.memory_space<hbm>>) target_semaphore(%run_scoped3A : memref<!tpu.dma_semaphore, #tpu.memory_space<semaphore_mem>>)
        %dma_wait3A = arith.constant 0 : i32
        %dma_wait3A_185 = arith.constant 0 : i32
        %dma_wait3A_186 = tpu.memref_slice %arg8[%dma_wait3A, %dma_wait3A_185] : memref<125x128xf32, #tpu.memory_space<vmem>> -> memref<80x128xf32, #tpu.memory_space<vmem>>
        %dma_wait3A_187 = arith.constant 0 : i32
        %dma_wait3A_188 = tpu.memref_slice %arg5[%add3A_175, %dma_wait3A_187] : memref<20000x128xf32, #tpu.memory_space<hbm>> -> memref<80x128xf32, #tpu.memory_space<hbm>>
        %dma_wait3A_189 = arith.constant 0 : i32
        %dma_wait3A_190 = tpu.memref_slice %arg5[%add3A_175, %dma_wait3A_189] : memref<20000x128xf32, #tpu.memory_space<hbm>> -> memref<80x128xf32, #tpu.memory_space<hbm>>
        %dma_wait3A_191 = arith.constant 0 : i32
        %dma_wait3A_192 = arith.constant 0 : i32
        %dma_wait3A_193 = tpu.memref_slice %arg8[%dma_wait3A_191, %dma_wait3A_192] : memref<125x128xf32, #tpu.memory_space<vmem>> -> memref<80x128xf32, #tpu.memory_space<vmem>>
        tpu.wait_dma2 semaphore(%run_scoped3A : memref<!tpu.dma_semaphore, #tpu.memory_space<semaphore_mem>>) src(%dma_wait3A_193 : memref<80x128xf32, #tpu.memory_space<vmem>>) dst(%dma_wait3A_190 : memref<80x128xf32, #tpu.memory_space<hbm>>)
        tpu.yield
      }) : () -> ()
    } else {
    }
    %mul3A_103 = arith.constant 640 : i32
    %mul3A_104 = arith.muli %arg1, %mul3A_103 : i32
    %add3A_105 = arith.constant 80 : i32
    %add3A_106 = arith.addi %mul3A_104, %add3A_105 : i32
    %multiple_of3A_107 = tpu.assume_multiple %add3A_106, 8 : i32
    %lt3A_108 = arith.constant 10000 : i32
    %lt3A_109 = arith.cmpi slt, %multiple_of3A_107, %lt3A_108 : i32
    %convert_element_type3A_110 = arith.extui %lt3A_109 : i1 to i32
    %cond3A_111 = arith.constant 0 : i32
    %cond3A_112 = arith.cmpi ne, %convert_element_type3A_110, %cond3A_111 : i32
    scf.if %cond3A_112 {
      "tpu.region"() ({
        %run_scoped3A = tpu.sem_alloc : memref<!tpu.dma_semaphore, #tpu.memory_space<semaphore_mem>>
        %dma_start3A = arith.constant 0 : i32
        %dma_start3A_176 = arith.constant 0 : i32
        %dma_start3A_177 = tpu.memref_slice %arg8[%dma_start3A, %dma_start3A_176] : memref<125x128xf32, #tpu.memory_space<vmem>> -> memref<80x128xf32, #tpu.memory_space<vmem>>
        %dma_start3A_178 = arith.constant 0 : i32
        %dma_start3A_179 = tpu.memref_slice %arg10[%multiple_of3A_107, %dma_start3A_178] : memref<10000x128xf32, #tpu.memory_space<vmem_shared>> -> memref<80x128xf32, #tpu.memory_space<vmem_shared>>
        %dma_start3A_180 = arith.constant 0 : i32
        %dma_start3A_181 = arith.constant 0 : i32
        %dma_start3A_182 = tpu.memref_slice %arg8[%dma_start3A_180, %dma_start3A_181] : memref<125x128xf32, #tpu.memory_space<vmem>> -> memref<80x128xf32, #tpu.memory_space<vmem>>
        %dma_start3A_183 = arith.constant 0 : i32
        %dma_start3A_184 = tpu.memref_slice %arg10[%multiple_of3A_107, %dma_start3A_183] : memref<10000x128xf32, #tpu.memory_space<vmem_shared>> -> memref<80x128xf32, #tpu.memory_space<vmem_shared>>
        tpu.enqueue_dma source(%dma_start3A_184 : memref<80x128xf32, #tpu.memory_space<vmem_shared>>) target(%dma_start3A_182 : memref<80x128xf32, #tpu.memory_space<vmem>>) target_semaphore(%run_scoped3A : memref<!tpu.dma_semaphore, #tpu.memory_space<semaphore_mem>>)
        %dma_wait3A = arith.constant 0 : i32
        %dma_wait3A_185 = arith.constant 0 : i32
        %dma_wait3A_186 = tpu.memref_slice %arg8[%dma_wait3A, %dma_wait3A_185] : memref<125x128xf32, #tpu.memory_space<vmem>> -> memref<80x128xf32, #tpu.memory_space<vmem>>
        %dma_wait3A_187 = arith.constant 0 : i32
        %dma_wait3A_188 = tpu.memref_slice %arg10[%multiple_of3A_107, %dma_wait3A_187] : memref<10000x128xf32, #tpu.memory_space<vmem_shared>> -> memref<80x128xf32, #tpu.memory_space<vmem_shared>>
        %dma_wait3A_189 = arith.constant 0 : i32
        %dma_wait3A_190 = arith.constant 0 : i32
        %dma_wait3A_191 = tpu.memref_slice %arg8[%dma_wait3A_189, %dma_wait3A_190] : memref<125x128xf32, #tpu.memory_space<vmem>> -> memref<80x128xf32, #tpu.memory_space<vmem>>
        %dma_wait3A_192 = arith.constant 0 : i32
        %dma_wait3A_193 = tpu.memref_slice %arg10[%multiple_of3A_107, %dma_wait3A_192] : memref<10000x128xf32, #tpu.memory_space<vmem_shared>> -> memref<80x128xf32, #tpu.memory_space<vmem_shared>>
        tpu.wait_dma2 semaphore(%run_scoped3A : memref<!tpu.dma_semaphore, #tpu.memory_space<semaphore_mem>>) src(%dma_wait3A_193 : memref<80x128xf32, #tpu.memory_space<vmem_shared>>) dst(%dma_wait3A_191 : memref<80x128xf32, #tpu.memory_space<vmem>>)
        tpu.yield
      }) : () -> ()
      %mul3A_173 = arith.constant 10000 : i32
      %mul3A_174 = arith.muli %arg0, %mul3A_173 : i32
      %add3A_175 = arith.addi %mul3A_174, %multiple_of3A_107 : i32
      "tpu.region"() ({
        %run_scoped3A = tpu.sem_alloc : memref<!tpu.dma_semaphore, #tpu.memory_space<semaphore_mem>>
        %dma_start3A = arith.constant 0 : i32
        %dma_start3A_176 = arith.constant 0 : i32
        %dma_start3A_177 = tpu.memref_slice %arg8[%dma_start3A, %dma_start3A_176] : memref<125x128xf32, #tpu.memory_space<vmem>> -> memref<80x128xf32, #tpu.memory_space<vmem>>
        %dma_start3A_178 = arith.constant 0 : i32
        %dma_start3A_179 = tpu.memref_slice %arg5[%add3A_175, %dma_start3A_178] : memref<20000x128xf32, #tpu.memory_space<hbm>> -> memref<80x128xf32, #tpu.memory_space<hbm>>
        %dma_start3A_180 = arith.constant 0 : i32
        %dma_start3A_181 = tpu.memref_slice %arg5[%add3A_175, %dma_start3A_180] : memref<20000x128xf32, #tpu.memory_space<hbm>> -> memref<80x128xf32, #tpu.memory_space<hbm>>
        %dma_start3A_182 = arith.constant 0 : i32
        %dma_start3A_183 = arith.constant 0 : i32
        %dma_start3A_184 = tpu.memref_slice %arg8[%dma_start3A_182, %dma_start3A_183] : memref<125x128xf32, #tpu.memory_space<vmem>> -> memref<80x128xf32, #tpu.memory_space<vmem>>
        tpu.enqueue_dma source(%dma_start3A_184 : memref<80x128xf32, #tpu.memory_space<vmem>>) target(%dma_start3A_181 : memref<80x128xf32, #tpu.memory_space<hbm>>) target_semaphore(%run_scoped3A : memref<!tpu.dma_semaphore, #tpu.memory_space<semaphore_mem>>)
        %dma_wait3A = arith.constant 0 : i32
        %dma_wait3A_185 = arith.constant 0 : i32
        %dma_wait3A_186 = tpu.memref_slice %arg8[%dma_wait3A, %dma_wait3A_185] : memref<125x128xf32, #tpu.memory_space<vmem>> -> memref<80x128xf32, #tpu.memory_space<vmem>>
        %dma_wait3A_187 = arith.constant 0 : i32
        %dma_wait3A_188 = tpu.memref_slice %arg5[%add3A_175, %dma_wait3A_187] : memref<20000x128xf32, #tpu.memory_space<hbm>> -> memref<80x128xf32, #tpu.memory_space<hbm>>
        %dma_wait3A_189 = arith.constant 0 : i32
        %dma_wait3A_190 = tpu.memref_slice %arg5[%add3A_175, %dma_wait3A_189] : memref<20000x128xf32, #tpu.memory_space<hbm>> -> memref<80x128xf32, #tpu.memory_space<hbm>>
        %dma_wait3A_191 = arith.constant 0 : i32
        %dma_wait3A_192 = arith.constant 0 : i32
        %dma_wait3A_193 = tpu.memref_slice %arg8[%dma_wait3A_191, %dma_wait3A_192] : memref<125x128xf32, #tpu.memory_space<vmem>> -> memref<80x128xf32, #tpu.memory_space<vmem>>
        tpu.wait_dma2 semaphore(%run_scoped3A : memref<!tpu.dma_semaphore, #tpu.memory_space<semaphore_mem>>) src(%dma_wait3A_193 : memref<80x128xf32, #tpu.memory_space<vmem>>) dst(%dma_wait3A_190 : memref<80x128xf32, #tpu.memory_space<hbm>>)
        tpu.yield
      }) : () -> ()
    } else {
    }
    %mul3A_113 = arith.constant 640 : i32
    %mul3A_114 = arith.muli %arg1, %mul3A_113 : i32
    %add3A_115 = arith.constant 160 : i32
    %add3A_116 = arith.addi %mul3A_114, %add3A_115 : i32
    %multiple_of3A_117 = tpu.assume_multiple %add3A_116, 8 : i32
    %lt3A_118 = arith.constant 10000 : i32
    %lt3A_119 = arith.cmpi slt, %multiple_of3A_117, %lt3A_118 : i32
    %convert_element_type3A_120 = arith.extui %lt3A_119 : i1 to i32
    %cond3A_121 = arith.constant 0 : i32
    %cond3A_122 = arith.cmpi ne, %convert_element_type3A_120, %cond3A_121 : i32
    scf.if %cond3A_122 {
      "tpu.region"() ({
        %run_scoped3A = tpu.sem_alloc : memref<!tpu.dma_semaphore, #tpu.memory_space<semaphore_mem>>
        %dma_start3A = arith.constant 0 : i32
        %dma_start3A_176 = arith.constant 0 : i32
        %dma_start3A_177 = tpu.memref_slice %arg8[%dma_start3A, %dma_start3A_176] : memref<125x128xf32, #tpu.memory_space<vmem>> -> memref<80x128xf32, #tpu.memory_space<vmem>>
        %dma_start3A_178 = arith.constant 0 : i32
        %dma_start3A_179 = tpu.memref_slice %arg10[%multiple_of3A_117, %dma_start3A_178] : memref<10000x128xf32, #tpu.memory_space<vmem_shared>> -> memref<80x128xf32, #tpu.memory_space<vmem_shared>>
        %dma_start3A_180 = arith.constant 0 : i32
        %dma_start3A_181 = arith.constant 0 : i32
        %dma_start3A_182 = tpu.memref_slice %arg8[%dma_start3A_180, %dma_start3A_181] : memref<125x128xf32, #tpu.memory_space<vmem>> -> memref<80x128xf32, #tpu.memory_space<vmem>>
        %dma_start3A_183 = arith.constant 0 : i32
        %dma_start3A_184 = tpu.memref_slice %arg10[%multiple_of3A_117, %dma_start3A_183] : memref<10000x128xf32, #tpu.memory_space<vmem_shared>> -> memref<80x128xf32, #tpu.memory_space<vmem_shared>>
        tpu.enqueue_dma source(%dma_start3A_184 : memref<80x128xf32, #tpu.memory_space<vmem_shared>>) target(%dma_start3A_182 : memref<80x128xf32, #tpu.memory_space<vmem>>) target_semaphore(%run_scoped3A : memref<!tpu.dma_semaphore, #tpu.memory_space<semaphore_mem>>)
        %dma_wait3A = arith.constant 0 : i32
        %dma_wait3A_185 = arith.constant 0 : i32
        %dma_wait3A_186 = tpu.memref_slice %arg8[%dma_wait3A, %dma_wait3A_185] : memref<125x128xf32, #tpu.memory_space<vmem>> -> memref<80x128xf32, #tpu.memory_space<vmem>>
        %dma_wait3A_187 = arith.constant 0 : i32
        %dma_wait3A_188 = tpu.memref_slice %arg10[%multiple_of3A_117, %dma_wait3A_187] : memref<10000x128xf32, #tpu.memory_space<vmem_shared>> -> memref<80x128xf32, #tpu.memory_space<vmem_shared>>
        %dma_wait3A_189 = arith.constant 0 : i32
        %dma_wait3A_190 = arith.constant 0 : i32
        %dma_wait3A_191 = tpu.memref_slice %arg8[%dma_wait3A_189, %dma_wait3A_190] : memref<125x128xf32, #tpu.memory_space<vmem>> -> memref<80x128xf32, #tpu.memory_space<vmem>>
        %dma_wait3A_192 = arith.constant 0 : i32
        %dma_wait3A_193 = tpu.memref_slice %arg10[%multiple_of3A_117, %dma_wait3A_192] : memref<10000x128xf32, #tpu.memory_space<vmem_shared>> -> memref<80x128xf32, #tpu.memory_space<vmem_shared>>
        tpu.wait_dma2 semaphore(%run_scoped3A : memref<!tpu.dma_semaphore, #tpu.memory_space<semaphore_mem>>) src(%dma_wait3A_193 : memref<80x128xf32, #tpu.memory_space<vmem_shared>>) dst(%dma_wait3A_191 : memref<80x128xf32, #tpu.memory_space<vmem>>)
        tpu.yield
      }) : () -> ()
      %mul3A_173 = arith.constant 10000 : i32
      %mul3A_174 = arith.muli %arg0, %mul3A_173 : i32
      %add3A_175 = arith.addi %mul3A_174, %multiple_of3A_117 : i32
      "tpu.region"() ({
        %run_scoped3A = tpu.sem_alloc : memref<!tpu.dma_semaphore, #tpu.memory_space<semaphore_mem>>
        %dma_start3A = arith.constant 0 : i32
        %dma_start3A_176 = arith.constant 0 : i32
        %dma_start3A_177 = tpu.memref_slice %arg8[%dma_start3A, %dma_start3A_176] : memref<125x128xf32, #tpu.memory_space<vmem>> -> memref<80x128xf32, #tpu.memory_space<vmem>>
        %dma_start3A_178 = arith.constant 0 : i32
        %dma_start3A_179 = tpu.memref_slice %arg5[%add3A_175, %dma_start3A_178] : memref<20000x128xf32, #tpu.memory_space<hbm>> -> memref<80x128xf32, #tpu.memory_space<hbm>>
        %dma_start3A_180 = arith.constant 0 : i32
        %dma_start3A_181 = tpu.memref_slice %arg5[%add3A_175, %dma_start3A_180] : memref<20000x128xf32, #tpu.memory_space<hbm>> -> memref<80x128xf32, #tpu.memory_space<hbm>>
        %dma_start3A_182 = arith.constant 0 : i32
        %dma_start3A_183 = arith.constant 0 : i32
        %dma_start3A_184 = tpu.memref_slice %arg8[%dma_start3A_182, %dma_start3A_183] : memref<125x128xf32, #tpu.memory_space<vmem>> -> memref<80x128xf32, #tpu.memory_space<vmem>>
        tpu.enqueue_dma source(%dma_start3A_184 : memref<80x128xf32, #tpu.memory_space<vmem>>) target(%dma_start3A_181 : memref<80x128xf32, #tpu.memory_space<hbm>>) target_semaphore(%run_scoped3A : memref<!tpu.dma_semaphore, #tpu.memory_space<semaphore_mem>>)
        %dma_wait3A = arith.constant 0 : i32
        %dma_wait3A_185 = arith.constant 0 : i32
        %dma_wait3A_186 = tpu.memref_slice %arg8[%dma_wait3A, %dma_wait3A_185] : memref<125x128xf32, #tpu.memory_space<vmem>> -> memref<80x128xf32, #tpu.memory_space<vmem>>
        %dma_wait3A_187 = arith.constant 0 : i32
        %dma_wait3A_188 = tpu.memref_slice %arg5[%add3A_175, %dma_wait3A_187] : memref<20000x128xf32, #tpu.memory_space<hbm>> -> memref<80x128xf32, #tpu.memory_space<hbm>>
        %dma_wait3A_189 = arith.constant 0 : i32
        %dma_wait3A_190 = tpu.memref_slice %arg5[%add3A_175, %dma_wait3A_189] : memref<20000x128xf32, #tpu.memory_space<hbm>> -> memref<80x128xf32, #tpu.memory_space<hbm>>
        %dma_wait3A_191 = arith.constant 0 : i32
        %dma_wait3A_192 = arith.constant 0 : i32
        %dma_wait3A_193 = tpu.memref_slice %arg8[%dma_wait3A_191, %dma_wait3A_192] : memref<125x128xf32, #tpu.memory_space<vmem>> -> memref<80x128xf32, #tpu.memory_space<vmem>>
        tpu.wait_dma2 semaphore(%run_scoped3A : memref<!tpu.dma_semaphore, #tpu.memory_space<semaphore_mem>>) src(%dma_wait3A_193 : memref<80x128xf32, #tpu.memory_space<vmem>>) dst(%dma_wait3A_190 : memref<80x128xf32, #tpu.memory_space<hbm>>)
        tpu.yield
      }) : () -> ()
    } else {
    }
    %mul3A_123 = arith.constant 640 : i32
    %mul3A_124 = arith.muli %arg1, %mul3A_123 : i32
    %add3A_125 = arith.constant 240 : i32
    %add3A_126 = arith.addi %mul3A_124, %add3A_125 : i32
    %multiple_of3A_127 = tpu.assume_multiple %add3A_126, 8 : i32
    %lt3A_128 = arith.constant 10000 : i32
    %lt3A_129 = arith.cmpi slt, %multiple_of3A_127, %lt3A_128 : i32
    %convert_element_type3A_130 = arith.extui %lt3A_129 : i1 to i32
    %cond3A_131 = arith.constant 0 : i32
    %cond3A_132 = arith.cmpi ne, %convert_element_type3A_130, %cond3A_131 : i32
    scf.if %cond3A_132 {
      "tpu.region"() ({
        %run_scoped3A = tpu.sem_alloc : memref<!tpu.dma_semaphore, #tpu.memory_space<semaphore_mem>>
        %dma_start3A = arith.constant 0 : i32
        %dma_start3A_176 = arith.constant 0 : i32
        %dma_start3A_177 = tpu.memref_slice %arg8[%dma_start3A, %dma_start3A_176] : memref<125x128xf32, #tpu.memory_space<vmem>> -> memref<80x128xf32, #tpu.memory_space<vmem>>
        %dma_start3A_178 = arith.constant 0 : i32
        %dma_start3A_179 = tpu.memref_slice %arg10[%multiple_of3A_127, %dma_start3A_178] : memref<10000x128xf32, #tpu.memory_space<vmem_shared>> -> memref<80x128xf32, #tpu.memory_space<vmem_shared>>
        %dma_start3A_180 = arith.constant 0 : i32
        %dma_start3A_181 = arith.constant 0 : i32
        %dma_start3A_182 = tpu.memref_slice %arg8[%dma_start3A_180, %dma_start3A_181] : memref<125x128xf32, #tpu.memory_space<vmem>> -> memref<80x128xf32, #tpu.memory_space<vmem>>
        %dma_start3A_183 = arith.constant 0 : i32
        %dma_start3A_184 = tpu.memref_slice %arg10[%multiple_of3A_127, %dma_start3A_183] : memref<10000x128xf32, #tpu.memory_space<vmem_shared>> -> memref<80x128xf32, #tpu.memory_space<vmem_shared>>
        tpu.enqueue_dma source(%dma_start3A_184 : memref<80x128xf32, #tpu.memory_space<vmem_shared>>) target(%dma_start3A_182 : memref<80x128xf32, #tpu.memory_space<vmem>>) target_semaphore(%run_scoped3A : memref<!tpu.dma_semaphore, #tpu.memory_space<semaphore_mem>>)
        %dma_wait3A = arith.constant 0 : i32
        %dma_wait3A_185 = arith.constant 0 : i32
        %dma_wait3A_186 = tpu.memref_slice %arg8[%dma_wait3A, %dma_wait3A_185] : memref<125x128xf32, #tpu.memory_space<vmem>> -> memref<80x128xf32, #tpu.memory_space<vmem>>
        %dma_wait3A_187 = arith.constant 0 : i32
        %dma_wait3A_188 = tpu.memref_slice %arg10[%multiple_of3A_127, %dma_wait3A_187] : memref<10000x128xf32, #tpu.memory_space<vmem_shared>> -> memref<80x128xf32, #tpu.memory_space<vmem_shared>>
        %dma_wait3A_189 = arith.constant 0 : i32
        %dma_wait3A_190 = arith.constant 0 : i32
        %dma_wait3A_191 = tpu.memref_slice %arg8[%dma_wait3A_189, %dma_wait3A_190] : memref<125x128xf32, #tpu.memory_space<vmem>> -> memref<80x128xf32, #tpu.memory_space<vmem>>
        %dma_wait3A_192 = arith.constant 0 : i32
        %dma_wait3A_193 = tpu.memref_slice %arg10[%multiple_of3A_127, %dma_wait3A_192] : memref<10000x128xf32, #tpu.memory_space<vmem_shared>> -> memref<80x128xf32, #tpu.memory_space<vmem_shared>>
        tpu.wait_dma2 semaphore(%run_scoped3A : memref<!tpu.dma_semaphore, #tpu.memory_space<semaphore_mem>>) src(%dma_wait3A_193 : memref<80x128xf32, #tpu.memory_space<vmem_shared>>) dst(%dma_wait3A_191 : memref<80x128xf32, #tpu.memory_space<vmem>>)
        tpu.yield
      }) : () -> ()
      %mul3A_173 = arith.constant 10000 : i32
      %mul3A_174 = arith.muli %arg0, %mul3A_173 : i32
      %add3A_175 = arith.addi %mul3A_174, %multiple_of3A_127 : i32
      "tpu.region"() ({
        %run_scoped3A = tpu.sem_alloc : memref<!tpu.dma_semaphore, #tpu.memory_space<semaphore_mem>>
        %dma_start3A = arith.constant 0 : i32
        %dma_start3A_176 = arith.constant 0 : i32
        %dma_start3A_177 = tpu.memref_slice %arg8[%dma_start3A, %dma_start3A_176] : memref<125x128xf32, #tpu.memory_space<vmem>> -> memref<80x128xf32, #tpu.memory_space<vmem>>
        %dma_start3A_178 = arith.constant 0 : i32
        %dma_start3A_179 = tpu.memref_slice %arg5[%add3A_175, %dma_start3A_178] : memref<20000x128xf32, #tpu.memory_space<hbm>> -> memref<80x128xf32, #tpu.memory_space<hbm>>
        %dma_start3A_180 = arith.constant 0 : i32
        %dma_start3A_181 = tpu.memref_slice %arg5[%add3A_175, %dma_start3A_180] : memref<20000x128xf32, #tpu.memory_space<hbm>> -> memref<80x128xf32, #tpu.memory_space<hbm>>
        %dma_start3A_182 = arith.constant 0 : i32
        %dma_start3A_183 = arith.constant 0 : i32
        %dma_start3A_184 = tpu.memref_slice %arg8[%dma_start3A_182, %dma_start3A_183] : memref<125x128xf32, #tpu.memory_space<vmem>> -> memref<80x128xf32, #tpu.memory_space<vmem>>
        tpu.enqueue_dma source(%dma_start3A_184 : memref<80x128xf32, #tpu.memory_space<vmem>>) target(%dma_start3A_181 : memref<80x128xf32, #tpu.memory_space<hbm>>) target_semaphore(%run_scoped3A : memref<!tpu.dma_semaphore, #tpu.memory_space<semaphore_mem>>)
        %dma_wait3A = arith.constant 0 : i32
        %dma_wait3A_185 = arith.constant 0 : i32
        %dma_wait3A_186 = tpu.memref_slice %arg8[%dma_wait3A, %dma_wait3A_185] : memref<125x128xf32, #tpu.memory_space<vmem>> -> memref<80x128xf32, #tpu.memory_space<vmem>>
        %dma_wait3A_187 = arith.constant 0 : i32
        %dma_wait3A_188 = tpu.memref_slice %arg5[%add3A_175, %dma_wait3A_187] : memref<20000x128xf32, #tpu.memory_space<hbm>> -> memref<80x128xf32, #tpu.memory_space<hbm>>
        %dma_wait3A_189 = arith.constant 0 : i32
        %dma_wait3A_190 = tpu.memref_slice %arg5[%add3A_175, %dma_wait3A_189] : memref<20000x128xf32, #tpu.memory_space<hbm>> -> memref<80x128xf32, #tpu.memory_space<hbm>>
        %dma_wait3A_191 = arith.constant 0 : i32
        %dma_wait3A_192 = arith.constant 0 : i32
        %dma_wait3A_193 = tpu.memref_slice %arg8[%dma_wait3A_191, %dma_wait3A_192] : memref<125x128xf32, #tpu.memory_space<vmem>> -> memref<80x128xf32, #tpu.memory_space<vmem>>
        tpu.wait_dma2 semaphore(%run_scoped3A : memref<!tpu.dma_semaphore, #tpu.memory_space<semaphore_mem>>) src(%dma_wait3A_193 : memref<80x128xf32, #tpu.memory_space<vmem>>) dst(%dma_wait3A_190 : memref<80x128xf32, #tpu.memory_space<hbm>>)
        tpu.yield
      }) : () -> ()
    } else {
    }
    %mul3A_133 = arith.constant 640 : i32
    %mul3A_134 = arith.muli %arg1, %mul3A_133 : i32
    %add3A_135 = arith.constant 320 : i32
    %add3A_136 = arith.addi %mul3A_134, %add3A_135 : i32
    %multiple_of3A_137 = tpu.assume_multiple %add3A_136, 8 : i32
    %lt3A_138 = arith.constant 10000 : i32
    %lt3A_139 = arith.cmpi slt, %multiple_of3A_137, %lt3A_138 : i32
    %convert_element_type3A_140 = arith.extui %lt3A_139 : i1 to i32
    %cond3A_141 = arith.constant 0 : i32
    %cond3A_142 = arith.cmpi ne, %convert_element_type3A_140, %cond3A_141 : i32
    scf.if %cond3A_142 {
      "tpu.region"() ({
        %run_scoped3A = tpu.sem_alloc : memref<!tpu.dma_semaphore, #tpu.memory_space<semaphore_mem>>
        %dma_start3A = arith.constant 0 : i32
        %dma_start3A_176 = arith.constant 0 : i32
        %dma_start3A_177 = tpu.memref_slice %arg8[%dma_start3A, %dma_start3A_176] : memref<125x128xf32, #tpu.memory_space<vmem>> -> memref<80x128xf32, #tpu.memory_space<vmem>>
        %dma_start3A_178 = arith.constant 0 : i32
        %dma_start3A_179 = tpu.memref_slice %arg10[%multiple_of3A_137, %dma_start3A_178] : memref<10000x128xf32, #tpu.memory_space<vmem_shared>> -> memref<80x128xf32, #tpu.memory_space<vmem_shared>>
        %dma_start3A_180 = arith.constant 0 : i32
        %dma_start3A_181 = arith.constant 0 : i32
        %dma_start3A_182 = tpu.memref_slice %arg8[%dma_start3A_180, %dma_start3A_181] : memref<125x128xf32, #tpu.memory_space<vmem>> -> memref<80x128xf32, #tpu.memory_space<vmem>>
        %dma_start3A_183 = arith.constant 0 : i32
        %dma_start3A_184 = tpu.memref_slice %arg10[%multiple_of3A_137, %dma_start3A_183] : memref<10000x128xf32, #tpu.memory_space<vmem_shared>> -> memref<80x128xf32, #tpu.memory_space<vmem_shared>>
        tpu.enqueue_dma source(%dma_start3A_184 : memref<80x128xf32, #tpu.memory_space<vmem_shared>>) target(%dma_start3A_182 : memref<80x128xf32, #tpu.memory_space<vmem>>) target_semaphore(%run_scoped3A : memref<!tpu.dma_semaphore, #tpu.memory_space<semaphore_mem>>)
        %dma_wait3A = arith.constant 0 : i32
        %dma_wait3A_185 = arith.constant 0 : i32
        %dma_wait3A_186 = tpu.memref_slice %arg8[%dma_wait3A, %dma_wait3A_185] : memref<125x128xf32, #tpu.memory_space<vmem>> -> memref<80x128xf32, #tpu.memory_space<vmem>>
        %dma_wait3A_187 = arith.constant 0 : i32
        %dma_wait3A_188 = tpu.memref_slice %arg10[%multiple_of3A_137, %dma_wait3A_187] : memref<10000x128xf32, #tpu.memory_space<vmem_shared>> -> memref<80x128xf32, #tpu.memory_space<vmem_shared>>
        %dma_wait3A_189 = arith.constant 0 : i32
        %dma_wait3A_190 = arith.constant 0 : i32
        %dma_wait3A_191 = tpu.memref_slice %arg8[%dma_wait3A_189, %dma_wait3A_190] : memref<125x128xf32, #tpu.memory_space<vmem>> -> memref<80x128xf32, #tpu.memory_space<vmem>>
        %dma_wait3A_192 = arith.constant 0 : i32
        %dma_wait3A_193 = tpu.memref_slice %arg10[%multiple_of3A_137, %dma_wait3A_192] : memref<10000x128xf32, #tpu.memory_space<vmem_shared>> -> memref<80x128xf32, #tpu.memory_space<vmem_shared>>
        tpu.wait_dma2 semaphore(%run_scoped3A : memref<!tpu.dma_semaphore, #tpu.memory_space<semaphore_mem>>) src(%dma_wait3A_193 : memref<80x128xf32, #tpu.memory_space<vmem_shared>>) dst(%dma_wait3A_191 : memref<80x128xf32, #tpu.memory_space<vmem>>)
        tpu.yield
      }) : () -> ()
      %mul3A_173 = arith.constant 10000 : i32
      %mul3A_174 = arith.muli %arg0, %mul3A_173 : i32
      %add3A_175 = arith.addi %mul3A_174, %multiple_of3A_137 : i32
      "tpu.region"() ({
        %run_scoped3A = tpu.sem_alloc : memref<!tpu.dma_semaphore, #tpu.memory_space<semaphore_mem>>
        %dma_start3A = arith.constant 0 : i32
        %dma_start3A_176 = arith.constant 0 : i32
        %dma_start3A_177 = tpu.memref_slice %arg8[%dma_start3A, %dma_start3A_176] : memref<125x128xf32, #tpu.memory_space<vmem>> -> memref<80x128xf32, #tpu.memory_space<vmem>>
        %dma_start3A_178 = arith.constant 0 : i32
        %dma_start3A_179 = tpu.memref_slice %arg5[%add3A_175, %dma_start3A_178] : memref<20000x128xf32, #tpu.memory_space<hbm>> -> memref<80x128xf32, #tpu.memory_space<hbm>>
        %dma_start3A_180 = arith.constant 0 : i32
        %dma_start3A_181 = tpu.memref_slice %arg5[%add3A_175, %dma_start3A_180] : memref<20000x128xf32, #tpu.memory_space<hbm>> -> memref<80x128xf32, #tpu.memory_space<hbm>>
        %dma_start3A_182 = arith.constant 0 : i32
        %dma_start3A_183 = arith.constant 0 : i32
        %dma_start3A_184 = tpu.memref_slice %arg8[%dma_start3A_182, %dma_start3A_183] : memref<125x128xf32, #tpu.memory_space<vmem>> -> memref<80x128xf32, #tpu.memory_space<vmem>>
        tpu.enqueue_dma source(%dma_start3A_184 : memref<80x128xf32, #tpu.memory_space<vmem>>) target(%dma_start3A_181 : memref<80x128xf32, #tpu.memory_space<hbm>>) target_semaphore(%run_scoped3A : memref<!tpu.dma_semaphore, #tpu.memory_space<semaphore_mem>>)
        %dma_wait3A = arith.constant 0 : i32
        %dma_wait3A_185 = arith.constant 0 : i32
        %dma_wait3A_186 = tpu.memref_slice %arg8[%dma_wait3A, %dma_wait3A_185] : memref<125x128xf32, #tpu.memory_space<vmem>> -> memref<80x128xf32, #tpu.memory_space<vmem>>
        %dma_wait3A_187 = arith.constant 0 : i32
        %dma_wait3A_188 = tpu.memref_slice %arg5[%add3A_175, %dma_wait3A_187] : memref<20000x128xf32, #tpu.memory_space<hbm>> -> memref<80x128xf32, #tpu.memory_space<hbm>>
        %dma_wait3A_189 = arith.constant 0 : i32
        %dma_wait3A_190 = tpu.memref_slice %arg5[%add3A_175, %dma_wait3A_189] : memref<20000x128xf32, #tpu.memory_space<hbm>> -> memref<80x128xf32, #tpu.memory_space<hbm>>
        %dma_wait3A_191 = arith.constant 0 : i32
        %dma_wait3A_192 = arith.constant 0 : i32
        %dma_wait3A_193 = tpu.memref_slice %arg8[%dma_wait3A_191, %dma_wait3A_192] : memref<125x128xf32, #tpu.memory_space<vmem>> -> memref<80x128xf32, #tpu.memory_space<vmem>>
        tpu.wait_dma2 semaphore(%run_scoped3A : memref<!tpu.dma_semaphore, #tpu.memory_space<semaphore_mem>>) src(%dma_wait3A_193 : memref<80x128xf32, #tpu.memory_space<vmem>>) dst(%dma_wait3A_190 : memref<80x128xf32, #tpu.memory_space<hbm>>)
        tpu.yield
      }) : () -> ()
    } else {
    }
    %mul3A_143 = arith.constant 640 : i32
    %mul3A_144 = arith.muli %arg1, %mul3A_143 : i32
    %add3A_145 = arith.constant 400 : i32
    %add3A_146 = arith.addi %mul3A_144, %add3A_145 : i32
    %multiple_of3A_147 = tpu.assume_multiple %add3A_146, 8 : i32
    %lt3A_148 = arith.constant 10000 : i32
    %lt3A_149 = arith.cmpi slt, %multiple_of3A_147, %lt3A_148 : i32
    %convert_element_type3A_150 = arith.extui %lt3A_149 : i1 to i32
    %cond3A_151 = arith.constant 0 : i32
    %cond3A_152 = arith.cmpi ne, %convert_element_type3A_150, %cond3A_151 : i32
    scf.if %cond3A_152 {
      "tpu.region"() ({
        %run_scoped3A = tpu.sem_alloc : memref<!tpu.dma_semaphore, #tpu.memory_space<semaphore_mem>>
        %dma_start3A = arith.constant 0 : i32
        %dma_start3A_176 = arith.constant 0 : i32
        %dma_start3A_177 = tpu.memref_slice %arg8[%dma_start3A, %dma_start3A_176] : memref<125x128xf32, #tpu.memory_space<vmem>> -> memref<80x128xf32, #tpu.memory_space<vmem>>
        %dma_start3A_178 = arith.constant 0 : i32
        %dma_start3A_179 = tpu.memref_slice %arg10[%multiple_of3A_147, %dma_start3A_178] : memref<10000x128xf32, #tpu.memory_space<vmem_shared>> -> memref<80x128xf32, #tpu.memory_space<vmem_shared>>
        %dma_start3A_180 = arith.constant 0 : i32
        %dma_start3A_181 = arith.constant 0 : i32
        %dma_start3A_182 = tpu.memref_slice %arg8[%dma_start3A_180, %dma_start3A_181] : memref<125x128xf32, #tpu.memory_space<vmem>> -> memref<80x128xf32, #tpu.memory_space<vmem>>
        %dma_start3A_183 = arith.constant 0 : i32
        %dma_start3A_184 = tpu.memref_slice %arg10[%multiple_of3A_147, %dma_start3A_183] : memref<10000x128xf32, #tpu.memory_space<vmem_shared>> -> memref<80x128xf32, #tpu.memory_space<vmem_shared>>
        tpu.enqueue_dma source(%dma_start3A_184 : memref<80x128xf32, #tpu.memory_space<vmem_shared>>) target(%dma_start3A_182 : memref<80x128xf32, #tpu.memory_space<vmem>>) target_semaphore(%run_scoped3A : memref<!tpu.dma_semaphore, #tpu.memory_space<semaphore_mem>>)
        %dma_wait3A = arith.constant 0 : i32
        %dma_wait3A_185 = arith.constant 0 : i32
        %dma_wait3A_186 = tpu.memref_slice %arg8[%dma_wait3A, %dma_wait3A_185] : memref<125x128xf32, #tpu.memory_space<vmem>> -> memref<80x128xf32, #tpu.memory_space<vmem>>
        %dma_wait3A_187 = arith.constant 0 : i32
        %dma_wait3A_188 = tpu.memref_slice %arg10[%multiple_of3A_147, %dma_wait3A_187] : memref<10000x128xf32, #tpu.memory_space<vmem_shared>> -> memref<80x128xf32, #tpu.memory_space<vmem_shared>>
        %dma_wait3A_189 = arith.constant 0 : i32
        %dma_wait3A_190 = arith.constant 0 : i32
        %dma_wait3A_191 = tpu.memref_slice %arg8[%dma_wait3A_189, %dma_wait3A_190] : memref<125x128xf32, #tpu.memory_space<vmem>> -> memref<80x128xf32, #tpu.memory_space<vmem>>
        %dma_wait3A_192 = arith.constant 0 : i32
        %dma_wait3A_193 = tpu.memref_slice %arg10[%multiple_of3A_147, %dma_wait3A_192] : memref<10000x128xf32, #tpu.memory_space<vmem_shared>> -> memref<80x128xf32, #tpu.memory_space<vmem_shared>>
        tpu.wait_dma2 semaphore(%run_scoped3A : memref<!tpu.dma_semaphore, #tpu.memory_space<semaphore_mem>>) src(%dma_wait3A_193 : memref<80x128xf32, #tpu.memory_space<vmem_shared>>) dst(%dma_wait3A_191 : memref<80x128xf32, #tpu.memory_space<vmem>>)
        tpu.yield
      }) : () -> ()
      %mul3A_173 = arith.constant 10000 : i32
      %mul3A_174 = arith.muli %arg0, %mul3A_173 : i32
      %add3A_175 = arith.addi %mul3A_174, %multiple_of3A_147 : i32
      "tpu.region"() ({
        %run_scoped3A = tpu.sem_alloc : memref<!tpu.dma_semaphore, #tpu.memory_space<semaphore_mem>>
        %dma_start3A = arith.constant 0 : i32
        %dma_start3A_176 = arith.constant 0 : i32
        %dma_start3A_177 = tpu.memref_slice %arg8[%dma_start3A, %dma_start3A_176] : memref<125x128xf32, #tpu.memory_space<vmem>> -> memref<80x128xf32, #tpu.memory_space<vmem>>
        %dma_start3A_178 = arith.constant 0 : i32
        %dma_start3A_179 = tpu.memref_slice %arg5[%add3A_175, %dma_start3A_178] : memref<20000x128xf32, #tpu.memory_space<hbm>> -> memref<80x128xf32, #tpu.memory_space<hbm>>
        %dma_start3A_180 = arith.constant 0 : i32
        %dma_start3A_181 = tpu.memref_slice %arg5[%add3A_175, %dma_start3A_180] : memref<20000x128xf32, #tpu.memory_space<hbm>> -> memref<80x128xf32, #tpu.memory_space<hbm>>
        %dma_start3A_182 = arith.constant 0 : i32
        %dma_start3A_183 = arith.constant 0 : i32
        %dma_start3A_184 = tpu.memref_slice %arg8[%dma_start3A_182, %dma_start3A_183] : memref<125x128xf32, #tpu.memory_space<vmem>> -> memref<80x128xf32, #tpu.memory_space<vmem>>
        tpu.enqueue_dma source(%dma_start3A_184 : memref<80x128xf32, #tpu.memory_space<vmem>>) target(%dma_start3A_181 : memref<80x128xf32, #tpu.memory_space<hbm>>) target_semaphore(%run_scoped3A : memref<!tpu.dma_semaphore, #tpu.memory_space<semaphore_mem>>)
        %dma_wait3A = arith.constant 0 : i32
        %dma_wait3A_185 = arith.constant 0 : i32
        %dma_wait3A_186 = tpu.memref_slice %arg8[%dma_wait3A, %dma_wait3A_185] : memref<125x128xf32, #tpu.memory_space<vmem>> -> memref<80x128xf32, #tpu.memory_space<vmem>>
        %dma_wait3A_187 = arith.constant 0 : i32
        %dma_wait3A_188 = tpu.memref_slice %arg5[%add3A_175, %dma_wait3A_187] : memref<20000x128xf32, #tpu.memory_space<hbm>> -> memref<80x128xf32, #tpu.memory_space<hbm>>
        %dma_wait3A_189 = arith.constant 0 : i32
        %dma_wait3A_190 = tpu.memref_slice %arg5[%add3A_175, %dma_wait3A_189] : memref<20000x128xf32, #tpu.memory_space<hbm>> -> memref<80x128xf32, #tpu.memory_space<hbm>>
        %dma_wait3A_191 = arith.constant 0 : i32
        %dma_wait3A_192 = arith.constant 0 : i32
        %dma_wait3A_193 = tpu.memref_slice %arg8[%dma_wait3A_191, %dma_wait3A_192] : memref<125x128xf32, #tpu.memory_space<vmem>> -> memref<80x128xf32, #tpu.memory_space<vmem>>
        tpu.wait_dma2 semaphore(%run_scoped3A : memref<!tpu.dma_semaphore, #tpu.memory_space<semaphore_mem>>) src(%dma_wait3A_193 : memref<80x128xf32, #tpu.memory_space<vmem>>) dst(%dma_wait3A_190 : memref<80x128xf32, #tpu.memory_space<hbm>>)
        tpu.yield
      }) : () -> ()
    } else {
    }
    %mul3A_153 = arith.constant 640 : i32
    %mul3A_154 = arith.muli %arg1, %mul3A_153 : i32
    %add3A_155 = arith.constant 480 : i32
    %add3A_156 = arith.addi %mul3A_154, %add3A_155 : i32
    %multiple_of3A_157 = tpu.assume_multiple %add3A_156, 8 : i32
    %lt3A_158 = arith.constant 10000 : i32
    %lt3A_159 = arith.cmpi slt, %multiple_of3A_157, %lt3A_158 : i32
    %convert_element_type3A_160 = arith.extui %lt3A_159 : i1 to i32
    %cond3A_161 = arith.constant 0 : i32
    %cond3A_162 = arith.cmpi ne, %convert_element_type3A_160, %cond3A_161 : i32
    scf.if %cond3A_162 {
      "tpu.region"() ({
        %run_scoped3A = tpu.sem_alloc : memref<!tpu.dma_semaphore, #tpu.memory_space<semaphore_mem>>
        %dma_start3A = arith.constant 0 : i32
        %dma_start3A_176 = arith.constant 0 : i32
        %dma_start3A_177 = tpu.memref_slice %arg8[%dma_start3A, %dma_start3A_176] : memref<125x128xf32, #tpu.memory_space<vmem>> -> memref<80x128xf32, #tpu.memory_space<vmem>>
        %dma_start3A_178 = arith.constant 0 : i32
        %dma_start3A_179 = tpu.memref_slice %arg10[%multiple_of3A_157, %dma_start3A_178] : memref<10000x128xf32, #tpu.memory_space<vmem_shared>> -> memref<80x128xf32, #tpu.memory_space<vmem_shared>>
        %dma_start3A_180 = arith.constant 0 : i32
        %dma_start3A_181 = arith.constant 0 : i32
        %dma_start3A_182 = tpu.memref_slice %arg8[%dma_start3A_180, %dma_start3A_181] : memref<125x128xf32, #tpu.memory_space<vmem>> -> memref<80x128xf32, #tpu.memory_space<vmem>>
        %dma_start3A_183 = arith.constant 0 : i32
        %dma_start3A_184 = tpu.memref_slice %arg10[%multiple_of3A_157, %dma_start3A_183] : memref<10000x128xf32, #tpu.memory_space<vmem_shared>> -> memref<80x128xf32, #tpu.memory_space<vmem_shared>>
        tpu.enqueue_dma source(%dma_start3A_184 : memref<80x128xf32, #tpu.memory_space<vmem_shared>>) target(%dma_start3A_182 : memref<80x128xf32, #tpu.memory_space<vmem>>) target_semaphore(%run_scoped3A : memref<!tpu.dma_semaphore, #tpu.memory_space<semaphore_mem>>)
        %dma_wait3A = arith.constant 0 : i32
        %dma_wait3A_185 = arith.constant 0 : i32
        %dma_wait3A_186 = tpu.memref_slice %arg8[%dma_wait3A, %dma_wait3A_185] : memref<125x128xf32, #tpu.memory_space<vmem>> -> memref<80x128xf32, #tpu.memory_space<vmem>>
        %dma_wait3A_187 = arith.constant 0 : i32
        %dma_wait3A_188 = tpu.memref_slice %arg10[%multiple_of3A_157, %dma_wait3A_187] : memref<10000x128xf32, #tpu.memory_space<vmem_shared>> -> memref<80x128xf32, #tpu.memory_space<vmem_shared>>
        %dma_wait3A_189 = arith.constant 0 : i32
        %dma_wait3A_190 = arith.constant 0 : i32
        %dma_wait3A_191 = tpu.memref_slice %arg8[%dma_wait3A_189, %dma_wait3A_190] : memref<125x128xf32, #tpu.memory_space<vmem>> -> memref<80x128xf32, #tpu.memory_space<vmem>>
        %dma_wait3A_192 = arith.constant 0 : i32
        %dma_wait3A_193 = tpu.memref_slice %arg10[%multiple_of3A_157, %dma_wait3A_192] : memref<10000x128xf32, #tpu.memory_space<vmem_shared>> -> memref<80x128xf32, #tpu.memory_space<vmem_shared>>
        tpu.wait_dma2 semaphore(%run_scoped3A : memref<!tpu.dma_semaphore, #tpu.memory_space<semaphore_mem>>) src(%dma_wait3A_193 : memref<80x128xf32, #tpu.memory_space<vmem_shared>>) dst(%dma_wait3A_191 : memref<80x128xf32, #tpu.memory_space<vmem>>)
        tpu.yield
      }) : () -> ()
      %mul3A_173 = arith.constant 10000 : i32
      %mul3A_174 = arith.muli %arg0, %mul3A_173 : i32
      %add3A_175 = arith.addi %mul3A_174, %multiple_of3A_157 : i32
      "tpu.region"() ({
        %run_scoped3A = tpu.sem_alloc : memref<!tpu.dma_semaphore, #tpu.memory_space<semaphore_mem>>
        %dma_start3A = arith.constant 0 : i32
        %dma_start3A_176 = arith.constant 0 : i32
        %dma_start3A_177 = tpu.memref_slice %arg8[%dma_start3A, %dma_start3A_176] : memref<125x128xf32, #tpu.memory_space<vmem>> -> memref<80x128xf32, #tpu.memory_space<vmem>>
        %dma_start3A_178 = arith.constant 0 : i32
        %dma_start3A_179 = tpu.memref_slice %arg5[%add3A_175, %dma_start3A_178] : memref<20000x128xf32, #tpu.memory_space<hbm>> -> memref<80x128xf32, #tpu.memory_space<hbm>>
        %dma_start3A_180 = arith.constant 0 : i32
        %dma_start3A_181 = tpu.memref_slice %arg5[%add3A_175, %dma_start3A_180] : memref<20000x128xf32, #tpu.memory_space<hbm>> -> memref<80x128xf32, #tpu.memory_space<hbm>>
        %dma_start3A_182 = arith.constant 0 : i32
        %dma_start3A_183 = arith.constant 0 : i32
        %dma_start3A_184 = tpu.memref_slice %arg8[%dma_start3A_182, %dma_start3A_183] : memref<125x128xf32, #tpu.memory_space<vmem>> -> memref<80x128xf32, #tpu.memory_space<vmem>>
        tpu.enqueue_dma source(%dma_start3A_184 : memref<80x128xf32, #tpu.memory_space<vmem>>) target(%dma_start3A_181 : memref<80x128xf32, #tpu.memory_space<hbm>>) target_semaphore(%run_scoped3A : memref<!tpu.dma_semaphore, #tpu.memory_space<semaphore_mem>>)
        %dma_wait3A = arith.constant 0 : i32
        %dma_wait3A_185 = arith.constant 0 : i32
        %dma_wait3A_186 = tpu.memref_slice %arg8[%dma_wait3A, %dma_wait3A_185] : memref<125x128xf32, #tpu.memory_space<vmem>> -> memref<80x128xf32, #tpu.memory_space<vmem>>
        %dma_wait3A_187 = arith.constant 0 : i32
        %dma_wait3A_188 = tpu.memref_slice %arg5[%add3A_175, %dma_wait3A_187] : memref<20000x128xf32, #tpu.memory_space<hbm>> -> memref<80x128xf32, #tpu.memory_space<hbm>>
        %dma_wait3A_189 = arith.constant 0 : i32
        %dma_wait3A_190 = tpu.memref_slice %arg5[%add3A_175, %dma_wait3A_189] : memref<20000x128xf32, #tpu.memory_space<hbm>> -> memref<80x128xf32, #tpu.memory_space<hbm>>
        %dma_wait3A_191 = arith.constant 0 : i32
        %dma_wait3A_192 = arith.constant 0 : i32
        %dma_wait3A_193 = tpu.memref_slice %arg8[%dma_wait3A_191, %dma_wait3A_192] : memref<125x128xf32, #tpu.memory_space<vmem>> -> memref<80x128xf32, #tpu.memory_space<vmem>>
        tpu.wait_dma2 semaphore(%run_scoped3A : memref<!tpu.dma_semaphore, #tpu.memory_space<semaphore_mem>>) src(%dma_wait3A_193 : memref<80x128xf32, #tpu.memory_space<vmem>>) dst(%dma_wait3A_190 : memref<80x128xf32, #tpu.memory_space<hbm>>)
        tpu.yield
      }) : () -> ()
    } else {
    }
    %mul3A_163 = arith.constant 640 : i32
    %mul3A_164 = arith.muli %arg1, %mul3A_163 : i32
    %add3A_165 = arith.constant 560 : i32
    %add3A_166 = arith.addi %mul3A_164, %add3A_165 : i32
    %multiple_of3A_167 = tpu.assume_multiple %add3A_166, 8 : i32
    %lt3A_168 = arith.constant 10000 : i32
    %lt3A_169 = arith.cmpi slt, %multiple_of3A_167, %lt3A_168 : i32
    %convert_element_type3A_170 = arith.extui %lt3A_169 : i1 to i32
    %cond3A_171 = arith.constant 0 : i32
    %cond3A_172 = arith.cmpi ne, %convert_element_type3A_170, %cond3A_171 : i32
    scf.if %cond3A_172 {
      "tpu.region"() ({
        %run_scoped3A = tpu.sem_alloc : memref<!tpu.dma_semaphore, #tpu.memory_space<semaphore_mem>>
        %dma_start3A = arith.constant 0 : i32
        %dma_start3A_176 = arith.constant 0 : i32
        %dma_start3A_177 = tpu.memref_slice %arg8[%dma_start3A, %dma_start3A_176] : memref<125x128xf32, #tpu.memory_space<vmem>> -> memref<80x128xf32, #tpu.memory_space<vmem>>
        %dma_start3A_178 = arith.constant 0 : i32
        %dma_start3A_179 = tpu.memref_slice %arg10[%multiple_of3A_167, %dma_start3A_178] : memref<10000x128xf32, #tpu.memory_space<vmem_shared>> -> memref<80x128xf32, #tpu.memory_space<vmem_shared>>
        %dma_start3A_180 = arith.constant 0 : i32
        %dma_start3A_181 = arith.constant 0 : i32
        %dma_start3A_182 = tpu.memref_slice %arg8[%dma_start3A_180, %dma_start3A_181] : memref<125x128xf32, #tpu.memory_space<vmem>> -> memref<80x128xf32, #tpu.memory_space<vmem>>
        %dma_start3A_183 = arith.constant 0 : i32
        %dma_start3A_184 = tpu.memref_slice %arg10[%multiple_of3A_167, %dma_start3A_183] : memref<10000x128xf32, #tpu.memory_space<vmem_shared>> -> memref<80x128xf32, #tpu.memory_space<vmem_shared>>
        tpu.enqueue_dma source(%dma_start3A_184 : memref<80x128xf32, #tpu.memory_space<vmem_shared>>) target(%dma_start3A_182 : memref<80x128xf32, #tpu.memory_space<vmem>>) target_semaphore(%run_scoped3A : memref<!tpu.dma_semaphore, #tpu.memory_space<semaphore_mem>>)
        %dma_wait3A = arith.constant 0 : i32
        %dma_wait3A_185 = arith.constant 0 : i32
        %dma_wait3A_186 = tpu.memref_slice %arg8[%dma_wait3A, %dma_wait3A_185] : memref<125x128xf32, #tpu.memory_space<vmem>> -> memref<80x128xf32, #tpu.memory_space<vmem>>
        %dma_wait3A_187 = arith.constant 0 : i32
        %dma_wait3A_188 = tpu.memref_slice %arg10[%multiple_of3A_167, %dma_wait3A_187] : memref<10000x128xf32, #tpu.memory_space<vmem_shared>> -> memref<80x128xf32, #tpu.memory_space<vmem_shared>>
        %dma_wait3A_189 = arith.constant 0 : i32
        %dma_wait3A_190 = arith.constant 0 : i32
        %dma_wait3A_191 = tpu.memref_slice %arg8[%dma_wait3A_189, %dma_wait3A_190] : memref<125x128xf32, #tpu.memory_space<vmem>> -> memref<80x128xf32, #tpu.memory_space<vmem>>
        %dma_wait3A_192 = arith.constant 0 : i32
        %dma_wait3A_193 = tpu.memref_slice %arg10[%multiple_of3A_167, %dma_wait3A_192] : memref<10000x128xf32, #tpu.memory_space<vmem_shared>> -> memref<80x128xf32, #tpu.memory_space<vmem_shared>>
        tpu.wait_dma2 semaphore(%run_scoped3A : memref<!tpu.dma_semaphore, #tpu.memory_space<semaphore_mem>>) src(%dma_wait3A_193 : memref<80x128xf32, #tpu.memory_space<vmem_shared>>) dst(%dma_wait3A_191 : memref<80x128xf32, #tpu.memory_space<vmem>>)
        tpu.yield
      }) : () -> ()
      %mul3A_173 = arith.constant 10000 : i32
      %mul3A_174 = arith.muli %arg0, %mul3A_173 : i32
      %add3A_175 = arith.addi %mul3A_174, %multiple_of3A_167 : i32
      "tpu.region"() ({
        %run_scoped3A = tpu.sem_alloc : memref<!tpu.dma_semaphore, #tpu.memory_space<semaphore_mem>>
        %dma_start3A = arith.constant 0 : i32
        %dma_start3A_176 = arith.constant 0 : i32
        %dma_start3A_177 = tpu.memref_slice %arg8[%dma_start3A, %dma_start3A_176] : memref<125x128xf32, #tpu.memory_space<vmem>> -> memref<80x128xf32, #tpu.memory_space<vmem>>
        %dma_start3A_178 = arith.constant 0 : i32
        %dma_start3A_179 = tpu.memref_slice %arg5[%add3A_175, %dma_start3A_178] : memref<20000x128xf32, #tpu.memory_space<hbm>> -> memref<80x128xf32, #tpu.memory_space<hbm>>
        %dma_start3A_180 = arith.constant 0 : i32
        %dma_start3A_181 = tpu.memref_slice %arg5[%add3A_175, %dma_start3A_180] : memref<20000x128xf32, #tpu.memory_space<hbm>> -> memref<80x128xf32, #tpu.memory_space<hbm>>
        %dma_start3A_182 = arith.constant 0 : i32
        %dma_start3A_183 = arith.constant 0 : i32
        %dma_start3A_184 = tpu.memref_slice %arg8[%dma_start3A_182, %dma_start3A_183] : memref<125x128xf32, #tpu.memory_space<vmem>> -> memref<80x128xf32, #tpu.memory_space<vmem>>
        tpu.enqueue_dma source(%dma_start3A_184 : memref<80x128xf32, #tpu.memory_space<vmem>>) target(%dma_start3A_181 : memref<80x128xf32, #tpu.memory_space<hbm>>) target_semaphore(%run_scoped3A : memref<!tpu.dma_semaphore, #tpu.memory_space<semaphore_mem>>)
        %dma_wait3A = arith.constant 0 : i32
        %dma_wait3A_185 = arith.constant 0 : i32
        %dma_wait3A_186 = tpu.memref_slice %arg8[%dma_wait3A, %dma_wait3A_185] : memref<125x128xf32, #tpu.memory_space<vmem>> -> memref<80x128xf32, #tpu.memory_space<vmem>>
        %dma_wait3A_187 = arith.constant 0 : i32
        %dma_wait3A_188 = tpu.memref_slice %arg5[%add3A_175, %dma_wait3A_187] : memref<20000x128xf32, #tpu.memory_space<hbm>> -> memref<80x128xf32, #tpu.memory_space<hbm>>
        %dma_wait3A_189 = arith.constant 0 : i32
        %dma_wait3A_190 = tpu.memref_slice %arg5[%add3A_175, %dma_wait3A_189] : memref<20000x128xf32, #tpu.memory_space<hbm>> -> memref<80x128xf32, #tpu.memory_space<hbm>>
        %dma_wait3A_191 = arith.constant 0 : i32
        %dma_wait3A_192 = arith.constant 0 : i32
        %dma_wait3A_193 = tpu.memref_slice %arg8[%dma_wait3A_191, %dma_wait3A_192] : memref<125x128xf32, #tpu.memory_space<vmem>> -> memref<80x128xf32, #tpu.memory_space<vmem>>
        tpu.wait_dma2 semaphore(%run_scoped3A : memref<!tpu.dma_semaphore, #tpu.memory_space<semaphore_mem>>) src(%dma_wait3A_193 : memref<80x128xf32, #tpu.memory_space<vmem>>) dst(%dma_wait3A_190 : memref<80x128xf32, #tpu.memory_space<hbm>>)
        tpu.yield
      }) : () -> ()
    } else {
    }
    return
  }
}

#map = affine_map<(d0, d1) -> (0, 0)>
module attributes {stable_mosaic.version = 14 : i64} {
  func.func @agg(%arg0: i32, %arg1: i32, %arg2: memref<10000x128xf32, #tpu.memory_space<hbm>>, %arg3: memref<2560x125xi32, #tpu.memory_space<hbm>>, %arg4: memref<2560x125xi32, #tpu.memory_space<hbm>>, %arg5: memref<20000x128xf32, #tpu.memory_space<hbm>>, %arg6: memref<40x125xi32, #tpu.memory_space<vmem>>, %arg7: memref<40x125xi32, #tpu.memory_space<vmem>>, %arg8: memref<125x128xf32, #tpu.memory_space<vmem>>, %arg9: memref<125x128xf32, #tpu.memory_space<vmem>>, %arg10: memref<10000x128xf32, #tpu.memory_space<vmem_shared>>, %arg11: memref<!tpu.dma_semaphore, #tpu.memory_space<semaphore_mem>>, %arg12: memref<!tpu.dma_semaphore, #tpu.memory_space<semaphore_mem>>, %arg13: memref<!tpu.dma_semaphore, #tpu.memory_space<semaphore_mem>>) attributes {dimension_semantics = [#tpu.dimension_semantics<core_parallel>, #tpu.dimension_semantics<subcore_parallel>], iteration_bounds = array<i64: 2, 16>, scalar_prefetch = 0 : i64, scratch_operands = 8 : i64, tpu.core_type = #tpu.core_type<sc_vector_subcore>, window_params = [{transform_indices = #map}, {transform_indices = #map}, {transform_indices = #map}, {transform_indices = #map}]} {
    %mul3A = arith.constant 1280 : i32
    %mul3A_0 = arith.muli %arg0, %mul3A : i32
    %mul3A_1 = arith.constant 80 : i32
    %mul3A_2 = arith.muli %arg1, %mul3A_1 : i32
    %add3A = arith.addi %mul3A_0, %mul3A_2 : i32
    %scan3A = arith.constant 0 : i32
    %scan3A_3 = arith.constant 0 : i32
    %scan3A_4 = arith.constant 80 : i32
    %scan3A_5 = arith.addi %scan3A_3, %scan3A_4 : i32
    %scan3A_6 = arith.constant 1 : i32
    scf.for %scan3A_171 = %scan3A_3 to %scan3A_5 step %scan3A_6  : i32 {
      %broadcast_in_dim3A = arith.constant 0.000000e+00 : f32
      %broadcast_in_dim3A_172 = vector.broadcast %broadcast_in_dim3A : f32 to vector<16xf32>
      %swap3A = arith.index_cast %scan3A_171 : i32 to index
      %swap3A_173 = arith.constant 0 : index
      %swap3A_174 = tpu.vector_load %arg8[%swap3A, %swap3A_173] {strides = array<i32>} : memref<125x128xf32, #tpu.memory_space<vmem>>, vector<1x16xf32>,
      %swap3A_175 = vector.shape_cast %swap3A_174 : vector<1x16xf32> to vector<16xf32>
      %swap3A_176 = vector.shape_cast %broadcast_in_dim3A_172 : vector<16xf32> to vector<1x16xf32>
      tpu.vector_store %arg8[%swap3A, %swap3A_173], %swap3A_176 {strides = array<i32>} : memref<125x128xf32, #tpu.memory_space<vmem>>, vector<1x16xf32>,
      %broadcast_in_dim3A_177 = arith.constant 0.000000e+00 : f32
      %broadcast_in_dim3A_178 = vector.broadcast %broadcast_in_dim3A_177 : f32 to vector<16xf32>
      %swap3A_179 = arith.index_cast %scan3A_171 : i32 to index
      %swap3A_180 = arith.constant 16 : index
      %swap3A_181 = tpu.vector_load %arg8[%swap3A_179, %swap3A_180] {strides = array<i32>} : memref<125x128xf32, #tpu.memory_space<vmem>>, vector<1x16xf32>,
      %swap3A_182 = vector.shape_cast %swap3A_181 : vector<1x16xf32> to vector<16xf32>
      %swap3A_183 = vector.shape_cast %broadcast_in_dim3A_178 : vector<16xf32> to vector<1x16xf32>
      tpu.vector_store %arg8[%swap3A_179, %swap3A_180], %swap3A_183 {strides = array<i32>} : memref<125x128xf32, #tpu.memory_space<vmem>>, vector<1x16xf32>,
      %broadcast_in_dim3A_184 = arith.constant 0.000000e+00 : f32
      %broadcast_in_dim3A_185 = vector.broadcast %broadcast_in_dim3A_184 : f32 to vector<16xf32>
      %swap3A_186 = arith.index_cast %scan3A_171 : i32 to index
      %swap3A_187 = arith.constant 32 : index
      %swap3A_188 = tpu.vector_load %arg8[%swap3A_186, %swap3A_187] {strides = array<i32>} : memref<125x128xf32, #tpu.memory_space<vmem>>, vector<1x16xf32>,
      %swap3A_189 = vector.shape_cast %swap3A_188 : vector<1x16xf32> to vector<16xf32>
      %swap3A_190 = vector.shape_cast %broadcast_in_dim3A_185 : vector<16xf32> to vector<1x16xf32>
      tpu.vector_store %arg8[%swap3A_186, %swap3A_187], %swap3A_190 {strides = array<i32>} : memref<125x128xf32, #tpu.memory_space<vmem>>, vector<1x16xf32>,
      %broadcast_in_dim3A_191 = arith.constant 0.000000e+00 : f32
      %broadcast_in_dim3A_192 = vector.broadcast %broadcast_in_dim3A_191 : f32 to vector<16xf32>
      %swap3A_193 = arith.index_cast %scan3A_171 : i32 to index
      %swap3A_194 = arith.constant 48 : index
      %swap3A_195 = tpu.vector_load %arg8[%swap3A_193, %swap3A_194] {strides = array<i32>} : memref<125x128xf32, #tpu.memory_space<vmem>>, vector<1x16xf32>,
      %swap3A_196 = vector.shape_cast %swap3A_195 : vector<1x16xf32> to vector<16xf32>
      %swap3A_197 = vector.shape_cast %broadcast_in_dim3A_192 : vector<16xf32> to vector<1x16xf32>
      tpu.vector_store %arg8[%swap3A_193, %swap3A_194], %swap3A_197 {strides = array<i32>} : memref<125x128xf32, #tpu.memory_space<vmem>>, vector<1x16xf32>,
      %broadcast_in_dim3A_198 = arith.constant 0.000000e+00 : f32
      %broadcast_in_dim3A_199 = vector.broadcast %broadcast_in_dim3A_198 : f32 to vector<16xf32>
      %swap3A_200 = arith.index_cast %scan3A_171 : i32 to index
      %swap3A_201 = arith.constant 64 : index
      %swap3A_202 = tpu.vector_load %arg8[%swap3A_200, %swap3A_201] {strides = array<i32>} : memref<125x128xf32, #tpu.memory_space<vmem>>, vector<1x16xf32>,
      %swap3A_203 = vector.shape_cast %swap3A_202 : vector<1x16xf32> to vector<16xf32>
      %swap3A_204 = vector.shape_cast %broadcast_in_dim3A_199 : vector<16xf32> to vector<1x16xf32>
      tpu.vector_store %arg8[%swap3A_200, %swap3A_201], %swap3A_204 {strides = array<i32>} : memref<125x128xf32, #tpu.memory_space<vmem>>, vector<1x16xf32>,
      %broadcast_in_dim3A_205 = arith.constant 0.000000e+00 : f32
      %broadcast_in_dim3A_206 = vector.broadcast %broadcast_in_dim3A_205 : f32 to vector<16xf32>
      %swap3A_207 = arith.index_cast %scan3A_171 : i32 to index
      %swap3A_208 = arith.constant 80 : index
      %swap3A_209 = tpu.vector_load %arg8[%swap3A_207, %swap3A_208] {strides = array<i32>} : memref<125x128xf32, #tpu.memory_space<vmem>>, vector<1x16xf32>,
      %swap3A_210 = vector.shape_cast %swap3A_209 : vector<1x16xf32> to vector<16xf32>
      %swap3A_211 = vector.shape_cast %broadcast_in_dim3A_206 : vector<16xf32> to vector<1x16xf32>
      tpu.vector_store %arg8[%swap3A_207, %swap3A_208], %swap3A_211 {strides = array<i32>} : memref<125x128xf32, #tpu.memory_space<vmem>>, vector<1x16xf32>,
      %broadcast_in_dim3A_212 = arith.constant 0.000000e+00 : f32
      %broadcast_in_dim3A_213 = vector.broadcast %broadcast_in_dim3A_212 : f32 to vector<16xf32>
      %swap3A_214 = arith.index_cast %scan3A_171 : i32 to index
      %swap3A_215 = arith.constant 96 : index
      %swap3A_216 = tpu.vector_load %arg8[%swap3A_214, %swap3A_215] {strides = array<i32>} : memref<125x128xf32, #tpu.memory_space<vmem>>, vector<1x16xf32>,
      %swap3A_217 = vector.shape_cast %swap3A_216 : vector<1x16xf32> to vector<16xf32>
      %swap3A_218 = vector.shape_cast %broadcast_in_dim3A_213 : vector<16xf32> to vector<1x16xf32>
      tpu.vector_store %arg8[%swap3A_214, %swap3A_215], %swap3A_218 {strides = array<i32>} : memref<125x128xf32, #tpu.memory_space<vmem>>, vector<1x16xf32>,
      %broadcast_in_dim3A_219 = arith.constant 0.000000e+00 : f32
      %broadcast_in_dim3A_220 = vector.broadcast %broadcast_in_dim3A_219 : f32 to vector<16xf32>
      %swap3A_221 = arith.index_cast %scan3A_171 : i32 to index
      %swap3A_222 = arith.constant 112 : index
      %swap3A_223 = tpu.vector_load %arg8[%swap3A_221, %swap3A_222] {strides = array<i32>} : memref<125x128xf32, #tpu.memory_space<vmem>>, vector<1x16xf32>,
      %swap3A_224 = vector.shape_cast %swap3A_223 : vector<1x16xf32> to vector<16xf32>
      %swap3A_225 = vector.shape_cast %broadcast_in_dim3A_220 : vector<16xf32> to vector<1x16xf32>
      tpu.vector_store %arg8[%swap3A_221, %swap3A_222], %swap3A_225 {strides = array<i32>} : memref<125x128xf32, #tpu.memory_space<vmem>>, vector<1x16xf32>,
    }
    %scan3A_7 = arith.constant 80 : i32
    %mul3A_8 = arith.constant 640 : i32
    %mul3A_9 = arith.muli %arg1, %mul3A_8 : i32
    %add3A_10 = arith.constant 0 : i32
    %add3A_11 = arith.addi %mul3A_9, %add3A_10 : i32
    %multiple_of3A = tpu.assume_multiple %add3A_11, 8 : i32
    %lt3A = arith.constant 10000 : i32
    %lt3A_12 = arith.cmpi slt, %multiple_of3A, %lt3A : i32
    %convert_element_type3A = arith.extui %lt3A_12 : i1 to i32
    %cond3A = arith.constant 0 : i32
    %cond3A_13 = arith.cmpi ne, %convert_element_type3A, %cond3A : i32
    scf.if %cond3A_13 {
      "tpu.region"() ({
        %run_scoped3A = tpu.sem_alloc : memref<!tpu.dma_semaphore, #tpu.memory_space<semaphore_mem>>
        %dma_start3A = arith.constant 0 : i32
        %dma_start3A_171 = arith.constant 0 : i32
        %dma_start3A_172 = tpu.memref_slice %arg8[%dma_start3A, %dma_start3A_171] : memref<125x128xf32, #tpu.memory_space<vmem>> -> memref<80x128xf32, #tpu.memory_space<vmem>>
        %dma_start3A_173 = arith.constant 0 : i32
        %dma_start3A_174 = tpu.memref_slice %arg10[%multiple_of3A, %dma_start3A_173] : memref<10000x128xf32, #tpu.memory_space<vmem_shared>> -> memref<80x128xf32, #tpu.memory_space<vmem_shared>>
        %dma_start3A_175 = arith.constant 0 : i32
        %dma_start3A_176 = tpu.memref_slice %arg10[%multiple_of3A, %dma_start3A_175] : memref<10000x128xf32, #tpu.memory_space<vmem_shared>> -> memref<80x128xf32, #tpu.memory_space<vmem_shared>>
        %dma_start3A_177 = arith.constant 0 : i32
        %dma_start3A_178 = arith.constant 0 : i32
        %dma_start3A_179 = tpu.memref_slice %arg8[%dma_start3A_177, %dma_start3A_178] : memref<125x128xf32, #tpu.memory_space<vmem>> -> memref<80x128xf32, #tpu.memory_space<vmem>>
        tpu.enqueue_dma source(%dma_start3A_179 : memref<80x128xf32, #tpu.memory_space<vmem>>) target(%dma_start3A_176 : memref<80x128xf32, #tpu.memory_space<vmem_shared>>) target_semaphore(%run_scoped3A : memref<!tpu.dma_semaphore, #tpu.memory_space<semaphore_mem>>)
        %dma_wait3A = arith.constant 0 : i32
        %dma_wait3A_180 = arith.constant 0 : i32
        %dma_wait3A_181 = tpu.memref_slice %arg8[%dma_wait3A, %dma_wait3A_180] : memref<125x128xf32, #tpu.memory_space<vmem>> -> memref<80x128xf32, #tpu.memory_space<vmem>>
        %dma_wait3A_182 = arith.constant 0 : i32
        %dma_wait3A_183 = tpu.memref_slice %arg10[%multiple_of3A, %dma_wait3A_182] : memref<10000x128xf32, #tpu.memory_space<vmem_shared>> -> memref<80x128xf32, #tpu.memory_space<vmem_shared>>
        %dma_wait3A_184 = arith.constant 0 : i32
        %dma_wait3A_185 = tpu.memref_slice %arg10[%multiple_of3A, %dma_wait3A_184] : memref<10000x128xf32, #tpu.memory_space<vmem_shared>> -> memref<80x128xf32, #tpu.memory_space<vmem_shared>>
        %dma_wait3A_186 = arith.constant 0 : i32
        %dma_wait3A_187 = arith.constant 0 : i32
        %dma_wait3A_188 = tpu.memref_slice %arg8[%dma_wait3A_186, %dma_wait3A_187] : memref<125x128xf32, #tpu.memory_space<vmem>> -> memref<80x128xf32, #tpu.memory_space<vmem>>
        tpu.wait_dma2 semaphore(%run_scoped3A : memref<!tpu.dma_semaphore, #tpu.memory_space<semaphore_mem>>) src(%dma_wait3A_188 : memref<80x128xf32, #tpu.memory_space<vmem>>) dst(%dma_wait3A_185 : memref<80x128xf32, #tpu.memory_space<vmem_shared>>)
        tpu.yield
      }) : () -> ()
    } else {
    }
    %mul3A_14 = arith.constant 640 : i32
    %mul3A_15 = arith.muli %arg1, %mul3A_14 : i32
    %add3A_16 = arith.constant 80 : i32
    %add3A_17 = arith.addi %mul3A_15, %add3A_16 : i32
    %multiple_of3A_18 = tpu.assume_multiple %add3A_17, 8 : i32
    %lt3A_19 = arith.constant 10000 : i32
    %lt3A_20 = arith.cmpi slt, %multiple_of3A_18, %lt3A_19 : i32
    %convert_element_type3A_21 = arith.extui %lt3A_20 : i1 to i32
    %cond3A_22 = arith.constant 0 : i32
    %cond3A_23 = arith.cmpi ne, %convert_element_type3A_21, %cond3A_22 : i32
    scf.if %cond3A_23 {
      "tpu.region"() ({
        %run_scoped3A = tpu.sem_alloc : memref<!tpu.dma_semaphore, #tpu.memory_space<semaphore_mem>>
        %dma_start3A = arith.constant 0 : i32
        %dma_start3A_171 = arith.constant 0 : i32
        %dma_start3A_172 = tpu.memref_slice %arg8[%dma_start3A, %dma_start3A_171] : memref<125x128xf32, #tpu.memory_space<vmem>> -> memref<80x128xf32, #tpu.memory_space<vmem>>
        %dma_start3A_173 = arith.constant 0 : i32
        %dma_start3A_174 = tpu.memref_slice %arg10[%multiple_of3A_18, %dma_start3A_173] : memref<10000x128xf32, #tpu.memory_space<vmem_shared>> -> memref<80x128xf32, #tpu.memory_space<vmem_shared>>
        %dma_start3A_175 = arith.constant 0 : i32
        %dma_start3A_176 = tpu.memref_slice %arg10[%multiple_of3A_18, %dma_start3A_175] : memref<10000x128xf32, #tpu.memory_space<vmem_shared>> -> memref<80x128xf32, #tpu.memory_space<vmem_shared>>
        %dma_start3A_177 = arith.constant 0 : i32
        %dma_start3A_178 = arith.constant 0 : i32
        %dma_start3A_179 = tpu.memref_slice %arg8[%dma_start3A_177, %dma_start3A_178] : memref<125x128xf32, #tpu.memory_space<vmem>> -> memref<80x128xf32, #tpu.memory_space<vmem>>
        tpu.enqueue_dma source(%dma_start3A_179 : memref<80x128xf32, #tpu.memory_space<vmem>>) target(%dma_start3A_176 : memref<80x128xf32, #tpu.memory_space<vmem_shared>>) target_semaphore(%run_scoped3A : memref<!tpu.dma_semaphore, #tpu.memory_space<semaphore_mem>>)
        %dma_wait3A = arith.constant 0 : i32
        %dma_wait3A_180 = arith.constant 0 : i32
        %dma_wait3A_181 = tpu.memref_slice %arg8[%dma_wait3A, %dma_wait3A_180] : memref<125x128xf32, #tpu.memory_space<vmem>> -> memref<80x128xf32, #tpu.memory_space<vmem>>
        %dma_wait3A_182 = arith.constant 0 : i32
        %dma_wait3A_183 = tpu.memref_slice %arg10[%multiple_of3A_18, %dma_wait3A_182] : memref<10000x128xf32, #tpu.memory_space<vmem_shared>> -> memref<80x128xf32, #tpu.memory_space<vmem_shared>>
        %dma_wait3A_184 = arith.constant 0 : i32
        %dma_wait3A_185 = tpu.memref_slice %arg10[%multiple_of3A_18, %dma_wait3A_184] : memref<10000x128xf32, #tpu.memory_space<vmem_shared>> -> memref<80x128xf32, #tpu.memory_space<vmem_shared>>
        %dma_wait3A_186 = arith.constant 0 : i32
        %dma_wait3A_187 = arith.constant 0 : i32
        %dma_wait3A_188 = tpu.memref_slice %arg8[%dma_wait3A_186, %dma_wait3A_187] : memref<125x128xf32, #tpu.memory_space<vmem>> -> memref<80x128xf32, #tpu.memory_space<vmem>>
        tpu.wait_dma2 semaphore(%run_scoped3A : memref<!tpu.dma_semaphore, #tpu.memory_space<semaphore_mem>>) src(%dma_wait3A_188 : memref<80x128xf32, #tpu.memory_space<vmem>>) dst(%dma_wait3A_185 : memref<80x128xf32, #tpu.memory_space<vmem_shared>>)
        tpu.yield
      }) : () -> ()
    } else {
    }
    %mul3A_24 = arith.constant 640 : i32
    %mul3A_25 = arith.muli %arg1, %mul3A_24 : i32
    %add3A_26 = arith.constant 160 : i32
    %add3A_27 = arith.addi %mul3A_25, %add3A_26 : i32
    %multiple_of3A_28 = tpu.assume_multiple %add3A_27, 8 : i32
    %lt3A_29 = arith.constant 10000 : i32
    %lt3A_30 = arith.cmpi slt, %multiple_of3A_28, %lt3A_29 : i32
    %convert_element_type3A_31 = arith.extui %lt3A_30 : i1 to i32
    %cond3A_32 = arith.constant 0 : i32
    %cond3A_33 = arith.cmpi ne, %convert_element_type3A_31, %cond3A_32 : i32
    scf.if %cond3A_33 {
      "tpu.region"() ({
        %run_scoped3A = tpu.sem_alloc : memref<!tpu.dma_semaphore, #tpu.memory_space<semaphore_mem>>
        %dma_start3A = arith.constant 0 : i32
        %dma_start3A_171 = arith.constant 0 : i32
        %dma_start3A_172 = tpu.memref_slice %arg8[%dma_start3A, %dma_start3A_171] : memref<125x128xf32, #tpu.memory_space<vmem>> -> memref<80x128xf32, #tpu.memory_space<vmem>>
        %dma_start3A_173 = arith.constant 0 : i32
        %dma_start3A_174 = tpu.memref_slice %arg10[%multiple_of3A_28, %dma_start3A_173] : memref<10000x128xf32, #tpu.memory_space<vmem_shared>> -> memref<80x128xf32, #tpu.memory_space<vmem_shared>>
        %dma_start3A_175 = arith.constant 0 : i32
        %dma_start3A_176 = tpu.memref_slice %arg10[%multiple_of3A_28, %dma_start3A_175] : memref<10000x128xf32, #tpu.memory_space<vmem_shared>> -> memref<80x128xf32, #tpu.memory_space<vmem_shared>>
        %dma_start3A_177 = arith.constant 0 : i32
        %dma_start3A_178 = arith.constant 0 : i32
        %dma_start3A_179 = tpu.memref_slice %arg8[%dma_start3A_177, %dma_start3A_178] : memref<125x128xf32, #tpu.memory_space<vmem>> -> memref<80x128xf32, #tpu.memory_space<vmem>>
        tpu.enqueue_dma source(%dma_start3A_179 : memref<80x128xf32, #tpu.memory_space<vmem>>) target(%dma_start3A_176 : memref<80x128xf32, #tpu.memory_space<vmem_shared>>) target_semaphore(%run_scoped3A : memref<!tpu.dma_semaphore, #tpu.memory_space<semaphore_mem>>)
        %dma_wait3A = arith.constant 0 : i32
        %dma_wait3A_180 = arith.constant 0 : i32
        %dma_wait3A_181 = tpu.memref_slice %arg8[%dma_wait3A, %dma_wait3A_180] : memref<125x128xf32, #tpu.memory_space<vmem>> -> memref<80x128xf32, #tpu.memory_space<vmem>>
        %dma_wait3A_182 = arith.constant 0 : i32
        %dma_wait3A_183 = tpu.memref_slice %arg10[%multiple_of3A_28, %dma_wait3A_182] : memref<10000x128xf32, #tpu.memory_space<vmem_shared>> -> memref<80x128xf32, #tpu.memory_space<vmem_shared>>
        %dma_wait3A_184 = arith.constant 0 : i32
        %dma_wait3A_185 = tpu.memref_slice %arg10[%multiple_of3A_28, %dma_wait3A_184] : memref<10000x128xf32, #tpu.memory_space<vmem_shared>> -> memref<80x128xf32, #tpu.memory_space<vmem_shared>>
        %dma_wait3A_186 = arith.constant 0 : i32
        %dma_wait3A_187 = arith.constant 0 : i32
        %dma_wait3A_188 = tpu.memref_slice %arg8[%dma_wait3A_186, %dma_wait3A_187] : memref<125x128xf32, #tpu.memory_space<vmem>> -> memref<80x128xf32, #tpu.memory_space<vmem>>
        tpu.wait_dma2 semaphore(%run_scoped3A : memref<!tpu.dma_semaphore, #tpu.memory_space<semaphore_mem>>) src(%dma_wait3A_188 : memref<80x128xf32, #tpu.memory_space<vmem>>) dst(%dma_wait3A_185 : memref<80x128xf32, #tpu.memory_space<vmem_shared>>)
        tpu.yield
      }) : () -> ()
    } else {
    }
    %mul3A_34 = arith.constant 640 : i32
    %mul3A_35 = arith.muli %arg1, %mul3A_34 : i32
    %add3A_36 = arith.constant 240 : i32
    %add3A_37 = arith.addi %mul3A_35, %add3A_36 : i32
    %multiple_of3A_38 = tpu.assume_multiple %add3A_37, 8 : i32
    %lt3A_39 = arith.constant 10000 : i32
    %lt3A_40 = arith.cmpi slt, %multiple_of3A_38, %lt3A_39 : i32
    %convert_element_type3A_41 = arith.extui %lt3A_40 : i1 to i32
    %cond3A_42 = arith.constant 0 : i32
    %cond3A_43 = arith.cmpi ne, %convert_element_type3A_41, %cond3A_42 : i32
    scf.if %cond3A_43 {
      "tpu.region"() ({
        %run_scoped3A = tpu.sem_alloc : memref<!tpu.dma_semaphore, #tpu.memory_space<semaphore_mem>>
        %dma_start3A = arith.constant 0 : i32
        %dma_start3A_171 = arith.constant 0 : i32
        %dma_start3A_172 = tpu.memref_slice %arg8[%dma_start3A, %dma_start3A_171] : memref<125x128xf32, #tpu.memory_space<vmem>> -> memref<80x128xf32, #tpu.memory_space<vmem>>
        %dma_start3A_173 = arith.constant 0 : i32
        %dma_start3A_174 = tpu.memref_slice %arg10[%multiple_of3A_38, %dma_start3A_173] : memref<10000x128xf32, #tpu.memory_space<vmem_shared>> -> memref<80x128xf32, #tpu.memory_space<vmem_shared>>
        %dma_start3A_175 = arith.constant 0 : i32
        %dma_start3A_176 = tpu.memref_slice %arg10[%multiple_of3A_38, %dma_start3A_175] : memref<10000x128xf32, #tpu.memory_space<vmem_shared>> -> memref<80x128xf32, #tpu.memory_space<vmem_shared>>
        %dma_start3A_177 = arith.constant 0 : i32
        %dma_start3A_178 = arith.constant 0 : i32
        %dma_start3A_179 = tpu.memref_slice %arg8[%dma_start3A_177, %dma_start3A_178] : memref<125x128xf32, #tpu.memory_space<vmem>> -> memref<80x128xf32, #tpu.memory_space<vmem>>
        tpu.enqueue_dma source(%dma_start3A_179 : memref<80x128xf32, #tpu.memory_space<vmem>>) target(%dma_start3A_176 : memref<80x128xf32, #tpu.memory_space<vmem_shared>>) target_semaphore(%run_scoped3A : memref<!tpu.dma_semaphore, #tpu.memory_space<semaphore_mem>>)
        %dma_wait3A = arith.constant 0 : i32
        %dma_wait3A_180 = arith.constant 0 : i32
        %dma_wait3A_181 = tpu.memref_slice %arg8[%dma_wait3A, %dma_wait3A_180] : memref<125x128xf32, #tpu.memory_space<vmem>> -> memref<80x128xf32, #tpu.memory_space<vmem>>
        %dma_wait3A_182 = arith.constant 0 : i32
        %dma_wait3A_183 = tpu.memref_slice %arg10[%multiple_of3A_38, %dma_wait3A_182] : memref<10000x128xf32, #tpu.memory_space<vmem_shared>> -> memref<80x128xf32, #tpu.memory_space<vmem_shared>>
        %dma_wait3A_184 = arith.constant 0 : i32
        %dma_wait3A_185 = tpu.memref_slice %arg10[%multiple_of3A_38, %dma_wait3A_184] : memref<10000x128xf32, #tpu.memory_space<vmem_shared>> -> memref<80x128xf32, #tpu.memory_space<vmem_shared>>
        %dma_wait3A_186 = arith.constant 0 : i32
        %dma_wait3A_187 = arith.constant 0 : i32
        %dma_wait3A_188 = tpu.memref_slice %arg8[%dma_wait3A_186, %dma_wait3A_187] : memref<125x128xf32, #tpu.memory_space<vmem>> -> memref<80x128xf32, #tpu.memory_space<vmem>>
        tpu.wait_dma2 semaphore(%run_scoped3A : memref<!tpu.dma_semaphore, #tpu.memory_space<semaphore_mem>>) src(%dma_wait3A_188 : memref<80x128xf32, #tpu.memory_space<vmem>>) dst(%dma_wait3A_185 : memref<80x128xf32, #tpu.memory_space<vmem_shared>>)
        tpu.yield
      }) : () -> ()
    } else {
    }
    %mul3A_44 = arith.constant 640 : i32
    %mul3A_45 = arith.muli %arg1, %mul3A_44 : i32
    %add3A_46 = arith.constant 320 : i32
    %add3A_47 = arith.addi %mul3A_45, %add3A_46 : i32
    %multiple_of3A_48 = tpu.assume_multiple %add3A_47, 8 : i32
    %lt3A_49 = arith.constant 10000 : i32
    %lt3A_50 = arith.cmpi slt, %multiple_of3A_48, %lt3A_49 : i32
    %convert_element_type3A_51 = arith.extui %lt3A_50 : i1 to i32
    %cond3A_52 = arith.constant 0 : i32
    %cond3A_53 = arith.cmpi ne, %convert_element_type3A_51, %cond3A_52 : i32
    scf.if %cond3A_53 {
      "tpu.region"() ({
        %run_scoped3A = tpu.sem_alloc : memref<!tpu.dma_semaphore, #tpu.memory_space<semaphore_mem>>
        %dma_start3A = arith.constant 0 : i32
        %dma_start3A_171 = arith.constant 0 : i32
        %dma_start3A_172 = tpu.memref_slice %arg8[%dma_start3A, %dma_start3A_171] : memref<125x128xf32, #tpu.memory_space<vmem>> -> memref<80x128xf32, #tpu.memory_space<vmem>>
        %dma_start3A_173 = arith.constant 0 : i32
        %dma_start3A_174 = tpu.memref_slice %arg10[%multiple_of3A_48, %dma_start3A_173] : memref<10000x128xf32, #tpu.memory_space<vmem_shared>> -> memref<80x128xf32, #tpu.memory_space<vmem_shared>>
        %dma_start3A_175 = arith.constant 0 : i32
        %dma_start3A_176 = tpu.memref_slice %arg10[%multiple_of3A_48, %dma_start3A_175] : memref<10000x128xf32, #tpu.memory_space<vmem_shared>> -> memref<80x128xf32, #tpu.memory_space<vmem_shared>>
        %dma_start3A_177 = arith.constant 0 : i32
        %dma_start3A_178 = arith.constant 0 : i32
        %dma_start3A_179 = tpu.memref_slice %arg8[%dma_start3A_177, %dma_start3A_178] : memref<125x128xf32, #tpu.memory_space<vmem>> -> memref<80x128xf32, #tpu.memory_space<vmem>>
        tpu.enqueue_dma source(%dma_start3A_179 : memref<80x128xf32, #tpu.memory_space<vmem>>) target(%dma_start3A_176 : memref<80x128xf32, #tpu.memory_space<vmem_shared>>) target_semaphore(%run_scoped3A : memref<!tpu.dma_semaphore, #tpu.memory_space<semaphore_mem>>)
        %dma_wait3A = arith.constant 0 : i32
        %dma_wait3A_180 = arith.constant 0 : i32
        %dma_wait3A_181 = tpu.memref_slice %arg8[%dma_wait3A, %dma_wait3A_180] : memref<125x128xf32, #tpu.memory_space<vmem>> -> memref<80x128xf32, #tpu.memory_space<vmem>>
        %dma_wait3A_182 = arith.constant 0 : i32
        %dma_wait3A_183 = tpu.memref_slice %arg10[%multiple_of3A_48, %dma_wait3A_182] : memref<10000x128xf32, #tpu.memory_space<vmem_shared>> -> memref<80x128xf32, #tpu.memory_space<vmem_shared>>
        %dma_wait3A_184 = arith.constant 0 : i32
        %dma_wait3A_185 = tpu.memref_slice %arg10[%multiple_of3A_48, %dma_wait3A_184] : memref<10000x128xf32, #tpu.memory_space<vmem_shared>> -> memref<80x128xf32, #tpu.memory_space<vmem_shared>>
        %dma_wait3A_186 = arith.constant 0 : i32
        %dma_wait3A_187 = arith.constant 0 : i32
        %dma_wait3A_188 = tpu.memref_slice %arg8[%dma_wait3A_186, %dma_wait3A_187] : memref<125x128xf32, #tpu.memory_space<vmem>> -> memref<80x128xf32, #tpu.memory_space<vmem>>
        tpu.wait_dma2 semaphore(%run_scoped3A : memref<!tpu.dma_semaphore, #tpu.memory_space<semaphore_mem>>) src(%dma_wait3A_188 : memref<80x128xf32, #tpu.memory_space<vmem>>) dst(%dma_wait3A_185 : memref<80x128xf32, #tpu.memory_space<vmem_shared>>)
        tpu.yield
      }) : () -> ()
    } else {
    }
    %mul3A_54 = arith.constant 640 : i32
    %mul3A_55 = arith.muli %arg1, %mul3A_54 : i32
    %add3A_56 = arith.constant 400 : i32
    %add3A_57 = arith.addi %mul3A_55, %add3A_56 : i32
    %multiple_of3A_58 = tpu.assume_multiple %add3A_57, 8 : i32
    %lt3A_59 = arith.constant 10000 : i32
    %lt3A_60 = arith.cmpi slt, %multiple_of3A_58, %lt3A_59 : i32
    %convert_element_type3A_61 = arith.extui %lt3A_60 : i1 to i32
    %cond3A_62 = arith.constant 0 : i32
    %cond3A_63 = arith.cmpi ne, %convert_element_type3A_61, %cond3A_62 : i32
    scf.if %cond3A_63 {
      "tpu.region"() ({
        %run_scoped3A = tpu.sem_alloc : memref<!tpu.dma_semaphore, #tpu.memory_space<semaphore_mem>>
        %dma_start3A = arith.constant 0 : i32
        %dma_start3A_171 = arith.constant 0 : i32
        %dma_start3A_172 = tpu.memref_slice %arg8[%dma_start3A, %dma_start3A_171] : memref<125x128xf32, #tpu.memory_space<vmem>> -> memref<80x128xf32, #tpu.memory_space<vmem>>
        %dma_start3A_173 = arith.constant 0 : i32
        %dma_start3A_174 = tpu.memref_slice %arg10[%multiple_of3A_58, %dma_start3A_173] : memref<10000x128xf32, #tpu.memory_space<vmem_shared>> -> memref<80x128xf32, #tpu.memory_space<vmem_shared>>
        %dma_start3A_175 = arith.constant 0 : i32
        %dma_start3A_176 = tpu.memref_slice %arg10[%multiple_of3A_58, %dma_start3A_175] : memref<10000x128xf32, #tpu.memory_space<vmem_shared>> -> memref<80x128xf32, #tpu.memory_space<vmem_shared>>
        %dma_start3A_177 = arith.constant 0 : i32
        %dma_start3A_178 = arith.constant 0 : i32
        %dma_start3A_179 = tpu.memref_slice %arg8[%dma_start3A_177, %dma_start3A_178] : memref<125x128xf32, #tpu.memory_space<vmem>> -> memref<80x128xf32, #tpu.memory_space<vmem>>
        tpu.enqueue_dma source(%dma_start3A_179 : memref<80x128xf32, #tpu.memory_space<vmem>>) target(%dma_start3A_176 : memref<80x128xf32, #tpu.memory_space<vmem_shared>>) target_semaphore(%run_scoped3A : memref<!tpu.dma_semaphore, #tpu.memory_space<semaphore_mem>>)
        %dma_wait3A = arith.constant 0 : i32
        %dma_wait3A_180 = arith.constant 0 : i32
        %dma_wait3A_181 = tpu.memref_slice %arg8[%dma_wait3A, %dma_wait3A_180] : memref<125x128xf32, #tpu.memory_space<vmem>> -> memref<80x128xf32, #tpu.memory_space<vmem>>
        %dma_wait3A_182 = arith.constant 0 : i32
        %dma_wait3A_183 = tpu.memref_slice %arg10[%multiple_of3A_58, %dma_wait3A_182] : memref<10000x128xf32, #tpu.memory_space<vmem_shared>> -> memref<80x128xf32, #tpu.memory_space<vmem_shared>>
        %dma_wait3A_184 = arith.constant 0 : i32
        %dma_wait3A_185 = tpu.memref_slice %arg10[%multiple_of3A_58, %dma_wait3A_184] : memref<10000x128xf32, #tpu.memory_space<vmem_shared>> -> memref<80x128xf32, #tpu.memory_space<vmem_shared>>
        %dma_wait3A_186 = arith.constant 0 : i32
        %dma_wait3A_187 = arith.constant 0 : i32
        %dma_wait3A_188 = tpu.memref_slice %arg8[%dma_wait3A_186, %dma_wait3A_187] : memref<125x128xf32, #tpu.memory_space<vmem>> -> memref<80x128xf32, #tpu.memory_space<vmem>>
        tpu.wait_dma2 semaphore(%run_scoped3A : memref<!tpu.dma_semaphore, #tpu.memory_space<semaphore_mem>>) src(%dma_wait3A_188 : memref<80x128xf32, #tpu.memory_space<vmem>>) dst(%dma_wait3A_185 : memref<80x128xf32, #tpu.memory_space<vmem_shared>>)
        tpu.yield
      }) : () -> ()
    } else {
    }
    %mul3A_64 = arith.constant 640 : i32
    %mul3A_65 = arith.muli %arg1, %mul3A_64 : i32
    %add3A_66 = arith.constant 480 : i32
    %add3A_67 = arith.addi %mul3A_65, %add3A_66 : i32
    %multiple_of3A_68 = tpu.assume_multiple %add3A_67, 8 : i32
    %lt3A_69 = arith.constant 10000 : i32
    %lt3A_70 = arith.cmpi slt, %multiple_of3A_68, %lt3A_69 : i32
    %convert_element_type3A_71 = arith.extui %lt3A_70 : i1 to i32
    %cond3A_72 = arith.constant 0 : i32
    %cond3A_73 = arith.cmpi ne, %convert_element_type3A_71, %cond3A_72 : i32
    scf.if %cond3A_73 {
      "tpu.region"() ({
        %run_scoped3A = tpu.sem_alloc : memref<!tpu.dma_semaphore, #tpu.memory_space<semaphore_mem>>
        %dma_start3A = arith.constant 0 : i32
        %dma_start3A_171 = arith.constant 0 : i32
        %dma_start3A_172 = tpu.memref_slice %arg8[%dma_start3A, %dma_start3A_171] : memref<125x128xf32, #tpu.memory_space<vmem>> -> memref<80x128xf32, #tpu.memory_space<vmem>>
        %dma_start3A_173 = arith.constant 0 : i32
        %dma_start3A_174 = tpu.memref_slice %arg10[%multiple_of3A_68, %dma_start3A_173] : memref<10000x128xf32, #tpu.memory_space<vmem_shared>> -> memref<80x128xf32, #tpu.memory_space<vmem_shared>>
        %dma_start3A_175 = arith.constant 0 : i32
        %dma_start3A_176 = tpu.memref_slice %arg10[%multiple_of3A_68, %dma_start3A_175] : memref<10000x128xf32, #tpu.memory_space<vmem_shared>> -> memref<80x128xf32, #tpu.memory_space<vmem_shared>>
        %dma_start3A_177 = arith.constant 0 : i32
        %dma_start3A_178 = arith.constant 0 : i32
        %dma_start3A_179 = tpu.memref_slice %arg8[%dma_start3A_177, %dma_start3A_178] : memref<125x128xf32, #tpu.memory_space<vmem>> -> memref<80x128xf32, #tpu.memory_space<vmem>>
        tpu.enqueue_dma source(%dma_start3A_179 : memref<80x128xf32, #tpu.memory_space<vmem>>) target(%dma_start3A_176 : memref<80x128xf32, #tpu.memory_space<vmem_shared>>) target_semaphore(%run_scoped3A : memref<!tpu.dma_semaphore, #tpu.memory_space<semaphore_mem>>)
        %dma_wait3A = arith.constant 0 : i32
        %dma_wait3A_180 = arith.constant 0 : i32
        %dma_wait3A_181 = tpu.memref_slice %arg8[%dma_wait3A, %dma_wait3A_180] : memref<125x128xf32, #tpu.memory_space<vmem>> -> memref<80x128xf32, #tpu.memory_space<vmem>>
        %dma_wait3A_182 = arith.constant 0 : i32
        %dma_wait3A_183 = tpu.memref_slice %arg10[%multiple_of3A_68, %dma_wait3A_182] : memref<10000x128xf32, #tpu.memory_space<vmem_shared>> -> memref<80x128xf32, #tpu.memory_space<vmem_shared>>
        %dma_wait3A_184 = arith.constant 0 : i32
        %dma_wait3A_185 = tpu.memref_slice %arg10[%multiple_of3A_68, %dma_wait3A_184] : memref<10000x128xf32, #tpu.memory_space<vmem_shared>> -> memref<80x128xf32, #tpu.memory_space<vmem_shared>>
        %dma_wait3A_186 = arith.constant 0 : i32
        %dma_wait3A_187 = arith.constant 0 : i32
        %dma_wait3A_188 = tpu.memref_slice %arg8[%dma_wait3A_186, %dma_wait3A_187] : memref<125x128xf32, #tpu.memory_space<vmem>> -> memref<80x128xf32, #tpu.memory_space<vmem>>
        tpu.wait_dma2 semaphore(%run_scoped3A : memref<!tpu.dma_semaphore, #tpu.memory_space<semaphore_mem>>) src(%dma_wait3A_188 : memref<80x128xf32, #tpu.memory_space<vmem>>) dst(%dma_wait3A_185 : memref<80x128xf32, #tpu.memory_space<vmem_shared>>)
        tpu.yield
      }) : () -> ()
    } else {
    }
    %mul3A_74 = arith.constant 640 : i32
    %mul3A_75 = arith.muli %arg1, %mul3A_74 : i32
    %add3A_76 = arith.constant 560 : i32
    %add3A_77 = arith.addi %mul3A_75, %add3A_76 : i32
    %multiple_of3A_78 = tpu.assume_multiple %add3A_77, 8 : i32
    %lt3A_79 = arith.constant 10000 : i32
    %lt3A_80 = arith.cmpi slt, %multiple_of3A_78, %lt3A_79 : i32
    %convert_element_type3A_81 = arith.extui %lt3A_80 : i1 to i32
    %cond3A_82 = arith.constant 0 : i32
    %cond3A_83 = arith.cmpi ne, %convert_element_type3A_81, %cond3A_82 : i32
    scf.if %cond3A_83 {
      "tpu.region"() ({
        %run_scoped3A = tpu.sem_alloc : memref<!tpu.dma_semaphore, #tpu.memory_space<semaphore_mem>>
        %dma_start3A = arith.constant 0 : i32
        %dma_start3A_171 = arith.constant 0 : i32
        %dma_start3A_172 = tpu.memref_slice %arg8[%dma_start3A, %dma_start3A_171] : memref<125x128xf32, #tpu.memory_space<vmem>> -> memref<80x128xf32, #tpu.memory_space<vmem>>
        %dma_start3A_173 = arith.constant 0 : i32
        %dma_start3A_174 = tpu.memref_slice %arg10[%multiple_of3A_78, %dma_start3A_173] : memref<10000x128xf32, #tpu.memory_space<vmem_shared>> -> memref<80x128xf32, #tpu.memory_space<vmem_shared>>
        %dma_start3A_175 = arith.constant 0 : i32
        %dma_start3A_176 = tpu.memref_slice %arg10[%multiple_of3A_78, %dma_start3A_175] : memref<10000x128xf32, #tpu.memory_space<vmem_shared>> -> memref<80x128xf32, #tpu.memory_space<vmem_shared>>
        %dma_start3A_177 = arith.constant 0 : i32
        %dma_start3A_178 = arith.constant 0 : i32
        %dma_start3A_179 = tpu.memref_slice %arg8[%dma_start3A_177, %dma_start3A_178] : memref<125x128xf32, #tpu.memory_space<vmem>> -> memref<80x128xf32, #tpu.memory_space<vmem>>
        tpu.enqueue_dma source(%dma_start3A_179 : memref<80x128xf32, #tpu.memory_space<vmem>>) target(%dma_start3A_176 : memref<80x128xf32, #tpu.memory_space<vmem_shared>>) target_semaphore(%run_scoped3A : memref<!tpu.dma_semaphore, #tpu.memory_space<semaphore_mem>>)
        %dma_wait3A = arith.constant 0 : i32
        %dma_wait3A_180 = arith.constant 0 : i32
        %dma_wait3A_181 = tpu.memref_slice %arg8[%dma_wait3A, %dma_wait3A_180] : memref<125x128xf32, #tpu.memory_space<vmem>> -> memref<80x128xf32, #tpu.memory_space<vmem>>
        %dma_wait3A_182 = arith.constant 0 : i32
        %dma_wait3A_183 = tpu.memref_slice %arg10[%multiple_of3A_78, %dma_wait3A_182] : memref<10000x128xf32, #tpu.memory_space<vmem_shared>> -> memref<80x128xf32, #tpu.memory_space<vmem_shared>>
        %dma_wait3A_184 = arith.constant 0 : i32
        %dma_wait3A_185 = tpu.memref_slice %arg10[%multiple_of3A_78, %dma_wait3A_184] : memref<10000x128xf32, #tpu.memory_space<vmem_shared>> -> memref<80x128xf32, #tpu.memory_space<vmem_shared>>
        %dma_wait3A_186 = arith.constant 0 : i32
        %dma_wait3A_187 = arith.constant 0 : i32
        %dma_wait3A_188 = tpu.memref_slice %arg8[%dma_wait3A_186, %dma_wait3A_187] : memref<125x128xf32, #tpu.memory_space<vmem>> -> memref<80x128xf32, #tpu.memory_space<vmem>>
        tpu.wait_dma2 semaphore(%run_scoped3A : memref<!tpu.dma_semaphore, #tpu.memory_space<semaphore_mem>>) src(%dma_wait3A_188 : memref<80x128xf32, #tpu.memory_space<vmem>>) dst(%dma_wait3A_185 : memref<80x128xf32, #tpu.memory_space<vmem_shared>>)
        tpu.yield
      }) : () -> ()
    } else {
    }
    %barrier3A = arith.constant 0 : index
    tpu.barrier barrier_id(%barrier3A)
    %scan3A_84 = arith.constant 0 : i32
    %scan3A_85 = arith.constant 0 : i32
    %scan3A_86 = arith.constant 2 : i32
    %scan3A_87 = arith.addi %scan3A_85, %scan3A_86 : i32
    %scan3A_88 = arith.constant 1 : i32
    scf.for %scan3A_171 = %scan3A_85 to %scan3A_87 step %scan3A_88  : i32 {
      %mul3A_172 = arith.constant 40 : i32
      %mul3A_173 = arith.muli %scan3A_171, %mul3A_172 : i32
      %add3A_174 = arith.addi %add3A, %mul3A_173 : i32
      %multiple_of3A_175 = tpu.assume_multiple %add3A_174, 8 : i32
      %mul3A_176 = arith.constant 40 : i32
      %mul3A_177 = arith.muli %scan3A_171, %mul3A_176 : i32
      %add3A_178 = arith.addi %add3A, %mul3A_177 : i32
      %multiple_of3A_179 = tpu.assume_multiple %add3A_178, 8 : i32
      %dma_start3A = arith.constant 0 : i32
      %dma_start3A_180 = tpu.memref_slice %arg3[%multiple_of3A_175, %dma_start3A] : memref<2560x125xi32, #tpu.memory_space<hbm>> -> memref<40x125xi32, #tpu.memory_space<hbm>>
      %dma_start3A_181 = arith.constant 0 : i32
      %dma_start3A_182 = tpu.memref_slice %arg3[%multiple_of3A_175, %dma_start3A_181] : memref<2560x125xi32, #tpu.memory_space<hbm>> -> memref<40x125xi32, #tpu.memory_space<hbm>>
      tpu.enqueue_dma source(%dma_start3A_182 : memref<40x125xi32, #tpu.memory_space<hbm>>) target(%arg6 : memref<40x125xi32, #tpu.memory_space<vmem>>) target_semaphore(%arg13 : memref<!tpu.dma_semaphore, #tpu.memory_space<semaphore_mem>>)
      %dma_start3A_183 = arith.constant 0 : i32
      %dma_start3A_184 = tpu.memref_slice %arg4[%multiple_of3A_179, %dma_start3A_183] : memref<2560x125xi32, #tpu.memory_space<hbm>> -> memref<40x125xi32, #tpu.memory_space<hbm>>
      %dma_start3A_185 = arith.constant 0 : i32
      %dma_start3A_186 = tpu.memref_slice %arg4[%multiple_of3A_179, %dma_start3A_185] : memref<2560x125xi32, #tpu.memory_space<hbm>> -> memref<40x125xi32, #tpu.memory_space<hbm>>
      tpu.enqueue_dma source(%dma_start3A_186 : memref<40x125xi32, #tpu.memory_space<hbm>>) target(%arg7 : memref<40x125xi32, #tpu.memory_space<vmem>>) target_semaphore(%arg13 : memref<!tpu.dma_semaphore, #tpu.memory_space<semaphore_mem>>)
      %dma_wait3A = arith.constant 0 : i32
      %dma_wait3A_187 = tpu.memref_slice %arg3[%multiple_of3A_175, %dma_wait3A] : memref<2560x125xi32, #tpu.memory_space<hbm>> -> memref<40x125xi32, #tpu.memory_space<hbm>>
      %dma_wait3A_188 = arith.constant 0 : i32
      %dma_wait3A_189 = tpu.memref_slice %arg3[%multiple_of3A_175, %dma_wait3A_188] : memref<2560x125xi32, #tpu.memory_space<hbm>> -> memref<40x125xi32, #tpu.memory_space<hbm>>
      tpu.wait_dma2 semaphore(%arg13 : memref<!tpu.dma_semaphore, #tpu.memory_space<semaphore_mem>>) src(%dma_wait3A_189 : memref<40x125xi32, #tpu.memory_space<hbm>>) dst(%arg6 : memref<40x125xi32, #tpu.memory_space<vmem>>)
      %dma_wait3A_190 = arith.constant 0 : i32
      %dma_wait3A_191 = tpu.memref_slice %arg4[%multiple_of3A_179, %dma_wait3A_190] : memref<2560x125xi32, #tpu.memory_space<hbm>> -> memref<40x125xi32, #tpu.memory_space<hbm>>
      %dma_wait3A_192 = arith.constant 0 : i32
      %dma_wait3A_193 = tpu.memref_slice %arg4[%multiple_of3A_179, %dma_wait3A_192] : memref<2560x125xi32, #tpu.memory_space<hbm>> -> memref<40x125xi32, #tpu.memory_space<hbm>>
      tpu.wait_dma2 semaphore(%arg13 : memref<!tpu.dma_semaphore, #tpu.memory_space<semaphore_mem>>) src(%dma_wait3A_193 : memref<40x125xi32, #tpu.memory_space<hbm>>) dst(%arg7 : memref<40x125xi32, #tpu.memory_space<vmem>>)
      %dma_start3A_194 = arith.constant 0 : i32
      %dma_start3A_195 = arith.constant 0 : i32
      %dma_start3A_196 = tpu.memref_slice %arg6[%dma_start3A_194, %dma_start3A_195] : memref<40x125xi32, #tpu.memory_space<vmem>> -> memref<1x125xi32, #tpu.memory_space<vmem>>
      %dma_start3A_197 = tpu.memref_squeeze %dma_start3A_196 : memref<1x125xi32, #tpu.memory_space<vmem>> -> memref<125xi32, #tpu.memory_space<vmem>>
      %dma_start3A_198 = arith.constant 0 : i32
      %dma_start3A_199 = arith.constant 0 : i32
      %dma_start3A_200 = tpu.memref_slice %arg2[%dma_start3A_198, %dma_start3A_199] : memref<10000x128xf32, #tpu.memory_space<hbm>> -> memref<10000x128xf32, #tpu.memory_space<hbm>>
      tpu.enqueue_indirect_dma source(%dma_start3A_200 : memref<10000x128xf32, #tpu.memory_space<hbm>>) target(%arg8 : memref<125x128xf32, #tpu.memory_space<vmem>>) offsets(%dma_start3A_197 : memref<125xi32, #tpu.memory_space<vmem>>) semaphore(%arg11 : memref<!tpu.dma_semaphore, #tpu.memory_space<semaphore_mem>>)
      %scan3A_201 = arith.constant 0 : i32
      %scan3A_202 = arith.constant 0 : i32
      %scan3A_203 = arith.constant 20 : i32
      %scan3A_204 = arith.addi %scan3A_202, %scan3A_203 : i32
      %scan3A_205 = arith.constant 1 : i32
      scf.for %scan3A_207 = %scan3A_202 to %scan3A_204 step %scan3A_205  : i32 {
        %mul3A_208 = arith.constant 2 : i32
        %mul3A_209 = arith.muli %mul3A_208, %scan3A_207 : i32
        %add3A_210 = arith.constant 1 : i32
        %add3A_211 = arith.addi %mul3A_209, %add3A_210 : i32
        %dma_start3A_212 = arith.constant 0 : i32
        %dma_start3A_213 = tpu.memref_slice %arg6[%add3A_211, %dma_start3A_212] : memref<40x125xi32, #tpu.memory_space<vmem>> -> memref<1x125xi32, #tpu.memory_space<vmem>>
        %dma_start3A_214 = tpu.memref_squeeze %dma_start3A_213 : memref<1x125xi32, #tpu.memory_space<vmem>> -> memref<125xi32, #tpu.memory_space<vmem>>
        %dma_start3A_215 = arith.constant 0 : i32
        %dma_start3A_216 = arith.constant 0 : i32
        %dma_start3A_217 = tpu.memref_slice %arg2[%dma_start3A_215, %dma_start3A_216] : memref<10000x128xf32, #tpu.memory_space<hbm>> -> memref<10000x128xf32, #tpu.memory_space<hbm>>
        tpu.enqueue_indirect_dma source(%dma_start3A_217 : memref<10000x128xf32, #tpu.memory_space<hbm>>) target(%arg9 : memref<125x128xf32, #tpu.memory_space<vmem>>) offsets(%dma_start3A_214 : memref<125xi32, #tpu.memory_space<vmem>>) semaphore(%arg12 : memref<!tpu.dma_semaphore, #tpu.memory_space<semaphore_mem>>)
        %dma_wait3A_218 = arith.constant 0 : i32
        %dma_wait3A_219 = tpu.memref_slice %arg6[%mul3A_209, %dma_wait3A_218] : memref<40x125xi32, #tpu.memory_space<vmem>> -> memref<1x125xi32, #tpu.memory_space<vmem>>
        %dma_wait3A_220 = tpu.memref_squeeze %dma_wait3A_219 : memref<1x125xi32, #tpu.memory_space<vmem>> -> memref<125xi32, #tpu.memory_space<vmem>>
        %dma_wait3A_221 = arith.constant 0 : i32
        %dma_wait3A_222 = arith.constant 0 : i32
        %dma_wait3A_223 = tpu.memref_slice %arg2[%dma_wait3A_221, %dma_wait3A_222] : memref<10000x128xf32, #tpu.memory_space<hbm>> -> memref<10000x128xf32, #tpu.memory_space<hbm>>
        tpu.wait_indirect_dma semaphore(%arg11 : memref<!tpu.dma_semaphore, #tpu.memory_space<semaphore_mem>>) src(%dma_wait3A_223 : memref<10000x128xf32, #tpu.memory_space<hbm>>) dst(%arg8 : memref<125x128xf32, #tpu.memory_space<vmem>>)
        "tpu.region"() ({
          %run_scoped3A = tpu.sem_alloc : memref<!tpu.dma_semaphore, #tpu.memory_space<semaphore_mem>>
          %dma_start3A_239 = arith.constant 0 : i32
          %dma_start3A_240 = tpu.memref_slice %arg7[%mul3A_209, %dma_start3A_239] : memref<40x125xi32, #tpu.memory_space<vmem>> -> memref<1x125xi32, #tpu.memory_space<vmem>>
          %dma_start3A_241 = tpu.memref_squeeze %dma_start3A_240 : memref<1x125xi32, #tpu.memory_space<vmem>> -> memref<125xi32, #tpu.memory_space<vmem>>
          %dma_start3A_242 = arith.constant 0 : i32
          %dma_start3A_243 = arith.constant 0 : i32
          %dma_start3A_244 = tpu.memref_slice %arg10[%dma_start3A_242, %dma_start3A_243] : memref<10000x128xf32, #tpu.memory_space<vmem_shared>> -> memref<10000x128xf32, #tpu.memory_space<vmem_shared>>
          tpu.enqueue_indirect_dma source(%arg8 : memref<125x128xf32, #tpu.memory_space<vmem>>) target(%dma_start3A_244 : memref<10000x128xf32, #tpu.memory_space<vmem_shared>>) offsets(%dma_start3A_241 : memref<125xi32, #tpu.memory_space<vmem>>) semaphore(%run_scoped3A : memref<!tpu.dma_semaphore, #tpu.memory_space<semaphore_mem>>) {add = true}
          %dma_wait3A_245 = arith.constant 0 : i32
          %dma_wait3A_246 = tpu.memref_slice %arg7[%mul3A_209, %dma_wait3A_245] : memref<40x125xi32, #tpu.memory_space<vmem>> -> memref<1x125xi32, #tpu.memory_space<vmem>>
          %dma_wait3A_247 = tpu.memref_squeeze %dma_wait3A_246 : memref<1x125xi32, #tpu.memory_space<vmem>> -> memref<125xi32, #tpu.memory_space<vmem>>
          %dma_wait3A_248 = arith.constant 0 : i32
          %dma_wait3A_249 = arith.constant 0 : i32
          %dma_wait3A_250 = tpu.memref_slice %arg10[%dma_wait3A_248, %dma_wait3A_249] : memref<10000x128xf32, #tpu.memory_space<vmem_shared>> -> memref<10000x128xf32, #tpu.memory_space<vmem_shared>>
          tpu.wait_indirect_dma semaphore(%run_scoped3A : memref<!tpu.dma_semaphore, #tpu.memory_space<semaphore_mem>>) src(%arg8 : memref<125x128xf32, #tpu.memory_space<vmem>>) dst(%dma_wait3A_250 : memref<10000x128xf32, #tpu.memory_space<vmem_shared>>)
          tpu.yield
        }) : () -> ()
        %add3A_224 = arith.constant 2 : i32
        %add3A_225 = arith.addi %mul3A_209, %add3A_224 : i32
        %lt3A_226 = arith.constant 40 : i32
        %lt3A_227 = arith.cmpi slt, %add3A_225, %lt3A_226 : i32
        %convert_element_type3A_228 = arith.extui %lt3A_227 : i1 to i32
        %cond3A_229 = arith.constant 0 : i32
        %cond3A_230 = arith.cmpi ne, %convert_element_type3A_228, %cond3A_229 : i32
        scf.if %cond3A_230 {
          %add3A_239 = arith.constant 2 : i32
          %add3A_240 = arith.addi %mul3A_209, %add3A_239 : i32
          %dma_start3A_241 = arith.constant 0 : i32
          %dma_start3A_242 = tpu.memref_slice %arg6[%add3A_240, %dma_start3A_241] : memref<40x125xi32, #tpu.memory_space<vmem>> -> memref<1x125xi32, #tpu.memory_space<vmem>>
          %dma_start3A_243 = tpu.memref_squeeze %dma_start3A_242 : memref<1x125xi32, #tpu.memory_space<vmem>> -> memref<125xi32, #tpu.memory_space<vmem>>
          %dma_start3A_244 = arith.constant 0 : i32
          %dma_start3A_245 = arith.constant 0 : i32
          %dma_start3A_246 = tpu.memref_slice %arg2[%dma_start3A_244, %dma_start3A_245] : memref<10000x128xf32, #tpu.memory_space<hbm>> -> memref<10000x128xf32, #tpu.memory_space<hbm>>
          tpu.enqueue_indirect_dma source(%dma_start3A_246 : memref<10000x128xf32, #tpu.memory_space<hbm>>) target(%arg8 : memref<125x128xf32, #tpu.memory_space<vmem>>) offsets(%dma_start3A_243 : memref<125xi32, #tpu.memory_space<vmem>>) semaphore(%arg11 : memref<!tpu.dma_semaphore, #tpu.memory_space<semaphore_mem>>)
        } else {
        }
        %add3A_231 = arith.constant 1 : i32
        %add3A_232 = arith.addi %mul3A_209, %add3A_231 : i32
        %dma_wait3A_233 = arith.constant 0 : i32
        %dma_wait3A_234 = tpu.memref_slice %arg6[%add3A_232, %dma_wait3A_233] : memref<40x125xi32, #tpu.memory_space<vmem>> -> memref<1x125xi32, #tpu.memory_space<vmem>>
        %dma_wait3A_235 = tpu.memref_squeeze %dma_wait3A_234 : memref<1x125xi32, #tpu.memory_space<vmem>> -> memref<125xi32, #tpu.memory_space<vmem>>
        %dma_wait3A_236 = arith.constant 0 : i32
        %dma_wait3A_237 = arith.constant 0 : i32
        %dma_wait3A_238 = tpu.memref_slice %arg2[%dma_wait3A_236, %dma_wait3A_237] : memref<10000x128xf32, #tpu.memory_space<hbm>> -> memref<10000x128xf32, #tpu.memory_space<hbm>>
        tpu.wait_indirect_dma semaphore(%arg12 : memref<!tpu.dma_semaphore, #tpu.memory_space<semaphore_mem>>) src(%dma_wait3A_238 : memref<10000x128xf32, #tpu.memory_space<hbm>>) dst(%arg9 : memref<125x128xf32, #tpu.memory_space<vmem>>)
        "tpu.region"() ({
          %run_scoped3A = tpu.sem_alloc : memref<!tpu.dma_semaphore, #tpu.memory_space<semaphore_mem>>
          %dma_start3A_239 = arith.constant 0 : i32
          %dma_start3A_240 = tpu.memref_slice %arg7[%add3A_232, %dma_start3A_239] : memref<40x125xi32, #tpu.memory_space<vmem>> -> memref<1x125xi32, #tpu.memory_space<vmem>>
          %dma_start3A_241 = tpu.memref_squeeze %dma_start3A_240 : memref<1x125xi32, #tpu.memory_space<vmem>> -> memref<125xi32, #tpu.memory_space<vmem>>
          %dma_start3A_242 = arith.constant 0 : i32
          %dma_start3A_243 = arith.constant 0 : i32
          %dma_start3A_244 = tpu.memref_slice %arg10[%dma_start3A_242, %dma_start3A_243] : memref<10000x128xf32, #tpu.memory_space<vmem_shared>> -> memref<10000x128xf32, #tpu.memory_space<vmem_shared>>
          tpu.enqueue_indirect_dma source(%arg9 : memref<125x128xf32, #tpu.memory_space<vmem>>) target(%dma_start3A_244 : memref<10000x128xf32, #tpu.memory_space<vmem_shared>>) offsets(%dma_start3A_241 : memref<125xi32, #tpu.memory_space<vmem>>) semaphore(%run_scoped3A : memref<!tpu.dma_semaphore, #tpu.memory_space<semaphore_mem>>) {add = true}
          %dma_wait3A_245 = arith.constant 0 : i32
          %dma_wait3A_246 = tpu.memref_slice %arg7[%add3A_232, %dma_wait3A_245] : memref<40x125xi32, #tpu.memory_space<vmem>> -> memref<1x125xi32, #tpu.memory_space<vmem>>
          %dma_wait3A_247 = tpu.memref_squeeze %dma_wait3A_246 : memref<1x125xi32, #tpu.memory_space<vmem>> -> memref<125xi32, #tpu.memory_space<vmem>>
          %dma_wait3A_248 = arith.constant 0 : i32
          %dma_wait3A_249 = arith.constant 0 : i32
          %dma_wait3A_250 = tpu.memref_slice %arg10[%dma_wait3A_248, %dma_wait3A_249] : memref<10000x128xf32, #tpu.memory_space<vmem_shared>> -> memref<10000x128xf32, #tpu.memory_space<vmem_shared>>
          tpu.wait_indirect_dma semaphore(%run_scoped3A : memref<!tpu.dma_semaphore, #tpu.memory_space<semaphore_mem>>) src(%arg9 : memref<125x128xf32, #tpu.memory_space<vmem>>) dst(%dma_wait3A_250 : memref<10000x128xf32, #tpu.memory_space<vmem_shared>>)
          tpu.yield
        }) : () -> ()
      }
      %scan3A_206 = arith.constant 20 : i32
    }
    %scan3A_89 = arith.constant 2 : i32
    %barrier3A_90 = arith.constant 0 : index
    tpu.barrier barrier_id(%barrier3A_90)
    %mul3A_91 = arith.constant 640 : i32
    %mul3A_92 = arith.muli %arg1, %mul3A_91 : i32
    %add3A_93 = arith.constant 0 : i32
    %add3A_94 = arith.addi %mul3A_92, %add3A_93 : i32
    %multiple_of3A_95 = tpu.assume_multiple %add3A_94, 8 : i32
    %lt3A_96 = arith.constant 10000 : i32
    %lt3A_97 = arith.cmpi slt, %multiple_of3A_95, %lt3A_96 : i32
    %convert_element_type3A_98 = arith.extui %lt3A_97 : i1 to i32
    %cond3A_99 = arith.constant 0 : i32
    %cond3A_100 = arith.cmpi ne, %convert_element_type3A_98, %cond3A_99 : i32
    scf.if %cond3A_100 {
      "tpu.region"() ({
        %run_scoped3A = tpu.sem_alloc : memref<!tpu.dma_semaphore, #tpu.memory_space<semaphore_mem>>
        %dma_start3A = arith.constant 0 : i32
        %dma_start3A_174 = arith.constant 0 : i32
        %dma_start3A_175 = tpu.memref_slice %arg8[%dma_start3A, %dma_start3A_174] : memref<125x128xf32, #tpu.memory_space<vmem>> -> memref<80x128xf32, #tpu.memory_space<vmem>>
        %dma_start3A_176 = arith.constant 0 : i32
        %dma_start3A_177 = tpu.memref_slice %arg10[%multiple_of3A_95, %dma_start3A_176] : memref<10000x128xf32, #tpu.memory_space<vmem_shared>> -> memref<80x128xf32, #tpu.memory_space<vmem_shared>>
        %dma_start3A_178 = arith.constant 0 : i32
        %dma_start3A_179 = arith.constant 0 : i32
        %dma_start3A_180 = tpu.memref_slice %arg8[%dma_start3A_178, %dma_start3A_179] : memref<125x128xf32, #tpu.memory_space<vmem>> -> memref<80x128xf32, #tpu.memory_space<vmem>>
        %dma_start3A_181 = arith.constant 0 : i32
        %dma_start3A_182 = tpu.memref_slice %arg10[%multiple_of3A_95, %dma_start3A_181] : memref<10000x128xf32, #tpu.memory_space<vmem_shared>> -> memref<80x128xf32, #tpu.memory_space<vmem_shared>>
        tpu.enqueue_dma source(%dma_start3A_182 : memref<80x128xf32, #tpu.memory_space<vmem_shared>>) target(%dma_start3A_180 : memref<80x128xf32, #tpu.memory_space<vmem>>) target_semaphore(%run_scoped3A : memref<!tpu.dma_semaphore, #tpu.memory_space<semaphore_mem>>)
        %dma_wait3A = arith.constant 0 : i32
        %dma_wait3A_183 = arith.constant 0 : i32
        %dma_wait3A_184 = tpu.memref_slice %arg8[%dma_wait3A, %dma_wait3A_183] : memref<125x128xf32, #tpu.memory_space<vmem>> -> memref<80x128xf32, #tpu.memory_space<vmem>>
        %dma_wait3A_185 = arith.constant 0 : i32
        %dma_wait3A_186 = tpu.memref_slice %arg10[%multiple_of3A_95, %dma_wait3A_185] : memref<10000x128xf32, #tpu.memory_space<vmem_shared>> -> memref<80x128xf32, #tpu.memory_space<vmem_shared>>
        %dma_wait3A_187 = arith.constant 0 : i32
        %dma_wait3A_188 = arith.constant 0 : i32
        %dma_wait3A_189 = tpu.memref_slice %arg8[%dma_wait3A_187, %dma_wait3A_188] : memref<125x128xf32, #tpu.memory_space<vmem>> -> memref<80x128xf32, #tpu.memory_space<vmem>>
        %dma_wait3A_190 = arith.constant 0 : i32
        %dma_wait3A_191 = tpu.memref_slice %arg10[%multiple_of3A_95, %dma_wait3A_190] : memref<10000x128xf32, #tpu.memory_space<vmem_shared>> -> memref<80x128xf32, #tpu.memory_space<vmem_shared>>
        tpu.wait_dma2 semaphore(%run_scoped3A : memref<!tpu.dma_semaphore, #tpu.memory_space<semaphore_mem>>) src(%dma_wait3A_191 : memref<80x128xf32, #tpu.memory_space<vmem_shared>>) dst(%dma_wait3A_189 : memref<80x128xf32, #tpu.memory_space<vmem>>)
        tpu.yield
      }) : () -> ()
      %mul3A_171 = arith.constant 10000 : i32
      %mul3A_172 = arith.muli %arg0, %mul3A_171 : i32
      %add3A_173 = arith.addi %mul3A_172, %multiple_of3A_95 : i32
      "tpu.region"() ({
        %run_scoped3A = tpu.sem_alloc : memref<!tpu.dma_semaphore, #tpu.memory_space<semaphore_mem>>
        %dma_start3A = arith.constant 0 : i32
        %dma_start3A_174 = arith.constant 0 : i32
        %dma_start3A_175 = tpu.memref_slice %arg8[%dma_start3A, %dma_start3A_174] : memref<125x128xf32, #tpu.memory_space<vmem>> -> memref<80x128xf32, #tpu.memory_space<vmem>>
        %dma_start3A_176 = arith.constant 0 : i32
        %dma_start3A_177 = tpu.memref_slice %arg5[%add3A_173, %dma_start3A_176] : memref<20000x128xf32, #tpu.memory_space<hbm>> -> memref<80x128xf32, #tpu.memory_space<hbm>>
        %dma_start3A_178 = arith.constant 0 : i32
        %dma_start3A_179 = tpu.memref_slice %arg5[%add3A_173, %dma_start3A_178] : memref<20000x128xf32, #tpu.memory_space<hbm>> -> memref<80x128xf32, #tpu.memory_space<hbm>>
        %dma_start3A_180 = arith.constant 0 : i32
        %dma_start3A_181 = arith.constant 0 : i32
        %dma_start3A_182 = tpu.memref_slice %arg8[%dma_start3A_180, %dma_start3A_181] : memref<125x128xf32, #tpu.memory_space<vmem>> -> memref<80x128xf32, #tpu.memory_space<vmem>>
        tpu.enqueue_dma source(%dma_start3A_182 : memref<80x128xf32, #tpu.memory_space<vmem>>) target(%dma_start3A_179 : memref<80x128xf32, #tpu.memory_space<hbm>>) target_semaphore(%run_scoped3A : memref<!tpu.dma_semaphore, #tpu.memory_space<semaphore_mem>>)
        %dma_wait3A = arith.constant 0 : i32
        %dma_wait3A_183 = arith.constant 0 : i32
        %dma_wait3A_184 = tpu.memref_slice %arg8[%dma_wait3A, %dma_wait3A_183] : memref<125x128xf32, #tpu.memory_space<vmem>> -> memref<80x128xf32, #tpu.memory_space<vmem>>
        %dma_wait3A_185 = arith.constant 0 : i32
        %dma_wait3A_186 = tpu.memref_slice %arg5[%add3A_173, %dma_wait3A_185] : memref<20000x128xf32, #tpu.memory_space<hbm>> -> memref<80x128xf32, #tpu.memory_space<hbm>>
        %dma_wait3A_187 = arith.constant 0 : i32
        %dma_wait3A_188 = tpu.memref_slice %arg5[%add3A_173, %dma_wait3A_187] : memref<20000x128xf32, #tpu.memory_space<hbm>> -> memref<80x128xf32, #tpu.memory_space<hbm>>
        %dma_wait3A_189 = arith.constant 0 : i32
        %dma_wait3A_190 = arith.constant 0 : i32
        %dma_wait3A_191 = tpu.memref_slice %arg8[%dma_wait3A_189, %dma_wait3A_190] : memref<125x128xf32, #tpu.memory_space<vmem>> -> memref<80x128xf32, #tpu.memory_space<vmem>>
        tpu.wait_dma2 semaphore(%run_scoped3A : memref<!tpu.dma_semaphore, #tpu.memory_space<semaphore_mem>>) src(%dma_wait3A_191 : memref<80x128xf32, #tpu.memory_space<vmem>>) dst(%dma_wait3A_188 : memref<80x128xf32, #tpu.memory_space<hbm>>)
        tpu.yield
      }) : () -> ()
    } else {
    }
    %mul3A_101 = arith.constant 640 : i32
    %mul3A_102 = arith.muli %arg1, %mul3A_101 : i32
    %add3A_103 = arith.constant 80 : i32
    %add3A_104 = arith.addi %mul3A_102, %add3A_103 : i32
    %multiple_of3A_105 = tpu.assume_multiple %add3A_104, 8 : i32
    %lt3A_106 = arith.constant 10000 : i32
    %lt3A_107 = arith.cmpi slt, %multiple_of3A_105, %lt3A_106 : i32
    %convert_element_type3A_108 = arith.extui %lt3A_107 : i1 to i32
    %cond3A_109 = arith.constant 0 : i32
    %cond3A_110 = arith.cmpi ne, %convert_element_type3A_108, %cond3A_109 : i32
    scf.if %cond3A_110 {
      "tpu.region"() ({
        %run_scoped3A = tpu.sem_alloc : memref<!tpu.dma_semaphore, #tpu.memory_space<semaphore_mem>>
        %dma_start3A = arith.constant 0 : i32
        %dma_start3A_174 = arith.constant 0 : i32
        %dma_start3A_175 = tpu.memref_slice %arg8[%dma_start3A, %dma_start3A_174] : memref<125x128xf32, #tpu.memory_space<vmem>> -> memref<80x128xf32, #tpu.memory_space<vmem>>
        %dma_start3A_176 = arith.constant 0 : i32
        %dma_start3A_177 = tpu.memref_slice %arg10[%multiple_of3A_105, %dma_start3A_176] : memref<10000x128xf32, #tpu.memory_space<vmem_shared>> -> memref<80x128xf32, #tpu.memory_space<vmem_shared>>
        %dma_start3A_178 = arith.constant 0 : i32
        %dma_start3A_179 = arith.constant 0 : i32
        %dma_start3A_180 = tpu.memref_slice %arg8[%dma_start3A_178, %dma_start3A_179] : memref<125x128xf32, #tpu.memory_space<vmem>> -> memref<80x128xf32, #tpu.memory_space<vmem>>
        %dma_start3A_181 = arith.constant 0 : i32
        %dma_start3A_182 = tpu.memref_slice %arg10[%multiple_of3A_105, %dma_start3A_181] : memref<10000x128xf32, #tpu.memory_space<vmem_shared>> -> memref<80x128xf32, #tpu.memory_space<vmem_shared>>
        tpu.enqueue_dma source(%dma_start3A_182 : memref<80x128xf32, #tpu.memory_space<vmem_shared>>) target(%dma_start3A_180 : memref<80x128xf32, #tpu.memory_space<vmem>>) target_semaphore(%run_scoped3A : memref<!tpu.dma_semaphore, #tpu.memory_space<semaphore_mem>>)
        %dma_wait3A = arith.constant 0 : i32
        %dma_wait3A_183 = arith.constant 0 : i32
        %dma_wait3A_184 = tpu.memref_slice %arg8[%dma_wait3A, %dma_wait3A_183] : memref<125x128xf32, #tpu.memory_space<vmem>> -> memref<80x128xf32, #tpu.memory_space<vmem>>
        %dma_wait3A_185 = arith.constant 0 : i32
        %dma_wait3A_186 = tpu.memref_slice %arg10[%multiple_of3A_105, %dma_wait3A_185] : memref<10000x128xf32, #tpu.memory_space<vmem_shared>> -> memref<80x128xf32, #tpu.memory_space<vmem_shared>>
        %dma_wait3A_187 = arith.constant 0 : i32
        %dma_wait3A_188 = arith.constant 0 : i32
        %dma_wait3A_189 = tpu.memref_slice %arg8[%dma_wait3A_187, %dma_wait3A_188] : memref<125x128xf32, #tpu.memory_space<vmem>> -> memref<80x128xf32, #tpu.memory_space<vmem>>
        %dma_wait3A_190 = arith.constant 0 : i32
        %dma_wait3A_191 = tpu.memref_slice %arg10[%multiple_of3A_105, %dma_wait3A_190] : memref<10000x128xf32, #tpu.memory_space<vmem_shared>> -> memref<80x128xf32, #tpu.memory_space<vmem_shared>>
        tpu.wait_dma2 semaphore(%run_scoped3A : memref<!tpu.dma_semaphore, #tpu.memory_space<semaphore_mem>>) src(%dma_wait3A_191 : memref<80x128xf32, #tpu.memory_space<vmem_shared>>) dst(%dma_wait3A_189 : memref<80x128xf32, #tpu.memory_space<vmem>>)
        tpu.yield
      }) : () -> ()
      %mul3A_171 = arith.constant 10000 : i32
      %mul3A_172 = arith.muli %arg0, %mul3A_171 : i32
      %add3A_173 = arith.addi %mul3A_172, %multiple_of3A_105 : i32
      "tpu.region"() ({
        %run_scoped3A = tpu.sem_alloc : memref<!tpu.dma_semaphore, #tpu.memory_space<semaphore_mem>>
        %dma_start3A = arith.constant 0 : i32
        %dma_start3A_174 = arith.constant 0 : i32
        %dma_start3A_175 = tpu.memref_slice %arg8[%dma_start3A, %dma_start3A_174] : memref<125x128xf32, #tpu.memory_space<vmem>> -> memref<80x128xf32, #tpu.memory_space<vmem>>
        %dma_start3A_176 = arith.constant 0 : i32
        %dma_start3A_177 = tpu.memref_slice %arg5[%add3A_173, %dma_start3A_176] : memref<20000x128xf32, #tpu.memory_space<hbm>> -> memref<80x128xf32, #tpu.memory_space<hbm>>
        %dma_start3A_178 = arith.constant 0 : i32
        %dma_start3A_179 = tpu.memref_slice %arg5[%add3A_173, %dma_start3A_178] : memref<20000x128xf32, #tpu.memory_space<hbm>> -> memref<80x128xf32, #tpu.memory_space<hbm>>
        %dma_start3A_180 = arith.constant 0 : i32
        %dma_start3A_181 = arith.constant 0 : i32
        %dma_start3A_182 = tpu.memref_slice %arg8[%dma_start3A_180, %dma_start3A_181] : memref<125x128xf32, #tpu.memory_space<vmem>> -> memref<80x128xf32, #tpu.memory_space<vmem>>
        tpu.enqueue_dma source(%dma_start3A_182 : memref<80x128xf32, #tpu.memory_space<vmem>>) target(%dma_start3A_179 : memref<80x128xf32, #tpu.memory_space<hbm>>) target_semaphore(%run_scoped3A : memref<!tpu.dma_semaphore, #tpu.memory_space<semaphore_mem>>)
        %dma_wait3A = arith.constant 0 : i32
        %dma_wait3A_183 = arith.constant 0 : i32
        %dma_wait3A_184 = tpu.memref_slice %arg8[%dma_wait3A, %dma_wait3A_183] : memref<125x128xf32, #tpu.memory_space<vmem>> -> memref<80x128xf32, #tpu.memory_space<vmem>>
        %dma_wait3A_185 = arith.constant 0 : i32
        %dma_wait3A_186 = tpu.memref_slice %arg5[%add3A_173, %dma_wait3A_185] : memref<20000x128xf32, #tpu.memory_space<hbm>> -> memref<80x128xf32, #tpu.memory_space<hbm>>
        %dma_wait3A_187 = arith.constant 0 : i32
        %dma_wait3A_188 = tpu.memref_slice %arg5[%add3A_173, %dma_wait3A_187] : memref<20000x128xf32, #tpu.memory_space<hbm>> -> memref<80x128xf32, #tpu.memory_space<hbm>>
        %dma_wait3A_189 = arith.constant 0 : i32
        %dma_wait3A_190 = arith.constant 0 : i32
        %dma_wait3A_191 = tpu.memref_slice %arg8[%dma_wait3A_189, %dma_wait3A_190] : memref<125x128xf32, #tpu.memory_space<vmem>> -> memref<80x128xf32, #tpu.memory_space<vmem>>
        tpu.wait_dma2 semaphore(%run_scoped3A : memref<!tpu.dma_semaphore, #tpu.memory_space<semaphore_mem>>) src(%dma_wait3A_191 : memref<80x128xf32, #tpu.memory_space<vmem>>) dst(%dma_wait3A_188 : memref<80x128xf32, #tpu.memory_space<hbm>>)
        tpu.yield
      }) : () -> ()
    } else {
    }
    %mul3A_111 = arith.constant 640 : i32
    %mul3A_112 = arith.muli %arg1, %mul3A_111 : i32
    %add3A_113 = arith.constant 160 : i32
    %add3A_114 = arith.addi %mul3A_112, %add3A_113 : i32
    %multiple_of3A_115 = tpu.assume_multiple %add3A_114, 8 : i32
    %lt3A_116 = arith.constant 10000 : i32
    %lt3A_117 = arith.cmpi slt, %multiple_of3A_115, %lt3A_116 : i32
    %convert_element_type3A_118 = arith.extui %lt3A_117 : i1 to i32
    %cond3A_119 = arith.constant 0 : i32
    %cond3A_120 = arith.cmpi ne, %convert_element_type3A_118, %cond3A_119 : i32
    scf.if %cond3A_120 {
      "tpu.region"() ({
        %run_scoped3A = tpu.sem_alloc : memref<!tpu.dma_semaphore, #tpu.memory_space<semaphore_mem>>
        %dma_start3A = arith.constant 0 : i32
        %dma_start3A_174 = arith.constant 0 : i32
        %dma_start3A_175 = tpu.memref_slice %arg8[%dma_start3A, %dma_start3A_174] : memref<125x128xf32, #tpu.memory_space<vmem>> -> memref<80x128xf32, #tpu.memory_space<vmem>>
        %dma_start3A_176 = arith.constant 0 : i32
        %dma_start3A_177 = tpu.memref_slice %arg10[%multiple_of3A_115, %dma_start3A_176] : memref<10000x128xf32, #tpu.memory_space<vmem_shared>> -> memref<80x128xf32, #tpu.memory_space<vmem_shared>>
        %dma_start3A_178 = arith.constant 0 : i32
        %dma_start3A_179 = arith.constant 0 : i32
        %dma_start3A_180 = tpu.memref_slice %arg8[%dma_start3A_178, %dma_start3A_179] : memref<125x128xf32, #tpu.memory_space<vmem>> -> memref<80x128xf32, #tpu.memory_space<vmem>>
        %dma_start3A_181 = arith.constant 0 : i32
        %dma_start3A_182 = tpu.memref_slice %arg10[%multiple_of3A_115, %dma_start3A_181] : memref<10000x128xf32, #tpu.memory_space<vmem_shared>> -> memref<80x128xf32, #tpu.memory_space<vmem_shared>>
        tpu.enqueue_dma source(%dma_start3A_182 : memref<80x128xf32, #tpu.memory_space<vmem_shared>>) target(%dma_start3A_180 : memref<80x128xf32, #tpu.memory_space<vmem>>) target_semaphore(%run_scoped3A : memref<!tpu.dma_semaphore, #tpu.memory_space<semaphore_mem>>)
        %dma_wait3A = arith.constant 0 : i32
        %dma_wait3A_183 = arith.constant 0 : i32
        %dma_wait3A_184 = tpu.memref_slice %arg8[%dma_wait3A, %dma_wait3A_183] : memref<125x128xf32, #tpu.memory_space<vmem>> -> memref<80x128xf32, #tpu.memory_space<vmem>>
        %dma_wait3A_185 = arith.constant 0 : i32
        %dma_wait3A_186 = tpu.memref_slice %arg10[%multiple_of3A_115, %dma_wait3A_185] : memref<10000x128xf32, #tpu.memory_space<vmem_shared>> -> memref<80x128xf32, #tpu.memory_space<vmem_shared>>
        %dma_wait3A_187 = arith.constant 0 : i32
        %dma_wait3A_188 = arith.constant 0 : i32
        %dma_wait3A_189 = tpu.memref_slice %arg8[%dma_wait3A_187, %dma_wait3A_188] : memref<125x128xf32, #tpu.memory_space<vmem>> -> memref<80x128xf32, #tpu.memory_space<vmem>>
        %dma_wait3A_190 = arith.constant 0 : i32
        %dma_wait3A_191 = tpu.memref_slice %arg10[%multiple_of3A_115, %dma_wait3A_190] : memref<10000x128xf32, #tpu.memory_space<vmem_shared>> -> memref<80x128xf32, #tpu.memory_space<vmem_shared>>
        tpu.wait_dma2 semaphore(%run_scoped3A : memref<!tpu.dma_semaphore, #tpu.memory_space<semaphore_mem>>) src(%dma_wait3A_191 : memref<80x128xf32, #tpu.memory_space<vmem_shared>>) dst(%dma_wait3A_189 : memref<80x128xf32, #tpu.memory_space<vmem>>)
        tpu.yield
      }) : () -> ()
      %mul3A_171 = arith.constant 10000 : i32
      %mul3A_172 = arith.muli %arg0, %mul3A_171 : i32
      %add3A_173 = arith.addi %mul3A_172, %multiple_of3A_115 : i32
      "tpu.region"() ({
        %run_scoped3A = tpu.sem_alloc : memref<!tpu.dma_semaphore, #tpu.memory_space<semaphore_mem>>
        %dma_start3A = arith.constant 0 : i32
        %dma_start3A_174 = arith.constant 0 : i32
        %dma_start3A_175 = tpu.memref_slice %arg8[%dma_start3A, %dma_start3A_174] : memref<125x128xf32, #tpu.memory_space<vmem>> -> memref<80x128xf32, #tpu.memory_space<vmem>>
        %dma_start3A_176 = arith.constant 0 : i32
        %dma_start3A_177 = tpu.memref_slice %arg5[%add3A_173, %dma_start3A_176] : memref<20000x128xf32, #tpu.memory_space<hbm>> -> memref<80x128xf32, #tpu.memory_space<hbm>>
        %dma_start3A_178 = arith.constant 0 : i32
        %dma_start3A_179 = tpu.memref_slice %arg5[%add3A_173, %dma_start3A_178] : memref<20000x128xf32, #tpu.memory_space<hbm>> -> memref<80x128xf32, #tpu.memory_space<hbm>>
        %dma_start3A_180 = arith.constant 0 : i32
        %dma_start3A_181 = arith.constant 0 : i32
        %dma_start3A_182 = tpu.memref_slice %arg8[%dma_start3A_180, %dma_start3A_181] : memref<125x128xf32, #tpu.memory_space<vmem>> -> memref<80x128xf32, #tpu.memory_space<vmem>>
        tpu.enqueue_dma source(%dma_start3A_182 : memref<80x128xf32, #tpu.memory_space<vmem>>) target(%dma_start3A_179 : memref<80x128xf32, #tpu.memory_space<hbm>>) target_semaphore(%run_scoped3A : memref<!tpu.dma_semaphore, #tpu.memory_space<semaphore_mem>>)
        %dma_wait3A = arith.constant 0 : i32
        %dma_wait3A_183 = arith.constant 0 : i32
        %dma_wait3A_184 = tpu.memref_slice %arg8[%dma_wait3A, %dma_wait3A_183] : memref<125x128xf32, #tpu.memory_space<vmem>> -> memref<80x128xf32, #tpu.memory_space<vmem>>
        %dma_wait3A_185 = arith.constant 0 : i32
        %dma_wait3A_186 = tpu.memref_slice %arg5[%add3A_173, %dma_wait3A_185] : memref<20000x128xf32, #tpu.memory_space<hbm>> -> memref<80x128xf32, #tpu.memory_space<hbm>>
        %dma_wait3A_187 = arith.constant 0 : i32
        %dma_wait3A_188 = tpu.memref_slice %arg5[%add3A_173, %dma_wait3A_187] : memref<20000x128xf32, #tpu.memory_space<hbm>> -> memref<80x128xf32, #tpu.memory_space<hbm>>
        %dma_wait3A_189 = arith.constant 0 : i32
        %dma_wait3A_190 = arith.constant 0 : i32
        %dma_wait3A_191 = tpu.memref_slice %arg8[%dma_wait3A_189, %dma_wait3A_190] : memref<125x128xf32, #tpu.memory_space<vmem>> -> memref<80x128xf32, #tpu.memory_space<vmem>>
        tpu.wait_dma2 semaphore(%run_scoped3A : memref<!tpu.dma_semaphore, #tpu.memory_space<semaphore_mem>>) src(%dma_wait3A_191 : memref<80x128xf32, #tpu.memory_space<vmem>>) dst(%dma_wait3A_188 : memref<80x128xf32, #tpu.memory_space<hbm>>)
        tpu.yield
      }) : () -> ()
    } else {
    }
    %mul3A_121 = arith.constant 640 : i32
    %mul3A_122 = arith.muli %arg1, %mul3A_121 : i32
    %add3A_123 = arith.constant 240 : i32
    %add3A_124 = arith.addi %mul3A_122, %add3A_123 : i32
    %multiple_of3A_125 = tpu.assume_multiple %add3A_124, 8 : i32
    %lt3A_126 = arith.constant 10000 : i32
    %lt3A_127 = arith.cmpi slt, %multiple_of3A_125, %lt3A_126 : i32
    %convert_element_type3A_128 = arith.extui %lt3A_127 : i1 to i32
    %cond3A_129 = arith.constant 0 : i32
    %cond3A_130 = arith.cmpi ne, %convert_element_type3A_128, %cond3A_129 : i32
    scf.if %cond3A_130 {
      "tpu.region"() ({
        %run_scoped3A = tpu.sem_alloc : memref<!tpu.dma_semaphore, #tpu.memory_space<semaphore_mem>>
        %dma_start3A = arith.constant 0 : i32
        %dma_start3A_174 = arith.constant 0 : i32
        %dma_start3A_175 = tpu.memref_slice %arg8[%dma_start3A, %dma_start3A_174] : memref<125x128xf32, #tpu.memory_space<vmem>> -> memref<80x128xf32, #tpu.memory_space<vmem>>
        %dma_start3A_176 = arith.constant 0 : i32
        %dma_start3A_177 = tpu.memref_slice %arg10[%multiple_of3A_125, %dma_start3A_176] : memref<10000x128xf32, #tpu.memory_space<vmem_shared>> -> memref<80x128xf32, #tpu.memory_space<vmem_shared>>
        %dma_start3A_178 = arith.constant 0 : i32
        %dma_start3A_179 = arith.constant 0 : i32
        %dma_start3A_180 = tpu.memref_slice %arg8[%dma_start3A_178, %dma_start3A_179] : memref<125x128xf32, #tpu.memory_space<vmem>> -> memref<80x128xf32, #tpu.memory_space<vmem>>
        %dma_start3A_181 = arith.constant 0 : i32
        %dma_start3A_182 = tpu.memref_slice %arg10[%multiple_of3A_125, %dma_start3A_181] : memref<10000x128xf32, #tpu.memory_space<vmem_shared>> -> memref<80x128xf32, #tpu.memory_space<vmem_shared>>
        tpu.enqueue_dma source(%dma_start3A_182 : memref<80x128xf32, #tpu.memory_space<vmem_shared>>) target(%dma_start3A_180 : memref<80x128xf32, #tpu.memory_space<vmem>>) target_semaphore(%run_scoped3A : memref<!tpu.dma_semaphore, #tpu.memory_space<semaphore_mem>>)
        %dma_wait3A = arith.constant 0 : i32
        %dma_wait3A_183 = arith.constant 0 : i32
        %dma_wait3A_184 = tpu.memref_slice %arg8[%dma_wait3A, %dma_wait3A_183] : memref<125x128xf32, #tpu.memory_space<vmem>> -> memref<80x128xf32, #tpu.memory_space<vmem>>
        %dma_wait3A_185 = arith.constant 0 : i32
        %dma_wait3A_186 = tpu.memref_slice %arg10[%multiple_of3A_125, %dma_wait3A_185] : memref<10000x128xf32, #tpu.memory_space<vmem_shared>> -> memref<80x128xf32, #tpu.memory_space<vmem_shared>>
        %dma_wait3A_187 = arith.constant 0 : i32
        %dma_wait3A_188 = arith.constant 0 : i32
        %dma_wait3A_189 = tpu.memref_slice %arg8[%dma_wait3A_187, %dma_wait3A_188] : memref<125x128xf32, #tpu.memory_space<vmem>> -> memref<80x128xf32, #tpu.memory_space<vmem>>
        %dma_wait3A_190 = arith.constant 0 : i32
        %dma_wait3A_191 = tpu.memref_slice %arg10[%multiple_of3A_125, %dma_wait3A_190] : memref<10000x128xf32, #tpu.memory_space<vmem_shared>> -> memref<80x128xf32, #tpu.memory_space<vmem_shared>>
        tpu.wait_dma2 semaphore(%run_scoped3A : memref<!tpu.dma_semaphore, #tpu.memory_space<semaphore_mem>>) src(%dma_wait3A_191 : memref<80x128xf32, #tpu.memory_space<vmem_shared>>) dst(%dma_wait3A_189 : memref<80x128xf32, #tpu.memory_space<vmem>>)
        tpu.yield
      }) : () -> ()
      %mul3A_171 = arith.constant 10000 : i32
      %mul3A_172 = arith.muli %arg0, %mul3A_171 : i32
      %add3A_173 = arith.addi %mul3A_172, %multiple_of3A_125 : i32
      "tpu.region"() ({
        %run_scoped3A = tpu.sem_alloc : memref<!tpu.dma_semaphore, #tpu.memory_space<semaphore_mem>>
        %dma_start3A = arith.constant 0 : i32
        %dma_start3A_174 = arith.constant 0 : i32
        %dma_start3A_175 = tpu.memref_slice %arg8[%dma_start3A, %dma_start3A_174] : memref<125x128xf32, #tpu.memory_space<vmem>> -> memref<80x128xf32, #tpu.memory_space<vmem>>
        %dma_start3A_176 = arith.constant 0 : i32
        %dma_start3A_177 = tpu.memref_slice %arg5[%add3A_173, %dma_start3A_176] : memref<20000x128xf32, #tpu.memory_space<hbm>> -> memref<80x128xf32, #tpu.memory_space<hbm>>
        %dma_start3A_178 = arith.constant 0 : i32
        %dma_start3A_179 = tpu.memref_slice %arg5[%add3A_173, %dma_start3A_178] : memref<20000x128xf32, #tpu.memory_space<hbm>> -> memref<80x128xf32, #tpu.memory_space<hbm>>
        %dma_start3A_180 = arith.constant 0 : i32
        %dma_start3A_181 = arith.constant 0 : i32
        %dma_start3A_182 = tpu.memref_slice %arg8[%dma_start3A_180, %dma_start3A_181] : memref<125x128xf32, #tpu.memory_space<vmem>> -> memref<80x128xf32, #tpu.memory_space<vmem>>
        tpu.enqueue_dma source(%dma_start3A_182 : memref<80x128xf32, #tpu.memory_space<vmem>>) target(%dma_start3A_179 : memref<80x128xf32, #tpu.memory_space<hbm>>) target_semaphore(%run_scoped3A : memref<!tpu.dma_semaphore, #tpu.memory_space<semaphore_mem>>)
        %dma_wait3A = arith.constant 0 : i32
        %dma_wait3A_183 = arith.constant 0 : i32
        %dma_wait3A_184 = tpu.memref_slice %arg8[%dma_wait3A, %dma_wait3A_183] : memref<125x128xf32, #tpu.memory_space<vmem>> -> memref<80x128xf32, #tpu.memory_space<vmem>>
        %dma_wait3A_185 = arith.constant 0 : i32
        %dma_wait3A_186 = tpu.memref_slice %arg5[%add3A_173, %dma_wait3A_185] : memref<20000x128xf32, #tpu.memory_space<hbm>> -> memref<80x128xf32, #tpu.memory_space<hbm>>
        %dma_wait3A_187 = arith.constant 0 : i32
        %dma_wait3A_188 = tpu.memref_slice %arg5[%add3A_173, %dma_wait3A_187] : memref<20000x128xf32, #tpu.memory_space<hbm>> -> memref<80x128xf32, #tpu.memory_space<hbm>>
        %dma_wait3A_189 = arith.constant 0 : i32
        %dma_wait3A_190 = arith.constant 0 : i32
        %dma_wait3A_191 = tpu.memref_slice %arg8[%dma_wait3A_189, %dma_wait3A_190] : memref<125x128xf32, #tpu.memory_space<vmem>> -> memref<80x128xf32, #tpu.memory_space<vmem>>
        tpu.wait_dma2 semaphore(%run_scoped3A : memref<!tpu.dma_semaphore, #tpu.memory_space<semaphore_mem>>) src(%dma_wait3A_191 : memref<80x128xf32, #tpu.memory_space<vmem>>) dst(%dma_wait3A_188 : memref<80x128xf32, #tpu.memory_space<hbm>>)
        tpu.yield
      }) : () -> ()
    } else {
    }
    %mul3A_131 = arith.constant 640 : i32
    %mul3A_132 = arith.muli %arg1, %mul3A_131 : i32
    %add3A_133 = arith.constant 320 : i32
    %add3A_134 = arith.addi %mul3A_132, %add3A_133 : i32
    %multiple_of3A_135 = tpu.assume_multiple %add3A_134, 8 : i32
    %lt3A_136 = arith.constant 10000 : i32
    %lt3A_137 = arith.cmpi slt, %multiple_of3A_135, %lt3A_136 : i32
    %convert_element_type3A_138 = arith.extui %lt3A_137 : i1 to i32
    %cond3A_139 = arith.constant 0 : i32
    %cond3A_140 = arith.cmpi ne, %convert_element_type3A_138, %cond3A_139 : i32
    scf.if %cond3A_140 {
      "tpu.region"() ({
        %run_scoped3A = tpu.sem_alloc : memref<!tpu.dma_semaphore, #tpu.memory_space<semaphore_mem>>
        %dma_start3A = arith.constant 0 : i32
        %dma_start3A_174 = arith.constant 0 : i32
        %dma_start3A_175 = tpu.memref_slice %arg8[%dma_start3A, %dma_start3A_174] : memref<125x128xf32, #tpu.memory_space<vmem>> -> memref<80x128xf32, #tpu.memory_space<vmem>>
        %dma_start3A_176 = arith.constant 0 : i32
        %dma_start3A_177 = tpu.memref_slice %arg10[%multiple_of3A_135, %dma_start3A_176] : memref<10000x128xf32, #tpu.memory_space<vmem_shared>> -> memref<80x128xf32, #tpu.memory_space<vmem_shared>>
        %dma_start3A_178 = arith.constant 0 : i32
        %dma_start3A_179 = arith.constant 0 : i32
        %dma_start3A_180 = tpu.memref_slice %arg8[%dma_start3A_178, %dma_start3A_179] : memref<125x128xf32, #tpu.memory_space<vmem>> -> memref<80x128xf32, #tpu.memory_space<vmem>>
        %dma_start3A_181 = arith.constant 0 : i32
        %dma_start3A_182 = tpu.memref_slice %arg10[%multiple_of3A_135, %dma_start3A_181] : memref<10000x128xf32, #tpu.memory_space<vmem_shared>> -> memref<80x128xf32, #tpu.memory_space<vmem_shared>>
        tpu.enqueue_dma source(%dma_start3A_182 : memref<80x128xf32, #tpu.memory_space<vmem_shared>>) target(%dma_start3A_180 : memref<80x128xf32, #tpu.memory_space<vmem>>) target_semaphore(%run_scoped3A : memref<!tpu.dma_semaphore, #tpu.memory_space<semaphore_mem>>)
        %dma_wait3A = arith.constant 0 : i32
        %dma_wait3A_183 = arith.constant 0 : i32
        %dma_wait3A_184 = tpu.memref_slice %arg8[%dma_wait3A, %dma_wait3A_183] : memref<125x128xf32, #tpu.memory_space<vmem>> -> memref<80x128xf32, #tpu.memory_space<vmem>>
        %dma_wait3A_185 = arith.constant 0 : i32
        %dma_wait3A_186 = tpu.memref_slice %arg10[%multiple_of3A_135, %dma_wait3A_185] : memref<10000x128xf32, #tpu.memory_space<vmem_shared>> -> memref<80x128xf32, #tpu.memory_space<vmem_shared>>
        %dma_wait3A_187 = arith.constant 0 : i32
        %dma_wait3A_188 = arith.constant 0 : i32
        %dma_wait3A_189 = tpu.memref_slice %arg8[%dma_wait3A_187, %dma_wait3A_188] : memref<125x128xf32, #tpu.memory_space<vmem>> -> memref<80x128xf32, #tpu.memory_space<vmem>>
        %dma_wait3A_190 = arith.constant 0 : i32
        %dma_wait3A_191 = tpu.memref_slice %arg10[%multiple_of3A_135, %dma_wait3A_190] : memref<10000x128xf32, #tpu.memory_space<vmem_shared>> -> memref<80x128xf32, #tpu.memory_space<vmem_shared>>
        tpu.wait_dma2 semaphore(%run_scoped3A : memref<!tpu.dma_semaphore, #tpu.memory_space<semaphore_mem>>) src(%dma_wait3A_191 : memref<80x128xf32, #tpu.memory_space<vmem_shared>>) dst(%dma_wait3A_189 : memref<80x128xf32, #tpu.memory_space<vmem>>)
        tpu.yield
      }) : () -> ()
      %mul3A_171 = arith.constant 10000 : i32
      %mul3A_172 = arith.muli %arg0, %mul3A_171 : i32
      %add3A_173 = arith.addi %mul3A_172, %multiple_of3A_135 : i32
      "tpu.region"() ({
        %run_scoped3A = tpu.sem_alloc : memref<!tpu.dma_semaphore, #tpu.memory_space<semaphore_mem>>
        %dma_start3A = arith.constant 0 : i32
        %dma_start3A_174 = arith.constant 0 : i32
        %dma_start3A_175 = tpu.memref_slice %arg8[%dma_start3A, %dma_start3A_174] : memref<125x128xf32, #tpu.memory_space<vmem>> -> memref<80x128xf32, #tpu.memory_space<vmem>>
        %dma_start3A_176 = arith.constant 0 : i32
        %dma_start3A_177 = tpu.memref_slice %arg5[%add3A_173, %dma_start3A_176] : memref<20000x128xf32, #tpu.memory_space<hbm>> -> memref<80x128xf32, #tpu.memory_space<hbm>>
        %dma_start3A_178 = arith.constant 0 : i32
        %dma_start3A_179 = tpu.memref_slice %arg5[%add3A_173, %dma_start3A_178] : memref<20000x128xf32, #tpu.memory_space<hbm>> -> memref<80x128xf32, #tpu.memory_space<hbm>>
        %dma_start3A_180 = arith.constant 0 : i32
        %dma_start3A_181 = arith.constant 0 : i32
        %dma_start3A_182 = tpu.memref_slice %arg8[%dma_start3A_180, %dma_start3A_181] : memref<125x128xf32, #tpu.memory_space<vmem>> -> memref<80x128xf32, #tpu.memory_space<vmem>>
        tpu.enqueue_dma source(%dma_start3A_182 : memref<80x128xf32, #tpu.memory_space<vmem>>) target(%dma_start3A_179 : memref<80x128xf32, #tpu.memory_space<hbm>>) target_semaphore(%run_scoped3A : memref<!tpu.dma_semaphore, #tpu.memory_space<semaphore_mem>>)
        %dma_wait3A = arith.constant 0 : i32
        %dma_wait3A_183 = arith.constant 0 : i32
        %dma_wait3A_184 = tpu.memref_slice %arg8[%dma_wait3A, %dma_wait3A_183] : memref<125x128xf32, #tpu.memory_space<vmem>> -> memref<80x128xf32, #tpu.memory_space<vmem>>
        %dma_wait3A_185 = arith.constant 0 : i32
        %dma_wait3A_186 = tpu.memref_slice %arg5[%add3A_173, %dma_wait3A_185] : memref<20000x128xf32, #tpu.memory_space<hbm>> -> memref<80x128xf32, #tpu.memory_space<hbm>>
        %dma_wait3A_187 = arith.constant 0 : i32
        %dma_wait3A_188 = tpu.memref_slice %arg5[%add3A_173, %dma_wait3A_187] : memref<20000x128xf32, #tpu.memory_space<hbm>> -> memref<80x128xf32, #tpu.memory_space<hbm>>
        %dma_wait3A_189 = arith.constant 0 : i32
        %dma_wait3A_190 = arith.constant 0 : i32
        %dma_wait3A_191 = tpu.memref_slice %arg8[%dma_wait3A_189, %dma_wait3A_190] : memref<125x128xf32, #tpu.memory_space<vmem>> -> memref<80x128xf32, #tpu.memory_space<vmem>>
        tpu.wait_dma2 semaphore(%run_scoped3A : memref<!tpu.dma_semaphore, #tpu.memory_space<semaphore_mem>>) src(%dma_wait3A_191 : memref<80x128xf32, #tpu.memory_space<vmem>>) dst(%dma_wait3A_188 : memref<80x128xf32, #tpu.memory_space<hbm>>)
        tpu.yield
      }) : () -> ()
    } else {
    }
    %mul3A_141 = arith.constant 640 : i32
    %mul3A_142 = arith.muli %arg1, %mul3A_141 : i32
    %add3A_143 = arith.constant 400 : i32
    %add3A_144 = arith.addi %mul3A_142, %add3A_143 : i32
    %multiple_of3A_145 = tpu.assume_multiple %add3A_144, 8 : i32
    %lt3A_146 = arith.constant 10000 : i32
    %lt3A_147 = arith.cmpi slt, %multiple_of3A_145, %lt3A_146 : i32
    %convert_element_type3A_148 = arith.extui %lt3A_147 : i1 to i32
    %cond3A_149 = arith.constant 0 : i32
    %cond3A_150 = arith.cmpi ne, %convert_element_type3A_148, %cond3A_149 : i32
    scf.if %cond3A_150 {
      "tpu.region"() ({
        %run_scoped3A = tpu.sem_alloc : memref<!tpu.dma_semaphore, #tpu.memory_space<semaphore_mem>>
        %dma_start3A = arith.constant 0 : i32
        %dma_start3A_174 = arith.constant 0 : i32
        %dma_start3A_175 = tpu.memref_slice %arg8[%dma_start3A, %dma_start3A_174] : memref<125x128xf32, #tpu.memory_space<vmem>> -> memref<80x128xf32, #tpu.memory_space<vmem>>
        %dma_start3A_176 = arith.constant 0 : i32
        %dma_start3A_177 = tpu.memref_slice %arg10[%multiple_of3A_145, %dma_start3A_176] : memref<10000x128xf32, #tpu.memory_space<vmem_shared>> -> memref<80x128xf32, #tpu.memory_space<vmem_shared>>
        %dma_start3A_178 = arith.constant 0 : i32
        %dma_start3A_179 = arith.constant 0 : i32
        %dma_start3A_180 = tpu.memref_slice %arg8[%dma_start3A_178, %dma_start3A_179] : memref<125x128xf32, #tpu.memory_space<vmem>> -> memref<80x128xf32, #tpu.memory_space<vmem>>
        %dma_start3A_181 = arith.constant 0 : i32
        %dma_start3A_182 = tpu.memref_slice %arg10[%multiple_of3A_145, %dma_start3A_181] : memref<10000x128xf32, #tpu.memory_space<vmem_shared>> -> memref<80x128xf32, #tpu.memory_space<vmem_shared>>
        tpu.enqueue_dma source(%dma_start3A_182 : memref<80x128xf32, #tpu.memory_space<vmem_shared>>) target(%dma_start3A_180 : memref<80x128xf32, #tpu.memory_space<vmem>>) target_semaphore(%run_scoped3A : memref<!tpu.dma_semaphore, #tpu.memory_space<semaphore_mem>>)
        %dma_wait3A = arith.constant 0 : i32
        %dma_wait3A_183 = arith.constant 0 : i32
        %dma_wait3A_184 = tpu.memref_slice %arg8[%dma_wait3A, %dma_wait3A_183] : memref<125x128xf32, #tpu.memory_space<vmem>> -> memref<80x128xf32, #tpu.memory_space<vmem>>
        %dma_wait3A_185 = arith.constant 0 : i32
        %dma_wait3A_186 = tpu.memref_slice %arg10[%multiple_of3A_145, %dma_wait3A_185] : memref<10000x128xf32, #tpu.memory_space<vmem_shared>> -> memref<80x128xf32, #tpu.memory_space<vmem_shared>>
        %dma_wait3A_187 = arith.constant 0 : i32
        %dma_wait3A_188 = arith.constant 0 : i32
        %dma_wait3A_189 = tpu.memref_slice %arg8[%dma_wait3A_187, %dma_wait3A_188] : memref<125x128xf32, #tpu.memory_space<vmem>> -> memref<80x128xf32, #tpu.memory_space<vmem>>
        %dma_wait3A_190 = arith.constant 0 : i32
        %dma_wait3A_191 = tpu.memref_slice %arg10[%multiple_of3A_145, %dma_wait3A_190] : memref<10000x128xf32, #tpu.memory_space<vmem_shared>> -> memref<80x128xf32, #tpu.memory_space<vmem_shared>>
        tpu.wait_dma2 semaphore(%run_scoped3A : memref<!tpu.dma_semaphore, #tpu.memory_space<semaphore_mem>>) src(%dma_wait3A_191 : memref<80x128xf32, #tpu.memory_space<vmem_shared>>) dst(%dma_wait3A_189 : memref<80x128xf32, #tpu.memory_space<vmem>>)
        tpu.yield
      }) : () -> ()
      %mul3A_171 = arith.constant 10000 : i32
      %mul3A_172 = arith.muli %arg0, %mul3A_171 : i32
      %add3A_173 = arith.addi %mul3A_172, %multiple_of3A_145 : i32
      "tpu.region"() ({
        %run_scoped3A = tpu.sem_alloc : memref<!tpu.dma_semaphore, #tpu.memory_space<semaphore_mem>>
        %dma_start3A = arith.constant 0 : i32
        %dma_start3A_174 = arith.constant 0 : i32
        %dma_start3A_175 = tpu.memref_slice %arg8[%dma_start3A, %dma_start3A_174] : memref<125x128xf32, #tpu.memory_space<vmem>> -> memref<80x128xf32, #tpu.memory_space<vmem>>
        %dma_start3A_176 = arith.constant 0 : i32
        %dma_start3A_177 = tpu.memref_slice %arg5[%add3A_173, %dma_start3A_176] : memref<20000x128xf32, #tpu.memory_space<hbm>> -> memref<80x128xf32, #tpu.memory_space<hbm>>
        %dma_start3A_178 = arith.constant 0 : i32
        %dma_start3A_179 = tpu.memref_slice %arg5[%add3A_173, %dma_start3A_178] : memref<20000x128xf32, #tpu.memory_space<hbm>> -> memref<80x128xf32, #tpu.memory_space<hbm>>
        %dma_start3A_180 = arith.constant 0 : i32
        %dma_start3A_181 = arith.constant 0 : i32
        %dma_start3A_182 = tpu.memref_slice %arg8[%dma_start3A_180, %dma_start3A_181] : memref<125x128xf32, #tpu.memory_space<vmem>> -> memref<80x128xf32, #tpu.memory_space<vmem>>
        tpu.enqueue_dma source(%dma_start3A_182 : memref<80x128xf32, #tpu.memory_space<vmem>>) target(%dma_start3A_179 : memref<80x128xf32, #tpu.memory_space<hbm>>) target_semaphore(%run_scoped3A : memref<!tpu.dma_semaphore, #tpu.memory_space<semaphore_mem>>)
        %dma_wait3A = arith.constant 0 : i32
        %dma_wait3A_183 = arith.constant 0 : i32
        %dma_wait3A_184 = tpu.memref_slice %arg8[%dma_wait3A, %dma_wait3A_183] : memref<125x128xf32, #tpu.memory_space<vmem>> -> memref<80x128xf32, #tpu.memory_space<vmem>>
        %dma_wait3A_185 = arith.constant 0 : i32
        %dma_wait3A_186 = tpu.memref_slice %arg5[%add3A_173, %dma_wait3A_185] : memref<20000x128xf32, #tpu.memory_space<hbm>> -> memref<80x128xf32, #tpu.memory_space<hbm>>
        %dma_wait3A_187 = arith.constant 0 : i32
        %dma_wait3A_188 = tpu.memref_slice %arg5[%add3A_173, %dma_wait3A_187] : memref<20000x128xf32, #tpu.memory_space<hbm>> -> memref<80x128xf32, #tpu.memory_space<hbm>>
        %dma_wait3A_189 = arith.constant 0 : i32
        %dma_wait3A_190 = arith.constant 0 : i32
        %dma_wait3A_191 = tpu.memref_slice %arg8[%dma_wait3A_189, %dma_wait3A_190] : memref<125x128xf32, #tpu.memory_space<vmem>> -> memref<80x128xf32, #tpu.memory_space<vmem>>
        tpu.wait_dma2 semaphore(%run_scoped3A : memref<!tpu.dma_semaphore, #tpu.memory_space<semaphore_mem>>) src(%dma_wait3A_191 : memref<80x128xf32, #tpu.memory_space<vmem>>) dst(%dma_wait3A_188 : memref<80x128xf32, #tpu.memory_space<hbm>>)
        tpu.yield
      }) : () -> ()
    } else {
    }
    %mul3A_151 = arith.constant 640 : i32
    %mul3A_152 = arith.muli %arg1, %mul3A_151 : i32
    %add3A_153 = arith.constant 480 : i32
    %add3A_154 = arith.addi %mul3A_152, %add3A_153 : i32
    %multiple_of3A_155 = tpu.assume_multiple %add3A_154, 8 : i32
    %lt3A_156 = arith.constant 10000 : i32
    %lt3A_157 = arith.cmpi slt, %multiple_of3A_155, %lt3A_156 : i32
    %convert_element_type3A_158 = arith.extui %lt3A_157 : i1 to i32
    %cond3A_159 = arith.constant 0 : i32
    %cond3A_160 = arith.cmpi ne, %convert_element_type3A_158, %cond3A_159 : i32
    scf.if %cond3A_160 {
      "tpu.region"() ({
        %run_scoped3A = tpu.sem_alloc : memref<!tpu.dma_semaphore, #tpu.memory_space<semaphore_mem>>
        %dma_start3A = arith.constant 0 : i32
        %dma_start3A_174 = arith.constant 0 : i32
        %dma_start3A_175 = tpu.memref_slice %arg8[%dma_start3A, %dma_start3A_174] : memref<125x128xf32, #tpu.memory_space<vmem>> -> memref<80x128xf32, #tpu.memory_space<vmem>>
        %dma_start3A_176 = arith.constant 0 : i32
        %dma_start3A_177 = tpu.memref_slice %arg10[%multiple_of3A_155, %dma_start3A_176] : memref<10000x128xf32, #tpu.memory_space<vmem_shared>> -> memref<80x128xf32, #tpu.memory_space<vmem_shared>>
        %dma_start3A_178 = arith.constant 0 : i32
        %dma_start3A_179 = arith.constant 0 : i32
        %dma_start3A_180 = tpu.memref_slice %arg8[%dma_start3A_178, %dma_start3A_179] : memref<125x128xf32, #tpu.memory_space<vmem>> -> memref<80x128xf32, #tpu.memory_space<vmem>>
        %dma_start3A_181 = arith.constant 0 : i32
        %dma_start3A_182 = tpu.memref_slice %arg10[%multiple_of3A_155, %dma_start3A_181] : memref<10000x128xf32, #tpu.memory_space<vmem_shared>> -> memref<80x128xf32, #tpu.memory_space<vmem_shared>>
        tpu.enqueue_dma source(%dma_start3A_182 : memref<80x128xf32, #tpu.memory_space<vmem_shared>>) target(%dma_start3A_180 : memref<80x128xf32, #tpu.memory_space<vmem>>) target_semaphore(%run_scoped3A : memref<!tpu.dma_semaphore, #tpu.memory_space<semaphore_mem>>)
        %dma_wait3A = arith.constant 0 : i32
        %dma_wait3A_183 = arith.constant 0 : i32
        %dma_wait3A_184 = tpu.memref_slice %arg8[%dma_wait3A, %dma_wait3A_183] : memref<125x128xf32, #tpu.memory_space<vmem>> -> memref<80x128xf32, #tpu.memory_space<vmem>>
        %dma_wait3A_185 = arith.constant 0 : i32
        %dma_wait3A_186 = tpu.memref_slice %arg10[%multiple_of3A_155, %dma_wait3A_185] : memref<10000x128xf32, #tpu.memory_space<vmem_shared>> -> memref<80x128xf32, #tpu.memory_space<vmem_shared>>
        %dma_wait3A_187 = arith.constant 0 : i32
        %dma_wait3A_188 = arith.constant 0 : i32
        %dma_wait3A_189 = tpu.memref_slice %arg8[%dma_wait3A_187, %dma_wait3A_188] : memref<125x128xf32, #tpu.memory_space<vmem>> -> memref<80x128xf32, #tpu.memory_space<vmem>>
        %dma_wait3A_190 = arith.constant 0 : i32
        %dma_wait3A_191 = tpu.memref_slice %arg10[%multiple_of3A_155, %dma_wait3A_190] : memref<10000x128xf32, #tpu.memory_space<vmem_shared>> -> memref<80x128xf32, #tpu.memory_space<vmem_shared>>
        tpu.wait_dma2 semaphore(%run_scoped3A : memref<!tpu.dma_semaphore, #tpu.memory_space<semaphore_mem>>) src(%dma_wait3A_191 : memref<80x128xf32, #tpu.memory_space<vmem_shared>>) dst(%dma_wait3A_189 : memref<80x128xf32, #tpu.memory_space<vmem>>)
        tpu.yield
      }) : () -> ()
      %mul3A_171 = arith.constant 10000 : i32
      %mul3A_172 = arith.muli %arg0, %mul3A_171 : i32
      %add3A_173 = arith.addi %mul3A_172, %multiple_of3A_155 : i32
      "tpu.region"() ({
        %run_scoped3A = tpu.sem_alloc : memref<!tpu.dma_semaphore, #tpu.memory_space<semaphore_mem>>
        %dma_start3A = arith.constant 0 : i32
        %dma_start3A_174 = arith.constant 0 : i32
        %dma_start3A_175 = tpu.memref_slice %arg8[%dma_start3A, %dma_start3A_174] : memref<125x128xf32, #tpu.memory_space<vmem>> -> memref<80x128xf32, #tpu.memory_space<vmem>>
        %dma_start3A_176 = arith.constant 0 : i32
        %dma_start3A_177 = tpu.memref_slice %arg5[%add3A_173, %dma_start3A_176] : memref<20000x128xf32, #tpu.memory_space<hbm>> -> memref<80x128xf32, #tpu.memory_space<hbm>>
        %dma_start3A_178 = arith.constant 0 : i32
        %dma_start3A_179 = tpu.memref_slice %arg5[%add3A_173, %dma_start3A_178] : memref<20000x128xf32, #tpu.memory_space<hbm>> -> memref<80x128xf32, #tpu.memory_space<hbm>>
        %dma_start3A_180 = arith.constant 0 : i32
        %dma_start3A_181 = arith.constant 0 : i32
        %dma_start3A_182 = tpu.memref_slice %arg8[%dma_start3A_180, %dma_start3A_181] : memref<125x128xf32, #tpu.memory_space<vmem>> -> memref<80x128xf32, #tpu.memory_space<vmem>>
        tpu.enqueue_dma source(%dma_start3A_182 : memref<80x128xf32, #tpu.memory_space<vmem>>) target(%dma_start3A_179 : memref<80x128xf32, #tpu.memory_space<hbm>>) target_semaphore(%run_scoped3A : memref<!tpu.dma_semaphore, #tpu.memory_space<semaphore_mem>>)
        %dma_wait3A = arith.constant 0 : i32
        %dma_wait3A_183 = arith.constant 0 : i32
        %dma_wait3A_184 = tpu.memref_slice %arg8[%dma_wait3A, %dma_wait3A_183] : memref<125x128xf32, #tpu.memory_space<vmem>> -> memref<80x128xf32, #tpu.memory_space<vmem>>
        %dma_wait3A_185 = arith.constant 0 : i32
        %dma_wait3A_186 = tpu.memref_slice %arg5[%add3A_173, %dma_wait3A_185] : memref<20000x128xf32, #tpu.memory_space<hbm>> -> memref<80x128xf32, #tpu.memory_space<hbm>>
        %dma_wait3A_187 = arith.constant 0 : i32
        %dma_wait3A_188 = tpu.memref_slice %arg5[%add3A_173, %dma_wait3A_187] : memref<20000x128xf32, #tpu.memory_space<hbm>> -> memref<80x128xf32, #tpu.memory_space<hbm>>
        %dma_wait3A_189 = arith.constant 0 : i32
        %dma_wait3A_190 = arith.constant 0 : i32
        %dma_wait3A_191 = tpu.memref_slice %arg8[%dma_wait3A_189, %dma_wait3A_190] : memref<125x128xf32, #tpu.memory_space<vmem>> -> memref<80x128xf32, #tpu.memory_space<vmem>>
        tpu.wait_dma2 semaphore(%run_scoped3A : memref<!tpu.dma_semaphore, #tpu.memory_space<semaphore_mem>>) src(%dma_wait3A_191 : memref<80x128xf32, #tpu.memory_space<vmem>>) dst(%dma_wait3A_188 : memref<80x128xf32, #tpu.memory_space<hbm>>)
        tpu.yield
      }) : () -> ()
    } else {
    }
    %mul3A_161 = arith.constant 640 : i32
    %mul3A_162 = arith.muli %arg1, %mul3A_161 : i32
    %add3A_163 = arith.constant 560 : i32
    %add3A_164 = arith.addi %mul3A_162, %add3A_163 : i32
    %multiple_of3A_165 = tpu.assume_multiple %add3A_164, 8 : i32
    %lt3A_166 = arith.constant 10000 : i32
    %lt3A_167 = arith.cmpi slt, %multiple_of3A_165, %lt3A_166 : i32
    %convert_element_type3A_168 = arith.extui %lt3A_167 : i1 to i32
    %cond3A_169 = arith.constant 0 : i32
    %cond3A_170 = arith.cmpi ne, %convert_element_type3A_168, %cond3A_169 : i32
    scf.if %cond3A_170 {
      "tpu.region"() ({
        %run_scoped3A = tpu.sem_alloc : memref<!tpu.dma_semaphore, #tpu.memory_space<semaphore_mem>>
        %dma_start3A = arith.constant 0 : i32
        %dma_start3A_174 = arith.constant 0 : i32
        %dma_start3A_175 = tpu.memref_slice %arg8[%dma_start3A, %dma_start3A_174] : memref<125x128xf32, #tpu.memory_space<vmem>> -> memref<80x128xf32, #tpu.memory_space<vmem>>
        %dma_start3A_176 = arith.constant 0 : i32
        %dma_start3A_177 = tpu.memref_slice %arg10[%multiple_of3A_165, %dma_start3A_176] : memref<10000x128xf32, #tpu.memory_space<vmem_shared>> -> memref<80x128xf32, #tpu.memory_space<vmem_shared>>
        %dma_start3A_178 = arith.constant 0 : i32
        %dma_start3A_179 = arith.constant 0 : i32
        %dma_start3A_180 = tpu.memref_slice %arg8[%dma_start3A_178, %dma_start3A_179] : memref<125x128xf32, #tpu.memory_space<vmem>> -> memref<80x128xf32, #tpu.memory_space<vmem>>
        %dma_start3A_181 = arith.constant 0 : i32
        %dma_start3A_182 = tpu.memref_slice %arg10[%multiple_of3A_165, %dma_start3A_181] : memref<10000x128xf32, #tpu.memory_space<vmem_shared>> -> memref<80x128xf32, #tpu.memory_space<vmem_shared>>
        tpu.enqueue_dma source(%dma_start3A_182 : memref<80x128xf32, #tpu.memory_space<vmem_shared>>) target(%dma_start3A_180 : memref<80x128xf32, #tpu.memory_space<vmem>>) target_semaphore(%run_scoped3A : memref<!tpu.dma_semaphore, #tpu.memory_space<semaphore_mem>>)
        %dma_wait3A = arith.constant 0 : i32
        %dma_wait3A_183 = arith.constant 0 : i32
        %dma_wait3A_184 = tpu.memref_slice %arg8[%dma_wait3A, %dma_wait3A_183] : memref<125x128xf32, #tpu.memory_space<vmem>> -> memref<80x128xf32, #tpu.memory_space<vmem>>
        %dma_wait3A_185 = arith.constant 0 : i32
        %dma_wait3A_186 = tpu.memref_slice %arg10[%multiple_of3A_165, %dma_wait3A_185] : memref<10000x128xf32, #tpu.memory_space<vmem_shared>> -> memref<80x128xf32, #tpu.memory_space<vmem_shared>>
        %dma_wait3A_187 = arith.constant 0 : i32
        %dma_wait3A_188 = arith.constant 0 : i32
        %dma_wait3A_189 = tpu.memref_slice %arg8[%dma_wait3A_187, %dma_wait3A_188] : memref<125x128xf32, #tpu.memory_space<vmem>> -> memref<80x128xf32, #tpu.memory_space<vmem>>
        %dma_wait3A_190 = arith.constant 0 : i32
        %dma_wait3A_191 = tpu.memref_slice %arg10[%multiple_of3A_165, %dma_wait3A_190] : memref<10000x128xf32, #tpu.memory_space<vmem_shared>> -> memref<80x128xf32, #tpu.memory_space<vmem_shared>>
        tpu.wait_dma2 semaphore(%run_scoped3A : memref<!tpu.dma_semaphore, #tpu.memory_space<semaphore_mem>>) src(%dma_wait3A_191 : memref<80x128xf32, #tpu.memory_space<vmem_shared>>) dst(%dma_wait3A_189 : memref<80x128xf32, #tpu.memory_space<vmem>>)
        tpu.yield
      }) : () -> ()
      %mul3A_171 = arith.constant 10000 : i32
      %mul3A_172 = arith.muli %arg0, %mul3A_171 : i32
      %add3A_173 = arith.addi %mul3A_172, %multiple_of3A_165 : i32
      "tpu.region"() ({
        %run_scoped3A = tpu.sem_alloc : memref<!tpu.dma_semaphore, #tpu.memory_space<semaphore_mem>>
        %dma_start3A = arith.constant 0 : i32
        %dma_start3A_174 = arith.constant 0 : i32
        %dma_start3A_175 = tpu.memref_slice %arg8[%dma_start3A, %dma_start3A_174] : memref<125x128xf32, #tpu.memory_space<vmem>> -> memref<80x128xf32, #tpu.memory_space<vmem>>
        %dma_start3A_176 = arith.constant 0 : i32
        %dma_start3A_177 = tpu.memref_slice %arg5[%add3A_173, %dma_start3A_176] : memref<20000x128xf32, #tpu.memory_space<hbm>> -> memref<80x128xf32, #tpu.memory_space<hbm>>
        %dma_start3A_178 = arith.constant 0 : i32
        %dma_start3A_179 = tpu.memref_slice %arg5[%add3A_173, %dma_start3A_178] : memref<20000x128xf32, #tpu.memory_space<hbm>> -> memref<80x128xf32, #tpu.memory_space<hbm>>
        %dma_start3A_180 = arith.constant 0 : i32
        %dma_start3A_181 = arith.constant 0 : i32
        %dma_start3A_182 = tpu.memref_slice %arg8[%dma_start3A_180, %dma_start3A_181] : memref<125x128xf32, #tpu.memory_space<vmem>> -> memref<80x128xf32, #tpu.memory_space<vmem>>
        tpu.enqueue_dma source(%dma_start3A_182 : memref<80x128xf32, #tpu.memory_space<vmem>>) target(%dma_start3A_179 : memref<80x128xf32, #tpu.memory_space<hbm>>) target_semaphore(%run_scoped3A : memref<!tpu.dma_semaphore, #tpu.memory_space<semaphore_mem>>)
        %dma_wait3A = arith.constant 0 : i32
        %dma_wait3A_183 = arith.constant 0 : i32
        %dma_wait3A_184 = tpu.memref_slice %arg8[%dma_wait3A, %dma_wait3A_183] : memref<125x128xf32, #tpu.memory_space<vmem>> -> memref<80x128xf32, #tpu.memory_space<vmem>>
        %dma_wait3A_185 = arith.constant 0 : i32
        %dma_wait3A_186 = tpu.memref_slice %arg5[%add3A_173, %dma_wait3A_185] : memref<20000x128xf32, #tpu.memory_space<hbm>> -> memref<80x128xf32, #tpu.memory_space<hbm>>
        %dma_wait3A_187 = arith.constant 0 : i32
        %dma_wait3A_188 = tpu.memref_slice %arg5[%add3A_173, %dma_wait3A_187] : memref<20000x128xf32, #tpu.memory_space<hbm>> -> memref<80x128xf32, #tpu.memory_space<hbm>>
        %dma_wait3A_189 = arith.constant 0 : i32
        %dma_wait3A_190 = arith.constant 0 : i32
        %dma_wait3A_191 = tpu.memref_slice %arg8[%dma_wait3A_189, %dma_wait3A_190] : memref<125x128xf32, #tpu.memory_space<vmem>> -> memref<80x128xf32, #tpu.memory_space<vmem>>
        tpu.wait_dma2 semaphore(%run_scoped3A : memref<!tpu.dma_semaphore, #tpu.memory_space<semaphore_mem>>) src(%dma_wait3A_191 : memref<80x128xf32, #tpu.memory_space<vmem>>) dst(%dma_wait3A_188 : memref<80x128xf32, #tpu.memory_space<hbm>>)
        tpu.yield
      }) : () -> ()
    } else {
    }
    return
  }
}

#map = affine_map<(d0, d1) -> (0, 0)>
module attributes {stable_mosaic.version = 14 : i64} {
  func.func @agg(%arg0: i32, %arg1: i32, %arg2: memref<20000x128xf32, #tpu.memory_space<hbm>>, %arg3: memref<5120x125xi32, #tpu.memory_space<hbm>>, %arg4: memref<2560x125xi32, #tpu.memory_space<hbm>>, %arg5: memref<20000x128xf32, #tpu.memory_space<hbm>>, %arg6: memref<40x125xi32, #tpu.memory_space<vmem>>, %arg7: memref<40x125xi32, #tpu.memory_space<vmem>>, %arg8: memref<125x128xf32, #tpu.memory_space<vmem>>, %arg9: memref<125x128xf32, #tpu.memory_space<vmem>>, %arg10: memref<10000x128xf32, #tpu.memory_space<vmem_shared>>, %arg11: memref<!tpu.dma_semaphore, #tpu.memory_space<semaphore_mem>>, %arg12: memref<!tpu.dma_semaphore, #tpu.memory_space<semaphore_mem>>, %arg13: memref<!tpu.dma_semaphore, #tpu.memory_space<semaphore_mem>>) attributes {dimension_semantics = [#tpu.dimension_semantics<core_parallel>, #tpu.dimension_semantics<subcore_parallel>], iteration_bounds = array<i64: 2, 16>, scalar_prefetch = 0 : i64, scratch_operands = 8 : i64, tpu.core_type = #tpu.core_type<sc_vector_subcore>, window_params = [{transform_indices = #map}, {transform_indices = #map}, {transform_indices = #map}, {transform_indices = #map}]} {
    %mul3A = arith.constant 2560 : i32
    %mul3A_0 = arith.muli %arg0, %mul3A : i32
    %mul3A_1 = arith.constant 160 : i32
    %mul3A_2 = arith.muli %arg1, %mul3A_1 : i32
    %add3A = arith.addi %mul3A_0, %mul3A_2 : i32
    %mul3A_3 = arith.constant 160 : i32
    %mul3A_4 = arith.muli %arg1, %mul3A_3 : i32
    %scan3A = arith.constant 0 : i32
    %scan3A_5 = arith.constant 0 : i32
    %scan3A_6 = arith.constant 80 : i32
    %scan3A_7 = arith.addi %scan3A_5, %scan3A_6 : i32
    %scan3A_8 = arith.constant 1 : i32
    scf.for %scan3A_173 = %scan3A_5 to %scan3A_7 step %scan3A_8  : i32 {
      %broadcast_in_dim3A = arith.constant 0.000000e+00 : f32
      %broadcast_in_dim3A_174 = vector.broadcast %broadcast_in_dim3A : f32 to vector<16xf32>
      %swap3A = arith.index_cast %scan3A_173 : i32 to index
      %swap3A_175 = arith.constant 0 : index
      %swap3A_176 = tpu.vector_load %arg8[%swap3A, %swap3A_175] {strides = array<i32>} : memref<125x128xf32, #tpu.memory_space<vmem>>, vector<1x16xf32>,
      %swap3A_177 = vector.shape_cast %swap3A_176 : vector<1x16xf32> to vector<16xf32>
      %swap3A_178 = vector.shape_cast %broadcast_in_dim3A_174 : vector<16xf32> to vector<1x16xf32>
      tpu.vector_store %arg8[%swap3A, %swap3A_175], %swap3A_178 {strides = array<i32>} : memref<125x128xf32, #tpu.memory_space<vmem>>, vector<1x16xf32>,
      %broadcast_in_dim3A_179 = arith.constant 0.000000e+00 : f32
      %broadcast_in_dim3A_180 = vector.broadcast %broadcast_in_dim3A_179 : f32 to vector<16xf32>
      %swap3A_181 = arith.index_cast %scan3A_173 : i32 to index
      %swap3A_182 = arith.constant 16 : index
      %swap3A_183 = tpu.vector_load %arg8[%swap3A_181, %swap3A_182] {strides = array<i32>} : memref<125x128xf32, #tpu.memory_space<vmem>>, vector<1x16xf32>,
      %swap3A_184 = vector.shape_cast %swap3A_183 : vector<1x16xf32> to vector<16xf32>
      %swap3A_185 = vector.shape_cast %broadcast_in_dim3A_180 : vector<16xf32> to vector<1x16xf32>
      tpu.vector_store %arg8[%swap3A_181, %swap3A_182], %swap3A_185 {strides = array<i32>} : memref<125x128xf32, #tpu.memory_space<vmem>>, vector<1x16xf32>,
      %broadcast_in_dim3A_186 = arith.constant 0.000000e+00 : f32
      %broadcast_in_dim3A_187 = vector.broadcast %broadcast_in_dim3A_186 : f32 to vector<16xf32>
      %swap3A_188 = arith.index_cast %scan3A_173 : i32 to index
      %swap3A_189 = arith.constant 32 : index
      %swap3A_190 = tpu.vector_load %arg8[%swap3A_188, %swap3A_189] {strides = array<i32>} : memref<125x128xf32, #tpu.memory_space<vmem>>, vector<1x16xf32>,
      %swap3A_191 = vector.shape_cast %swap3A_190 : vector<1x16xf32> to vector<16xf32>
      %swap3A_192 = vector.shape_cast %broadcast_in_dim3A_187 : vector<16xf32> to vector<1x16xf32>
      tpu.vector_store %arg8[%swap3A_188, %swap3A_189], %swap3A_192 {strides = array<i32>} : memref<125x128xf32, #tpu.memory_space<vmem>>, vector<1x16xf32>,
      %broadcast_in_dim3A_193 = arith.constant 0.000000e+00 : f32
      %broadcast_in_dim3A_194 = vector.broadcast %broadcast_in_dim3A_193 : f32 to vector<16xf32>
      %swap3A_195 = arith.index_cast %scan3A_173 : i32 to index
      %swap3A_196 = arith.constant 48 : index
      %swap3A_197 = tpu.vector_load %arg8[%swap3A_195, %swap3A_196] {strides = array<i32>} : memref<125x128xf32, #tpu.memory_space<vmem>>, vector<1x16xf32>,
      %swap3A_198 = vector.shape_cast %swap3A_197 : vector<1x16xf32> to vector<16xf32>
      %swap3A_199 = vector.shape_cast %broadcast_in_dim3A_194 : vector<16xf32> to vector<1x16xf32>
      tpu.vector_store %arg8[%swap3A_195, %swap3A_196], %swap3A_199 {strides = array<i32>} : memref<125x128xf32, #tpu.memory_space<vmem>>, vector<1x16xf32>,
      %broadcast_in_dim3A_200 = arith.constant 0.000000e+00 : f32
      %broadcast_in_dim3A_201 = vector.broadcast %broadcast_in_dim3A_200 : f32 to vector<16xf32>
      %swap3A_202 = arith.index_cast %scan3A_173 : i32 to index
      %swap3A_203 = arith.constant 64 : index
      %swap3A_204 = tpu.vector_load %arg8[%swap3A_202, %swap3A_203] {strides = array<i32>} : memref<125x128xf32, #tpu.memory_space<vmem>>, vector<1x16xf32>,
      %swap3A_205 = vector.shape_cast %swap3A_204 : vector<1x16xf32> to vector<16xf32>
      %swap3A_206 = vector.shape_cast %broadcast_in_dim3A_201 : vector<16xf32> to vector<1x16xf32>
      tpu.vector_store %arg8[%swap3A_202, %swap3A_203], %swap3A_206 {strides = array<i32>} : memref<125x128xf32, #tpu.memory_space<vmem>>, vector<1x16xf32>,
      %broadcast_in_dim3A_207 = arith.constant 0.000000e+00 : f32
      %broadcast_in_dim3A_208 = vector.broadcast %broadcast_in_dim3A_207 : f32 to vector<16xf32>
      %swap3A_209 = arith.index_cast %scan3A_173 : i32 to index
      %swap3A_210 = arith.constant 80 : index
      %swap3A_211 = tpu.vector_load %arg8[%swap3A_209, %swap3A_210] {strides = array<i32>} : memref<125x128xf32, #tpu.memory_space<vmem>>, vector<1x16xf32>,
      %swap3A_212 = vector.shape_cast %swap3A_211 : vector<1x16xf32> to vector<16xf32>
      %swap3A_213 = vector.shape_cast %broadcast_in_dim3A_208 : vector<16xf32> to vector<1x16xf32>
      tpu.vector_store %arg8[%swap3A_209, %swap3A_210], %swap3A_213 {strides = array<i32>} : memref<125x128xf32, #tpu.memory_space<vmem>>, vector<1x16xf32>,
      %broadcast_in_dim3A_214 = arith.constant 0.000000e+00 : f32
      %broadcast_in_dim3A_215 = vector.broadcast %broadcast_in_dim3A_214 : f32 to vector<16xf32>
      %swap3A_216 = arith.index_cast %scan3A_173 : i32 to index
      %swap3A_217 = arith.constant 96 : index
      %swap3A_218 = tpu.vector_load %arg8[%swap3A_216, %swap3A_217] {strides = array<i32>} : memref<125x128xf32, #tpu.memory_space<vmem>>, vector<1x16xf32>,
      %swap3A_219 = vector.shape_cast %swap3A_218 : vector<1x16xf32> to vector<16xf32>
      %swap3A_220 = vector.shape_cast %broadcast_in_dim3A_215 : vector<16xf32> to vector<1x16xf32>
      tpu.vector_store %arg8[%swap3A_216, %swap3A_217], %swap3A_220 {strides = array<i32>} : memref<125x128xf32, #tpu.memory_space<vmem>>, vector<1x16xf32>,
      %broadcast_in_dim3A_221 = arith.constant 0.000000e+00 : f32
      %broadcast_in_dim3A_222 = vector.broadcast %broadcast_in_dim3A_221 : f32 to vector<16xf32>
      %swap3A_223 = arith.index_cast %scan3A_173 : i32 to index
      %swap3A_224 = arith.constant 112 : index
      %swap3A_225 = tpu.vector_load %arg8[%swap3A_223, %swap3A_224] {strides = array<i32>} : memref<125x128xf32, #tpu.memory_space<vmem>>, vector<1x16xf32>,
      %swap3A_226 = vector.shape_cast %swap3A_225 : vector<1x16xf32> to vector<16xf32>
      %swap3A_227 = vector.shape_cast %broadcast_in_dim3A_222 : vector<16xf32> to vector<1x16xf32>
      tpu.vector_store %arg8[%swap3A_223, %swap3A_224], %swap3A_227 {strides = array<i32>} : memref<125x128xf32, #tpu.memory_space<vmem>>, vector<1x16xf32>,
    }
    %scan3A_9 = arith.constant 80 : i32
    %mul3A_10 = arith.constant 640 : i32
    %mul3A_11 = arith.muli %arg1, %mul3A_10 : i32
    %add3A_12 = arith.constant 0 : i32
    %add3A_13 = arith.addi %mul3A_11, %add3A_12 : i32
    %multiple_of3A = tpu.assume_multiple %add3A_13, 8 : i32
    %lt3A = arith.constant 10000 : i32
    %lt3A_14 = arith.cmpi slt, %multiple_of3A, %lt3A : i32
    %convert_element_type3A = arith.extui %lt3A_14 : i1 to i32
    %cond3A = arith.constant 0 : i32
    %cond3A_15 = arith.cmpi ne, %convert_element_type3A, %cond3A : i32
    scf.if %cond3A_15 {
      "tpu.region"() ({
        %run_scoped3A = tpu.sem_alloc : memref<!tpu.dma_semaphore, #tpu.memory_space<semaphore_mem>>
        %dma_start3A = arith.constant 0 : i32
        %dma_start3A_173 = arith.constant 0 : i32
        %dma_start3A_174 = tpu.memref_slice %arg8[%dma_start3A, %dma_start3A_173] : memref<125x128xf32, #tpu.memory_space<vmem>> -> memref<80x128xf32, #tpu.memory_space<vmem>>
        %dma_start3A_175 = arith.constant 0 : i32
        %dma_start3A_176 = tpu.memref_slice %arg10[%multiple_of3A, %dma_start3A_175] : memref<10000x128xf32, #tpu.memory_space<vmem_shared>> -> memref<80x128xf32, #tpu.memory_space<vmem_shared>>
        %dma_start3A_177 = arith.constant 0 : i32
        %dma_start3A_178 = tpu.memref_slice %arg10[%multiple_of3A, %dma_start3A_177] : memref<10000x128xf32, #tpu.memory_space<vmem_shared>> -> memref<80x128xf32, #tpu.memory_space<vmem_shared>>
        %dma_start3A_179 = arith.constant 0 : i32
        %dma_start3A_180 = arith.constant 0 : i32
        %dma_start3A_181 = tpu.memref_slice %arg8[%dma_start3A_179, %dma_start3A_180] : memref<125x128xf32, #tpu.memory_space<vmem>> -> memref<80x128xf32, #tpu.memory_space<vmem>>
        tpu.enqueue_dma source(%dma_start3A_181 : memref<80x128xf32, #tpu.memory_space<vmem>>) target(%dma_start3A_178 : memref<80x128xf32, #tpu.memory_space<vmem_shared>>) target_semaphore(%run_scoped3A : memref<!tpu.dma_semaphore, #tpu.memory_space<semaphore_mem>>)
        %dma_wait3A = arith.constant 0 : i32
        %dma_wait3A_182 = arith.constant 0 : i32
        %dma_wait3A_183 = tpu.memref_slice %arg8[%dma_wait3A, %dma_wait3A_182] : memref<125x128xf32, #tpu.memory_space<vmem>> -> memref<80x128xf32, #tpu.memory_space<vmem>>
        %dma_wait3A_184 = arith.constant 0 : i32
        %dma_wait3A_185 = tpu.memref_slice %arg10[%multiple_of3A, %dma_wait3A_184] : memref<10000x128xf32, #tpu.memory_space<vmem_shared>> -> memref<80x128xf32, #tpu.memory_space<vmem_shared>>
        %dma_wait3A_186 = arith.constant 0 : i32
        %dma_wait3A_187 = tpu.memref_slice %arg10[%multiple_of3A, %dma_wait3A_186] : memref<10000x128xf32, #tpu.memory_space<vmem_shared>> -> memref<80x128xf32, #tpu.memory_space<vmem_shared>>
        %dma_wait3A_188 = arith.constant 0 : i32
        %dma_wait3A_189 = arith.constant 0 : i32
        %dma_wait3A_190 = tpu.memref_slice %arg8[%dma_wait3A_188, %dma_wait3A_189] : memref<125x128xf32, #tpu.memory_space<vmem>> -> memref<80x128xf32, #tpu.memory_space<vmem>>
        tpu.wait_dma2 semaphore(%run_scoped3A : memref<!tpu.dma_semaphore, #tpu.memory_space<semaphore_mem>>) src(%dma_wait3A_190 : memref<80x128xf32, #tpu.memory_space<vmem>>) dst(%dma_wait3A_187 : memref<80x128xf32, #tpu.memory_space<vmem_shared>>)
        tpu.yield
      }) : () -> ()
    } else {
    }
    %mul3A_16 = arith.constant 640 : i32
    %mul3A_17 = arith.muli %arg1, %mul3A_16 : i32
    %add3A_18 = arith.constant 80 : i32
    %add3A_19 = arith.addi %mul3A_17, %add3A_18 : i32
    %multiple_of3A_20 = tpu.assume_multiple %add3A_19, 8 : i32
    %lt3A_21 = arith.constant 10000 : i32
    %lt3A_22 = arith.cmpi slt, %multiple_of3A_20, %lt3A_21 : i32
    %convert_element_type3A_23 = arith.extui %lt3A_22 : i1 to i32
    %cond3A_24 = arith.constant 0 : i32
    %cond3A_25 = arith.cmpi ne, %convert_element_type3A_23, %cond3A_24 : i32
    scf.if %cond3A_25 {
      "tpu.region"() ({
        %run_scoped3A = tpu.sem_alloc : memref<!tpu.dma_semaphore, #tpu.memory_space<semaphore_mem>>
        %dma_start3A = arith.constant 0 : i32
        %dma_start3A_173 = arith.constant 0 : i32
        %dma_start3A_174 = tpu.memref_slice %arg8[%dma_start3A, %dma_start3A_173] : memref<125x128xf32, #tpu.memory_space<vmem>> -> memref<80x128xf32, #tpu.memory_space<vmem>>
        %dma_start3A_175 = arith.constant 0 : i32
        %dma_start3A_176 = tpu.memref_slice %arg10[%multiple_of3A_20, %dma_start3A_175] : memref<10000x128xf32, #tpu.memory_space<vmem_shared>> -> memref<80x128xf32, #tpu.memory_space<vmem_shared>>
        %dma_start3A_177 = arith.constant 0 : i32
        %dma_start3A_178 = tpu.memref_slice %arg10[%multiple_of3A_20, %dma_start3A_177] : memref<10000x128xf32, #tpu.memory_space<vmem_shared>> -> memref<80x128xf32, #tpu.memory_space<vmem_shared>>
        %dma_start3A_179 = arith.constant 0 : i32
        %dma_start3A_180 = arith.constant 0 : i32
        %dma_start3A_181 = tpu.memref_slice %arg8[%dma_start3A_179, %dma_start3A_180] : memref<125x128xf32, #tpu.memory_space<vmem>> -> memref<80x128xf32, #tpu.memory_space<vmem>>
        tpu.enqueue_dma source(%dma_start3A_181 : memref<80x128xf32, #tpu.memory_space<vmem>>) target(%dma_start3A_178 : memref<80x128xf32, #tpu.memory_space<vmem_shared>>) target_semaphore(%run_scoped3A : memref<!tpu.dma_semaphore, #tpu.memory_space<semaphore_mem>>)
        %dma_wait3A = arith.constant 0 : i32
        %dma_wait3A_182 = arith.constant 0 : i32
        %dma_wait3A_183 = tpu.memref_slice %arg8[%dma_wait3A, %dma_wait3A_182] : memref<125x128xf32, #tpu.memory_space<vmem>> -> memref<80x128xf32, #tpu.memory_space<vmem>>
        %dma_wait3A_184 = arith.constant 0 : i32
        %dma_wait3A_185 = tpu.memref_slice %arg10[%multiple_of3A_20, %dma_wait3A_184] : memref<10000x128xf32, #tpu.memory_space<vmem_shared>> -> memref<80x128xf32, #tpu.memory_space<vmem_shared>>
        %dma_wait3A_186 = arith.constant 0 : i32
        %dma_wait3A_187 = tpu.memref_slice %arg10[%multiple_of3A_20, %dma_wait3A_186] : memref<10000x128xf32, #tpu.memory_space<vmem_shared>> -> memref<80x128xf32, #tpu.memory_space<vmem_shared>>
        %dma_wait3A_188 = arith.constant 0 : i32
        %dma_wait3A_189 = arith.constant 0 : i32
        %dma_wait3A_190 = tpu.memref_slice %arg8[%dma_wait3A_188, %dma_wait3A_189] : memref<125x128xf32, #tpu.memory_space<vmem>> -> memref<80x128xf32, #tpu.memory_space<vmem>>
        tpu.wait_dma2 semaphore(%run_scoped3A : memref<!tpu.dma_semaphore, #tpu.memory_space<semaphore_mem>>) src(%dma_wait3A_190 : memref<80x128xf32, #tpu.memory_space<vmem>>) dst(%dma_wait3A_187 : memref<80x128xf32, #tpu.memory_space<vmem_shared>>)
        tpu.yield
      }) : () -> ()
    } else {
    }
    %mul3A_26 = arith.constant 640 : i32
    %mul3A_27 = arith.muli %arg1, %mul3A_26 : i32
    %add3A_28 = arith.constant 160 : i32
    %add3A_29 = arith.addi %mul3A_27, %add3A_28 : i32
    %multiple_of3A_30 = tpu.assume_multiple %add3A_29, 8 : i32
    %lt3A_31 = arith.constant 10000 : i32
    %lt3A_32 = arith.cmpi slt, %multiple_of3A_30, %lt3A_31 : i32
    %convert_element_type3A_33 = arith.extui %lt3A_32 : i1 to i32
    %cond3A_34 = arith.constant 0 : i32
    %cond3A_35 = arith.cmpi ne, %convert_element_type3A_33, %cond3A_34 : i32
    scf.if %cond3A_35 {
      "tpu.region"() ({
        %run_scoped3A = tpu.sem_alloc : memref<!tpu.dma_semaphore, #tpu.memory_space<semaphore_mem>>
        %dma_start3A = arith.constant 0 : i32
        %dma_start3A_173 = arith.constant 0 : i32
        %dma_start3A_174 = tpu.memref_slice %arg8[%dma_start3A, %dma_start3A_173] : memref<125x128xf32, #tpu.memory_space<vmem>> -> memref<80x128xf32, #tpu.memory_space<vmem>>
        %dma_start3A_175 = arith.constant 0 : i32
        %dma_start3A_176 = tpu.memref_slice %arg10[%multiple_of3A_30, %dma_start3A_175] : memref<10000x128xf32, #tpu.memory_space<vmem_shared>> -> memref<80x128xf32, #tpu.memory_space<vmem_shared>>
        %dma_start3A_177 = arith.constant 0 : i32
        %dma_start3A_178 = tpu.memref_slice %arg10[%multiple_of3A_30, %dma_start3A_177] : memref<10000x128xf32, #tpu.memory_space<vmem_shared>> -> memref<80x128xf32, #tpu.memory_space<vmem_shared>>
        %dma_start3A_179 = arith.constant 0 : i32
        %dma_start3A_180 = arith.constant 0 : i32
        %dma_start3A_181 = tpu.memref_slice %arg8[%dma_start3A_179, %dma_start3A_180] : memref<125x128xf32, #tpu.memory_space<vmem>> -> memref<80x128xf32, #tpu.memory_space<vmem>>
        tpu.enqueue_dma source(%dma_start3A_181 : memref<80x128xf32, #tpu.memory_space<vmem>>) target(%dma_start3A_178 : memref<80x128xf32, #tpu.memory_space<vmem_shared>>) target_semaphore(%run_scoped3A : memref<!tpu.dma_semaphore, #tpu.memory_space<semaphore_mem>>)
        %dma_wait3A = arith.constant 0 : i32
        %dma_wait3A_182 = arith.constant 0 : i32
        %dma_wait3A_183 = tpu.memref_slice %arg8[%dma_wait3A, %dma_wait3A_182] : memref<125x128xf32, #tpu.memory_space<vmem>> -> memref<80x128xf32, #tpu.memory_space<vmem>>
        %dma_wait3A_184 = arith.constant 0 : i32
        %dma_wait3A_185 = tpu.memref_slice %arg10[%multiple_of3A_30, %dma_wait3A_184] : memref<10000x128xf32, #tpu.memory_space<vmem_shared>> -> memref<80x128xf32, #tpu.memory_space<vmem_shared>>
        %dma_wait3A_186 = arith.constant 0 : i32
        %dma_wait3A_187 = tpu.memref_slice %arg10[%multiple_of3A_30, %dma_wait3A_186] : memref<10000x128xf32, #tpu.memory_space<vmem_shared>> -> memref<80x128xf32, #tpu.memory_space<vmem_shared>>
        %dma_wait3A_188 = arith.constant 0 : i32
        %dma_wait3A_189 = arith.constant 0 : i32
        %dma_wait3A_190 = tpu.memref_slice %arg8[%dma_wait3A_188, %dma_wait3A_189] : memref<125x128xf32, #tpu.memory_space<vmem>> -> memref<80x128xf32, #tpu.memory_space<vmem>>
        tpu.wait_dma2 semaphore(%run_scoped3A : memref<!tpu.dma_semaphore, #tpu.memory_space<semaphore_mem>>) src(%dma_wait3A_190 : memref<80x128xf32, #tpu.memory_space<vmem>>) dst(%dma_wait3A_187 : memref<80x128xf32, #tpu.memory_space<vmem_shared>>)
        tpu.yield
      }) : () -> ()
    } else {
    }
    %mul3A_36 = arith.constant 640 : i32
    %mul3A_37 = arith.muli %arg1, %mul3A_36 : i32
    %add3A_38 = arith.constant 240 : i32
    %add3A_39 = arith.addi %mul3A_37, %add3A_38 : i32
    %multiple_of3A_40 = tpu.assume_multiple %add3A_39, 8 : i32
    %lt3A_41 = arith.constant 10000 : i32
    %lt3A_42 = arith.cmpi slt, %multiple_of3A_40, %lt3A_41 : i32
    %convert_element_type3A_43 = arith.extui %lt3A_42 : i1 to i32
    %cond3A_44 = arith.constant 0 : i32
    %cond3A_45 = arith.cmpi ne, %convert_element_type3A_43, %cond3A_44 : i32
    scf.if %cond3A_45 {
      "tpu.region"() ({
        %run_scoped3A = tpu.sem_alloc : memref<!tpu.dma_semaphore, #tpu.memory_space<semaphore_mem>>
        %dma_start3A = arith.constant 0 : i32
        %dma_start3A_173 = arith.constant 0 : i32
        %dma_start3A_174 = tpu.memref_slice %arg8[%dma_start3A, %dma_start3A_173] : memref<125x128xf32, #tpu.memory_space<vmem>> -> memref<80x128xf32, #tpu.memory_space<vmem>>
        %dma_start3A_175 = arith.constant 0 : i32
        %dma_start3A_176 = tpu.memref_slice %arg10[%multiple_of3A_40, %dma_start3A_175] : memref<10000x128xf32, #tpu.memory_space<vmem_shared>> -> memref<80x128xf32, #tpu.memory_space<vmem_shared>>
        %dma_start3A_177 = arith.constant 0 : i32
        %dma_start3A_178 = tpu.memref_slice %arg10[%multiple_of3A_40, %dma_start3A_177] : memref<10000x128xf32, #tpu.memory_space<vmem_shared>> -> memref<80x128xf32, #tpu.memory_space<vmem_shared>>
        %dma_start3A_179 = arith.constant 0 : i32
        %dma_start3A_180 = arith.constant 0 : i32
        %dma_start3A_181 = tpu.memref_slice %arg8[%dma_start3A_179, %dma_start3A_180] : memref<125x128xf32, #tpu.memory_space<vmem>> -> memref<80x128xf32, #tpu.memory_space<vmem>>
        tpu.enqueue_dma source(%dma_start3A_181 : memref<80x128xf32, #tpu.memory_space<vmem>>) target(%dma_start3A_178 : memref<80x128xf32, #tpu.memory_space<vmem_shared>>) target_semaphore(%run_scoped3A : memref<!tpu.dma_semaphore, #tpu.memory_space<semaphore_mem>>)
        %dma_wait3A = arith.constant 0 : i32
        %dma_wait3A_182 = arith.constant 0 : i32
        %dma_wait3A_183 = tpu.memref_slice %arg8[%dma_wait3A, %dma_wait3A_182] : memref<125x128xf32, #tpu.memory_space<vmem>> -> memref<80x128xf32, #tpu.memory_space<vmem>>
        %dma_wait3A_184 = arith.constant 0 : i32
        %dma_wait3A_185 = tpu.memref_slice %arg10[%multiple_of3A_40, %dma_wait3A_184] : memref<10000x128xf32, #tpu.memory_space<vmem_shared>> -> memref<80x128xf32, #tpu.memory_space<vmem_shared>>
        %dma_wait3A_186 = arith.constant 0 : i32
        %dma_wait3A_187 = tpu.memref_slice %arg10[%multiple_of3A_40, %dma_wait3A_186] : memref<10000x128xf32, #tpu.memory_space<vmem_shared>> -> memref<80x128xf32, #tpu.memory_space<vmem_shared>>
        %dma_wait3A_188 = arith.constant 0 : i32
        %dma_wait3A_189 = arith.constant 0 : i32
        %dma_wait3A_190 = tpu.memref_slice %arg8[%dma_wait3A_188, %dma_wait3A_189] : memref<125x128xf32, #tpu.memory_space<vmem>> -> memref<80x128xf32, #tpu.memory_space<vmem>>
        tpu.wait_dma2 semaphore(%run_scoped3A : memref<!tpu.dma_semaphore, #tpu.memory_space<semaphore_mem>>) src(%dma_wait3A_190 : memref<80x128xf32, #tpu.memory_space<vmem>>) dst(%dma_wait3A_187 : memref<80x128xf32, #tpu.memory_space<vmem_shared>>)
        tpu.yield
      }) : () -> ()
    } else {
    }
    %mul3A_46 = arith.constant 640 : i32
    %mul3A_47 = arith.muli %arg1, %mul3A_46 : i32
    %add3A_48 = arith.constant 320 : i32
    %add3A_49 = arith.addi %mul3A_47, %add3A_48 : i32
    %multiple_of3A_50 = tpu.assume_multiple %add3A_49, 8 : i32
    %lt3A_51 = arith.constant 10000 : i32
    %lt3A_52 = arith.cmpi slt, %multiple_of3A_50, %lt3A_51 : i32
    %convert_element_type3A_53 = arith.extui %lt3A_52 : i1 to i32
    %cond3A_54 = arith.constant 0 : i32
    %cond3A_55 = arith.cmpi ne, %convert_element_type3A_53, %cond3A_54 : i32
    scf.if %cond3A_55 {
      "tpu.region"() ({
        %run_scoped3A = tpu.sem_alloc : memref<!tpu.dma_semaphore, #tpu.memory_space<semaphore_mem>>
        %dma_start3A = arith.constant 0 : i32
        %dma_start3A_173 = arith.constant 0 : i32
        %dma_start3A_174 = tpu.memref_slice %arg8[%dma_start3A, %dma_start3A_173] : memref<125x128xf32, #tpu.memory_space<vmem>> -> memref<80x128xf32, #tpu.memory_space<vmem>>
        %dma_start3A_175 = arith.constant 0 : i32
        %dma_start3A_176 = tpu.memref_slice %arg10[%multiple_of3A_50, %dma_start3A_175] : memref<10000x128xf32, #tpu.memory_space<vmem_shared>> -> memref<80x128xf32, #tpu.memory_space<vmem_shared>>
        %dma_start3A_177 = arith.constant 0 : i32
        %dma_start3A_178 = tpu.memref_slice %arg10[%multiple_of3A_50, %dma_start3A_177] : memref<10000x128xf32, #tpu.memory_space<vmem_shared>> -> memref<80x128xf32, #tpu.memory_space<vmem_shared>>
        %dma_start3A_179 = arith.constant 0 : i32
        %dma_start3A_180 = arith.constant 0 : i32
        %dma_start3A_181 = tpu.memref_slice %arg8[%dma_start3A_179, %dma_start3A_180] : memref<125x128xf32, #tpu.memory_space<vmem>> -> memref<80x128xf32, #tpu.memory_space<vmem>>
        tpu.enqueue_dma source(%dma_start3A_181 : memref<80x128xf32, #tpu.memory_space<vmem>>) target(%dma_start3A_178 : memref<80x128xf32, #tpu.memory_space<vmem_shared>>) target_semaphore(%run_scoped3A : memref<!tpu.dma_semaphore, #tpu.memory_space<semaphore_mem>>)
        %dma_wait3A = arith.constant 0 : i32
        %dma_wait3A_182 = arith.constant 0 : i32
        %dma_wait3A_183 = tpu.memref_slice %arg8[%dma_wait3A, %dma_wait3A_182] : memref<125x128xf32, #tpu.memory_space<vmem>> -> memref<80x128xf32, #tpu.memory_space<vmem>>
        %dma_wait3A_184 = arith.constant 0 : i32
        %dma_wait3A_185 = tpu.memref_slice %arg10[%multiple_of3A_50, %dma_wait3A_184] : memref<10000x128xf32, #tpu.memory_space<vmem_shared>> -> memref<80x128xf32, #tpu.memory_space<vmem_shared>>
        %dma_wait3A_186 = arith.constant 0 : i32
        %dma_wait3A_187 = tpu.memref_slice %arg10[%multiple_of3A_50, %dma_wait3A_186] : memref<10000x128xf32, #tpu.memory_space<vmem_shared>> -> memref<80x128xf32, #tpu.memory_space<vmem_shared>>
        %dma_wait3A_188 = arith.constant 0 : i32
        %dma_wait3A_189 = arith.constant 0 : i32
        %dma_wait3A_190 = tpu.memref_slice %arg8[%dma_wait3A_188, %dma_wait3A_189] : memref<125x128xf32, #tpu.memory_space<vmem>> -> memref<80x128xf32, #tpu.memory_space<vmem>>
        tpu.wait_dma2 semaphore(%run_scoped3A : memref<!tpu.dma_semaphore, #tpu.memory_space<semaphore_mem>>) src(%dma_wait3A_190 : memref<80x128xf32, #tpu.memory_space<vmem>>) dst(%dma_wait3A_187 : memref<80x128xf32, #tpu.memory_space<vmem_shared>>)
        tpu.yield
      }) : () -> ()
    } else {
    }
    %mul3A_56 = arith.constant 640 : i32
    %mul3A_57 = arith.muli %arg1, %mul3A_56 : i32
    %add3A_58 = arith.constant 400 : i32
    %add3A_59 = arith.addi %mul3A_57, %add3A_58 : i32
    %multiple_of3A_60 = tpu.assume_multiple %add3A_59, 8 : i32
    %lt3A_61 = arith.constant 10000 : i32
    %lt3A_62 = arith.cmpi slt, %multiple_of3A_60, %lt3A_61 : i32
    %convert_element_type3A_63 = arith.extui %lt3A_62 : i1 to i32
    %cond3A_64 = arith.constant 0 : i32
    %cond3A_65 = arith.cmpi ne, %convert_element_type3A_63, %cond3A_64 : i32
    scf.if %cond3A_65 {
      "tpu.region"() ({
        %run_scoped3A = tpu.sem_alloc : memref<!tpu.dma_semaphore, #tpu.memory_space<semaphore_mem>>
        %dma_start3A = arith.constant 0 : i32
        %dma_start3A_173 = arith.constant 0 : i32
        %dma_start3A_174 = tpu.memref_slice %arg8[%dma_start3A, %dma_start3A_173] : memref<125x128xf32, #tpu.memory_space<vmem>> -> memref<80x128xf32, #tpu.memory_space<vmem>>
        %dma_start3A_175 = arith.constant 0 : i32
        %dma_start3A_176 = tpu.memref_slice %arg10[%multiple_of3A_60, %dma_start3A_175] : memref<10000x128xf32, #tpu.memory_space<vmem_shared>> -> memref<80x128xf32, #tpu.memory_space<vmem_shared>>
        %dma_start3A_177 = arith.constant 0 : i32
        %dma_start3A_178 = tpu.memref_slice %arg10[%multiple_of3A_60, %dma_start3A_177] : memref<10000x128xf32, #tpu.memory_space<vmem_shared>> -> memref<80x128xf32, #tpu.memory_space<vmem_shared>>
        %dma_start3A_179 = arith.constant 0 : i32
        %dma_start3A_180 = arith.constant 0 : i32
        %dma_start3A_181 = tpu.memref_slice %arg8[%dma_start3A_179, %dma_start3A_180] : memref<125x128xf32, #tpu.memory_space<vmem>> -> memref<80x128xf32, #tpu.memory_space<vmem>>
        tpu.enqueue_dma source(%dma_start3A_181 : memref<80x128xf32, #tpu.memory_space<vmem>>) target(%dma_start3A_178 : memref<80x128xf32, #tpu.memory_space<vmem_shared>>) target_semaphore(%run_scoped3A : memref<!tpu.dma_semaphore, #tpu.memory_space<semaphore_mem>>)
        %dma_wait3A = arith.constant 0 : i32
        %dma_wait3A_182 = arith.constant 0 : i32
        %dma_wait3A_183 = tpu.memref_slice %arg8[%dma_wait3A, %dma_wait3A_182] : memref<125x128xf32, #tpu.memory_space<vmem>> -> memref<80x128xf32, #tpu.memory_space<vmem>>
        %dma_wait3A_184 = arith.constant 0 : i32
        %dma_wait3A_185 = tpu.memref_slice %arg10[%multiple_of3A_60, %dma_wait3A_184] : memref<10000x128xf32, #tpu.memory_space<vmem_shared>> -> memref<80x128xf32, #tpu.memory_space<vmem_shared>>
        %dma_wait3A_186 = arith.constant 0 : i32
        %dma_wait3A_187 = tpu.memref_slice %arg10[%multiple_of3A_60, %dma_wait3A_186] : memref<10000x128xf32, #tpu.memory_space<vmem_shared>> -> memref<80x128xf32, #tpu.memory_space<vmem_shared>>
        %dma_wait3A_188 = arith.constant 0 : i32
        %dma_wait3A_189 = arith.constant 0 : i32
        %dma_wait3A_190 = tpu.memref_slice %arg8[%dma_wait3A_188, %dma_wait3A_189] : memref<125x128xf32, #tpu.memory_space<vmem>> -> memref<80x128xf32, #tpu.memory_space<vmem>>
        tpu.wait_dma2 semaphore(%run_scoped3A : memref<!tpu.dma_semaphore, #tpu.memory_space<semaphore_mem>>) src(%dma_wait3A_190 : memref<80x128xf32, #tpu.memory_space<vmem>>) dst(%dma_wait3A_187 : memref<80x128xf32, #tpu.memory_space<vmem_shared>>)
        tpu.yield
      }) : () -> ()
    } else {
    }
    %mul3A_66 = arith.constant 640 : i32
    %mul3A_67 = arith.muli %arg1, %mul3A_66 : i32
    %add3A_68 = arith.constant 480 : i32
    %add3A_69 = arith.addi %mul3A_67, %add3A_68 : i32
    %multiple_of3A_70 = tpu.assume_multiple %add3A_69, 8 : i32
    %lt3A_71 = arith.constant 10000 : i32
    %lt3A_72 = arith.cmpi slt, %multiple_of3A_70, %lt3A_71 : i32
    %convert_element_type3A_73 = arith.extui %lt3A_72 : i1 to i32
    %cond3A_74 = arith.constant 0 : i32
    %cond3A_75 = arith.cmpi ne, %convert_element_type3A_73, %cond3A_74 : i32
    scf.if %cond3A_75 {
      "tpu.region"() ({
        %run_scoped3A = tpu.sem_alloc : memref<!tpu.dma_semaphore, #tpu.memory_space<semaphore_mem>>
        %dma_start3A = arith.constant 0 : i32
        %dma_start3A_173 = arith.constant 0 : i32
        %dma_start3A_174 = tpu.memref_slice %arg8[%dma_start3A, %dma_start3A_173] : memref<125x128xf32, #tpu.memory_space<vmem>> -> memref<80x128xf32, #tpu.memory_space<vmem>>
        %dma_start3A_175 = arith.constant 0 : i32
        %dma_start3A_176 = tpu.memref_slice %arg10[%multiple_of3A_70, %dma_start3A_175] : memref<10000x128xf32, #tpu.memory_space<vmem_shared>> -> memref<80x128xf32, #tpu.memory_space<vmem_shared>>
        %dma_start3A_177 = arith.constant 0 : i32
        %dma_start3A_178 = tpu.memref_slice %arg10[%multiple_of3A_70, %dma_start3A_177] : memref<10000x128xf32, #tpu.memory_space<vmem_shared>> -> memref<80x128xf32, #tpu.memory_space<vmem_shared>>
        %dma_start3A_179 = arith.constant 0 : i32
        %dma_start3A_180 = arith.constant 0 : i32
        %dma_start3A_181 = tpu.memref_slice %arg8[%dma_start3A_179, %dma_start3A_180] : memref<125x128xf32, #tpu.memory_space<vmem>> -> memref<80x128xf32, #tpu.memory_space<vmem>>
        tpu.enqueue_dma source(%dma_start3A_181 : memref<80x128xf32, #tpu.memory_space<vmem>>) target(%dma_start3A_178 : memref<80x128xf32, #tpu.memory_space<vmem_shared>>) target_semaphore(%run_scoped3A : memref<!tpu.dma_semaphore, #tpu.memory_space<semaphore_mem>>)
        %dma_wait3A = arith.constant 0 : i32
        %dma_wait3A_182 = arith.constant 0 : i32
        %dma_wait3A_183 = tpu.memref_slice %arg8[%dma_wait3A, %dma_wait3A_182] : memref<125x128xf32, #tpu.memory_space<vmem>> -> memref<80x128xf32, #tpu.memory_space<vmem>>
        %dma_wait3A_184 = arith.constant 0 : i32
        %dma_wait3A_185 = tpu.memref_slice %arg10[%multiple_of3A_70, %dma_wait3A_184] : memref<10000x128xf32, #tpu.memory_space<vmem_shared>> -> memref<80x128xf32, #tpu.memory_space<vmem_shared>>
        %dma_wait3A_186 = arith.constant 0 : i32
        %dma_wait3A_187 = tpu.memref_slice %arg10[%multiple_of3A_70, %dma_wait3A_186] : memref<10000x128xf32, #tpu.memory_space<vmem_shared>> -> memref<80x128xf32, #tpu.memory_space<vmem_shared>>
        %dma_wait3A_188 = arith.constant 0 : i32
        %dma_wait3A_189 = arith.constant 0 : i32
        %dma_wait3A_190 = tpu.memref_slice %arg8[%dma_wait3A_188, %dma_wait3A_189] : memref<125x128xf32, #tpu.memory_space<vmem>> -> memref<80x128xf32, #tpu.memory_space<vmem>>
        tpu.wait_dma2 semaphore(%run_scoped3A : memref<!tpu.dma_semaphore, #tpu.memory_space<semaphore_mem>>) src(%dma_wait3A_190 : memref<80x128xf32, #tpu.memory_space<vmem>>) dst(%dma_wait3A_187 : memref<80x128xf32, #tpu.memory_space<vmem_shared>>)
        tpu.yield
      }) : () -> ()
    } else {
    }
    %mul3A_76 = arith.constant 640 : i32
    %mul3A_77 = arith.muli %arg1, %mul3A_76 : i32
    %add3A_78 = arith.constant 560 : i32
    %add3A_79 = arith.addi %mul3A_77, %add3A_78 : i32
    %multiple_of3A_80 = tpu.assume_multiple %add3A_79, 8 : i32
    %lt3A_81 = arith.constant 10000 : i32
    %lt3A_82 = arith.cmpi slt, %multiple_of3A_80, %lt3A_81 : i32
    %convert_element_type3A_83 = arith.extui %lt3A_82 : i1 to i32
    %cond3A_84 = arith.constant 0 : i32
    %cond3A_85 = arith.cmpi ne, %convert_element_type3A_83, %cond3A_84 : i32
    scf.if %cond3A_85 {
      "tpu.region"() ({
        %run_scoped3A = tpu.sem_alloc : memref<!tpu.dma_semaphore, #tpu.memory_space<semaphore_mem>>
        %dma_start3A = arith.constant 0 : i32
        %dma_start3A_173 = arith.constant 0 : i32
        %dma_start3A_174 = tpu.memref_slice %arg8[%dma_start3A, %dma_start3A_173] : memref<125x128xf32, #tpu.memory_space<vmem>> -> memref<80x128xf32, #tpu.memory_space<vmem>>
        %dma_start3A_175 = arith.constant 0 : i32
        %dma_start3A_176 = tpu.memref_slice %arg10[%multiple_of3A_80, %dma_start3A_175] : memref<10000x128xf32, #tpu.memory_space<vmem_shared>> -> memref<80x128xf32, #tpu.memory_space<vmem_shared>>
        %dma_start3A_177 = arith.constant 0 : i32
        %dma_start3A_178 = tpu.memref_slice %arg10[%multiple_of3A_80, %dma_start3A_177] : memref<10000x128xf32, #tpu.memory_space<vmem_shared>> -> memref<80x128xf32, #tpu.memory_space<vmem_shared>>
        %dma_start3A_179 = arith.constant 0 : i32
        %dma_start3A_180 = arith.constant 0 : i32
        %dma_start3A_181 = tpu.memref_slice %arg8[%dma_start3A_179, %dma_start3A_180] : memref<125x128xf32, #tpu.memory_space<vmem>> -> memref<80x128xf32, #tpu.memory_space<vmem>>
        tpu.enqueue_dma source(%dma_start3A_181 : memref<80x128xf32, #tpu.memory_space<vmem>>) target(%dma_start3A_178 : memref<80x128xf32, #tpu.memory_space<vmem_shared>>) target_semaphore(%run_scoped3A : memref<!tpu.dma_semaphore, #tpu.memory_space<semaphore_mem>>)
        %dma_wait3A = arith.constant 0 : i32
        %dma_wait3A_182 = arith.constant 0 : i32
        %dma_wait3A_183 = tpu.memref_slice %arg8[%dma_wait3A, %dma_wait3A_182] : memref<125x128xf32, #tpu.memory_space<vmem>> -> memref<80x128xf32, #tpu.memory_space<vmem>>
        %dma_wait3A_184 = arith.constant 0 : i32
        %dma_wait3A_185 = tpu.memref_slice %arg10[%multiple_of3A_80, %dma_wait3A_184] : memref<10000x128xf32, #tpu.memory_space<vmem_shared>> -> memref<80x128xf32, #tpu.memory_space<vmem_shared>>
        %dma_wait3A_186 = arith.constant 0 : i32
        %dma_wait3A_187 = tpu.memref_slice %arg10[%multiple_of3A_80, %dma_wait3A_186] : memref<10000x128xf32, #tpu.memory_space<vmem_shared>> -> memref<80x128xf32, #tpu.memory_space<vmem_shared>>
        %dma_wait3A_188 = arith.constant 0 : i32
        %dma_wait3A_189 = arith.constant 0 : i32
        %dma_wait3A_190 = tpu.memref_slice %arg8[%dma_wait3A_188, %dma_wait3A_189] : memref<125x128xf32, #tpu.memory_space<vmem>> -> memref<80x128xf32, #tpu.memory_space<vmem>>
        tpu.wait_dma2 semaphore(%run_scoped3A : memref<!tpu.dma_semaphore, #tpu.memory_space<semaphore_mem>>) src(%dma_wait3A_190 : memref<80x128xf32, #tpu.memory_space<vmem>>) dst(%dma_wait3A_187 : memref<80x128xf32, #tpu.memory_space<vmem_shared>>)
        tpu.yield
      }) : () -> ()
    } else {
    }
    %barrier3A = arith.constant 0 : index
    tpu.barrier barrier_id(%barrier3A)
    %scan3A_86 = arith.constant 0 : i32
    %scan3A_87 = arith.constant 0 : i32
    %scan3A_88 = arith.constant 4 : i32
    %scan3A_89 = arith.addi %scan3A_87, %scan3A_88 : i32
    %scan3A_90 = arith.constant 1 : i32
    scf.for %scan3A_173 = %scan3A_87 to %scan3A_89 step %scan3A_90  : i32 {
      %mul3A_174 = arith.constant 40 : i32
      %mul3A_175 = arith.muli %scan3A_173, %mul3A_174 : i32
      %add3A_176 = arith.addi %add3A, %mul3A_175 : i32
      %multiple_of3A_177 = tpu.assume_multiple %add3A_176, 8 : i32
      %mul3A_178 = arith.constant 40 : i32
      %mul3A_179 = arith.muli %scan3A_173, %mul3A_178 : i32
      %add3A_180 = arith.addi %mul3A_4, %mul3A_179 : i32
      %multiple_of3A_181 = tpu.assume_multiple %add3A_180, 8 : i32
      %dma_start3A = arith.constant 0 : i32
      %dma_start3A_182 = tpu.memref_slice %arg3[%multiple_of3A_177, %dma_start3A] : memref<5120x125xi32, #tpu.memory_space<hbm>> -> memref<40x125xi32, #tpu.memory_space<hbm>>
      %dma_start3A_183 = arith.constant 0 : i32
      %dma_start3A_184 = tpu.memref_slice %arg3[%multiple_of3A_177, %dma_start3A_183] : memref<5120x125xi32, #tpu.memory_space<hbm>> -> memref<40x125xi32, #tpu.memory_space<hbm>>
      tpu.enqueue_dma source(%dma_start3A_184 : memref<40x125xi32, #tpu.memory_space<hbm>>) target(%arg6 : memref<40x125xi32, #tpu.memory_space<vmem>>) target_semaphore(%arg13 : memref<!tpu.dma_semaphore, #tpu.memory_space<semaphore_mem>>)
      %dma_start3A_185 = arith.constant 0 : i32
      %dma_start3A_186 = tpu.memref_slice %arg4[%multiple_of3A_181, %dma_start3A_185] : memref<2560x125xi32, #tpu.memory_space<hbm>> -> memref<40x125xi32, #tpu.memory_space<hbm>>
      %dma_start3A_187 = arith.constant 0 : i32
      %dma_start3A_188 = tpu.memref_slice %arg4[%multiple_of3A_181, %dma_start3A_187] : memref<2560x125xi32, #tpu.memory_space<hbm>> -> memref<40x125xi32, #tpu.memory_space<hbm>>
      tpu.enqueue_dma source(%dma_start3A_188 : memref<40x125xi32, #tpu.memory_space<hbm>>) target(%arg7 : memref<40x125xi32, #tpu.memory_space<vmem>>) target_semaphore(%arg13 : memref<!tpu.dma_semaphore, #tpu.memory_space<semaphore_mem>>)
      %dma_wait3A = arith.constant 0 : i32
      %dma_wait3A_189 = tpu.memref_slice %arg3[%multiple_of3A_177, %dma_wait3A] : memref<5120x125xi32, #tpu.memory_space<hbm>> -> memref<40x125xi32, #tpu.memory_space<hbm>>
      %dma_wait3A_190 = arith.constant 0 : i32
      %dma_wait3A_191 = tpu.memref_slice %arg3[%multiple_of3A_177, %dma_wait3A_190] : memref<5120x125xi32, #tpu.memory_space<hbm>> -> memref<40x125xi32, #tpu.memory_space<hbm>>
      tpu.wait_dma2 semaphore(%arg13 : memref<!tpu.dma_semaphore, #tpu.memory_space<semaphore_mem>>) src(%dma_wait3A_191 : memref<40x125xi32, #tpu.memory_space<hbm>>) dst(%arg6 : memref<40x125xi32, #tpu.memory_space<vmem>>)
      %dma_wait3A_192 = arith.constant 0 : i32
      %dma_wait3A_193 = tpu.memref_slice %arg4[%multiple_of3A_181, %dma_wait3A_192] : memref<2560x125xi32, #tpu.memory_space<hbm>> -> memref<40x125xi32, #tpu.memory_space<hbm>>
      %dma_wait3A_194 = arith.constant 0 : i32
      %dma_wait3A_195 = tpu.memref_slice %arg4[%multiple_of3A_181, %dma_wait3A_194] : memref<2560x125xi32, #tpu.memory_space<hbm>> -> memref<40x125xi32, #tpu.memory_space<hbm>>
      tpu.wait_dma2 semaphore(%arg13 : memref<!tpu.dma_semaphore, #tpu.memory_space<semaphore_mem>>) src(%dma_wait3A_195 : memref<40x125xi32, #tpu.memory_space<hbm>>) dst(%arg7 : memref<40x125xi32, #tpu.memory_space<vmem>>)
      %dma_start3A_196 = arith.constant 0 : i32
      %dma_start3A_197 = arith.constant 0 : i32
      %dma_start3A_198 = tpu.memref_slice %arg6[%dma_start3A_196, %dma_start3A_197] : memref<40x125xi32, #tpu.memory_space<vmem>> -> memref<1x125xi32, #tpu.memory_space<vmem>>
      %dma_start3A_199 = tpu.memref_squeeze %dma_start3A_198 : memref<1x125xi32, #tpu.memory_space<vmem>> -> memref<125xi32, #tpu.memory_space<vmem>>
      %dma_start3A_200 = arith.constant 0 : i32
      %dma_start3A_201 = arith.constant 0 : i32
      %dma_start3A_202 = tpu.memref_slice %arg2[%dma_start3A_200, %dma_start3A_201] : memref<20000x128xf32, #tpu.memory_space<hbm>> -> memref<20000x128xf32, #tpu.memory_space<hbm>>
      tpu.enqueue_indirect_dma source(%dma_start3A_202 : memref<20000x128xf32, #tpu.memory_space<hbm>>) target(%arg8 : memref<125x128xf32, #tpu.memory_space<vmem>>) offsets(%dma_start3A_199 : memref<125xi32, #tpu.memory_space<vmem>>) semaphore(%arg11 : memref<!tpu.dma_semaphore, #tpu.memory_space<semaphore_mem>>)
      %scan3A_203 = arith.constant 0 : i32
      %scan3A_204 = arith.constant 0 : i32
      %scan3A_205 = arith.constant 20 : i32
      %scan3A_206 = arith.addi %scan3A_204, %scan3A_205 : i32
      %scan3A_207 = arith.constant 1 : i32
      scf.for %scan3A_209 = %scan3A_204 to %scan3A_206 step %scan3A_207  : i32 {
        %mul3A_210 = arith.constant 2 : i32
        %mul3A_211 = arith.muli %mul3A_210, %scan3A_209 : i32
        %add3A_212 = arith.constant 1 : i32
        %add3A_213 = arith.addi %mul3A_211, %add3A_212 : i32
        %dma_start3A_214 = arith.constant 0 : i32
        %dma_start3A_215 = tpu.memref_slice %arg6[%add3A_213, %dma_start3A_214] : memref<40x125xi32, #tpu.memory_space<vmem>> -> memref<1x125xi32, #tpu.memory_space<vmem>>
        %dma_start3A_216 = tpu.memref_squeeze %dma_start3A_215 : memref<1x125xi32, #tpu.memory_space<vmem>> -> memref<125xi32, #tpu.memory_space<vmem>>
        %dma_start3A_217 = arith.constant 0 : i32
        %dma_start3A_218 = arith.constant 0 : i32
        %dma_start3A_219 = tpu.memref_slice %arg2[%dma_start3A_217, %dma_start3A_218] : memref<20000x128xf32, #tpu.memory_space<hbm>> -> memref<20000x128xf32, #tpu.memory_space<hbm>>
        tpu.enqueue_indirect_dma source(%dma_start3A_219 : memref<20000x128xf32, #tpu.memory_space<hbm>>) target(%arg9 : memref<125x128xf32, #tpu.memory_space<vmem>>) offsets(%dma_start3A_216 : memref<125xi32, #tpu.memory_space<vmem>>) semaphore(%arg12 : memref<!tpu.dma_semaphore, #tpu.memory_space<semaphore_mem>>)
        %dma_wait3A_220 = arith.constant 0 : i32
        %dma_wait3A_221 = tpu.memref_slice %arg6[%mul3A_211, %dma_wait3A_220] : memref<40x125xi32, #tpu.memory_space<vmem>> -> memref<1x125xi32, #tpu.memory_space<vmem>>
        %dma_wait3A_222 = tpu.memref_squeeze %dma_wait3A_221 : memref<1x125xi32, #tpu.memory_space<vmem>> -> memref<125xi32, #tpu.memory_space<vmem>>
        %dma_wait3A_223 = arith.constant 0 : i32
        %dma_wait3A_224 = arith.constant 0 : i32
        %dma_wait3A_225 = tpu.memref_slice %arg2[%dma_wait3A_223, %dma_wait3A_224] : memref<20000x128xf32, #tpu.memory_space<hbm>> -> memref<20000x128xf32, #tpu.memory_space<hbm>>
        tpu.wait_indirect_dma semaphore(%arg11 : memref<!tpu.dma_semaphore, #tpu.memory_space<semaphore_mem>>) src(%dma_wait3A_225 : memref<20000x128xf32, #tpu.memory_space<hbm>>) dst(%arg8 : memref<125x128xf32, #tpu.memory_space<vmem>>)
        "tpu.region"() ({
          %run_scoped3A = tpu.sem_alloc : memref<!tpu.dma_semaphore, #tpu.memory_space<semaphore_mem>>
          %dma_start3A_241 = arith.constant 0 : i32
          %dma_start3A_242 = tpu.memref_slice %arg7[%mul3A_211, %dma_start3A_241] : memref<40x125xi32, #tpu.memory_space<vmem>> -> memref<1x125xi32, #tpu.memory_space<vmem>>
          %dma_start3A_243 = tpu.memref_squeeze %dma_start3A_242 : memref<1x125xi32, #tpu.memory_space<vmem>> -> memref<125xi32, #tpu.memory_space<vmem>>
          %dma_start3A_244 = arith.constant 0 : i32
          %dma_start3A_245 = arith.constant 0 : i32
          %dma_start3A_246 = tpu.memref_slice %arg10[%dma_start3A_244, %dma_start3A_245] : memref<10000x128xf32, #tpu.memory_space<vmem_shared>> -> memref<10000x128xf32, #tpu.memory_space<vmem_shared>>
          tpu.enqueue_indirect_dma source(%arg8 : memref<125x128xf32, #tpu.memory_space<vmem>>) target(%dma_start3A_246 : memref<10000x128xf32, #tpu.memory_space<vmem_shared>>) offsets(%dma_start3A_243 : memref<125xi32, #tpu.memory_space<vmem>>) semaphore(%run_scoped3A : memref<!tpu.dma_semaphore, #tpu.memory_space<semaphore_mem>>) {add = true}
          %dma_wait3A_247 = arith.constant 0 : i32
          %dma_wait3A_248 = tpu.memref_slice %arg7[%mul3A_211, %dma_wait3A_247] : memref<40x125xi32, #tpu.memory_space<vmem>> -> memref<1x125xi32, #tpu.memory_space<vmem>>
          %dma_wait3A_249 = tpu.memref_squeeze %dma_wait3A_248 : memref<1x125xi32, #tpu.memory_space<vmem>> -> memref<125xi32, #tpu.memory_space<vmem>>
          %dma_wait3A_250 = arith.constant 0 : i32
          %dma_wait3A_251 = arith.constant 0 : i32
          %dma_wait3A_252 = tpu.memref_slice %arg10[%dma_wait3A_250, %dma_wait3A_251] : memref<10000x128xf32, #tpu.memory_space<vmem_shared>> -> memref<10000x128xf32, #tpu.memory_space<vmem_shared>>
          tpu.wait_indirect_dma semaphore(%run_scoped3A : memref<!tpu.dma_semaphore, #tpu.memory_space<semaphore_mem>>) src(%arg8 : memref<125x128xf32, #tpu.memory_space<vmem>>) dst(%dma_wait3A_252 : memref<10000x128xf32, #tpu.memory_space<vmem_shared>>)
          tpu.yield
        }) : () -> ()
        %add3A_226 = arith.constant 2 : i32
        %add3A_227 = arith.addi %mul3A_211, %add3A_226 : i32
        %lt3A_228 = arith.constant 40 : i32
        %lt3A_229 = arith.cmpi slt, %add3A_227, %lt3A_228 : i32
        %convert_element_type3A_230 = arith.extui %lt3A_229 : i1 to i32
        %cond3A_231 = arith.constant 0 : i32
        %cond3A_232 = arith.cmpi ne, %convert_element_type3A_230, %cond3A_231 : i32
        scf.if %cond3A_232 {
          %add3A_241 = arith.constant 2 : i32
          %add3A_242 = arith.addi %mul3A_211, %add3A_241 : i32
          %dma_start3A_243 = arith.constant 0 : i32
          %dma_start3A_244 = tpu.memref_slice %arg6[%add3A_242, %dma_start3A_243] : memref<40x125xi32, #tpu.memory_space<vmem>> -> memref<1x125xi32, #tpu.memory_space<vmem>>
          %dma_start3A_245 = tpu.memref_squeeze %dma_start3A_244 : memref<1x125xi32, #tpu.memory_space<vmem>> -> memref<125xi32, #tpu.memory_space<vmem>>
          %dma_start3A_246 = arith.constant 0 : i32
          %dma_start3A_247 = arith.constant 0 : i32
          %dma_start3A_248 = tpu.memref_slice %arg2[%dma_start3A_246, %dma_start3A_247] : memref<20000x128xf32, #tpu.memory_space<hbm>> -> memref<20000x128xf32, #tpu.memory_space<hbm>>
          tpu.enqueue_indirect_dma source(%dma_start3A_248 : memref<20000x128xf32, #tpu.memory_space<hbm>>) target(%arg8 : memref<125x128xf32, #tpu.memory_space<vmem>>) offsets(%dma_start3A_245 : memref<125xi32, #tpu.memory_space<vmem>>) semaphore(%arg11 : memref<!tpu.dma_semaphore, #tpu.memory_space<semaphore_mem>>)
        } else {
        }
        %add3A_233 = arith.constant 1 : i32
        %add3A_234 = arith.addi %mul3A_211, %add3A_233 : i32
        %dma_wait3A_235 = arith.constant 0 : i32
        %dma_wait3A_236 = tpu.memref_slice %arg6[%add3A_234, %dma_wait3A_235] : memref<40x125xi32, #tpu.memory_space<vmem>> -> memref<1x125xi32, #tpu.memory_space<vmem>>
        %dma_wait3A_237 = tpu.memref_squeeze %dma_wait3A_236 : memref<1x125xi32, #tpu.memory_space<vmem>> -> memref<125xi32, #tpu.memory_space<vmem>>
        %dma_wait3A_238 = arith.constant 0 : i32
        %dma_wait3A_239 = arith.constant 0 : i32
        %dma_wait3A_240 = tpu.memref_slice %arg2[%dma_wait3A_238, %dma_wait3A_239] : memref<20000x128xf32, #tpu.memory_space<hbm>> -> memref<20000x128xf32, #tpu.memory_space<hbm>>
        tpu.wait_indirect_dma semaphore(%arg12 : memref<!tpu.dma_semaphore, #tpu.memory_space<semaphore_mem>>) src(%dma_wait3A_240 : memref<20000x128xf32, #tpu.memory_space<hbm>>) dst(%arg9 : memref<125x128xf32, #tpu.memory_space<vmem>>)
        "tpu.region"() ({
          %run_scoped3A = tpu.sem_alloc : memref<!tpu.dma_semaphore, #tpu.memory_space<semaphore_mem>>
          %dma_start3A_241 = arith.constant 0 : i32
          %dma_start3A_242 = tpu.memref_slice %arg7[%add3A_234, %dma_start3A_241] : memref<40x125xi32, #tpu.memory_space<vmem>> -> memref<1x125xi32, #tpu.memory_space<vmem>>
          %dma_start3A_243 = tpu.memref_squeeze %dma_start3A_242 : memref<1x125xi32, #tpu.memory_space<vmem>> -> memref<125xi32, #tpu.memory_space<vmem>>
          %dma_start3A_244 = arith.constant 0 : i32
          %dma_start3A_245 = arith.constant 0 : i32
          %dma_start3A_246 = tpu.memref_slice %arg10[%dma_start3A_244, %dma_start3A_245] : memref<10000x128xf32, #tpu.memory_space<vmem_shared>> -> memref<10000x128xf32, #tpu.memory_space<vmem_shared>>
          tpu.enqueue_indirect_dma source(%arg9 : memref<125x128xf32, #tpu.memory_space<vmem>>) target(%dma_start3A_246 : memref<10000x128xf32, #tpu.memory_space<vmem_shared>>) offsets(%dma_start3A_243 : memref<125xi32, #tpu.memory_space<vmem>>) semaphore(%run_scoped3A : memref<!tpu.dma_semaphore, #tpu.memory_space<semaphore_mem>>) {add = true}
          %dma_wait3A_247 = arith.constant 0 : i32
          %dma_wait3A_248 = tpu.memref_slice %arg7[%add3A_234, %dma_wait3A_247] : memref<40x125xi32, #tpu.memory_space<vmem>> -> memref<1x125xi32, #tpu.memory_space<vmem>>
          %dma_wait3A_249 = tpu.memref_squeeze %dma_wait3A_248 : memref<1x125xi32, #tpu.memory_space<vmem>> -> memref<125xi32, #tpu.memory_space<vmem>>
          %dma_wait3A_250 = arith.constant 0 : i32
          %dma_wait3A_251 = arith.constant 0 : i32
          %dma_wait3A_252 = tpu.memref_slice %arg10[%dma_wait3A_250, %dma_wait3A_251] : memref<10000x128xf32, #tpu.memory_space<vmem_shared>> -> memref<10000x128xf32, #tpu.memory_space<vmem_shared>>
          tpu.wait_indirect_dma semaphore(%run_scoped3A : memref<!tpu.dma_semaphore, #tpu.memory_space<semaphore_mem>>) src(%arg9 : memref<125x128xf32, #tpu.memory_space<vmem>>) dst(%dma_wait3A_252 : memref<10000x128xf32, #tpu.memory_space<vmem_shared>>)
          tpu.yield
        }) : () -> ()
      }
      %scan3A_208 = arith.constant 20 : i32
    }
    %scan3A_91 = arith.constant 4 : i32
    %barrier3A_92 = arith.constant 0 : index
    tpu.barrier barrier_id(%barrier3A_92)
    %mul3A_93 = arith.constant 640 : i32
    %mul3A_94 = arith.muli %arg1, %mul3A_93 : i32
    %add3A_95 = arith.constant 0 : i32
    %add3A_96 = arith.addi %mul3A_94, %add3A_95 : i32
    %multiple_of3A_97 = tpu.assume_multiple %add3A_96, 8 : i32
    %lt3A_98 = arith.constant 10000 : i32
    %lt3A_99 = arith.cmpi slt, %multiple_of3A_97, %lt3A_98 : i32
    %convert_element_type3A_100 = arith.extui %lt3A_99 : i1 to i32
    %cond3A_101 = arith.constant 0 : i32
    %cond3A_102 = arith.cmpi ne, %convert_element_type3A_100, %cond3A_101 : i32
    scf.if %cond3A_102 {
      "tpu.region"() ({
        %run_scoped3A = tpu.sem_alloc : memref<!tpu.dma_semaphore, #tpu.memory_space<semaphore_mem>>
        %dma_start3A = arith.constant 0 : i32
        %dma_start3A_176 = arith.constant 0 : i32
        %dma_start3A_177 = tpu.memref_slice %arg8[%dma_start3A, %dma_start3A_176] : memref<125x128xf32, #tpu.memory_space<vmem>> -> memref<80x128xf32, #tpu.memory_space<vmem>>
        %dma_start3A_178 = arith.constant 0 : i32
        %dma_start3A_179 = tpu.memref_slice %arg10[%multiple_of3A_97, %dma_start3A_178] : memref<10000x128xf32, #tpu.memory_space<vmem_shared>> -> memref<80x128xf32, #tpu.memory_space<vmem_shared>>
        %dma_start3A_180 = arith.constant 0 : i32
        %dma_start3A_181 = arith.constant 0 : i32
        %dma_start3A_182 = tpu.memref_slice %arg8[%dma_start3A_180, %dma_start3A_181] : memref<125x128xf32, #tpu.memory_space<vmem>> -> memref<80x128xf32, #tpu.memory_space<vmem>>
        %dma_start3A_183 = arith.constant 0 : i32
        %dma_start3A_184 = tpu.memref_slice %arg10[%multiple_of3A_97, %dma_start3A_183] : memref<10000x128xf32, #tpu.memory_space<vmem_shared>> -> memref<80x128xf32, #tpu.memory_space<vmem_shared>>
        tpu.enqueue_dma source(%dma_start3A_184 : memref<80x128xf32, #tpu.memory_space<vmem_shared>>) target(%dma_start3A_182 : memref<80x128xf32, #tpu.memory_space<vmem>>) target_semaphore(%run_scoped3A : memref<!tpu.dma_semaphore, #tpu.memory_space<semaphore_mem>>)
        %dma_wait3A = arith.constant 0 : i32
        %dma_wait3A_185 = arith.constant 0 : i32
        %dma_wait3A_186 = tpu.memref_slice %arg8[%dma_wait3A, %dma_wait3A_185] : memref<125x128xf32, #tpu.memory_space<vmem>> -> memref<80x128xf32, #tpu.memory_space<vmem>>
        %dma_wait3A_187 = arith.constant 0 : i32
        %dma_wait3A_188 = tpu.memref_slice %arg10[%multiple_of3A_97, %dma_wait3A_187] : memref<10000x128xf32, #tpu.memory_space<vmem_shared>> -> memref<80x128xf32, #tpu.memory_space<vmem_shared>>
        %dma_wait3A_189 = arith.constant 0 : i32
        %dma_wait3A_190 = arith.constant 0 : i32
        %dma_wait3A_191 = tpu.memref_slice %arg8[%dma_wait3A_189, %dma_wait3A_190] : memref<125x128xf32, #tpu.memory_space<vmem>> -> memref<80x128xf32, #tpu.memory_space<vmem>>
        %dma_wait3A_192 = arith.constant 0 : i32
        %dma_wait3A_193 = tpu.memref_slice %arg10[%multiple_of3A_97, %dma_wait3A_192] : memref<10000x128xf32, #tpu.memory_space<vmem_shared>> -> memref<80x128xf32, #tpu.memory_space<vmem_shared>>
        tpu.wait_dma2 semaphore(%run_scoped3A : memref<!tpu.dma_semaphore, #tpu.memory_space<semaphore_mem>>) src(%dma_wait3A_193 : memref<80x128xf32, #tpu.memory_space<vmem_shared>>) dst(%dma_wait3A_191 : memref<80x128xf32, #tpu.memory_space<vmem>>)
        tpu.yield
      }) : () -> ()
      %mul3A_173 = arith.constant 10000 : i32
      %mul3A_174 = arith.muli %arg0, %mul3A_173 : i32
      %add3A_175 = arith.addi %mul3A_174, %multiple_of3A_97 : i32
      "tpu.region"() ({
        %run_scoped3A = tpu.sem_alloc : memref<!tpu.dma_semaphore, #tpu.memory_space<semaphore_mem>>
        %dma_start3A = arith.constant 0 : i32
        %dma_start3A_176 = arith.constant 0 : i32
        %dma_start3A_177 = tpu.memref_slice %arg8[%dma_start3A, %dma_start3A_176] : memref<125x128xf32, #tpu.memory_space<vmem>> -> memref<80x128xf32, #tpu.memory_space<vmem>>
        %dma_start3A_178 = arith.constant 0 : i32
        %dma_start3A_179 = tpu.memref_slice %arg5[%add3A_175, %dma_start3A_178] : memref<20000x128xf32, #tpu.memory_space<hbm>> -> memref<80x128xf32, #tpu.memory_space<hbm>>
        %dma_start3A_180 = arith.constant 0 : i32
        %dma_start3A_181 = tpu.memref_slice %arg5[%add3A_175, %dma_start3A_180] : memref<20000x128xf32, #tpu.memory_space<hbm>> -> memref<80x128xf32, #tpu.memory_space<hbm>>
        %dma_start3A_182 = arith.constant 0 : i32
        %dma_start3A_183 = arith.constant 0 : i32
        %dma_start3A_184 = tpu.memref_slice %arg8[%dma_start3A_182, %dma_start3A_183] : memref<125x128xf32, #tpu.memory_space<vmem>> -> memref<80x128xf32, #tpu.memory_space<vmem>>
        tpu.enqueue_dma source(%dma_start3A_184 : memref<80x128xf32, #tpu.memory_space<vmem>>) target(%dma_start3A_181 : memref<80x128xf32, #tpu.memory_space<hbm>>) target_semaphore(%run_scoped3A : memref<!tpu.dma_semaphore, #tpu.memory_space<semaphore_mem>>)
        %dma_wait3A = arith.constant 0 : i32
        %dma_wait3A_185 = arith.constant 0 : i32
        %dma_wait3A_186 = tpu.memref_slice %arg8[%dma_wait3A, %dma_wait3A_185] : memref<125x128xf32, #tpu.memory_space<vmem>> -> memref<80x128xf32, #tpu.memory_space<vmem>>
        %dma_wait3A_187 = arith.constant 0 : i32
        %dma_wait3A_188 = tpu.memref_slice %arg5[%add3A_175, %dma_wait3A_187] : memref<20000x128xf32, #tpu.memory_space<hbm>> -> memref<80x128xf32, #tpu.memory_space<hbm>>
        %dma_wait3A_189 = arith.constant 0 : i32
        %dma_wait3A_190 = tpu.memref_slice %arg5[%add3A_175, %dma_wait3A_189] : memref<20000x128xf32, #tpu.memory_space<hbm>> -> memref<80x128xf32, #tpu.memory_space<hbm>>
        %dma_wait3A_191 = arith.constant 0 : i32
        %dma_wait3A_192 = arith.constant 0 : i32
        %dma_wait3A_193 = tpu.memref_slice %arg8[%dma_wait3A_191, %dma_wait3A_192] : memref<125x128xf32, #tpu.memory_space<vmem>> -> memref<80x128xf32, #tpu.memory_space<vmem>>
        tpu.wait_dma2 semaphore(%run_scoped3A : memref<!tpu.dma_semaphore, #tpu.memory_space<semaphore_mem>>) src(%dma_wait3A_193 : memref<80x128xf32, #tpu.memory_space<vmem>>) dst(%dma_wait3A_190 : memref<80x128xf32, #tpu.memory_space<hbm>>)
        tpu.yield
      }) : () -> ()
    } else {
    }
    %mul3A_103 = arith.constant 640 : i32
    %mul3A_104 = arith.muli %arg1, %mul3A_103 : i32
    %add3A_105 = arith.constant 80 : i32
    %add3A_106 = arith.addi %mul3A_104, %add3A_105 : i32
    %multiple_of3A_107 = tpu.assume_multiple %add3A_106, 8 : i32
    %lt3A_108 = arith.constant 10000 : i32
    %lt3A_109 = arith.cmpi slt, %multiple_of3A_107, %lt3A_108 : i32
    %convert_element_type3A_110 = arith.extui %lt3A_109 : i1 to i32
    %cond3A_111 = arith.constant 0 : i32
    %cond3A_112 = arith.cmpi ne, %convert_element_type3A_110, %cond3A_111 : i32
    scf.if %cond3A_112 {
      "tpu.region"() ({
        %run_scoped3A = tpu.sem_alloc : memref<!tpu.dma_semaphore, #tpu.memory_space<semaphore_mem>>
        %dma_start3A = arith.constant 0 : i32
        %dma_start3A_176 = arith.constant 0 : i32
        %dma_start3A_177 = tpu.memref_slice %arg8[%dma_start3A, %dma_start3A_176] : memref<125x128xf32, #tpu.memory_space<vmem>> -> memref<80x128xf32, #tpu.memory_space<vmem>>
        %dma_start3A_178 = arith.constant 0 : i32
        %dma_start3A_179 = tpu.memref_slice %arg10[%multiple_of3A_107, %dma_start3A_178] : memref<10000x128xf32, #tpu.memory_space<vmem_shared>> -> memref<80x128xf32, #tpu.memory_space<vmem_shared>>
        %dma_start3A_180 = arith.constant 0 : i32
        %dma_start3A_181 = arith.constant 0 : i32
        %dma_start3A_182 = tpu.memref_slice %arg8[%dma_start3A_180, %dma_start3A_181] : memref<125x128xf32, #tpu.memory_space<vmem>> -> memref<80x128xf32, #tpu.memory_space<vmem>>
        %dma_start3A_183 = arith.constant 0 : i32
        %dma_start3A_184 = tpu.memref_slice %arg10[%multiple_of3A_107, %dma_start3A_183] : memref<10000x128xf32, #tpu.memory_space<vmem_shared>> -> memref<80x128xf32, #tpu.memory_space<vmem_shared>>
        tpu.enqueue_dma source(%dma_start3A_184 : memref<80x128xf32, #tpu.memory_space<vmem_shared>>) target(%dma_start3A_182 : memref<80x128xf32, #tpu.memory_space<vmem>>) target_semaphore(%run_scoped3A : memref<!tpu.dma_semaphore, #tpu.memory_space<semaphore_mem>>)
        %dma_wait3A = arith.constant 0 : i32
        %dma_wait3A_185 = arith.constant 0 : i32
        %dma_wait3A_186 = tpu.memref_slice %arg8[%dma_wait3A, %dma_wait3A_185] : memref<125x128xf32, #tpu.memory_space<vmem>> -> memref<80x128xf32, #tpu.memory_space<vmem>>
        %dma_wait3A_187 = arith.constant 0 : i32
        %dma_wait3A_188 = tpu.memref_slice %arg10[%multiple_of3A_107, %dma_wait3A_187] : memref<10000x128xf32, #tpu.memory_space<vmem_shared>> -> memref<80x128xf32, #tpu.memory_space<vmem_shared>>
        %dma_wait3A_189 = arith.constant 0 : i32
        %dma_wait3A_190 = arith.constant 0 : i32
        %dma_wait3A_191 = tpu.memref_slice %arg8[%dma_wait3A_189, %dma_wait3A_190] : memref<125x128xf32, #tpu.memory_space<vmem>> -> memref<80x128xf32, #tpu.memory_space<vmem>>
        %dma_wait3A_192 = arith.constant 0 : i32
        %dma_wait3A_193 = tpu.memref_slice %arg10[%multiple_of3A_107, %dma_wait3A_192] : memref<10000x128xf32, #tpu.memory_space<vmem_shared>> -> memref<80x128xf32, #tpu.memory_space<vmem_shared>>
        tpu.wait_dma2 semaphore(%run_scoped3A : memref<!tpu.dma_semaphore, #tpu.memory_space<semaphore_mem>>) src(%dma_wait3A_193 : memref<80x128xf32, #tpu.memory_space<vmem_shared>>) dst(%dma_wait3A_191 : memref<80x128xf32, #tpu.memory_space<vmem>>)
        tpu.yield
      }) : () -> ()
      %mul3A_173 = arith.constant 10000 : i32
      %mul3A_174 = arith.muli %arg0, %mul3A_173 : i32
      %add3A_175 = arith.addi %mul3A_174, %multiple_of3A_107 : i32
      "tpu.region"() ({
        %run_scoped3A = tpu.sem_alloc : memref<!tpu.dma_semaphore, #tpu.memory_space<semaphore_mem>>
        %dma_start3A = arith.constant 0 : i32
        %dma_start3A_176 = arith.constant 0 : i32
        %dma_start3A_177 = tpu.memref_slice %arg8[%dma_start3A, %dma_start3A_176] : memref<125x128xf32, #tpu.memory_space<vmem>> -> memref<80x128xf32, #tpu.memory_space<vmem>>
        %dma_start3A_178 = arith.constant 0 : i32
        %dma_start3A_179 = tpu.memref_slice %arg5[%add3A_175, %dma_start3A_178] : memref<20000x128xf32, #tpu.memory_space<hbm>> -> memref<80x128xf32, #tpu.memory_space<hbm>>
        %dma_start3A_180 = arith.constant 0 : i32
        %dma_start3A_181 = tpu.memref_slice %arg5[%add3A_175, %dma_start3A_180] : memref<20000x128xf32, #tpu.memory_space<hbm>> -> memref<80x128xf32, #tpu.memory_space<hbm>>
        %dma_start3A_182 = arith.constant 0 : i32
        %dma_start3A_183 = arith.constant 0 : i32
        %dma_start3A_184 = tpu.memref_slice %arg8[%dma_start3A_182, %dma_start3A_183] : memref<125x128xf32, #tpu.memory_space<vmem>> -> memref<80x128xf32, #tpu.memory_space<vmem>>
        tpu.enqueue_dma source(%dma_start3A_184 : memref<80x128xf32, #tpu.memory_space<vmem>>) target(%dma_start3A_181 : memref<80x128xf32, #tpu.memory_space<hbm>>) target_semaphore(%run_scoped3A : memref<!tpu.dma_semaphore, #tpu.memory_space<semaphore_mem>>)
        %dma_wait3A = arith.constant 0 : i32
        %dma_wait3A_185 = arith.constant 0 : i32
        %dma_wait3A_186 = tpu.memref_slice %arg8[%dma_wait3A, %dma_wait3A_185] : memref<125x128xf32, #tpu.memory_space<vmem>> -> memref<80x128xf32, #tpu.memory_space<vmem>>
        %dma_wait3A_187 = arith.constant 0 : i32
        %dma_wait3A_188 = tpu.memref_slice %arg5[%add3A_175, %dma_wait3A_187] : memref<20000x128xf32, #tpu.memory_space<hbm>> -> memref<80x128xf32, #tpu.memory_space<hbm>>
        %dma_wait3A_189 = arith.constant 0 : i32
        %dma_wait3A_190 = tpu.memref_slice %arg5[%add3A_175, %dma_wait3A_189] : memref<20000x128xf32, #tpu.memory_space<hbm>> -> memref<80x128xf32, #tpu.memory_space<hbm>>
        %dma_wait3A_191 = arith.constant 0 : i32
        %dma_wait3A_192 = arith.constant 0 : i32
        %dma_wait3A_193 = tpu.memref_slice %arg8[%dma_wait3A_191, %dma_wait3A_192] : memref<125x128xf32, #tpu.memory_space<vmem>> -> memref<80x128xf32, #tpu.memory_space<vmem>>
        tpu.wait_dma2 semaphore(%run_scoped3A : memref<!tpu.dma_semaphore, #tpu.memory_space<semaphore_mem>>) src(%dma_wait3A_193 : memref<80x128xf32, #tpu.memory_space<vmem>>) dst(%dma_wait3A_190 : memref<80x128xf32, #tpu.memory_space<hbm>>)
        tpu.yield
      }) : () -> ()
    } else {
    }
    %mul3A_113 = arith.constant 640 : i32
    %mul3A_114 = arith.muli %arg1, %mul3A_113 : i32
    %add3A_115 = arith.constant 160 : i32
    %add3A_116 = arith.addi %mul3A_114, %add3A_115 : i32
    %multiple_of3A_117 = tpu.assume_multiple %add3A_116, 8 : i32
    %lt3A_118 = arith.constant 10000 : i32
    %lt3A_119 = arith.cmpi slt, %multiple_of3A_117, %lt3A_118 : i32
    %convert_element_type3A_120 = arith.extui %lt3A_119 : i1 to i32
    %cond3A_121 = arith.constant 0 : i32
    %cond3A_122 = arith.cmpi ne, %convert_element_type3A_120, %cond3A_121 : i32
    scf.if %cond3A_122 {
      "tpu.region"() ({
        %run_scoped3A = tpu.sem_alloc : memref<!tpu.dma_semaphore, #tpu.memory_space<semaphore_mem>>
        %dma_start3A = arith.constant 0 : i32
        %dma_start3A_176 = arith.constant 0 : i32
        %dma_start3A_177 = tpu.memref_slice %arg8[%dma_start3A, %dma_start3A_176] : memref<125x128xf32, #tpu.memory_space<vmem>> -> memref<80x128xf32, #tpu.memory_space<vmem>>
        %dma_start3A_178 = arith.constant 0 : i32
        %dma_start3A_179 = tpu.memref_slice %arg10[%multiple_of3A_117, %dma_start3A_178] : memref<10000x128xf32, #tpu.memory_space<vmem_shared>> -> memref<80x128xf32, #tpu.memory_space<vmem_shared>>
        %dma_start3A_180 = arith.constant 0 : i32
        %dma_start3A_181 = arith.constant 0 : i32
        %dma_start3A_182 = tpu.memref_slice %arg8[%dma_start3A_180, %dma_start3A_181] : memref<125x128xf32, #tpu.memory_space<vmem>> -> memref<80x128xf32, #tpu.memory_space<vmem>>
        %dma_start3A_183 = arith.constant 0 : i32
        %dma_start3A_184 = tpu.memref_slice %arg10[%multiple_of3A_117, %dma_start3A_183] : memref<10000x128xf32, #tpu.memory_space<vmem_shared>> -> memref<80x128xf32, #tpu.memory_space<vmem_shared>>
        tpu.enqueue_dma source(%dma_start3A_184 : memref<80x128xf32, #tpu.memory_space<vmem_shared>>) target(%dma_start3A_182 : memref<80x128xf32, #tpu.memory_space<vmem>>) target_semaphore(%run_scoped3A : memref<!tpu.dma_semaphore, #tpu.memory_space<semaphore_mem>>)
        %dma_wait3A = arith.constant 0 : i32
        %dma_wait3A_185 = arith.constant 0 : i32
        %dma_wait3A_186 = tpu.memref_slice %arg8[%dma_wait3A, %dma_wait3A_185] : memref<125x128xf32, #tpu.memory_space<vmem>> -> memref<80x128xf32, #tpu.memory_space<vmem>>
        %dma_wait3A_187 = arith.constant 0 : i32
        %dma_wait3A_188 = tpu.memref_slice %arg10[%multiple_of3A_117, %dma_wait3A_187] : memref<10000x128xf32, #tpu.memory_space<vmem_shared>> -> memref<80x128xf32, #tpu.memory_space<vmem_shared>>
        %dma_wait3A_189 = arith.constant 0 : i32
        %dma_wait3A_190 = arith.constant 0 : i32
        %dma_wait3A_191 = tpu.memref_slice %arg8[%dma_wait3A_189, %dma_wait3A_190] : memref<125x128xf32, #tpu.memory_space<vmem>> -> memref<80x128xf32, #tpu.memory_space<vmem>>
        %dma_wait3A_192 = arith.constant 0 : i32
        %dma_wait3A_193 = tpu.memref_slice %arg10[%multiple_of3A_117, %dma_wait3A_192] : memref<10000x128xf32, #tpu.memory_space<vmem_shared>> -> memref<80x128xf32, #tpu.memory_space<vmem_shared>>
        tpu.wait_dma2 semaphore(%run_scoped3A : memref<!tpu.dma_semaphore, #tpu.memory_space<semaphore_mem>>) src(%dma_wait3A_193 : memref<80x128xf32, #tpu.memory_space<vmem_shared>>) dst(%dma_wait3A_191 : memref<80x128xf32, #tpu.memory_space<vmem>>)
        tpu.yield
      }) : () -> ()
      %mul3A_173 = arith.constant 10000 : i32
      %mul3A_174 = arith.muli %arg0, %mul3A_173 : i32
      %add3A_175 = arith.addi %mul3A_174, %multiple_of3A_117 : i32
      "tpu.region"() ({
        %run_scoped3A = tpu.sem_alloc : memref<!tpu.dma_semaphore, #tpu.memory_space<semaphore_mem>>
        %dma_start3A = arith.constant 0 : i32
        %dma_start3A_176 = arith.constant 0 : i32
        %dma_start3A_177 = tpu.memref_slice %arg8[%dma_start3A, %dma_start3A_176] : memref<125x128xf32, #tpu.memory_space<vmem>> -> memref<80x128xf32, #tpu.memory_space<vmem>>
        %dma_start3A_178 = arith.constant 0 : i32
        %dma_start3A_179 = tpu.memref_slice %arg5[%add3A_175, %dma_start3A_178] : memref<20000x128xf32, #tpu.memory_space<hbm>> -> memref<80x128xf32, #tpu.memory_space<hbm>>
        %dma_start3A_180 = arith.constant 0 : i32
        %dma_start3A_181 = tpu.memref_slice %arg5[%add3A_175, %dma_start3A_180] : memref<20000x128xf32, #tpu.memory_space<hbm>> -> memref<80x128xf32, #tpu.memory_space<hbm>>
        %dma_start3A_182 = arith.constant 0 : i32
        %dma_start3A_183 = arith.constant 0 : i32
        %dma_start3A_184 = tpu.memref_slice %arg8[%dma_start3A_182, %dma_start3A_183] : memref<125x128xf32, #tpu.memory_space<vmem>> -> memref<80x128xf32, #tpu.memory_space<vmem>>
        tpu.enqueue_dma source(%dma_start3A_184 : memref<80x128xf32, #tpu.memory_space<vmem>>) target(%dma_start3A_181 : memref<80x128xf32, #tpu.memory_space<hbm>>) target_semaphore(%run_scoped3A : memref<!tpu.dma_semaphore, #tpu.memory_space<semaphore_mem>>)
        %dma_wait3A = arith.constant 0 : i32
        %dma_wait3A_185 = arith.constant 0 : i32
        %dma_wait3A_186 = tpu.memref_slice %arg8[%dma_wait3A, %dma_wait3A_185] : memref<125x128xf32, #tpu.memory_space<vmem>> -> memref<80x128xf32, #tpu.memory_space<vmem>>
        %dma_wait3A_187 = arith.constant 0 : i32
        %dma_wait3A_188 = tpu.memref_slice %arg5[%add3A_175, %dma_wait3A_187] : memref<20000x128xf32, #tpu.memory_space<hbm>> -> memref<80x128xf32, #tpu.memory_space<hbm>>
        %dma_wait3A_189 = arith.constant 0 : i32
        %dma_wait3A_190 = tpu.memref_slice %arg5[%add3A_175, %dma_wait3A_189] : memref<20000x128xf32, #tpu.memory_space<hbm>> -> memref<80x128xf32, #tpu.memory_space<hbm>>
        %dma_wait3A_191 = arith.constant 0 : i32
        %dma_wait3A_192 = arith.constant 0 : i32
        %dma_wait3A_193 = tpu.memref_slice %arg8[%dma_wait3A_191, %dma_wait3A_192] : memref<125x128xf32, #tpu.memory_space<vmem>> -> memref<80x128xf32, #tpu.memory_space<vmem>>
        tpu.wait_dma2 semaphore(%run_scoped3A : memref<!tpu.dma_semaphore, #tpu.memory_space<semaphore_mem>>) src(%dma_wait3A_193 : memref<80x128xf32, #tpu.memory_space<vmem>>) dst(%dma_wait3A_190 : memref<80x128xf32, #tpu.memory_space<hbm>>)
        tpu.yield
      }) : () -> ()
    } else {
    }
    %mul3A_123 = arith.constant 640 : i32
    %mul3A_124 = arith.muli %arg1, %mul3A_123 : i32
    %add3A_125 = arith.constant 240 : i32
    %add3A_126 = arith.addi %mul3A_124, %add3A_125 : i32
    %multiple_of3A_127 = tpu.assume_multiple %add3A_126, 8 : i32
    %lt3A_128 = arith.constant 10000 : i32
    %lt3A_129 = arith.cmpi slt, %multiple_of3A_127, %lt3A_128 : i32
    %convert_element_type3A_130 = arith.extui %lt3A_129 : i1 to i32
    %cond3A_131 = arith.constant 0 : i32
    %cond3A_132 = arith.cmpi ne, %convert_element_type3A_130, %cond3A_131 : i32
    scf.if %cond3A_132 {
      "tpu.region"() ({
        %run_scoped3A = tpu.sem_alloc : memref<!tpu.dma_semaphore, #tpu.memory_space<semaphore_mem>>
        %dma_start3A = arith.constant 0 : i32
        %dma_start3A_176 = arith.constant 0 : i32
        %dma_start3A_177 = tpu.memref_slice %arg8[%dma_start3A, %dma_start3A_176] : memref<125x128xf32, #tpu.memory_space<vmem>> -> memref<80x128xf32, #tpu.memory_space<vmem>>
        %dma_start3A_178 = arith.constant 0 : i32
        %dma_start3A_179 = tpu.memref_slice %arg10[%multiple_of3A_127, %dma_start3A_178] : memref<10000x128xf32, #tpu.memory_space<vmem_shared>> -> memref<80x128xf32, #tpu.memory_space<vmem_shared>>
        %dma_start3A_180 = arith.constant 0 : i32
        %dma_start3A_181 = arith.constant 0 : i32
        %dma_start3A_182 = tpu.memref_slice %arg8[%dma_start3A_180, %dma_start3A_181] : memref<125x128xf32, #tpu.memory_space<vmem>> -> memref<80x128xf32, #tpu.memory_space<vmem>>
        %dma_start3A_183 = arith.constant 0 : i32
        %dma_start3A_184 = tpu.memref_slice %arg10[%multiple_of3A_127, %dma_start3A_183] : memref<10000x128xf32, #tpu.memory_space<vmem_shared>> -> memref<80x128xf32, #tpu.memory_space<vmem_shared>>
        tpu.enqueue_dma source(%dma_start3A_184 : memref<80x128xf32, #tpu.memory_space<vmem_shared>>) target(%dma_start3A_182 : memref<80x128xf32, #tpu.memory_space<vmem>>) target_semaphore(%run_scoped3A : memref<!tpu.dma_semaphore, #tpu.memory_space<semaphore_mem>>)
        %dma_wait3A = arith.constant 0 : i32
        %dma_wait3A_185 = arith.constant 0 : i32
        %dma_wait3A_186 = tpu.memref_slice %arg8[%dma_wait3A, %dma_wait3A_185] : memref<125x128xf32, #tpu.memory_space<vmem>> -> memref<80x128xf32, #tpu.memory_space<vmem>>
        %dma_wait3A_187 = arith.constant 0 : i32
        %dma_wait3A_188 = tpu.memref_slice %arg10[%multiple_of3A_127, %dma_wait3A_187] : memref<10000x128xf32, #tpu.memory_space<vmem_shared>> -> memref<80x128xf32, #tpu.memory_space<vmem_shared>>
        %dma_wait3A_189 = arith.constant 0 : i32
        %dma_wait3A_190 = arith.constant 0 : i32
        %dma_wait3A_191 = tpu.memref_slice %arg8[%dma_wait3A_189, %dma_wait3A_190] : memref<125x128xf32, #tpu.memory_space<vmem>> -> memref<80x128xf32, #tpu.memory_space<vmem>>
        %dma_wait3A_192 = arith.constant 0 : i32
        %dma_wait3A_193 = tpu.memref_slice %arg10[%multiple_of3A_127, %dma_wait3A_192] : memref<10000x128xf32, #tpu.memory_space<vmem_shared>> -> memref<80x128xf32, #tpu.memory_space<vmem_shared>>
        tpu.wait_dma2 semaphore(%run_scoped3A : memref<!tpu.dma_semaphore, #tpu.memory_space<semaphore_mem>>) src(%dma_wait3A_193 : memref<80x128xf32, #tpu.memory_space<vmem_shared>>) dst(%dma_wait3A_191 : memref<80x128xf32, #tpu.memory_space<vmem>>)
        tpu.yield
      }) : () -> ()
      %mul3A_173 = arith.constant 10000 : i32
      %mul3A_174 = arith.muli %arg0, %mul3A_173 : i32
      %add3A_175 = arith.addi %mul3A_174, %multiple_of3A_127 : i32
      "tpu.region"() ({
        %run_scoped3A = tpu.sem_alloc : memref<!tpu.dma_semaphore, #tpu.memory_space<semaphore_mem>>
        %dma_start3A = arith.constant 0 : i32
        %dma_start3A_176 = arith.constant 0 : i32
        %dma_start3A_177 = tpu.memref_slice %arg8[%dma_start3A, %dma_start3A_176] : memref<125x128xf32, #tpu.memory_space<vmem>> -> memref<80x128xf32, #tpu.memory_space<vmem>>
        %dma_start3A_178 = arith.constant 0 : i32
        %dma_start3A_179 = tpu.memref_slice %arg5[%add3A_175, %dma_start3A_178] : memref<20000x128xf32, #tpu.memory_space<hbm>> -> memref<80x128xf32, #tpu.memory_space<hbm>>
        %dma_start3A_180 = arith.constant 0 : i32
        %dma_start3A_181 = tpu.memref_slice %arg5[%add3A_175, %dma_start3A_180] : memref<20000x128xf32, #tpu.memory_space<hbm>> -> memref<80x128xf32, #tpu.memory_space<hbm>>
        %dma_start3A_182 = arith.constant 0 : i32
        %dma_start3A_183 = arith.constant 0 : i32
        %dma_start3A_184 = tpu.memref_slice %arg8[%dma_start3A_182, %dma_start3A_183] : memref<125x128xf32, #tpu.memory_space<vmem>> -> memref<80x128xf32, #tpu.memory_space<vmem>>
        tpu.enqueue_dma source(%dma_start3A_184 : memref<80x128xf32, #tpu.memory_space<vmem>>) target(%dma_start3A_181 : memref<80x128xf32, #tpu.memory_space<hbm>>) target_semaphore(%run_scoped3A : memref<!tpu.dma_semaphore, #tpu.memory_space<semaphore_mem>>)
        %dma_wait3A = arith.constant 0 : i32
        %dma_wait3A_185 = arith.constant 0 : i32
        %dma_wait3A_186 = tpu.memref_slice %arg8[%dma_wait3A, %dma_wait3A_185] : memref<125x128xf32, #tpu.memory_space<vmem>> -> memref<80x128xf32, #tpu.memory_space<vmem>>
        %dma_wait3A_187 = arith.constant 0 : i32
        %dma_wait3A_188 = tpu.memref_slice %arg5[%add3A_175, %dma_wait3A_187] : memref<20000x128xf32, #tpu.memory_space<hbm>> -> memref<80x128xf32, #tpu.memory_space<hbm>>
        %dma_wait3A_189 = arith.constant 0 : i32
        %dma_wait3A_190 = tpu.memref_slice %arg5[%add3A_175, %dma_wait3A_189] : memref<20000x128xf32, #tpu.memory_space<hbm>> -> memref<80x128xf32, #tpu.memory_space<hbm>>
        %dma_wait3A_191 = arith.constant 0 : i32
        %dma_wait3A_192 = arith.constant 0 : i32
        %dma_wait3A_193 = tpu.memref_slice %arg8[%dma_wait3A_191, %dma_wait3A_192] : memref<125x128xf32, #tpu.memory_space<vmem>> -> memref<80x128xf32, #tpu.memory_space<vmem>>
        tpu.wait_dma2 semaphore(%run_scoped3A : memref<!tpu.dma_semaphore, #tpu.memory_space<semaphore_mem>>) src(%dma_wait3A_193 : memref<80x128xf32, #tpu.memory_space<vmem>>) dst(%dma_wait3A_190 : memref<80x128xf32, #tpu.memory_space<hbm>>)
        tpu.yield
      }) : () -> ()
    } else {
    }
    %mul3A_133 = arith.constant 640 : i32
    %mul3A_134 = arith.muli %arg1, %mul3A_133 : i32
    %add3A_135 = arith.constant 320 : i32
    %add3A_136 = arith.addi %mul3A_134, %add3A_135 : i32
    %multiple_of3A_137 = tpu.assume_multiple %add3A_136, 8 : i32
    %lt3A_138 = arith.constant 10000 : i32
    %lt3A_139 = arith.cmpi slt, %multiple_of3A_137, %lt3A_138 : i32
    %convert_element_type3A_140 = arith.extui %lt3A_139 : i1 to i32
    %cond3A_141 = arith.constant 0 : i32
    %cond3A_142 = arith.cmpi ne, %convert_element_type3A_140, %cond3A_141 : i32
    scf.if %cond3A_142 {
      "tpu.region"() ({
        %run_scoped3A = tpu.sem_alloc : memref<!tpu.dma_semaphore, #tpu.memory_space<semaphore_mem>>
        %dma_start3A = arith.constant 0 : i32
        %dma_start3A_176 = arith.constant 0 : i32
        %dma_start3A_177 = tpu.memref_slice %arg8[%dma_start3A, %dma_start3A_176] : memref<125x128xf32, #tpu.memory_space<vmem>> -> memref<80x128xf32, #tpu.memory_space<vmem>>
        %dma_start3A_178 = arith.constant 0 : i32
        %dma_start3A_179 = tpu.memref_slice %arg10[%multiple_of3A_137, %dma_start3A_178] : memref<10000x128xf32, #tpu.memory_space<vmem_shared>> -> memref<80x128xf32, #tpu.memory_space<vmem_shared>>
        %dma_start3A_180 = arith.constant 0 : i32
        %dma_start3A_181 = arith.constant 0 : i32
        %dma_start3A_182 = tpu.memref_slice %arg8[%dma_start3A_180, %dma_start3A_181] : memref<125x128xf32, #tpu.memory_space<vmem>> -> memref<80x128xf32, #tpu.memory_space<vmem>>
        %dma_start3A_183 = arith.constant 0 : i32
        %dma_start3A_184 = tpu.memref_slice %arg10[%multiple_of3A_137, %dma_start3A_183] : memref<10000x128xf32, #tpu.memory_space<vmem_shared>> -> memref<80x128xf32, #tpu.memory_space<vmem_shared>>
        tpu.enqueue_dma source(%dma_start3A_184 : memref<80x128xf32, #tpu.memory_space<vmem_shared>>) target(%dma_start3A_182 : memref<80x128xf32, #tpu.memory_space<vmem>>) target_semaphore(%run_scoped3A : memref<!tpu.dma_semaphore, #tpu.memory_space<semaphore_mem>>)
        %dma_wait3A = arith.constant 0 : i32
        %dma_wait3A_185 = arith.constant 0 : i32
        %dma_wait3A_186 = tpu.memref_slice %arg8[%dma_wait3A, %dma_wait3A_185] : memref<125x128xf32, #tpu.memory_space<vmem>> -> memref<80x128xf32, #tpu.memory_space<vmem>>
        %dma_wait3A_187 = arith.constant 0 : i32
        %dma_wait3A_188 = tpu.memref_slice %arg10[%multiple_of3A_137, %dma_wait3A_187] : memref<10000x128xf32, #tpu.memory_space<vmem_shared>> -> memref<80x128xf32, #tpu.memory_space<vmem_shared>>
        %dma_wait3A_189 = arith.constant 0 : i32
        %dma_wait3A_190 = arith.constant 0 : i32
        %dma_wait3A_191 = tpu.memref_slice %arg8[%dma_wait3A_189, %dma_wait3A_190] : memref<125x128xf32, #tpu.memory_space<vmem>> -> memref<80x128xf32, #tpu.memory_space<vmem>>
        %dma_wait3A_192 = arith.constant 0 : i32
        %dma_wait3A_193 = tpu.memref_slice %arg10[%multiple_of3A_137, %dma_wait3A_192] : memref<10000x128xf32, #tpu.memory_space<vmem_shared>> -> memref<80x128xf32, #tpu.memory_space<vmem_shared>>
        tpu.wait_dma2 semaphore(%run_scoped3A : memref<!tpu.dma_semaphore, #tpu.memory_space<semaphore_mem>>) src(%dma_wait3A_193 : memref<80x128xf32, #tpu.memory_space<vmem_shared>>) dst(%dma_wait3A_191 : memref<80x128xf32, #tpu.memory_space<vmem>>)
        tpu.yield
      }) : () -> ()
      %mul3A_173 = arith.constant 10000 : i32
      %mul3A_174 = arith.muli %arg0, %mul3A_173 : i32
      %add3A_175 = arith.addi %mul3A_174, %multiple_of3A_137 : i32
      "tpu.region"() ({
        %run_scoped3A = tpu.sem_alloc : memref<!tpu.dma_semaphore, #tpu.memory_space<semaphore_mem>>
        %dma_start3A = arith.constant 0 : i32
        %dma_start3A_176 = arith.constant 0 : i32
        %dma_start3A_177 = tpu.memref_slice %arg8[%dma_start3A, %dma_start3A_176] : memref<125x128xf32, #tpu.memory_space<vmem>> -> memref<80x128xf32, #tpu.memory_space<vmem>>
        %dma_start3A_178 = arith.constant 0 : i32
        %dma_start3A_179 = tpu.memref_slice %arg5[%add3A_175, %dma_start3A_178] : memref<20000x128xf32, #tpu.memory_space<hbm>> -> memref<80x128xf32, #tpu.memory_space<hbm>>
        %dma_start3A_180 = arith.constant 0 : i32
        %dma_start3A_181 = tpu.memref_slice %arg5[%add3A_175, %dma_start3A_180] : memref<20000x128xf32, #tpu.memory_space<hbm>> -> memref<80x128xf32, #tpu.memory_space<hbm>>
        %dma_start3A_182 = arith.constant 0 : i32
        %dma_start3A_183 = arith.constant 0 : i32
        %dma_start3A_184 = tpu.memref_slice %arg8[%dma_start3A_182, %dma_start3A_183] : memref<125x128xf32, #tpu.memory_space<vmem>> -> memref<80x128xf32, #tpu.memory_space<vmem>>
        tpu.enqueue_dma source(%dma_start3A_184 : memref<80x128xf32, #tpu.memory_space<vmem>>) target(%dma_start3A_181 : memref<80x128xf32, #tpu.memory_space<hbm>>) target_semaphore(%run_scoped3A : memref<!tpu.dma_semaphore, #tpu.memory_space<semaphore_mem>>)
        %dma_wait3A = arith.constant 0 : i32
        %dma_wait3A_185 = arith.constant 0 : i32
        %dma_wait3A_186 = tpu.memref_slice %arg8[%dma_wait3A, %dma_wait3A_185] : memref<125x128xf32, #tpu.memory_space<vmem>> -> memref<80x128xf32, #tpu.memory_space<vmem>>
        %dma_wait3A_187 = arith.constant 0 : i32
        %dma_wait3A_188 = tpu.memref_slice %arg5[%add3A_175, %dma_wait3A_187] : memref<20000x128xf32, #tpu.memory_space<hbm>> -> memref<80x128xf32, #tpu.memory_space<hbm>>
        %dma_wait3A_189 = arith.constant 0 : i32
        %dma_wait3A_190 = tpu.memref_slice %arg5[%add3A_175, %dma_wait3A_189] : memref<20000x128xf32, #tpu.memory_space<hbm>> -> memref<80x128xf32, #tpu.memory_space<hbm>>
        %dma_wait3A_191 = arith.constant 0 : i32
        %dma_wait3A_192 = arith.constant 0 : i32
        %dma_wait3A_193 = tpu.memref_slice %arg8[%dma_wait3A_191, %dma_wait3A_192] : memref<125x128xf32, #tpu.memory_space<vmem>> -> memref<80x128xf32, #tpu.memory_space<vmem>>
        tpu.wait_dma2 semaphore(%run_scoped3A : memref<!tpu.dma_semaphore, #tpu.memory_space<semaphore_mem>>) src(%dma_wait3A_193 : memref<80x128xf32, #tpu.memory_space<vmem>>) dst(%dma_wait3A_190 : memref<80x128xf32, #tpu.memory_space<hbm>>)
        tpu.yield
      }) : () -> ()
    } else {
    }
    %mul3A_143 = arith.constant 640 : i32
    %mul3A_144 = arith.muli %arg1, %mul3A_143 : i32
    %add3A_145 = arith.constant 400 : i32
    %add3A_146 = arith.addi %mul3A_144, %add3A_145 : i32
    %multiple_of3A_147 = tpu.assume_multiple %add3A_146, 8 : i32
    %lt3A_148 = arith.constant 10000 : i32
    %lt3A_149 = arith.cmpi slt, %multiple_of3A_147, %lt3A_148 : i32
    %convert_element_type3A_150 = arith.extui %lt3A_149 : i1 to i32
    %cond3A_151 = arith.constant 0 : i32
    %cond3A_152 = arith.cmpi ne, %convert_element_type3A_150, %cond3A_151 : i32
    scf.if %cond3A_152 {
      "tpu.region"() ({
        %run_scoped3A = tpu.sem_alloc : memref<!tpu.dma_semaphore, #tpu.memory_space<semaphore_mem>>
        %dma_start3A = arith.constant 0 : i32
        %dma_start3A_176 = arith.constant 0 : i32
        %dma_start3A_177 = tpu.memref_slice %arg8[%dma_start3A, %dma_start3A_176] : memref<125x128xf32, #tpu.memory_space<vmem>> -> memref<80x128xf32, #tpu.memory_space<vmem>>
        %dma_start3A_178 = arith.constant 0 : i32
        %dma_start3A_179 = tpu.memref_slice %arg10[%multiple_of3A_147, %dma_start3A_178] : memref<10000x128xf32, #tpu.memory_space<vmem_shared>> -> memref<80x128xf32, #tpu.memory_space<vmem_shared>>
        %dma_start3A_180 = arith.constant 0 : i32
        %dma_start3A_181 = arith.constant 0 : i32
        %dma_start3A_182 = tpu.memref_slice %arg8[%dma_start3A_180, %dma_start3A_181] : memref<125x128xf32, #tpu.memory_space<vmem>> -> memref<80x128xf32, #tpu.memory_space<vmem>>
        %dma_start3A_183 = arith.constant 0 : i32
        %dma_start3A_184 = tpu.memref_slice %arg10[%multiple_of3A_147, %dma_start3A_183] : memref<10000x128xf32, #tpu.memory_space<vmem_shared>> -> memref<80x128xf32, #tpu.memory_space<vmem_shared>>
        tpu.enqueue_dma source(%dma_start3A_184 : memref<80x128xf32, #tpu.memory_space<vmem_shared>>) target(%dma_start3A_182 : memref<80x128xf32, #tpu.memory_space<vmem>>) target_semaphore(%run_scoped3A : memref<!tpu.dma_semaphore, #tpu.memory_space<semaphore_mem>>)
        %dma_wait3A = arith.constant 0 : i32
        %dma_wait3A_185 = arith.constant 0 : i32
        %dma_wait3A_186 = tpu.memref_slice %arg8[%dma_wait3A, %dma_wait3A_185] : memref<125x128xf32, #tpu.memory_space<vmem>> -> memref<80x128xf32, #tpu.memory_space<vmem>>
        %dma_wait3A_187 = arith.constant 0 : i32
        %dma_wait3A_188 = tpu.memref_slice %arg10[%multiple_of3A_147, %dma_wait3A_187] : memref<10000x128xf32, #tpu.memory_space<vmem_shared>> -> memref<80x128xf32, #tpu.memory_space<vmem_shared>>
        %dma_wait3A_189 = arith.constant 0 : i32
        %dma_wait3A_190 = arith.constant 0 : i32
        %dma_wait3A_191 = tpu.memref_slice %arg8[%dma_wait3A_189, %dma_wait3A_190] : memref<125x128xf32, #tpu.memory_space<vmem>> -> memref<80x128xf32, #tpu.memory_space<vmem>>
        %dma_wait3A_192 = arith.constant 0 : i32
        %dma_wait3A_193 = tpu.memref_slice %arg10[%multiple_of3A_147, %dma_wait3A_192] : memref<10000x128xf32, #tpu.memory_space<vmem_shared>> -> memref<80x128xf32, #tpu.memory_space<vmem_shared>>
        tpu.wait_dma2 semaphore(%run_scoped3A : memref<!tpu.dma_semaphore, #tpu.memory_space<semaphore_mem>>) src(%dma_wait3A_193 : memref<80x128xf32, #tpu.memory_space<vmem_shared>>) dst(%dma_wait3A_191 : memref<80x128xf32, #tpu.memory_space<vmem>>)
        tpu.yield
      }) : () -> ()
      %mul3A_173 = arith.constant 10000 : i32
      %mul3A_174 = arith.muli %arg0, %mul3A_173 : i32
      %add3A_175 = arith.addi %mul3A_174, %multiple_of3A_147 : i32
      "tpu.region"() ({
        %run_scoped3A = tpu.sem_alloc : memref<!tpu.dma_semaphore, #tpu.memory_space<semaphore_mem>>
        %dma_start3A = arith.constant 0 : i32
        %dma_start3A_176 = arith.constant 0 : i32
        %dma_start3A_177 = tpu.memref_slice %arg8[%dma_start3A, %dma_start3A_176] : memref<125x128xf32, #tpu.memory_space<vmem>> -> memref<80x128xf32, #tpu.memory_space<vmem>>
        %dma_start3A_178 = arith.constant 0 : i32
        %dma_start3A_179 = tpu.memref_slice %arg5[%add3A_175, %dma_start3A_178] : memref<20000x128xf32, #tpu.memory_space<hbm>> -> memref<80x128xf32, #tpu.memory_space<hbm>>
        %dma_start3A_180 = arith.constant 0 : i32
        %dma_start3A_181 = tpu.memref_slice %arg5[%add3A_175, %dma_start3A_180] : memref<20000x128xf32, #tpu.memory_space<hbm>> -> memref<80x128xf32, #tpu.memory_space<hbm>>
        %dma_start3A_182 = arith.constant 0 : i32
        %dma_start3A_183 = arith.constant 0 : i32
        %dma_start3A_184 = tpu.memref_slice %arg8[%dma_start3A_182, %dma_start3A_183] : memref<125x128xf32, #tpu.memory_space<vmem>> -> memref<80x128xf32, #tpu.memory_space<vmem>>
        tpu.enqueue_dma source(%dma_start3A_184 : memref<80x128xf32, #tpu.memory_space<vmem>>) target(%dma_start3A_181 : memref<80x128xf32, #tpu.memory_space<hbm>>) target_semaphore(%run_scoped3A : memref<!tpu.dma_semaphore, #tpu.memory_space<semaphore_mem>>)
        %dma_wait3A = arith.constant 0 : i32
        %dma_wait3A_185 = arith.constant 0 : i32
        %dma_wait3A_186 = tpu.memref_slice %arg8[%dma_wait3A, %dma_wait3A_185] : memref<125x128xf32, #tpu.memory_space<vmem>> -> memref<80x128xf32, #tpu.memory_space<vmem>>
        %dma_wait3A_187 = arith.constant 0 : i32
        %dma_wait3A_188 = tpu.memref_slice %arg5[%add3A_175, %dma_wait3A_187] : memref<20000x128xf32, #tpu.memory_space<hbm>> -> memref<80x128xf32, #tpu.memory_space<hbm>>
        %dma_wait3A_189 = arith.constant 0 : i32
        %dma_wait3A_190 = tpu.memref_slice %arg5[%add3A_175, %dma_wait3A_189] : memref<20000x128xf32, #tpu.memory_space<hbm>> -> memref<80x128xf32, #tpu.memory_space<hbm>>
        %dma_wait3A_191 = arith.constant 0 : i32
        %dma_wait3A_192 = arith.constant 0 : i32
        %dma_wait3A_193 = tpu.memref_slice %arg8[%dma_wait3A_191, %dma_wait3A_192] : memref<125x128xf32, #tpu.memory_space<vmem>> -> memref<80x128xf32, #tpu.memory_space<vmem>>
        tpu.wait_dma2 semaphore(%run_scoped3A : memref<!tpu.dma_semaphore, #tpu.memory_space<semaphore_mem>>) src(%dma_wait3A_193 : memref<80x128xf32, #tpu.memory_space<vmem>>) dst(%dma_wait3A_190 : memref<80x128xf32, #tpu.memory_space<hbm>>)
        tpu.yield
      }) : () -> ()
    } else {
    }
    %mul3A_153 = arith.constant 640 : i32
    %mul3A_154 = arith.muli %arg1, %mul3A_153 : i32
    %add3A_155 = arith.constant 480 : i32
    %add3A_156 = arith.addi %mul3A_154, %add3A_155 : i32
    %multiple_of3A_157 = tpu.assume_multiple %add3A_156, 8 : i32
    %lt3A_158 = arith.constant 10000 : i32
    %lt3A_159 = arith.cmpi slt, %multiple_of3A_157, %lt3A_158 : i32
    %convert_element_type3A_160 = arith.extui %lt3A_159 : i1 to i32
    %cond3A_161 = arith.constant 0 : i32
    %cond3A_162 = arith.cmpi ne, %convert_element_type3A_160, %cond3A_161 : i32
    scf.if %cond3A_162 {
      "tpu.region"() ({
        %run_scoped3A = tpu.sem_alloc : memref<!tpu.dma_semaphore, #tpu.memory_space<semaphore_mem>>
        %dma_start3A = arith.constant 0 : i32
        %dma_start3A_176 = arith.constant 0 : i32
        %dma_start3A_177 = tpu.memref_slice %arg8[%dma_start3A, %dma_start3A_176] : memref<125x128xf32, #tpu.memory_space<vmem>> -> memref<80x128xf32, #tpu.memory_space<vmem>>
        %dma_start3A_178 = arith.constant 0 : i32
        %dma_start3A_179 = tpu.memref_slice %arg10[%multiple_of3A_157, %dma_start3A_178] : memref<10000x128xf32, #tpu.memory_space<vmem_shared>> -> memref<80x128xf32, #tpu.memory_space<vmem_shared>>
        %dma_start3A_180 = arith.constant 0 : i32
        %dma_start3A_181 = arith.constant 0 : i32
        %dma_start3A_182 = tpu.memref_slice %arg8[%dma_start3A_180, %dma_start3A_181] : memref<125x128xf32, #tpu.memory_space<vmem>> -> memref<80x128xf32, #tpu.memory_space<vmem>>
        %dma_start3A_183 = arith.constant 0 : i32
        %dma_start3A_184 = tpu.memref_slice %arg10[%multiple_of3A_157, %dma_start3A_183] : memref<10000x128xf32, #tpu.memory_space<vmem_shared>> -> memref<80x128xf32, #tpu.memory_space<vmem_shared>>
        tpu.enqueue_dma source(%dma_start3A_184 : memref<80x128xf32, #tpu.memory_space<vmem_shared>>) target(%dma_start3A_182 : memref<80x128xf32, #tpu.memory_space<vmem>>) target_semaphore(%run_scoped3A : memref<!tpu.dma_semaphore, #tpu.memory_space<semaphore_mem>>)
        %dma_wait3A = arith.constant 0 : i32
        %dma_wait3A_185 = arith.constant 0 : i32
        %dma_wait3A_186 = tpu.memref_slice %arg8[%dma_wait3A, %dma_wait3A_185] : memref<125x128xf32, #tpu.memory_space<vmem>> -> memref<80x128xf32, #tpu.memory_space<vmem>>
        %dma_wait3A_187 = arith.constant 0 : i32
        %dma_wait3A_188 = tpu.memref_slice %arg10[%multiple_of3A_157, %dma_wait3A_187] : memref<10000x128xf32, #tpu.memory_space<vmem_shared>> -> memref<80x128xf32, #tpu.memory_space<vmem_shared>>
        %dma_wait3A_189 = arith.constant 0 : i32
        %dma_wait3A_190 = arith.constant 0 : i32
        %dma_wait3A_191 = tpu.memref_slice %arg8[%dma_wait3A_189, %dma_wait3A_190] : memref<125x128xf32, #tpu.memory_space<vmem>> -> memref<80x128xf32, #tpu.memory_space<vmem>>
        %dma_wait3A_192 = arith.constant 0 : i32
        %dma_wait3A_193 = tpu.memref_slice %arg10[%multiple_of3A_157, %dma_wait3A_192] : memref<10000x128xf32, #tpu.memory_space<vmem_shared>> -> memref<80x128xf32, #tpu.memory_space<vmem_shared>>
        tpu.wait_dma2 semaphore(%run_scoped3A : memref<!tpu.dma_semaphore, #tpu.memory_space<semaphore_mem>>) src(%dma_wait3A_193 : memref<80x128xf32, #tpu.memory_space<vmem_shared>>) dst(%dma_wait3A_191 : memref<80x128xf32, #tpu.memory_space<vmem>>)
        tpu.yield
      }) : () -> ()
      %mul3A_173 = arith.constant 10000 : i32
      %mul3A_174 = arith.muli %arg0, %mul3A_173 : i32
      %add3A_175 = arith.addi %mul3A_174, %multiple_of3A_157 : i32
      "tpu.region"() ({
        %run_scoped3A = tpu.sem_alloc : memref<!tpu.dma_semaphore, #tpu.memory_space<semaphore_mem>>
        %dma_start3A = arith.constant 0 : i32
        %dma_start3A_176 = arith.constant 0 : i32
        %dma_start3A_177 = tpu.memref_slice %arg8[%dma_start3A, %dma_start3A_176] : memref<125x128xf32, #tpu.memory_space<vmem>> -> memref<80x128xf32, #tpu.memory_space<vmem>>
        %dma_start3A_178 = arith.constant 0 : i32
        %dma_start3A_179 = tpu.memref_slice %arg5[%add3A_175, %dma_start3A_178] : memref<20000x128xf32, #tpu.memory_space<hbm>> -> memref<80x128xf32, #tpu.memory_space<hbm>>
        %dma_start3A_180 = arith.constant 0 : i32
        %dma_start3A_181 = tpu.memref_slice %arg5[%add3A_175, %dma_start3A_180] : memref<20000x128xf32, #tpu.memory_space<hbm>> -> memref<80x128xf32, #tpu.memory_space<hbm>>
        %dma_start3A_182 = arith.constant 0 : i32
        %dma_start3A_183 = arith.constant 0 : i32
        %dma_start3A_184 = tpu.memref_slice %arg8[%dma_start3A_182, %dma_start3A_183] : memref<125x128xf32, #tpu.memory_space<vmem>> -> memref<80x128xf32, #tpu.memory_space<vmem>>
        tpu.enqueue_dma source(%dma_start3A_184 : memref<80x128xf32, #tpu.memory_space<vmem>>) target(%dma_start3A_181 : memref<80x128xf32, #tpu.memory_space<hbm>>) target_semaphore(%run_scoped3A : memref<!tpu.dma_semaphore, #tpu.memory_space<semaphore_mem>>)
        %dma_wait3A = arith.constant 0 : i32
        %dma_wait3A_185 = arith.constant 0 : i32
        %dma_wait3A_186 = tpu.memref_slice %arg8[%dma_wait3A, %dma_wait3A_185] : memref<125x128xf32, #tpu.memory_space<vmem>> -> memref<80x128xf32, #tpu.memory_space<vmem>>
        %dma_wait3A_187 = arith.constant 0 : i32
        %dma_wait3A_188 = tpu.memref_slice %arg5[%add3A_175, %dma_wait3A_187] : memref<20000x128xf32, #tpu.memory_space<hbm>> -> memref<80x128xf32, #tpu.memory_space<hbm>>
        %dma_wait3A_189 = arith.constant 0 : i32
        %dma_wait3A_190 = tpu.memref_slice %arg5[%add3A_175, %dma_wait3A_189] : memref<20000x128xf32, #tpu.memory_space<hbm>> -> memref<80x128xf32, #tpu.memory_space<hbm>>
        %dma_wait3A_191 = arith.constant 0 : i32
        %dma_wait3A_192 = arith.constant 0 : i32
        %dma_wait3A_193 = tpu.memref_slice %arg8[%dma_wait3A_191, %dma_wait3A_192] : memref<125x128xf32, #tpu.memory_space<vmem>> -> memref<80x128xf32, #tpu.memory_space<vmem>>
        tpu.wait_dma2 semaphore(%run_scoped3A : memref<!tpu.dma_semaphore, #tpu.memory_space<semaphore_mem>>) src(%dma_wait3A_193 : memref<80x128xf32, #tpu.memory_space<vmem>>) dst(%dma_wait3A_190 : memref<80x128xf32, #tpu.memory_space<hbm>>)
        tpu.yield
      }) : () -> ()
    } else {
    }
    %mul3A_163 = arith.constant 640 : i32
    %mul3A_164 = arith.muli %arg1, %mul3A_163 : i32
    %add3A_165 = arith.constant 560 : i32
    %add3A_166 = arith.addi %mul3A_164, %add3A_165 : i32
    %multiple_of3A_167 = tpu.assume_multiple %add3A_166, 8 : i32
    %lt3A_168 = arith.constant 10000 : i32
    %lt3A_169 = arith.cmpi slt, %multiple_of3A_167, %lt3A_168 : i32
    %convert_element_type3A_170 = arith.extui %lt3A_169 : i1 to i32
    %cond3A_171 = arith.constant 0 : i32
    %cond3A_172 = arith.cmpi ne, %convert_element_type3A_170, %cond3A_171 : i32
    scf.if %cond3A_172 {
      "tpu.region"() ({
        %run_scoped3A = tpu.sem_alloc : memref<!tpu.dma_semaphore, #tpu.memory_space<semaphore_mem>>
        %dma_start3A = arith.constant 0 : i32
        %dma_start3A_176 = arith.constant 0 : i32
        %dma_start3A_177 = tpu.memref_slice %arg8[%dma_start3A, %dma_start3A_176] : memref<125x128xf32, #tpu.memory_space<vmem>> -> memref<80x128xf32, #tpu.memory_space<vmem>>
        %dma_start3A_178 = arith.constant 0 : i32
        %dma_start3A_179 = tpu.memref_slice %arg10[%multiple_of3A_167, %dma_start3A_178] : memref<10000x128xf32, #tpu.memory_space<vmem_shared>> -> memref<80x128xf32, #tpu.memory_space<vmem_shared>>
        %dma_start3A_180 = arith.constant 0 : i32
        %dma_start3A_181 = arith.constant 0 : i32
        %dma_start3A_182 = tpu.memref_slice %arg8[%dma_start3A_180, %dma_start3A_181] : memref<125x128xf32, #tpu.memory_space<vmem>> -> memref<80x128xf32, #tpu.memory_space<vmem>>
        %dma_start3A_183 = arith.constant 0 : i32
        %dma_start3A_184 = tpu.memref_slice %arg10[%multiple_of3A_167, %dma_start3A_183] : memref<10000x128xf32, #tpu.memory_space<vmem_shared>> -> memref<80x128xf32, #tpu.memory_space<vmem_shared>>
        tpu.enqueue_dma source(%dma_start3A_184 : memref<80x128xf32, #tpu.memory_space<vmem_shared>>) target(%dma_start3A_182 : memref<80x128xf32, #tpu.memory_space<vmem>>) target_semaphore(%run_scoped3A : memref<!tpu.dma_semaphore, #tpu.memory_space<semaphore_mem>>)
        %dma_wait3A = arith.constant 0 : i32
        %dma_wait3A_185 = arith.constant 0 : i32
        %dma_wait3A_186 = tpu.memref_slice %arg8[%dma_wait3A, %dma_wait3A_185] : memref<125x128xf32, #tpu.memory_space<vmem>> -> memref<80x128xf32, #tpu.memory_space<vmem>>
        %dma_wait3A_187 = arith.constant 0 : i32
        %dma_wait3A_188 = tpu.memref_slice %arg10[%multiple_of3A_167, %dma_wait3A_187] : memref<10000x128xf32, #tpu.memory_space<vmem_shared>> -> memref<80x128xf32, #tpu.memory_space<vmem_shared>>
        %dma_wait3A_189 = arith.constant 0 : i32
        %dma_wait3A_190 = arith.constant 0 : i32
        %dma_wait3A_191 = tpu.memref_slice %arg8[%dma_wait3A_189, %dma_wait3A_190] : memref<125x128xf32, #tpu.memory_space<vmem>> -> memref<80x128xf32, #tpu.memory_space<vmem>>
        %dma_wait3A_192 = arith.constant 0 : i32
        %dma_wait3A_193 = tpu.memref_slice %arg10[%multiple_of3A_167, %dma_wait3A_192] : memref<10000x128xf32, #tpu.memory_space<vmem_shared>> -> memref<80x128xf32, #tpu.memory_space<vmem_shared>>
        tpu.wait_dma2 semaphore(%run_scoped3A : memref<!tpu.dma_semaphore, #tpu.memory_space<semaphore_mem>>) src(%dma_wait3A_193 : memref<80x128xf32, #tpu.memory_space<vmem_shared>>) dst(%dma_wait3A_191 : memref<80x128xf32, #tpu.memory_space<vmem>>)
        tpu.yield
      }) : () -> ()
      %mul3A_173 = arith.constant 10000 : i32
      %mul3A_174 = arith.muli %arg0, %mul3A_173 : i32
      %add3A_175 = arith.addi %mul3A_174, %multiple_of3A_167 : i32
      "tpu.region"() ({
        %run_scoped3A = tpu.sem_alloc : memref<!tpu.dma_semaphore, #tpu.memory_space<semaphore_mem>>
        %dma_start3A = arith.constant 0 : i32
        %dma_start3A_176 = arith.constant 0 : i32
        %dma_start3A_177 = tpu.memref_slice %arg8[%dma_start3A, %dma_start3A_176] : memref<125x128xf32, #tpu.memory_space<vmem>> -> memref<80x128xf32, #tpu.memory_space<vmem>>
        %dma_start3A_178 = arith.constant 0 : i32
        %dma_start3A_179 = tpu.memref_slice %arg5[%add3A_175, %dma_start3A_178] : memref<20000x128xf32, #tpu.memory_space<hbm>> -> memref<80x128xf32, #tpu.memory_space<hbm>>
        %dma_start3A_180 = arith.constant 0 : i32
        %dma_start3A_181 = tpu.memref_slice %arg5[%add3A_175, %dma_start3A_180] : memref<20000x128xf32, #tpu.memory_space<hbm>> -> memref<80x128xf32, #tpu.memory_space<hbm>>
        %dma_start3A_182 = arith.constant 0 : i32
        %dma_start3A_183 = arith.constant 0 : i32
        %dma_start3A_184 = tpu.memref_slice %arg8[%dma_start3A_182, %dma_start3A_183] : memref<125x128xf32, #tpu.memory_space<vmem>> -> memref<80x128xf32, #tpu.memory_space<vmem>>
        tpu.enqueue_dma source(%dma_start3A_184 : memref<80x128xf32, #tpu.memory_space<vmem>>) target(%dma_start3A_181 : memref<80x128xf32, #tpu.memory_space<hbm>>) target_semaphore(%run_scoped3A : memref<!tpu.dma_semaphore, #tpu.memory_space<semaphore_mem>>)
        %dma_wait3A = arith.constant 0 : i32
        %dma_wait3A_185 = arith.constant 0 : i32
        %dma_wait3A_186 = tpu.memref_slice %arg8[%dma_wait3A, %dma_wait3A_185] : memref<125x128xf32, #tpu.memory_space<vmem>> -> memref<80x128xf32, #tpu.memory_space<vmem>>
        %dma_wait3A_187 = arith.constant 0 : i32
        %dma_wait3A_188 = tpu.memref_slice %arg5[%add3A_175, %dma_wait3A_187] : memref<20000x128xf32, #tpu.memory_space<hbm>> -> memref<80x128xf32, #tpu.memory_space<hbm>>
        %dma_wait3A_189 = arith.constant 0 : i32
        %dma_wait3A_190 = tpu.memref_slice %arg5[%add3A_175, %dma_wait3A_189] : memref<20000x128xf32, #tpu.memory_space<hbm>> -> memref<80x128xf32, #tpu.memory_space<hbm>>
        %dma_wait3A_191 = arith.constant 0 : i32
        %dma_wait3A_192 = arith.constant 0 : i32
        %dma_wait3A_193 = tpu.memref_slice %arg8[%dma_wait3A_191, %dma_wait3A_192] : memref<125x128xf32, #tpu.memory_space<vmem>> -> memref<80x128xf32, #tpu.memory_space<vmem>>
        tpu.wait_dma2 semaphore(%run_scoped3A : memref<!tpu.dma_semaphore, #tpu.memory_space<semaphore_mem>>) src(%dma_wait3A_193 : memref<80x128xf32, #tpu.memory_space<vmem>>) dst(%dma_wait3A_190 : memref<80x128xf32, #tpu.memory_space<hbm>>)
        tpu.yield
      }) : () -> ()
    } else {
    }
    return
  }
}

module attributes {stable_mosaic.version = 14 : i64} {
  func.func @body(%arg0: memref<10000x128xf32, #tpu.memory_space<vmem>>, %arg1: memref<20000x128xf32, #tpu.memory_space<vmem>>, %arg2: memref<1x1xf32, #tpu.memory_space<vmem>>, %arg3: memref<128x256xf32, #tpu.memory_space<vmem>>, %arg4: memref<1x256xf32, #tpu.memory_space<vmem>>, %arg5: memref<1x256xf32, #tpu.memory_space<vmem>>, %arg6: memref<256x256xf32, #tpu.memory_space<vmem>>, %arg7: memref<1x256xf32, #tpu.memory_space<vmem>>, %arg8: memref<1x256xf32, #tpu.memory_space<vmem>>, %arg9: memref<10000x64xf32, #tpu.memory_space<vmem>>, %arg10: memref<20000x128xf32, #tpu.memory_space<vmem>>, %arg11: memref<64x256xf32, #tpu.memory_space<vmem>>) attributes {dimension_semantics = [], scalar_prefetch = 0 : i64, scratch_operands = 0 : i64, tpu.core_type = #tpu.core_type<tc>} {
    %get3A = arith.constant 0 : index
    %get3A_0 = arith.constant 0 : index
    %get3A_1 = vector.load %arg0[%get3A, %get3A_0] : memref<10000x128xf32, #tpu.memory_space<vmem>>, vector<10000x128xf32>
    %get3A_2 = arith.constant 0 : index
    %get3A_3 = arith.constant 0 : index
    %get3A_4 = vector.load %arg1[%get3A_2, %get3A_3] : memref<20000x128xf32, #tpu.memory_space<vmem>>, vector<10000x128xf32>
    %get3A_5 = arith.constant 10000 : index
    %get3A_6 = arith.constant 0 : index
    %get3A_7 = vector.load %arg1[%get3A_5, %get3A_6] : memref<20000x128xf32, #tpu.memory_space<vmem>>, vector<10000x128xf32>
    %add3A = arith.addf %get3A_4, %get3A_7 : vector<10000x128xf32>
    %get3A_8 = arith.constant 0 : index
    %get3A_9 = arith.constant 0 : index
    %get3A_10 = vector.load %arg2[%get3A_8, %get3A_9] : memref<1x1xf32, #tpu.memory_space<vmem>>, vector<1x1xf32>
    %get3A_11 = vector.extract %get3A_10[0, 0] : f32 from vector<1x1xf32>
    %add3A_12 = arith.constant 1.000000e+00 : f32
    %add3A_13 = arith.addf %add3A_12, %get3A_11 : f32
    %mul3A = vector.broadcast %add3A_13 : f32 to vector<10000x128xf32>
    %mul3A_14 = arith.mulf %mul3A, %get3A_1 : vector<10000x128xf32>
    %add3A_15 = arith.addf %mul3A_14, %add3A : vector<10000x128xf32>
    %get3A_16 = arith.constant 0 : index
    %get3A_17 = arith.constant 0 : index
    %get3A_18 = vector.load %arg3[%get3A_16, %get3A_17] : memref<128x256xf32, #tpu.memory_space<vmem>>, vector<128x256xf32>
    %dot_general3A = arith.constant dense<0.000000e+00> : vector<10000x256xf32>
    %dot_general3A_19 = tpu.matmul %add3A_15, %get3A_18, %dot_general3A {dimension_numbers = #tpu.dot_dimension_numbers<[1], [0], [0], [1], [0, 0, 1, 1], [], []>, transpose_lhs_hint = false} : vector<10000x128xf32>, vector<128x256xf32>, vector<10000x256xf32> -> vector<10000x256xf32>
    %reduce_sum3A = arith.constant dense<0.000000e+00> : vector<256xf32>
    %reduce_sum3A_20 = vector.multi_reduction <add>, %dot_general3A_19, %reduce_sum3A [0] : vector<10000x256xf32> to vector<256xf32>
    %broadcast_in_dim3A = vector.shape_cast %reduce_sum3A_20 : vector<256xf32> to vector<1x256xf32>
    %div3A = arith.constant 1.000000e+04 : f32
    %div3A_21 = vector.broadcast %div3A : f32 to vector<1x256xf32>
    %div3A_22 = arith.divf %broadcast_in_dim3A, %div3A_21 : vector<1x256xf32>
    %mul3A_23 = arith.mulf %dot_general3A_19, %dot_general3A_19 : vector<10000x256xf32>
    %reduce_sum3A_24 = arith.constant dense<0.000000e+00> : vector<256xf32>
    %reduce_sum3A_25 = vector.multi_reduction <add>, %mul3A_23, %reduce_sum3A_24 [0] : vector<10000x256xf32> to vector<256xf32>
    %broadcast_in_dim3A_26 = vector.shape_cast %reduce_sum3A_25 : vector<256xf32> to vector<1x256xf32>
    %div3A_27 = arith.constant 1.000000e+04 : f32
    %div3A_28 = vector.broadcast %div3A_27 : f32 to vector<1x256xf32>
    %div3A_29 = arith.divf %broadcast_in_dim3A_26, %div3A_28 : vector<1x256xf32>
    %mul3A_30 = arith.mulf %div3A_22, %div3A_22 : vector<1x256xf32>
    %sub3A = arith.subf %div3A_29, %mul3A_30 : vector<1x256xf32>
    %get3A_31 = arith.constant 0 : index
    %get3A_32 = arith.constant 0 : index
    %get3A_33 = vector.load %arg4[%get3A_31, %get3A_32] : memref<1x256xf32, #tpu.memory_space<vmem>>, vector<1x256xf32>
    %add3A_34 = arith.constant 9.99999974E-6 : f32
    %add3A_35 = vector.broadcast %add3A_34 : f32 to vector<1x256xf32>
    %add3A_36 = arith.addf %sub3A, %add3A_35 : vector<1x256xf32>
    %rsqrt3A = math.rsqrt %add3A_36 : vector<1x256xf32>
    %mul3A_37 = arith.mulf %get3A_33, %rsqrt3A : vector<1x256xf32>
    %get3A_38 = arith.constant 0 : index
    %get3A_39 = arith.constant 0 : index
    %get3A_40 = vector.load %arg5[%get3A_38, %get3A_39] : memref<1x256xf32, #tpu.memory_space<vmem>>, vector<1x256xf32>
    %mul3A_41 = arith.mulf %div3A_22, %mul3A_37 : vector<1x256xf32>
    %sub3A_42 = arith.subf %get3A_40, %mul3A_41 : vector<1x256xf32>
    %mul3A_43 = vector.broadcast %mul3A_37 : vector<1x256xf32> to vector<10000x256xf32>
    %mul3A_44 = arith.mulf %dot_general3A_19, %mul3A_43 : vector<10000x256xf32>
    %add3A_45 = vector.broadcast %sub3A_42 : vector<1x256xf32> to vector<10000x256xf32>
    %add3A_46 = arith.addf %mul3A_44, %add3A_45 : vector<10000x256xf32>
    %max3A = arith.constant 0.000000e+00 : f32
    %max3A_47 = vector.broadcast %max3A : f32 to vector<10000x256xf32>
    %max3A_48 = arith.maximumf %add3A_46, %max3A_47 : vector<10000x256xf32>
    %get3A_49 = arith.constant 0 : index
    %get3A_50 = arith.constant 0 : index
    %get3A_51 = vector.load %arg6[%get3A_49, %get3A_50] : memref<256x256xf32, #tpu.memory_space<vmem>>, vector<256x256xf32>
    %dot_general3A_52 = arith.constant dense<0.000000e+00> : vector<10000x256xf32>
    %dot_general3A_53 = tpu.matmul %max3A_48, %get3A_51, %dot_general3A_52 {dimension_numbers = #tpu.dot_dimension_numbers<[1], [0], [0], [1], [0, 0, 1, 1], [], []>, transpose_lhs_hint = false} : vector<10000x256xf32>, vector<256x256xf32>, vector<10000x256xf32> -> vector<10000x256xf32>
    %reduce_sum3A_54 = arith.constant dense<0.000000e+00> : vector<256xf32>
    %reduce_sum3A_55 = vector.multi_reduction <add>, %dot_general3A_53, %reduce_sum3A_54 [0] : vector<10000x256xf32> to vector<256xf32>
    %broadcast_in_dim3A_56 = vector.shape_cast %reduce_sum3A_55 : vector<256xf32> to vector<1x256xf32>
    %div3A_57 = arith.constant 1.000000e+04 : f32
    %div3A_58 = vector.broadcast %div3A_57 : f32 to vector<1x256xf32>
    %div3A_59 = arith.divf %broadcast_in_dim3A_56, %div3A_58 : vector<1x256xf32>
    %mul3A_60 = arith.mulf %dot_general3A_53, %dot_general3A_53 : vector<10000x256xf32>
    %reduce_sum3A_61 = arith.constant dense<0.000000e+00> : vector<256xf32>
    %reduce_sum3A_62 = vector.multi_reduction <add>, %mul3A_60, %reduce_sum3A_61 [0] : vector<10000x256xf32> to vector<256xf32>
    %broadcast_in_dim3A_63 = vector.shape_cast %reduce_sum3A_62 : vector<256xf32> to vector<1x256xf32>
    %div3A_64 = arith.constant 1.000000e+04 : f32
    %div3A_65 = vector.broadcast %div3A_64 : f32 to vector<1x256xf32>
    %div3A_66 = arith.divf %broadcast_in_dim3A_63, %div3A_65 : vector<1x256xf32>
    %mul3A_67 = arith.mulf %div3A_59, %div3A_59 : vector<1x256xf32>
    %sub3A_68 = arith.subf %div3A_66, %mul3A_67 : vector<1x256xf32>
    %get3A_69 = arith.constant 0 : index
    %get3A_70 = arith.constant 0 : index
    %get3A_71 = vector.load %arg7[%get3A_69, %get3A_70] : memref<1x256xf32, #tpu.memory_space<vmem>>, vector<1x256xf32>
    %add3A_72 = arith.constant 9.99999974E-6 : f32
    %add3A_73 = vector.broadcast %add3A_72 : f32 to vector<1x256xf32>
    %add3A_74 = arith.addf %sub3A_68, %add3A_73 : vector<1x256xf32>
    %rsqrt3A_75 = math.rsqrt %add3A_74 : vector<1x256xf32>
    %mul3A_76 = arith.mulf %get3A_71, %rsqrt3A_75 : vector<1x256xf32>
    %get3A_77 = arith.constant 0 : index
    %get3A_78 = arith.constant 0 : index
    %get3A_79 = vector.load %arg8[%get3A_77, %get3A_78] : memref<1x256xf32, #tpu.memory_space<vmem>>, vector<1x256xf32>
    %mul3A_80 = arith.mulf %div3A_59, %mul3A_76 : vector<1x256xf32>
    %sub3A_81 = arith.subf %get3A_79, %mul3A_80 : vector<1x256xf32>
    %mul3A_82 = vector.broadcast %mul3A_76 : vector<1x256xf32> to vector<10000x256xf32>
    %mul3A_83 = arith.mulf %dot_general3A_53, %mul3A_82 : vector<10000x256xf32>
    %add3A_84 = vector.broadcast %sub3A_81 : vector<1x256xf32> to vector<10000x256xf32>
    %add3A_85 = arith.addf %mul3A_83, %add3A_84 : vector<10000x256xf32>
    %max3A_86 = arith.constant 0.000000e+00 : f32
    %max3A_87 = vector.broadcast %max3A_86 : f32 to vector<10000x256xf32>
    %max3A_88 = arith.maximumf %add3A_85, %max3A_87 : vector<10000x256xf32>
    %slice3A = vector.extract_strided_slice %max3A_88 {offsets = [0, 0], sizes = [10000, 128], strides = [1, 1]} : vector<10000x256xf32> to vector<10000x128xf32>
    %swap3A = arith.constant 0 : index
    %swap3A_89 = arith.constant 0 : index
    %swap3A_90 = vector.load %arg10[%swap3A, %swap3A_89] : memref<20000x128xf32, #tpu.memory_space<vmem>>, vector<10000x128xf32>
    tpu.vector_store %arg10[%swap3A, %swap3A_89], %slice3A {strides = array<i32>} : memref<20000x128xf32, #tpu.memory_space<vmem>>, vector<10000x128xf32>,
    %slice3A_91 = vector.extract_strided_slice %max3A_88 {offsets = [0, 128], sizes = [10000, 128], strides = [1, 1]} : vector<10000x256xf32> to vector<10000x128xf32>
    %swap3A_92 = arith.constant 10000 : index
    %swap3A_93 = arith.constant 0 : index
    %swap3A_94 = vector.load %arg10[%swap3A_92, %swap3A_93] : memref<20000x128xf32, #tpu.memory_space<vmem>>, vector<10000x128xf32>
    tpu.vector_store %arg10[%swap3A_92, %swap3A_93], %slice3A_91 {strides = array<i32>} : memref<20000x128xf32, #tpu.memory_space<vmem>>, vector<10000x128xf32>,
    %get3A_95 = arith.constant 0 : index
    %get3A_96 = arith.constant 0 : index
    %get3A_97 = vector.load %arg9[%get3A_95, %get3A_96] : memref<10000x64xf32, #tpu.memory_space<vmem>>, vector<10000x64xf32>
    %dot_general3A_98 = arith.constant dense<0.000000e+00> : vector<64x256xf32>
    %dot_general3A_99 = tpu.matmul %get3A_97, %max3A_88, %dot_general3A_98 {dimension_numbers = #tpu.dot_dimension_numbers<[0], [0], [1], [1], [0, 1, 1, 1], [], []>, transpose_lhs_hint = false} : vector<10000x64xf32>, vector<10000x256xf32>, vector<64x256xf32> -> vector<64x256xf32>
    %swap3A_100 = arith.constant 0 : index
    %swap3A_101 = arith.constant 0 : index
    %swap3A_102 = vector.load %arg11[%swap3A_100, %swap3A_101] : memref<64x256xf32, #tpu.memory_space<vmem>>, vector<64x256xf32>
    tpu.vector_store %arg11[%swap3A_100, %swap3A_101], %dot_general3A_99 {strides = array<i32>} : memref<64x256xf32, #tpu.memory_space<vmem>>, vector<64x256xf32>,
    return
  }
}

module attributes {stable_mosaic.version = 14 : i64} {
  func.func @body(%arg0: memref<20000x128xf32, #tpu.memory_space<vmem>>, %arg1: memref<20000x128xf32, #tpu.memory_space<vmem>>, %arg2: memref<1x1xf32, #tpu.memory_space<vmem>>, %arg3: memref<256x256xf32, #tpu.memory_space<vmem>>, %arg4: memref<1x256xf32, #tpu.memory_space<vmem>>, %arg5: memref<1x256xf32, #tpu.memory_space<vmem>>, %arg6: memref<256x256xf32, #tpu.memory_space<vmem>>, %arg7: memref<1x256xf32, #tpu.memory_space<vmem>>, %arg8: memref<1x256xf32, #tpu.memory_space<vmem>>, %arg9: memref<10000x64xf32, #tpu.memory_space<vmem>>, %arg10: memref<20000x128xf32, #tpu.memory_space<vmem>>, %arg11: memref<64x256xf32, #tpu.memory_space<vmem>>) attributes {dimension_semantics = [], scalar_prefetch = 0 : i64, scratch_operands = 0 : i64, tpu.core_type = #tpu.core_type<tc>} {
    %get3A = arith.constant 0 : index
    %get3A_0 = arith.constant 0 : index
    %get3A_1 = vector.load %arg0[%get3A, %get3A_0] : memref<20000x128xf32, #tpu.memory_space<vmem>>, vector<10000x128xf32>
    %get3A_2 = arith.constant 10000 : index
    %get3A_3 = arith.constant 0 : index
    %get3A_4 = vector.load %arg0[%get3A_2, %get3A_3] : memref<20000x128xf32, #tpu.memory_space<vmem>>, vector<10000x128xf32>
    %concatenate3A = tpu.concatenate %get3A_1, %get3A_4 in 1 : vector<10000x128xf32>, vector<10000x128xf32> -> vector<10000x256xf32>
    %get3A_5 = arith.constant 0 : index
    %get3A_6 = arith.constant 0 : index
    %get3A_7 = vector.load %arg1[%get3A_5, %get3A_6] : memref<20000x128xf32, #tpu.memory_space<vmem>>, vector<10000x128xf32>
    %get3A_8 = arith.constant 10000 : index
    %get3A_9 = arith.constant 0 : index
    %get3A_10 = vector.load %arg1[%get3A_8, %get3A_9] : memref<20000x128xf32, #tpu.memory_space<vmem>>, vector<10000x128xf32>
    %concatenate3A_11 = tpu.concatenate %get3A_7, %get3A_10 in 1 : vector<10000x128xf32>, vector<10000x128xf32> -> vector<10000x256xf32>
    %get3A_12 = arith.constant 0 : index
    %get3A_13 = arith.constant 0 : index
    %get3A_14 = vector.load %arg2[%get3A_12, %get3A_13] : memref<1x1xf32, #tpu.memory_space<vmem>>, vector<1x1xf32>
    %get3A_15 = vector.extract %get3A_14[0, 0] : f32 from vector<1x1xf32>
    %add3A = arith.constant 1.000000e+00 : f32
    %add3A_16 = arith.addf %add3A, %get3A_15 : f32
    %mul3A = vector.broadcast %add3A_16 : f32 to vector<10000x256xf32>
    %mul3A_17 = arith.mulf %mul3A, %concatenate3A : vector<10000x256xf32>
    %add3A_18 = arith.addf %mul3A_17, %concatenate3A_11 : vector<10000x256xf32>
    %get3A_19 = arith.constant 0 : index
    %get3A_20 = arith.constant 0 : index
    %get3A_21 = vector.load %arg3[%get3A_19, %get3A_20] : memref<256x256xf32, #tpu.memory_space<vmem>>, vector<256x256xf32>
    %dot_general3A = arith.constant dense<0.000000e+00> : vector<10000x256xf32>
    %dot_general3A_22 = tpu.matmul %add3A_18, %get3A_21, %dot_general3A {dimension_numbers = #tpu.dot_dimension_numbers<[1], [0], [0], [1], [0, 0, 1, 1], [], []>, transpose_lhs_hint = false} : vector<10000x256xf32>, vector<256x256xf32>, vector<10000x256xf32> -> vector<10000x256xf32>
    %reduce_sum3A = arith.constant dense<0.000000e+00> : vector<256xf32>
    %reduce_sum3A_23 = vector.multi_reduction <add>, %dot_general3A_22, %reduce_sum3A [0] : vector<10000x256xf32> to vector<256xf32>
    %broadcast_in_dim3A = vector.shape_cast %reduce_sum3A_23 : vector<256xf32> to vector<1x256xf32>
    %div3A = arith.constant 1.000000e+04 : f32
    %div3A_24 = vector.broadcast %div3A : f32 to vector<1x256xf32>
    %div3A_25 = arith.divf %broadcast_in_dim3A, %div3A_24 : vector<1x256xf32>
    %mul3A_26 = arith.mulf %dot_general3A_22, %dot_general3A_22 : vector<10000x256xf32>
    %reduce_sum3A_27 = arith.constant dense<0.000000e+00> : vector<256xf32>
    %reduce_sum3A_28 = vector.multi_reduction <add>, %mul3A_26, %reduce_sum3A_27 [0] : vector<10000x256xf32> to vector<256xf32>
    %broadcast_in_dim3A_29 = vector.shape_cast %reduce_sum3A_28 : vector<256xf32> to vector<1x256xf32>
    %div3A_30 = arith.constant 1.000000e+04 : f32
    %div3A_31 = vector.broadcast %div3A_30 : f32 to vector<1x256xf32>
    %div3A_32 = arith.divf %broadcast_in_dim3A_29, %div3A_31 : vector<1x256xf32>
    %mul3A_33 = arith.mulf %div3A_25, %div3A_25 : vector<1x256xf32>
    %sub3A = arith.subf %div3A_32, %mul3A_33 : vector<1x256xf32>
    %get3A_34 = arith.constant 0 : index
    %get3A_35 = arith.constant 0 : index
    %get3A_36 = vector.load %arg4[%get3A_34, %get3A_35] : memref<1x256xf32, #tpu.memory_space<vmem>>, vector<1x256xf32>
    %add3A_37 = arith.constant 9.99999974E-6 : f32
    %add3A_38 = vector.broadcast %add3A_37 : f32 to vector<1x256xf32>
    %add3A_39 = arith.addf %sub3A, %add3A_38 : vector<1x256xf32>
    %rsqrt3A = math.rsqrt %add3A_39 : vector<1x256xf32>
    %mul3A_40 = arith.mulf %get3A_36, %rsqrt3A : vector<1x256xf32>
    %get3A_41 = arith.constant 0 : index
    %get3A_42 = arith.constant 0 : index
    %get3A_43 = vector.load %arg5[%get3A_41, %get3A_42] : memref<1x256xf32, #tpu.memory_space<vmem>>, vector<1x256xf32>
    %mul3A_44 = arith.mulf %div3A_25, %mul3A_40 : vector<1x256xf32>
    %sub3A_45 = arith.subf %get3A_43, %mul3A_44 : vector<1x256xf32>
    %mul3A_46 = vector.broadcast %mul3A_40 : vector<1x256xf32> to vector<10000x256xf32>
    %mul3A_47 = arith.mulf %dot_general3A_22, %mul3A_46 : vector<10000x256xf32>
    %add3A_48 = vector.broadcast %sub3A_45 : vector<1x256xf32> to vector<10000x256xf32>
    %add3A_49 = arith.addf %mul3A_47, %add3A_48 : vector<10000x256xf32>
    %max3A = arith.constant 0.000000e+00 : f32
    %max3A_50 = vector.broadcast %max3A : f32 to vector<10000x256xf32>
    %max3A_51 = arith.maximumf %add3A_49, %max3A_50 : vector<10000x256xf32>
    %get3A_52 = arith.constant 0 : index
    %get3A_53 = arith.constant 0 : index
    %get3A_54 = vector.load %arg6[%get3A_52, %get3A_53] : memref<256x256xf32, #tpu.memory_space<vmem>>, vector<256x256xf32>
    %dot_general3A_55 = arith.constant dense<0.000000e+00> : vector<10000x256xf32>
    %dot_general3A_56 = tpu.matmul %max3A_51, %get3A_54, %dot_general3A_55 {dimension_numbers = #tpu.dot_dimension_numbers<[1], [0], [0], [1], [0, 0, 1, 1], [], []>, transpose_lhs_hint = false} : vector<10000x256xf32>, vector<256x256xf32>, vector<10000x256xf32> -> vector<10000x256xf32>
    %reduce_sum3A_57 = arith.constant dense<0.000000e+00> : vector<256xf32>
    %reduce_sum3A_58 = vector.multi_reduction <add>, %dot_general3A_56, %reduce_sum3A_57 [0] : vector<10000x256xf32> to vector<256xf32>
    %broadcast_in_dim3A_59 = vector.shape_cast %reduce_sum3A_58 : vector<256xf32> to vector<1x256xf32>
    %div3A_60 = arith.constant 1.000000e+04 : f32
    %div3A_61 = vector.broadcast %div3A_60 : f32 to vector<1x256xf32>
    %div3A_62 = arith.divf %broadcast_in_dim3A_59, %div3A_61 : vector<1x256xf32>
    %mul3A_63 = arith.mulf %dot_general3A_56, %dot_general3A_56 : vector<10000x256xf32>
    %reduce_sum3A_64 = arith.constant dense<0.000000e+00> : vector<256xf32>
    %reduce_sum3A_65 = vector.multi_reduction <add>, %mul3A_63, %reduce_sum3A_64 [0] : vector<10000x256xf32> to vector<256xf32>
    %broadcast_in_dim3A_66 = vector.shape_cast %reduce_sum3A_65 : vector<256xf32> to vector<1x256xf32>
    %div3A_67 = arith.constant 1.000000e+04 : f32
    %div3A_68 = vector.broadcast %div3A_67 : f32 to vector<1x256xf32>
    %div3A_69 = arith.divf %broadcast_in_dim3A_66, %div3A_68 : vector<1x256xf32>
    %mul3A_70 = arith.mulf %div3A_62, %div3A_62 : vector<1x256xf32>
    %sub3A_71 = arith.subf %div3A_69, %mul3A_70 : vector<1x256xf32>
    %get3A_72 = arith.constant 0 : index
    %get3A_73 = arith.constant 0 : index
    %get3A_74 = vector.load %arg7[%get3A_72, %get3A_73] : memref<1x256xf32, #tpu.memory_space<vmem>>, vector<1x256xf32>
    %add3A_75 = arith.constant 9.99999974E-6 : f32
    %add3A_76 = vector.broadcast %add3A_75 : f32 to vector<1x256xf32>
    %add3A_77 = arith.addf %sub3A_71, %add3A_76 : vector<1x256xf32>
    %rsqrt3A_78 = math.rsqrt %add3A_77 : vector<1x256xf32>
    %mul3A_79 = arith.mulf %get3A_74, %rsqrt3A_78 : vector<1x256xf32>
    %get3A_80 = arith.constant 0 : index
    %get3A_81 = arith.constant 0 : index
    %get3A_82 = vector.load %arg8[%get3A_80, %get3A_81] : memref<1x256xf32, #tpu.memory_space<vmem>>, vector<1x256xf32>
    %mul3A_83 = arith.mulf %div3A_62, %mul3A_79 : vector<1x256xf32>
    %sub3A_84 = arith.subf %get3A_82, %mul3A_83 : vector<1x256xf32>
    %mul3A_85 = vector.broadcast %mul3A_79 : vector<1x256xf32> to vector<10000x256xf32>
    %mul3A_86 = arith.mulf %dot_general3A_56, %mul3A_85 : vector<10000x256xf32>
    %add3A_87 = vector.broadcast %sub3A_84 : vector<1x256xf32> to vector<10000x256xf32>
    %add3A_88 = arith.addf %mul3A_86, %add3A_87 : vector<10000x256xf32>
    %max3A_89 = arith.constant 0.000000e+00 : f32
    %max3A_90 = vector.broadcast %max3A_89 : f32 to vector<10000x256xf32>
    %max3A_91 = arith.maximumf %add3A_88, %max3A_90 : vector<10000x256xf32>
    %slice3A = vector.extract_strided_slice %max3A_91 {offsets = [0, 0], sizes = [10000, 128], strides = [1, 1]} : vector<10000x256xf32> to vector<10000x128xf32>
    %swap3A = arith.constant 0 : index
    %swap3A_92 = arith.constant 0 : index
    %swap3A_93 = vector.load %arg10[%swap3A, %swap3A_92] : memref<20000x128xf32, #tpu.memory_space<vmem>>, vector<10000x128xf32>
    tpu.vector_store %arg10[%swap3A, %swap3A_92], %slice3A {strides = array<i32>} : memref<20000x128xf32, #tpu.memory_space<vmem>>, vector<10000x128xf32>,
    %slice3A_94 = vector.extract_strided_slice %max3A_91 {offsets = [0, 128], sizes = [10000, 128], strides = [1, 1]} : vector<10000x256xf32> to vector<10000x128xf32>
    %swap3A_95 = arith.constant 10000 : index
    %swap3A_96 = arith.constant 0 : index
    %swap3A_97 = vector.load %arg10[%swap3A_95, %swap3A_96] : memref<20000x128xf32, #tpu.memory_space<vmem>>, vector<10000x128xf32>
    tpu.vector_store %arg10[%swap3A_95, %swap3A_96], %slice3A_94 {strides = array<i32>} : memref<20000x128xf32, #tpu.memory_space<vmem>>, vector<10000x128xf32>,
    %get3A_98 = arith.constant 0 : index
    %get3A_99 = arith.constant 0 : index
    %get3A_100 = vector.load %arg9[%get3A_98, %get3A_99] : memref<10000x64xf32, #tpu.memory_space<vmem>>, vector<10000x64xf32>
    %dot_general3A_101 = arith.constant dense<0.000000e+00> : vector<64x256xf32>
    %dot_general3A_102 = tpu.matmul %get3A_100, %max3A_91, %dot_general3A_101 {dimension_numbers = #tpu.dot_dimension_numbers<[0], [0], [1], [1], [0, 1, 1, 1], [], []>, transpose_lhs_hint = false} : vector<10000x64xf32>, vector<10000x256xf32>, vector<64x256xf32> -> vector<64x256xf32>
    %swap3A_103 = arith.constant 0 : index
    %swap3A_104 = arith.constant 0 : index
    %swap3A_105 = vector.load %arg11[%swap3A_103, %swap3A_104] : memref<64x256xf32, #tpu.memory_space<vmem>>, vector<64x256xf32>
    tpu.vector_store %arg11[%swap3A_103, %swap3A_104], %dot_general3A_102 {strides = array<i32>} : memref<64x256xf32, #tpu.memory_space<vmem>>, vector<64x256xf32>,
    return
  }
}

</mosaic_0001>

<sc_bundles>
// kernel: _encoder.11.cloned.1.call-start
scs
__scs_entry_jumppad:
0x0: {  	(pc) =	sbr.rel $0x88, $3  }
0x1: {  	(tag) =	ssettag $0x0;
	lr =	simm.s32 $0x1  }
0x2: {  	[smem:$0x3F89] =	sst lr;
	_ =	strace $0xD0000000  }
0x3: {  	_ = 	snop  }
0x4: {  	_ = 	snop  }
0x5: {  	_ = 	snop  }
0x6: {  	_ = 	snop  }
0x7: {  	_ = 	snop  }
__scs_overlays_trampoline_lowered:
0x8: {  	[smem:$0x3F98] =	sst s0  }
0x9: {  	[smem:$0x3F99] =	sst s1  }
0xa: {  	[smem:$0x3F9A] =	sst s2  }
0xb: {  	[smem:$0x3F9B] =	sst s3  }
0xc: {  	[smem:$0x3F9C] =	sst s4  }
0xd: {  	[smem:$0x3F9D] =	sst s5  }
0xe: {  	[smem:$0x3F9E] =	sst s6  }
0xf: {  	[smem:$0x3F9F] =	sst s7  }
0x10: {  	[smem:$0x3FA0] =	sst s8  }
0x11: {  	[smem:$0x3FA1] =	sst s9;
	s0 =	simm.s32 @!p0 $0x0  }
0x12: {  	s1 =	sld [smem:$0x3F87];
	s0 =	simm.s32 @p0 $0x1  }
0x13: {  	[smem:$0x3FA2] =	sst s0;
	s0 =	simm.s32 @!p1 $0x0  }
0x14: {  	s2 =	sld [smem:$0x3F86];
	s0 =	simm.s32 @p1 $0x1  }
0x15: {  	[smem:$0x3FA3] =	sst s0;
	s0 =	simm.s32 @!p2 $0x0  }
0x16: {  	s3 =	sld [smem:$0x3FDB];
	s0 =	simm.s32 @p2 $0x1  }
0x17: {  	s4 =	simm.s32 $0x1BF5;
	[smem:$0x3FA5] =	sst s0  }
0x18: {  	s0 =	sld [smem:$0x3F88];
	_ =	swait.ge [sflag:s4], $0x0  }
0x19: {  	s7 =	sld [smem:$0x3F89]  }
0x1a: {  	s8 =	sadd.s32 $0xFFFFE003, lr  }
0x1b: {  	s9 =	sadd.s32 $0xFFFFFEF7, lr;
	s5 =	simm.s32 $0xFFFFFFFF;
	p2 =	slt.u32 s8, $0xFFFFF086  }
0x1c: {  	p1 =	slt.u32 s9, $0xF7A;
	s5 =	simm.s32 @!p2 $0x0  }
0x1d: {  	s5 =	simm.s32 @p1 $0x1;
	p0 =	seq.s32 s7, s2  }
0x1e: {  	s7 =	smul.u32 @!p0 $0xF7A, s2;
	p2 =	seq.s32 @!p0 s5, $0x0  }
0x1f: {  	s9 =	smul.u32 $0xF7A, s1;
	s8 =	simm.s32 @!p0 $0x1BF5;
	p2 =	por !p2, p0  }
0x20: {  	[sflag:s8] =	ssyncset.s32 @!p0 $0xFFFFF086;
	s6 =	sadd.s32 @!p0 s3, s7;
	s7 =	simm.s32 @!p0 $0x108  }
0x21: {  	s3 =	sadd.s32 s3, s9;
	s6 =	sadd.s32 @!p0 $0x88, s6;
	s7 =	simm.s32 @p2 $0x1082  }
0x22: {  	[simem:s7], [sflag:s8] =	dma.local @!p0 [hbm:s6], $0xF7A  }
0x23: {  	s9 =	sor.u32 $0xD0000000, s2;
	s6 =	simm.s32 $0x108;
	_ =	swait.ge @!p0 [sflag:s8], $0x0  }
0x24: {  	s3 =	sadd.s32 $0x88, s3;
	s6 =	simm.s32 @!p1 $0x1082;
	[sflag:s4] =	ssyncset.s32 $0xFFFFF086  }
0x25: {  	[simem:s6], [sflag:s4] =	dma.local [hbm:s3], $0xF7A  }
0x26: {  	[smem:$0x3F89] =	sst s1;
	(tag) =	ssettag s2;
	_ =	strace s9  }
0x27: {  	s1 =	sld [smem:$0x3F99]  }
0x28: {  	s2 =	sld [smem:$0x3F9A]  }
0x29: {  	s4 =	sld [smem:$0x3F9C]  }
0x2a: {  	p0 =	seq.s32 s5, $0x0;
	s5 =	sld [smem:$0x3F9D]  }
0x2b: {  	s6 =	sld [smem:$0x3F9E]  }
0x2c: {  	s7 =	sld [smem:$0x3F9F]  }
0x2d: {  	s3 =	simm.s32 $0x108;
	s8 =	sld [smem:$0x3FA0]  }
0x2e: {  	s3 =	simm.s32 @!p0 $0x1082;
	s9 =	sld [smem:$0x3FA1]  }
0x2f: {  	lr =	sadd.s32 s0, s3;
	s0 =	sld [smem:$0x3F98]  }
0x30: {  	s3 =	sld [smem:$0x3F9B]  }
0x31: {  	[smem:$0x3FA4] =	sst s10  }
0x32: {  	s10 =	sld [smem:$0x3FA2];
	_ =	sdelay $0x3  }
0x33: {  	p0 =	seq.s32 s10, $0x1;
	s10 =	sld [smem:$0x3FA4];
	_ =	sdelay $0x3  }
0x34: {  	[smem:$0x3FA4] =	sst s10  }
0x35: {  	s10 =	sld [smem:$0x3FA3];
	_ =	sdelay $0x3  }
0x36: {  	p1 =	seq.s32 s10, $0x1;
	s10 =	sld [smem:$0x3FA4];
	_ =	sdelay $0x3  }
0x37: {  	[smem:$0x3FA4] =	sst s10  }
0x38: {  	s10 =	sld [smem:$0x3FA5]  }
0x39: {  	_ = 	snop;
	(pc) =	sbr.ind lr, $3  }
0x3a: {  	_ = 	snop  }
0x3b: {  	_ = 	snop  }
0x3c: {  	p2 =	seq.s32 s10, $0x1;
	s10 =	sld [smem:$0x3FA4]  }
0x3d: {  	_ =	shalt  }
0x3e: {  	_ =	shalt  }
0x3f: {  	_ =	shalt  }
0x40: {  	_ =	shalt  }
0x41: {  	_ =	shalt  }
0x42: {  	_ =	shalt  }
0x43: {  	_ =	shalt  }
0x44: {  	_ =	shalt  }
0x45: {  	_ =	shalt  }
0x46: {  	_ =	shalt  }
0x47: {  	_ =	shalt  }
0x48: {  	_ =	shalt  }
0x49: {  	_ =	shalt  }
0x4a: {  	_ =	shalt  }
0x4b: {  	_ =	shalt  }
0x4c: {  	_ =	shalt  }
0x4d: {  	_ =	shalt  }
0x4e: {  	_ =	shalt  }
0x4f: {  	_ =	shalt  }
0x50: {  	_ =	shalt  }
0x51: {  	_ =	shalt  }
0x52: {  	_ =	shalt  }
0x53: {  	_ =	shalt  }
0x54: {  	_ =	shalt  }
0x55: {  	_ =	shalt  }
0x56: {  	_ =	shalt  }
0x57: {  	_ =	shalt  }
0x58: {  	_ =	shalt  }
0x59: {  	_ =	shalt  }
0x5a: {  	_ =	shalt  }
0x5b: {  	_ =	shalt  }
0x5c: {  	_ =	shalt  }
0x5d: {  	_ =	shalt  }
0x5e: {  	_ =	shalt  }
0x5f: {  	_ =	shalt  }
0x60: {  	_ =	shalt  }
0x61: {  	_ =	shalt  }
0x62: {  	_ =	shalt  }
0x63: {  	_ =	shalt  }
0x64: {  	_ =	shalt  }
0x65: {  	_ =	shalt  }
0x66: {  	_ =	shalt  }
0x67: {  	_ =	shalt  }
0x68: {  	_ =	shalt  }
0x69: {  	_ =	shalt  }
0x6a: {  	_ =	shalt  }
0x6b: {  	_ =	shalt  }
0x6c: {  	_ =	shalt  }
0x6d: {  	_ =	shalt  }
0x6e: {  	_ =	shalt  }
0x6f: {  	_ =	shalt  }
0x70: {  	_ =	shalt  }
0x71: {  	_ =	shalt  }
0x72: {  	_ =	shalt  }
0x73: {  	_ =	shalt  }
0x74: {  	_ =	shalt  }
0x75: {  	_ =	shalt  }
0x76: {  	_ =	shalt  }
0x77: {  	_ =	shalt  }
0x78: {  	_ =	shalt  }
0x79: {  	_ =	shalt  }
0x7a: {  	_ =	shalt  }
0x7b: {  	_ =	shalt  }
0x7c: {  	_ =	shalt  }
0x7d: {  	_ =	shalt  }
0x7e: {  	_ =	shalt  }
0x7f: {  	_ =	shalt  }
0x80: {  	_ =	shalt  }
0x81: {  	_ =	shalt  }
0x82: {  	_ =	shalt  }
0x83: {  	_ =	shalt  }
0x84: {  	_ =	shalt  }
0x85: {  	_ =	shalt  }
0x86: {  	_ =	shalt  }
0x87: {  	_ =	shalt  }
.Lfunc_end0:
.L_simem_size_0:
called_computation.1_lowered:
.L_overlay_start_0:
0x88: {  	s2 =	sld [smem:$0x3FD9]  }
0x89: {  	s3 =	sld [smem:$0x3FFE];
	_ =	sdelay $0x1  }
0x8a: {  	s1 =	srdreg.scid  }
0x8b: {  	s0 =	sand.u32 $0x1, s1  }
0x8c: {  	s14 =	sshll.u32 s0, $0xA;
	s2 =	sadd.s32 s3, s2  }
0x8d: {  	s2 =	sadd.s32 s2, s14  }
0x8e: {  	[smem:$0x3FB0] =	sst s2  }
0x8f: {  	_ = 	snop  }
0x90: {  	s2 =	sld [smem:$0x3FD0];
	_ =	sdelay $0x2  }
0x91: {  	s15 =	simm.s32 $0xA;
	s4 =	simm.s32 $0x10  }
0x92: {  	[smem:s4], [sflag:s15] =	dma.local [hbm:s2], $0x1  }
0x93: {  	_ =	swait.eq [sflag:s15], $0x1  }
0x94: {  	[sflag:s15] =	ssyncset.done $0x0  }
0x95: {  	[sflag:s15] =	ssyncadd.s32 $0xFFFFFFFF  }
0x96: {  	s16 =	sld [smem:$0x11];
	(tm) =	ssettm $0x1  }
0x97: {  	s17 =	sld [smem:$0x3FFB];
	_ =	sdelay $0x3  }
0x98: {  	_ =	strace s17  }
0x99: {  	s3 =	sld [smem:$0x3FFC];
	_ =	sdelay $0x3  }
0x9a: {  	_ =	strace s3  }
0x9b: {  	s3 =	sld [smem:$0x3FFD];
	_ =	sdelay $0x3  }
0x9c: {  	_ =	strace s3  }
0x9d: {  	_ =	strace $0x8FFFFFFF  }
0x9e: {  	s18 =	sld [smem:$0x3FDB];
	_ =	sdelay $0x1  }
0x9f: {  	s19 =	simm.s32 $_scs_section_size  }
0xa0: {  	s5 =	simm.s32 $_size__tile_overlayer_lowered;
	s6 =	simm.s32 $_tile_overlayer_lowered  }
0xa1: {  	s22 =	simm.s32 $0x1BFF;
	s21 =	sshll.u32 s6, $0x1;
	s3 =	sadd.s32 s19, s18  }
0xa2: {  	s7 =	simm.s32 $0x0;
	s20 =	sshll.u32 s5, $0x1;
	s5 =	sadd.s32 s21, s3  }
0xa3: {  	[timem:s7], [sflag:s22] =	dma.local [hbm:s5], s20  }
0xa4: {  	_ =	swait.ge [sflag:s22], s20  }
0xa5: {  	s4 =	ssub.s32 $0x0, s20;
	[sflag:s22] =	ssyncset.done $0x0  }
0xa6: {  	[sflag:s22] =	ssyncadd.s32 s4;
	_ =	sdelay $0x1  }
0xa7: {  	s23 =	simm.s32 $0x1B8B  }
0xa8: {  	_ =	swait.ge [sflag:s23], $0x1  }
0xa9: {  	[sflag:s23] =	ssyncset.done $0x0  }
0xaa: {  	s25 =	simm.s32 $0x1B8E;
	s24 =	sld [smem:$0x3FFE];
	[sflag:s23] =	ssyncadd.s32 $0xFFFFFFFF  }
0xab: {  	s26 =	simm.s32 $execute0_lowered;
	[smem:$0x3FD2] =	sst s25  }
0xac: {  	s5 =	sshll.u32 s26, $0x1;
	_ =	strace $0x80000049;
	[dreg:$0x1] =	wrdreg $0xFFFFFFFF  }
0xad: {  	s28 =	simm.s32 $_size_execute0_lowered;
	s3 =	sadd.s32 s3, s5;
	[dreg:$0x0] =	wrdreg $0x0  }
0xae: {  	s5 =	sshll.u32 s28, $0x1;
	[dreg:$0x2] =	wrdreg s3  }
0xaf: {  	[dreg:$0x3] =	wrdreg s5  }
0xb0: {  	[dreg:$0x4] =	wrdreg $0xC0  }
0xb1: {  	_ =	task [dreg:s7], $0x5FFFF  }
0xb2: {  	[dreg:$0x1] =	wrdreg $0xFFFFFFFF  }
0xb3: {  	[dreg:$0x0] =	wrdreg $0x60  }
0xb4: {  	[dreg:$0x2] =	wrdreg s16  }
0xb5: {  	[dreg:$0x3] =	wrdreg s24  }
0xb6: {  	[dreg:$0x4] =	wrdreg $0xA8000  }
0xb7: {  	[dreg:$0x5] =	wrdreg $0x9  }
0xb8: {  	_ =	task.clear_ibuf [dreg:s7], $0x6FFFF;
	_ =	strace $0x90000049  }
0xb9: {  	s29 =	simm.s32 $0x9;
	_ =	strace $0x8000004B  }
0xba: {  	_ =	swait.ge [sflag:s29], $0x1  }
0xbb: {  	[sflag:s29] =	ssyncadd.s32 $0xFFFFFFFF  }
0xbc: {  	_ =	strace $0x9000004B  }
0xbd: {  	_ =	sfence  }
0xbe: {  	s30 =	sld [smem:$0x0];
	_ =	sdelay $0x2  }
0xbf: {  	s31 =	sshll.u32 s1, $0xD;
	s1 =	sshrl.u32 s1, $0x2  }
0xc0: {  	s3 =	sand.u32 $0x4000, s31;
	s1 =	sadd.s32 s1, s30  }
0xc1: {  	s0 =	sor.u32 s3, s0;
	s1 =	sshll.u32 s1, $0x11  }
0xc2: {  	s0 =	sor.u32 s1, s0  }
0xc3: {  	s0 =	sadd.s32 $0x8F2B, s0  }
0xc4: {  	[sflag:s0] =	ssyncadd.remote.s32 $0x1  }
0xc5: {  	_ =	sfence.sel $0xFFFF  }
0xc6: {  	[dreg:$0x0] =	wrdreg $0xFFFFFFFF;
	(pc) =	sbr.abs _section_cstart, $3  }
0xc7: {  	[dreg:$0x1] =	wrdreg $0xFFFFFFFF  }
0xc8: {  	_ =	task.clear_ibuf [dreg:s7], $0x2FFFF;
	_ =	strace $0x9FFFFFFF  }
0xc9: {  	(tm) =	ssettm $0x7FFFFFFF  }
tec
execute0_lowered:
.L_overlay_start_1:
0x0: {  	(tag) =	ssettag $0x1  }
0x1: {  	s1 =	rddreg [dreg:$0x0]  }
0x2: {  	s0 =	rddreg [dreg:$0x1]  }
0x3: {  	s2 =	rddreg [dreg:$0x2];
	s4 =	simm.s32 $0x0;
	s3 =	srdreg.scid  }
0x4: {  	s24 =	stileid.u32;
	s29 =	simm.s32 $0x2800;
	s30 =	simm.s32 $0x4  }
0x5: {  	s31 =	simm.s32 $0x1400;
	[smem:$0x7FF] =	sst s4;
	s6 =	smul.u32 $0xA0, s24  }
0x6: {  	s3 =	sand.u32 $0x1, s3;
	s5 =	sadd.s32 $0x19600, s0;
	s11 =	smul.u32 $0x280, s24  }
0x7: {  	s7 =	sadd.s32 $0xF600, s0;
	s8 =	sadd.s32 $0x2D600, s0;
	s12 =	smul.u32 $0x50000, s24  }
0x8: {  	p0 =	seq.s32 s24, $0xF;
	s24 =	simm.s32 $0x2780;
	s9 =	smul.u32 $0xA00, s3  }
0x9: {  	_ =	strace $0x8000004A;
	s10 =	ssub.s32 $0x2, s3;
	[dreg:$0x7] =	wrdreg s8  }
0xa: {  	s14 =	sshrl.u32 s10, $0x1;
	s12 =	sshrl.u32 s12, $0x2;
	s19 =	sadd.s32 $0xA0, s11  }
0xb: {  	s20 =	sadd.s32 $0xF0, s11;
	s21 =	sadd.s32 $0x140, s11;
	s22 =	sadd.s32 $0x190, s11  }
0xc: {  	s0 =	ssub.s32 s10, s14;
	s9 =	sadd.s32 s6, s9;
	s10 =	sor.u32 $0x50, s11  }
0xd: {  	s28 =	sadd.s32 s12, s2;
	s16 =	sshll.u32 s19, $0x7;
	s17 =	sshll.u32 s20, $0x7  }
0xe: {  	s14 =	sshll.u32 s21, $0x7;
	s13 =	sshll.u32 s10, $0x7;
	s12 =	sadd.s32 s16, s2  }
0xf: {  	s18 =	sadd.s32 s17, s2;
	s14 =	sadd.s32 s14, s2;
	[dreg:$0x5] =	wrdreg s12  }
0x10: {  	s16 =	sadd.s32 $0x230, s11;
	s0 =	smax.u32 s0, $0x1;
	[dreg:$0x6] =	wrdreg s18  }
0x11: {  	s17 =	smul.u32 $0x2710, s3;
	s15 =	sadd.s32 s13, s2;
	[dreg:$0x11] =	wrdreg s0  }
0x12: {  	s18 =	sshll.u32 s22, $0x7;
	s0 =	simm.s32 $0x3;
	[dreg:$0x4] =	wrdreg s15  }
0x13: {  	s15 =	sadd.s32 $0x1E0, s11;
	s23 =	sadd.s32 s18, s2;
	s11 =	sadd.s32 s11, s17  }
0x14: {  	s10 =	sadd.s32 s17, s10;
	s12 =	sadd.s32 s17, s19;
	s20 =	sadd.s32 s17, s20  }
0x15: {  	s21 =	sadd.s32 s17, s21;
	s22 =	sadd.s32 s17, s22;
	[dreg:$0x8] =	wrdreg s23  }
0x16: {  	s25 =	sshll.u32 s15, $0x7;
	s23 =	sshll.u32 s16, $0x7;
	s13 =	sshll.u32 s10, $0x4  }
0x17: {  	s18 =	sshll.u32 s12, $0x4;
	s16 =	simm.s32 @p0 $0x27B0;
	s15 =	simm.s32 @p0 $0x2760  }
0x18: {  	s3 =	sadd.s32 s25, s2;
	s26 =	sadd.s32 s23, s2;
	s19 =	sadd.s32 s8, s18  }
0x19: {  	s23 =	sshll.u32 s21, $0x4;
	s25 =	sshll.u32 s22, $0x4;
	[dreg:$0x9] =	wrdreg s3  }
0x1a: {  	s21 =	simm.s32 $0x2;
	[dreg:$0xa] =	wrdreg s26;
	s3 =	sshll.u32 s11, $0x4  }
0x1b: {  	s22 =	simm.s32 $0x1380;
	[dreg:$0xd] =	wrdreg s19;
	s3 =	sadd.s32 s8, s3  }
0x1c: {  	s26 =	sadd.s32 s8, s25;
	[dreg:$0xb] =	wrdreg s3;
	s3 =	sadd.s32 s8, s13  }
0x1d: {  	s19 =	simm.s32 $0x6800;
	[dreg:$0xc] =	wrdreg s3;
	s3 =	sshll.u32 s20, $0x4  }
0x1e: {  	s25 =	simm.s32 $0x0;
	[dreg:$0x10] =	wrdreg s26;
	s3 =	sadd.s32 s8, s3  }
0x1f: {  	s20 =	simm.s32 $0x1;
	[dreg:$0xe] =	wrdreg s3;
	s3 =	sadd.s32 s8, s23  }
0x20: {  	v0 =	vimm.f32 $0.0e+00;
	s23 =	simm.s32 $0x2700;
	[dreg:$0xf] =	wrdreg s3;
	s3 =	simm.s32 $0x7D  }
.LBB2_1:
0x21: {  	s10 =	simm.s32 $0x0;
	s26 =	simm.s32 $0x200  }
.LBB2_2:
0x22: {  	p1 =	sne.s32 s26, $0x9E00;
	[tilespmem:s10+$0x2870] =	vst v0  }
0x23: {  	[tilespmem:s10+$0x2800] =	vst v0  }
0x24: {  	[tilespmem:s10+$0x2810] =	vst v0  }
.Ltmp0:
0x25: {  	[tilespmem:s10+$0x2820] =	vst v0;
	(pc) =	sbr.rel @p1 .LBB2_2-.Ltmp0, $4  }
0x26: {  	[tilespmem:s10+$0x2830] =	vst v0  }
0x27: {  	[tilespmem:s10+$0x2840] =	vst v0  }
0x28: {  	[tilespmem:s10+$0x2850] =	vst v0  }
0x29: {  	[tilespmem:s10+$0x2860] =	vst v0;
	s10 =	sshra.s32 s26, $0x2;
	s26 =	sadd.s32 $0x200, s26  }
0x2a: {  	[tilespmem:s10+$0x2870] =	vst v0  }
0x2b: {  	[tilespmem:s10+$0x2800] =	vst v0  }
0x2c: {  	[tilespmem:s10+$0x2810] =	vst v0  }
0x2d: {  	[tilespmem:s10+$0x2820] =	vst v0  }
0x2e: {  	[tilespmem:s10+$0x2830] =	vst v0  }
0x2f: {  	[tilespmem:s10+$0x2840] =	vst v0  }
0x30: {  	[tilespmem:s10+$0x2850] =	vst v0  }
0x31: {  	[tilespmem:s10+$0x2860] =	vst v0  }
0x32: {  	[spmem:s28] =	stream.linear.scatter [tilespmem:s29], [sflag:$0x4], $0x2800, $0x38;
	[tilespmem:$0x1E080] =	vst v63  }
0x33: {  	_ =	swait.ge [sflag:s30], $0x2800  }
0x34: {  	[sflag:s30] =	ssyncset.done $0x0  }
0x35: {  	s12 =	rddreg [dreg:$0x4];
	[sflag:s30] =	ssyncadd.s32 $0xFFFFD800  }
0x36: {  	[spmem:s12] =	stream.linear.scatter [tilespmem:s29], [sflag:$0x4], $0x2800, $0x38;
	[tilespmem:$0x1E080] =	vst v63  }
0x37: {  	_ =	swait.ge [sflag:s30], $0x2800  }
0x38: {  	[sflag:s30] =	ssyncset.done $0x0  }
0x39: {  	s13 =	rddreg [dreg:$0x5];
	[sflag:s30] =	ssyncadd.s32 $0xFFFFD800  }
0x3a: {  	[spmem:s13] =	stream.linear.scatter [tilespmem:s29], [sflag:$0x4], $0x2800, $0x38;
	[tilespmem:$0x1E080] =	vst v63  }
0x3b: {  	_ =	swait.ge [sflag:s30], $0x2800  }
0x3c: {  	[sflag:s30] =	ssyncset.done $0x0  }
0x3d: {  	s26 =	rddreg [dreg:$0x6];
	[sflag:s30] =	ssyncadd.s32 $0xFFFFD800  }
0x3e: {  	[spmem:s26] =	stream.linear.scatter [tilespmem:s29], [sflag:$0x4], $0x2800, $0x38;
	[tilespmem:$0x1E080] =	vst v63  }
0x3f: {  	_ =	swait.ge [sflag:s30], $0x2800  }
0x40: {  	[sflag:s30] =	ssyncset.done $0x0  }
0x41: {  	[sflag:s30] =	ssyncadd.s32 $0xFFFFD800  }
0x42: {  	[spmem:s14] =	stream.linear.scatter [tilespmem:s29], [sflag:$0x4], $0x2800, $0x38;
	[tilespmem:$0x1E080] =	vst v63  }
0x43: {  	_ =	swait.ge [sflag:s30], $0x2800  }
0x44: {  	[sflag:s30] =	ssyncset.done $0x0  }
0x45: {  	s10 =	simm.s32 @!p0 $0x2800;
	s11 =	rddreg [dreg:$0x8];
	[sflag:s30] =	ssyncadd.s32 $0xFFFFD800  }
0x46: {  	[spmem:s11] =	stream.linear.scatter @!p0 [tilespmem:s10], [sflag:$0x4], $0x2800, $0x38;
	[tilespmem:$0x1E080] =	vst v63  }
0x47: {  	s11 =	simm.s32 @!p0 $0x4  }
0x48: {  	_ =	swait.ge @!p0 [sflag:s11], $0x2800  }
0x49: {  	[sflag:s11] =	ssyncset.done @!p0 $0x0  }
0x4a: {  	s12 =	rddreg [dreg:$0x9];
	[sflag:s11] =	ssyncadd.s32 @!p0 $0xFFFFD800  }
0x4b: {  	[spmem:s12] =	stream.linear.scatter @!p0 [tilespmem:s10], [sflag:$0x4], $0x2800, $0x38;
	[tilespmem:$0x1E080] =	vst v63  }
0x4c: {  	_ =	swait.ge @!p0 [sflag:s11], $0x2800  }
0x4d: {  	[sflag:s11] =	ssyncset.done @!p0 $0x0  }
0x4e: {  	s12 =	rddreg [dreg:$0xa];
	[sflag:s11] =	ssyncadd.s32 @!p0 $0xFFFFD800  }
0x4f: {  	[spmem:s12] =	stream.linear.scatter @!p0 [tilespmem:s10], [sflag:$0x4], $0x2800, $0x38;
	[tilespmem:$0x1E080] =	vst v63  }
0x50: {  	_ =	swait.ge @!p0 [sflag:s11], $0x2800  }
0x51: {  	[sflag:s11] =	ssyncset.done @!p0 $0x0  }
0x52: {  	s18 =	smov.u32 s28;
	s8 =	smov.u32 s14;
	[sflag:s11] =	ssyncadd.s32 @!p0 $0xFFFFD800  }
0x53: {  	s28 =	simm.s32 $0x0;
	s26 =	simm.s32 $0x0;
	[bflag:$0x0] =	sbarrier.arrive $0xFFFF  }
.LBB2_4:
0x54: {  	s10 =	smul.u32 $0x28, s28;
	_ =	sdelay $0x1  }
0x55: {  	s11 =	sadd.s32 s10, s9  }
0x56: {  	s10 =	sadd.s32 s6, s10;
	s11 =	sshll.u32 s11, $0x4  }
0x57: {  	s10 =	sshll.u32 s10, $0x4;
	s11 =	sadd.s32 s5, s11  }
0x58: {  	[tilespmem:s26], [sflag:$0x3] =	stream.linear.gather [hbm4b:s11+s26], $0x1400, $0x38;
	[tilespmem:$0x1E080] =	vst v63  }
0x59: {  	s10 =	sadd.s32 s7, s10  }
0x5a: {  	[tilespmem:s31], [sflag:$0x3] =	stream.linear.gather [hbm4b:s10+s26], $0x1400, $0x38;
	[tilespmem:$0x1E080] =	vst v63  }
0x5b: {  	_ =	swait.ge [sflag:s0], $0x1400  }
0x5c: {  	[sflag:s0] =	ssyncset.done $0x0  }
0x5d: {  	[sflag:s0] =	ssyncadd.s32 $0xFFFFEC00  }
0x5e: {  	_ =	swait.ge [sflag:s0], $0x1400  }
0x5f: {  	[sflag:s0] =	ssyncset.done $0x0  }
0x60: {  	[sflag:s0] =	ssyncadd.s32 $0xFFFFEC00  }
0x61: {  	[tilespmem:s29], [sflag:$0x1] =	stream.indirect.gather [hbm4b:s1+s3], $0x80, s26, s3, $0xb8;
	[tilespmem:$0x1E080] =	vst v63  }
0x62: {  	s11 =	simm.s32 $0x80  }
0x63: {  	[tilespmem:s19], [sflag:$0x2] =	stream.indirect.gather [hbm4b:s1+s3], $0x80, s11, s3, $0xb8;
	[tilespmem:$0x1E080] =	vst v63  }
0x64: {  	_ =	swait.ge [sflag:s20], $0x3E80  }
0x65: {  	[sflag:s20] =	ssyncset.done $0x0  }
0x66: {  	s12 =	simm.s32 $0x1400;
	[sflag:s20] =	ssyncadd.s32 $0xFFFFC180  }
0x67: {  	[spmem:s2] =	stream.indirect.scatter.add.f32 [tilespmem:s29], [sflag:$0x4], $0x80, s12, s3, $0xb8;
	[tilespmem:$0x1E080] =	vst v63  }
0x68: {  	_ =	swait.ge [sflag:s30], $0x3E80  }
0x69: {  	[sflag:s30] =	ssyncset.done $0x0  }
0x6a: {  	s13 =	simm.s32 $0x100;
	[sflag:s30] =	ssyncadd.s32 $0xFFFFC180  }
0x6b: {  	[tilespmem:s29], [sflag:$0x1] =	stream.indirect.gather [hbm4b:s1+s3], $0x80, s13, s3, $0xb8;
	[tilespmem:$0x1E080] =	vst v63  }
0x6c: {  	_ =	swait.ge [sflag:s21], $0x3E80  }
0x6d: {  	[sflag:s21] =	ssyncset.done $0x0  }
0x6e: {  	s14 =	simm.s32 $0x1480;
	[sflag:s21] =	ssyncadd.s32 $0xFFFFC180  }
0x6f: {  	[spmem:s2] =	stream.indirect.scatter.add.f32 [tilespmem:s19], [sflag:$0x4], $0x80, s14, s3, $0xb8;
	[tilespmem:$0x1E080] =	vst v63  }
0x70: {  	_ =	swait.ge [sflag:s30], $0x3E80  }
0x71: {  	s10 =	simm.s32 $0x100;
	s11 =	simm.s32 $0x800;
	[sflag:s30] =	ssyncset.done $0x0  }
.LBB2_5:
0x72: {  	s12 =	sadd.s32 $0x80, s10  }
0x73: {  	[sflag:s30] =	ssyncadd.s32 $0xFFFFC180;
	s13 =	smov.u32 s11;
	s14 =	sadd.s32 $0x400, s11  }
0x74: {  	[tilespmem:s19], [sflag:$0x2] =	stream.indirect.gather [hbm4b:s1+s3], $0x80, s12, s3, $0xb8;
	[tilespmem:$0x1E080] =	vst v63  }
0x75: {  	p1 =	sne.s32 s11, $0x4800;
	_ =	swait.ge [sflag:s20], $0x3E80  }
0x76: {  	[sflag:s20] =	ssyncset.done $0x0  }
0x77: {  	s11 =	sadd.s32 $0x1400, s10;
	[sflag:s20] =	ssyncadd.s32 $0xFFFFC180  }
0x78: {  	[spmem:s2] =	stream.indirect.scatter.add.f32 [tilespmem:s29], [sflag:$0x4], $0x80, s11, s3, $0xb8;
	[tilespmem:$0x1E080] =	vst v63  }
0x79: {  	_ =	swait.ge [sflag:s30], $0x3E80  }
0x7a: {  	[sflag:s30] =	ssyncset.done $0x0  }
0x7b: {  	s11 =	sadd.s32 $0x100, s10;
	[sflag:s30] =	ssyncadd.s32 $0xFFFFC180  }
0x7c: {  	[tilespmem:s29], [sflag:$0x1] =	stream.indirect.gather [hbm4b:s1+s3], $0x80, s11, s3, $0xb8;
	[tilespmem:$0x1E080] =	vst v63  }
0x7d: {  	_ =	swait.ge [sflag:s21], $0x3E80  }
.Ltmp1:
0x7e: {  	[sflag:s21] =	ssyncset.done $0x0;
	(pc) =	sbr.rel @p1 .LBB2_5-.Ltmp1, $4  }
0x7f: {  	s10 =	sadd.s32 $0x1480, s10;
	[sflag:s21] =	ssyncadd.s32 $0xFFFFC180  }
0x80: {  	[spmem:s2] =	stream.indirect.scatter.add.f32 [tilespmem:s19], [sflag:$0x4], $0x80, s10, s3, $0xb8;
	[tilespmem:$0x1E080] =	vst v63  }
0x81: {  	_ =	swait.ge [sflag:s30], $0x3E80  }
0x82: {  	s11 =	smov.u32 s14;
	s10 =	sshra.s32 s13, $0x2;
	[sflag:s30] =	ssyncset.done $0x0  }
0x83: {  	s11 =	sadd.s32 $0x80, s10;
	[sflag:s30] =	ssyncadd.s32 $0xFFFFC180  }
0x84: {  	[tilespmem:s19], [sflag:$0x2] =	stream.indirect.gather [hbm4b:s1+s3], $0x80, s11, s3, $0xb8;
	[tilespmem:$0x1E080] =	vst v63  }
0x85: {  	_ =	swait.ge [sflag:s20], $0x3E80  }
0x86: {  	[sflag:s20] =	ssyncset.done $0x0  }
0x87: {  	s12 =	sadd.s32 $0x1400, s10;
	[sflag:s20] =	ssyncadd.s32 $0xFFFFC180  }
0x88: {  	[spmem:s2] =	stream.indirect.scatter.add.f32 [tilespmem:s29], [sflag:$0x4], $0x80, s12, s3, $0xb8;
	[tilespmem:$0x1E080] =	vst v63  }
0x89: {  	_ =	swait.ge [sflag:s30], $0x3E80  }
0x8a: {  	[sflag:s30] =	ssyncset.done $0x0  }
0x8b: {  	s13 =	sadd.s32 $0x100, s10;
	[sflag:s30] =	ssyncadd.s32 $0xFFFFC180  }
0x8c: {  	[tilespmem:s29], [sflag:$0x1] =	stream.indirect.gather [hbm4b:s1+s3], $0x80, s13, s3, $0xb8;
	[tilespmem:$0x1E080] =	vst v63  }
0x8d: {  	_ =	swait.ge [sflag:s21], $0x3E80  }
0x8e: {  	[sflag:s21] =	ssyncset.done $0x0  }
0x8f: {  	s14 =	sadd.s32 $0x1480, s10;
	[sflag:s21] =	ssyncadd.s32 $0xFFFFC180  }
0x90: {  	[spmem:s2] =	stream.indirect.scatter.add.f32 [tilespmem:s19], [sflag:$0x4], $0x80, s14, s3, $0xb8;
	[tilespmem:$0x1E080] =	vst v63  }
0x91: {  	_ =	swait.ge [sflag:s30], $0x3E80  }
0x92: {  	[sflag:s30] =	ssyncset.done $0x0  }
0x93: {  	[sflag:s30] =	ssyncadd.s32 $0xFFFFC180  }
0x94: {  	[tilespmem:s19], [sflag:$0x2] =	stream.indirect.gather [hbm4b:s1+s3], $0x80, s22, s3, $0xb8;
	[tilespmem:$0x1E080] =	vst v63  }
0x95: {  	_ =	swait.ge [sflag:s20], $0x3E80  }
0x96: {  	[sflag:s20] =	ssyncset.done $0x0  }
0x97: {  	[sflag:s20] =	ssyncadd.s32 $0xFFFFC180  }
0x98: {  	[spmem:s2] =	stream.indirect.scatter.add.f32 [tilespmem:s29], [sflag:$0x4], $0x80, s23, s3, $0xb8;
	[tilespmem:$0x1E080] =	vst v63  }
0x99: {  	_ =	swait.ge [sflag:s30], $0x3E80  }
0x9a: {  	[sflag:s30] =	ssyncset.done $0x0  }
0x9b: {  	[sflag:s30] =	ssyncadd.s32 $0xFFFFC180  }
0x9c: {  	s28 =	sadd.s32 $0x1, s28;
	_ =	swait.ge [sflag:s21], $0x3E80  }
0x9d: {  	p1 =	sne.s32 s28, $0x4;
	[sflag:s21] =	ssyncset.done $0x0  }
.Ltmp2:
0x9e: {  	[sflag:s21] =	ssyncadd.s32 $0xFFFFC180;
	(pc) =	sbr.rel @p1 .LBB2_4-.Ltmp2, $4  }
0x9f: {  	[spmem:s2] =	stream.indirect.scatter.add.f32 [tilespmem:s19], [sflag:$0x4], $0x80, s24, s3, $0xb8;
	[tilespmem:$0x1E080] =	vst v63  }
0xa0: {  	_ =	swait.ge [sflag:s30], $0x3E80  }
0xa1: {  	[sflag:s30] =	ssyncset.done $0x0  }
0xa2: {  	[sflag:s30] =	ssyncadd.s32 $0xFFFFC180  }
0xa3: {  	[bflag:$0x0] =	sbarrier.arrive $0xFFFF  }
0xa4: {  	[tilespmem:s29], [sflag:$0x4] =	stream.linear.gather [spmem:s18], $0x2800, $0x38;
	[tilespmem:$0x1E080] =	vst v63  }
0xa5: {  	_ =	swait.ge [sflag:s30], $0x2800  }
0xa6: {  	[sflag:s30] =	ssyncset.done $0x0  }
0xa7: {  	s10 =	rddreg [dreg:$0xb];
	[sflag:s30] =	ssyncadd.s32 $0xFFFFD800  }
0xa8: {  	[hbm4b:s10+s4] =	stream.linear.scatter [tilespmem:s29], [sflag:$0x4], $0x2800, $0x38;
	[tilespmem:$0x1E080] =	vst v63  }
0xa9: {  	_ =	swait.ge [sflag:s30], $0x2800  }
0xaa: {  	[sflag:s30] =	ssyncset.done $0x0  }
0xab: {  	s28 =	smov.u32 s18;
	s18 =	rddreg [dreg:$0x4];
	[sflag:s30] =	ssyncadd.s32 $0xFFFFD800  }
0xac: {  	[tilespmem:s29], [sflag:$0x4] =	stream.linear.gather [spmem:s18], $0x2800, $0x38;
	[tilespmem:$0x1E080] =	vst v63  }
0xad: {  	_ =	swait.ge [sflag:s30], $0x2800  }
0xae: {  	[sflag:s30] =	ssyncset.done $0x0  }
0xaf: {  	s26 =	rddreg [dreg:$0xc];
	[sflag:s30] =	ssyncadd.s32 $0xFFFFD800  }
0xb0: {  	[hbm4b:s26+s4] =	stream.linear.scatter [tilespmem:s29], [sflag:$0x4], $0x2800, $0x38;
	[tilespmem:$0x1E080] =	vst v63  }
0xb1: {  	_ =	swait.ge [sflag:s30], $0x2800  }
0xb2: {  	[sflag:s30] =	ssyncset.done $0x0  }
0xb3: {  	s11 =	rddreg [dreg:$0x5];
	[sflag:s30] =	ssyncadd.s32 $0xFFFFD800  }
0xb4: {  	[tilespmem:s29], [sflag:$0x4] =	stream.linear.gather [spmem:s11], $0x2800, $0x38;
	[tilespmem:$0x1E080] =	vst v63  }
0xb5: {  	_ =	swait.ge [sflag:s30], $0x2800  }
0xb6: {  	[sflag:s30] =	ssyncset.done $0x0  }
0xb7: {  	s12 =	rddreg [dreg:$0xd];
	[sflag:s30] =	ssyncadd.s32 $0xFFFFD800  }
0xb8: {  	[hbm4b:s12+s4] =	stream.linear.scatter [tilespmem:s29], [sflag:$0x4], $0x2800, $0x38;
	[tilespmem:$0x1E080] =	vst v63  }
0xb9: {  	_ =	swait.ge [sflag:s30], $0x2800  }
0xba: {  	[sflag:s30] =	ssyncset.done $0x0  }
0xbb: {  	s13 =	rddreg [dreg:$0x6];
	[sflag:s30] =	ssyncadd.s32 $0xFFFFD800  }
0xbc: {  	[tilespmem:s29], [sflag:$0x4] =	stream.linear.gather [spmem:s13], $0x2800, $0x38;
	[tilespmem:$0x1E080] =	vst v63  }
0xbd: {  	_ =	swait.ge [sflag:s30], $0x2800  }
0xbe: {  	[sflag:s30] =	ssyncset.done $0x0  }
0xbf: {  	s14 =	rddreg [dreg:$0xe];
	[sflag:s30] =	ssyncadd.s32 $0xFFFFD800  }
0xc0: {  	[hbm4b:s14+s4] =	stream.linear.scatter [tilespmem:s29], [sflag:$0x4], $0x2800, $0x38;
	[tilespmem:$0x1E080] =	vst v63  }
0xc1: {  	_ =	swait.ge [sflag:s30], $0x2800  }
0xc2: {  	[sflag:s30] =	ssyncset.done $0x0  }
0xc3: {  	[sflag:s30] =	ssyncadd.s32 $0xFFFFD800  }
0xc4: {  	[tilespmem:s29], [sflag:$0x4] =	stream.linear.gather [spmem:s8], $0x2800, $0x38;
	[tilespmem:$0x1E080] =	vst v63  }
0xc5: {  	_ =	swait.ge [sflag:s30], $0x2800  }
0xc6: {  	[sflag:s30] =	ssyncset.done $0x0  }
0xc7: {  	s18 =	rddreg [dreg:$0xf];
	[sflag:s30] =	ssyncadd.s32 $0xFFFFD800  }
0xc8: {  	[hbm4b:s18+s4] =	stream.linear.scatter [tilespmem:s29], [sflag:$0x4], $0x2800, $0x38;
	[tilespmem:$0x1E080] =	vst v63  }
0xc9: {  	_ =	swait.ge [sflag:s30], $0x2800  }
0xca: {  	s10 =	simm.s32 @!p0 $0x2800;
	s11 =	simm.s32 @!p0 $0x4;
	[sflag:s30] =	ssyncset.done $0x0  }
0xcb: {  	s14 =	smov.u32 s8;
	s8 =	rddreg [dreg:$0x8];
	[sflag:s30] =	ssyncadd.s32 $0xFFFFD800  }
0xcc: {  	[tilespmem:s10], [sflag:$0x4] =	stream.linear.gather @!p0 [spmem:s8], $0x2800, $0x38;
	[tilespmem:$0x1E080] =	vst v63  }
0xcd: {  	_ =	swait.ge @!p0 [sflag:s11], $0x2800  }
0xce: {  	[sflag:s11] =	ssyncset.done @!p0 $0x0  }
0xcf: {  	s12 =	simm.s32 @!p0 $0x0;
	s8 =	rddreg [dreg:$0x10];
	[sflag:s11] =	ssyncadd.s32 @!p0 $0xFFFFD800  }
0xd0: {  	[hbm4b:s8+s12] =	stream.linear.scatter @!p0 [tilespmem:s10], [sflag:$0x4], $0x2800, $0x38;
	[tilespmem:$0x1E080] =	vst v63  }
0xd1: {  	_ =	swait.ge @!p0 [sflag:s11], $0x2800  }
0xd2: {  	s13 =	sshll.u32 @!p0 s15, $0x7;
	[sflag:s11] =	ssyncset.done @!p0 $0x0  }
0xd3: {  	s13 =	sadd.s32 @!p0 s13, s2;
	[sflag:s11] =	ssyncadd.s32 @!p0 $0xFFFFD800  }
0xd4: {  	[tilespmem:s10], [sflag:$0x4] =	stream.linear.gather @!p0 [spmem:s13], $0x2800, $0x38;
	[tilespmem:$0x1E080] =	vst v63  }
0xd5: {  	s13 =	sadd.s32 @!p0 s17, s15;
	_ =	swait.ge @!p0 [sflag:s11], $0x2800  }
0xd6: {  	s13 =	sshll.u32 @!p0 s13, $0x4;
	[sflag:s11] =	ssyncset.done @!p0 $0x0;
	s8 =	rddreg [dreg:$0x7]  }
0xd7: {  	[sflag:s11] =	ssyncadd.s32 @!p0 $0xFFFFD800;
	s13 =	sadd.s32 @!p0 s8, s13  }
0xd8: {  	[hbm4b:s13+s12] =	stream.linear.scatter @!p0 [tilespmem:s10], [sflag:$0x4], $0x2800, $0x38;
	[tilespmem:$0x1E080] =	vst v63  }
0xd9: {  	_ =	swait.ge @!p0 [sflag:s11], $0x2800  }
0xda: {  	s13 =	sshll.u32 @!p0 s16, $0x7;
	[sflag:s11] =	ssyncset.done @!p0 $0x0  }
0xdb: {  	s13 =	sadd.s32 @!p0 s13, s2;
	[sflag:s11] =	ssyncadd.s32 @!p0 $0xFFFFD800  }
0xdc: {  	[tilespmem:s10], [sflag:$0x4] =	stream.linear.gather @!p0 [spmem:s13], $0x2800, $0x38;
	[tilespmem:$0x1E080] =	vst v63  }
0xdd: {  	s13 =	sadd.s32 @!p0 s17, s16;
	_ =	swait.ge @!p0 [sflag:s11], $0x2800  }
0xde: {  	s13 =	sshll.u32 @!p0 s13, $0x4;
	[sflag:s11] =	ssyncset.done @!p0 $0x0  }
0xdf: {  	s13 =	sadd.s32 @!p0 s8, s13;
	[sflag:s11] =	ssyncadd.s32 @!p0 $0xFFFFD800  }
0xe0: {  	[hbm4b:s13+s12] =	stream.linear.scatter @!p0 [tilespmem:s10], [sflag:$0x4], $0x2800, $0x38;
	[tilespmem:$0x1E080] =	vst v63  }
0xe1: {  	_ =	swait.ge @!p0 [sflag:s11], $0x2800  }
0xe2: {  	s25 =	sadd.s32 $0x1, s25;
	s26 =	rddreg [dreg:$0x11]  }
0xe3: {  	p1 =	sne.s32 s25, s26  }
.Ltmp3:
0xe4: {  	_ = 	snop;
	(pc) =	sbr.rel @p1 .LBB2_1-.Ltmp3, $3  }
0xe5: {  	_ =	sdelay $0x1  }
0xe6: {  	[sflag:s11] =	ssyncset.done @!p0 $0x0  }
0xe7: {  	[sflag:s11] =	ssyncadd.s32 @!p0 $0xFFFFD800  }
0xe8: {  	_ =	sfence.sel $0x180000  }
0xe9: {  	[bflag:$0x0] =	sbarrier.arrive $0xFFFF  }
0xea: {  	_ =	strace $0x9000004A  }
0xeb: {  	s0 =	stileid.u32;
	[bflag:$0x2] =	sbarrier.arrive $0xFFFF  }
0xec: {  	p0 =	sne.s32 s0, $0x0;
	s0 =	rddreg [dreg:$0x3]  }
0xed: {  	s0 =	sadd.s32 @!p0 $0x100000, s0  }
0xee: {  	[sflag:s0] =	ssyncadd.tile.s32 @!p0 $0x1;
	_ =	shalt  }
.Lfunc_end2:
_tile_overlayer_lowered:
.L_overlay_start_2:
0xef: {  	(tag) =	ssettag $0x2  }
0xf0: {  	s0 =	rddreg [dreg:$0x0];
	s2 =	stileid.u32  }
0xf1: {  	s1 =	rddreg [dreg:$0x1];
	p0 =	sne.s32 s2, $0x0  }
0xf2: {  	s3 =	rddreg [dreg:$0x2];
	[bflag:$0x3] =	sbarrier.arrive $0xFFFF;
	s2 =	simm.s32 @!p0 $0x1C04  }
0xf3: {  	[timem:s3], [sflag:s2] =	dma.local @!p0 [hbm:s0], s1  }
0xf4: {  	s0 =	simm.s32 @!p0 $0x4  }
0xf5: {  	_ =	swait.ge @!p0 [sflag:s0], s1  }
0xf6: {  	s1 =	ssub.s32 @!p0 $0x0, s1;
	[sflag:s0] =	ssyncset.done @!p0 $0x0  }
0xf7: {  	[sflag:s0] =	ssyncadd.s32 @!p0 s1  }
0xf8: {  	[bflag:$0x3] =	sbarrier.arrive $0xFFFF  }
0xf9: {  	_ =	shalt  }

// kernel: _encoder.14.cloned.1.call-start
scs
__scs_entry_jumppad:
0x0: {  	(pc) =	sbr.rel $0x88, $3  }
0x1: {  	(tag) =	ssettag $0x0;
	lr =	simm.s32 $0x1  }
0x2: {  	[smem:$0x3F89] =	sst lr;
	_ =	strace $0xD0000000  }
0x3: {  	_ = 	snop  }
0x4: {  	_ = 	snop  }
0x5: {  	_ = 	snop  }
0x6: {  	_ = 	snop  }
0x7: {  	_ = 	snop  }
__scs_overlays_trampoline_lowered:
0x8: {  	[smem:$0x3F98] =	sst s0  }
0x9: {  	[smem:$0x3F99] =	sst s1  }
0xa: {  	[smem:$0x3F9A] =	sst s2  }
0xb: {  	[smem:$0x3F9B] =	sst s3  }
0xc: {  	[smem:$0x3F9C] =	sst s4  }
0xd: {  	[smem:$0x3F9D] =	sst s5  }
0xe: {  	[smem:$0x3F9E] =	sst s6  }
0xf: {  	[smem:$0x3F9F] =	sst s7  }
0x10: {  	[smem:$0x3FA0] =	sst s8  }
0x11: {  	[smem:$0x3FA1] =	sst s9;
	s0 =	simm.s32 @!p0 $0x0  }
0x12: {  	s1 =	sld [smem:$0x3F87];
	s0 =	simm.s32 @p0 $0x1  }
0x13: {  	[smem:$0x3FA2] =	sst s0;
	s0 =	simm.s32 @!p1 $0x0  }
0x14: {  	s2 =	sld [smem:$0x3F86];
	s0 =	simm.s32 @p1 $0x1  }
0x15: {  	[smem:$0x3FA3] =	sst s0;
	s0 =	simm.s32 @!p2 $0x0  }
0x16: {  	s3 =	sld [smem:$0x3FDB];
	s0 =	simm.s32 @p2 $0x1  }
0x17: {  	s4 =	simm.s32 $0x1BF5;
	[smem:$0x3FA5] =	sst s0  }
0x18: {  	s0 =	sld [smem:$0x3F88];
	_ =	swait.ge [sflag:s4], $0x0  }
0x19: {  	s7 =	sld [smem:$0x3F89]  }
0x1a: {  	s8 =	sadd.s32 $0xFFFFE003, lr  }
0x1b: {  	s9 =	sadd.s32 $0xFFFFFEF7, lr;
	s5 =	simm.s32 $0xFFFFFFFF;
	p2 =	slt.u32 s8, $0xFFFFF086  }
0x1c: {  	p1 =	slt.u32 s9, $0xF7A;
	s5 =	simm.s32 @!p2 $0x0  }
0x1d: {  	s5 =	simm.s32 @p1 $0x1;
	p0 =	seq.s32 s7, s2  }
0x1e: {  	s7 =	smul.u32 @!p0 $0xF7A, s2;
	p2 =	seq.s32 @!p0 s5, $0x0  }
0x1f: {  	s9 =	smul.u32 $0xF7A, s1;
	s8 =	simm.s32 @!p0 $0x1BF5;
	p2 =	por !p2, p0  }
0x20: {  	[sflag:s8] =	ssyncset.s32 @!p0 $0xFFFFF086;
	s6 =	sadd.s32 @!p0 s3, s7;
	s7 =	simm.s32 @!p0 $0x108  }
0x21: {  	s3 =	sadd.s32 s3, s9;
	s6 =	sadd.s32 @!p0 $0x88, s6;
	s7 =	simm.s32 @p2 $0x1082  }
0x22: {  	[simem:s7], [sflag:s8] =	dma.local @!p0 [hbm:s6], $0xF7A  }
0x23: {  	s9 =	sor.u32 $0xD0000000, s2;
	s6 =	simm.s32 $0x108;
	_ =	swait.ge @!p0 [sflag:s8], $0x0  }
0x24: {  	s3 =	sadd.s32 $0x88, s3;
	s6 =	simm.s32 @!p1 $0x1082;
	[sflag:s4] =	ssyncset.s32 $0xFFFFF086  }
0x25: {  	[simem:s6], [sflag:s4] =	dma.local [hbm:s3], $0xF7A  }
0x26: {  	[smem:$0x3F89] =	sst s1;
	(tag) =	ssettag s2;
	_ =	strace s9  }
0x27: {  	s1 =	sld [smem:$0x3F99]  }
0x28: {  	s2 =	sld [smem:$0x3F9A]  }
0x29: {  	s4 =	sld [smem:$0x3F9C]  }
0x2a: {  	p0 =	seq.s32 s5, $0x0;
	s5 =	sld [smem:$0x3F9D]  }
0x2b: {  	s6 =	sld [smem:$0x3F9E]  }
0x2c: {  	s7 =	sld [smem:$0x3F9F]  }
0x2d: {  	s3 =	simm.s32 $0x108;
	s8 =	sld [smem:$0x3FA0]  }
0x2e: {  	s3 =	simm.s32 @!p0 $0x1082;
	s9 =	sld [smem:$0x3FA1]  }
0x2f: {  	lr =	sadd.s32 s0, s3;
	s0 =	sld [smem:$0x3F98]  }
0x30: {  	s3 =	sld [smem:$0x3F9B]  }
0x31: {  	[smem:$0x3FA4] =	sst s10  }
0x32: {  	s10 =	sld [smem:$0x3FA2];
	_ =	sdelay $0x3  }
0x33: {  	p0 =	seq.s32 s10, $0x1;
	s10 =	sld [smem:$0x3FA4];
	_ =	sdelay $0x3  }
0x34: {  	[smem:$0x3FA4] =	sst s10  }
0x35: {  	s10 =	sld [smem:$0x3FA3];
	_ =	sdelay $0x3  }
0x36: {  	p1 =	seq.s32 s10, $0x1;
	s10 =	sld [smem:$0x3FA4];
	_ =	sdelay $0x3  }
0x37: {  	[smem:$0x3FA4] =	sst s10  }
0x38: {  	s10 =	sld [smem:$0x3FA5]  }
0x39: {  	_ = 	snop;
	(pc) =	sbr.ind lr, $3  }
0x3a: {  	_ = 	snop  }
0x3b: {  	_ = 	snop  }
0x3c: {  	p2 =	seq.s32 s10, $0x1;
	s10 =	sld [smem:$0x3FA4]  }
0x3d: {  	_ =	shalt  }
0x3e: {  	_ =	shalt  }
0x3f: {  	_ =	shalt  }
0x40: {  	_ =	shalt  }
0x41: {  	_ =	shalt  }
0x42: {  	_ =	shalt  }
0x43: {  	_ =	shalt  }
0x44: {  	_ =	shalt  }
0x45: {  	_ =	shalt  }
0x46: {  	_ =	shalt  }
0x47: {  	_ =	shalt  }
0x48: {  	_ =	shalt  }
0x49: {  	_ =	shalt  }
0x4a: {  	_ =	shalt  }
0x4b: {  	_ =	shalt  }
0x4c: {  	_ =	shalt  }
0x4d: {  	_ =	shalt  }
0x4e: {  	_ =	shalt  }
0x4f: {  	_ =	shalt  }
0x50: {  	_ =	shalt  }
0x51: {  	_ =	shalt  }
0x52: {  	_ =	shalt  }
0x53: {  	_ =	shalt  }
0x54: {  	_ =	shalt  }
0x55: {  	_ =	shalt  }
0x56: {  	_ =	shalt  }
0x57: {  	_ =	shalt  }
0x58: {  	_ =	shalt  }
0x59: {  	_ =	shalt  }
0x5a: {  	_ =	shalt  }
0x5b: {  	_ =	shalt  }
0x5c: {  	_ =	shalt  }
0x5d: {  	_ =	shalt  }
0x5e: {  	_ =	shalt  }
0x5f: {  	_ =	shalt  }
0x60: {  	_ =	shalt  }
0x61: {  	_ =	shalt  }
0x62: {  	_ =	shalt  }
0x63: {  	_ =	shalt  }
0x64: {  	_ =	shalt  }
0x65: {  	_ =	shalt  }
0x66: {  	_ =	shalt  }
0x67: {  	_ =	shalt  }
0x68: {  	_ =	shalt  }
0x69: {  	_ =	shalt  }
0x6a: {  	_ =	shalt  }
0x6b: {  	_ =	shalt  }
0x6c: {  	_ =	shalt  }
0x6d: {  	_ =	shalt  }
0x6e: {  	_ =	shalt  }
0x6f: {  	_ =	shalt  }
0x70: {  	_ =	shalt  }
0x71: {  	_ =	shalt  }
0x72: {  	_ =	shalt  }
0x73: {  	_ =	shalt  }
0x74: {  	_ =	shalt  }
0x75: {  	_ =	shalt  }
0x76: {  	_ =	shalt  }
0x77: {  	_ =	shalt  }
0x78: {  	_ =	shalt  }
0x79: {  	_ =	shalt  }
0x7a: {  	_ =	shalt  }
0x7b: {  	_ =	shalt  }
0x7c: {  	_ =	shalt  }
0x7d: {  	_ =	shalt  }
0x7e: {  	_ =	shalt  }
0x7f: {  	_ =	shalt  }
0x80: {  	_ =	shalt  }
0x81: {  	_ =	shalt  }
0x82: {  	_ =	shalt  }
0x83: {  	_ =	shalt  }
0x84: {  	_ =	shalt  }
0x85: {  	_ =	shalt  }
0x86: {  	_ =	shalt  }
0x87: {  	_ =	shalt  }
.Lfunc_end0:
.L_simem_size_0:
called_computation.2_lowered:
.L_overlay_start_0:
0x88: {  	s2 =	sld [smem:$0x3FD9]  }
0x89: {  	s3 =	sld [smem:$0x3FFE];
	_ =	sdelay $0x1  }
0x8a: {  	s1 =	srdreg.scid  }
0x8b: {  	s0 =	sand.u32 $0x1, s1  }
0x8c: {  	s16 =	sshll.u32 s0, $0xA;
	s2 =	sadd.s32 s3, s2  }
0x8d: {  	s2 =	sadd.s32 s2, s16  }
0x8e: {  	[smem:$0x3FB0] =	sst s2  }
0x8f: {  	_ = 	snop  }
0x90: {  	(tm) =	ssettm $0x1  }
0x91: {  	s17 =	sld [smem:$0x3FFB];
	_ =	sdelay $0x3  }
0x92: {  	_ =	strace s17  }
0x93: {  	s2 =	sld [smem:$0x3FFC];
	_ =	sdelay $0x3  }
0x94: {  	_ =	strace s2  }
0x95: {  	s2 =	sld [smem:$0x3FFD];
	_ =	sdelay $0x3  }
0x96: {  	_ =	strace s2  }
0x97: {  	_ =	strace $0x8FFFFFFF  }
0x98: {  	s18 =	sld [smem:$0x3FDB];
	_ =	sdelay $0x1  }
0x99: {  	s19 =	simm.s32 $_scs_section_size  }
0x9a: {  	s4 =	simm.s32 $_size__tile_overlayer_lowered;
	s5 =	simm.s32 $_tile_overlayer_lowered  }
0x9b: {  	s22 =	simm.s32 $0x1BFF;
	s21 =	sshll.u32 s5, $0x1;
	s2 =	sadd.s32 s19, s18  }
0x9c: {  	s6 =	simm.s32 $0x0;
	s20 =	sshll.u32 s4, $0x1;
	s4 =	sadd.s32 s21, s2  }
0x9d: {  	[timem:s6], [sflag:s22] =	dma.local [hbm:s4], s20  }
0x9e: {  	_ =	swait.ge [sflag:s22], s20  }
0x9f: {  	s3 =	ssub.s32 $0x0, s20;
	[sflag:s22] =	ssyncset.done $0x0  }
0xa0: {  	[sflag:s22] =	ssyncadd.s32 s3;
	_ =	sdelay $0x1  }
0xa1: {  	s23 =	simm.s32 $0x1B8B  }
0xa2: {  	_ =	swait.ge [sflag:s23], $0x1  }
0xa3: {  	[sflag:s23] =	ssyncset.done $0x0  }
0xa4: {  	s25 =	simm.s32 $0x1B8E;
	s24 =	sld [smem:$0x3FFE];
	[sflag:s23] =	ssyncadd.s32 $0xFFFFFFFF  }
0xa5: {  	s26 =	simm.s32 $execute0_lowered;
	[smem:$0x3FD2] =	sst s25  }
0xa6: {  	s4 =	sshll.u32 s26, $0x1;
	_ =	strace $0x8000004C;
	[dreg:$0x1] =	wrdreg $0xFFFFFFFF  }
0xa7: {  	s28 =	simm.s32 $_size_execute0_lowered;
	s2 =	sadd.s32 s2, s4;
	[dreg:$0x0] =	wrdreg $0x0  }
0xa8: {  	s4 =	sshll.u32 s28, $0x1;
	[dreg:$0x2] =	wrdreg s2  }
0xa9: {  	[dreg:$0x3] =	wrdreg s4  }
0xaa: {  	[dreg:$0x4] =	wrdreg $0xC0  }
0xab: {  	_ =	task [dreg:s6], $0x5FFFF  }
0xac: {  	[dreg:$0x1] =	wrdreg $0xFFFFFFFF  }
0xad: {  	[dreg:$0x0] =	wrdreg $0x60  }
0xae: {  	[dreg:$0x2] =	wrdreg s24  }
0xaf: {  	[dreg:$0x3] =	wrdreg $0xA8000  }
0xb0: {  	[dreg:$0x4] =	wrdreg $0x9  }
0xb1: {  	_ =	task.clear_ibuf [dreg:s6], $0x5FFFF;
	_ =	strace $0x9000004C  }
0xb2: {  	s29 =	simm.s32 $0x9;
	_ =	strace $0x8000004E  }
0xb3: {  	_ =	swait.ge [sflag:s29], $0x1  }
0xb4: {  	[sflag:s29] =	ssyncadd.s32 $0xFFFFFFFF  }
0xb5: {  	_ =	strace $0x9000004E  }
0xb6: {  	_ =	sfence  }
0xb7: {  	s30 =	sld [smem:$0x0];
	_ =	sdelay $0x2  }
0xb8: {  	s31 =	sshll.u32 s1, $0xD;
	s1 =	sshrl.u32 s1, $0x2  }
0xb9: {  	s3 =	sand.u32 $0x4000, s31;
	s1 =	sadd.s32 s1, s30  }
0xba: {  	s0 =	sor.u32 s3, s0;
	s1 =	sshll.u32 s1, $0x11  }
0xbb: {  	s0 =	sor.u32 s1, s0  }
0xbc: {  	s0 =	sadd.s32 $0x8F2B, s0  }
0xbd: {  	[sflag:s0] =	ssyncadd.remote.s32 $0x1  }
0xbe: {  	_ =	sfence.sel $0xFFFF  }
0xbf: {  	[dreg:$0x0] =	wrdreg $0xFFFFFFFF;
	(pc) =	sbr.abs _section_cstart, $3  }
0xc0: {  	[dreg:$0x1] =	wrdreg $0xFFFFFFFF  }
0xc1: {  	_ =	task.clear_ibuf [dreg:s6], $0x2FFFF;
	_ =	strace $0x9FFFFFFF  }
0xc2: {  	(tm) =	ssettm $0x7FFFFFFF  }
0xc3: {  	_ =	shalt  }
tec
execute0_lowered:
.L_overlay_start_1:
0x0: {  	(tag) =	ssettag $0x1  }
0x1: {  	s0 =	rddreg [dreg:$0x0]  }
0x2: {  	s1 =	rddreg [dreg:$0x1]  }
0x3: {  	s2 =	simm.s32 $0x0;
	s3 =	srdreg.scid;
	s24 =	stileid.u32  }
0x4: {  	s29 =	simm.s32 $0x2800;
	s30 =	simm.s32 $0x4;
	s31 =	simm.s32 $0x1400  }
0x5: {  	[smem:$0x7FF] =	sst s2;
	s3 =	sand.u32 $0x1, s3;
	s6 =	smul.u32 $0xA0, s24  }
0x6: {  	s4 =	sadd.s32 $0x2D600, s0;
	s5 =	sadd.s32 $0x19600, s0;
	s11 =	smul.u32 $0x280, s24  }
0x7: {  	s7 =	sadd.s32 $0xF600, s0;
	s8 =	sadd.s32 $0x7B800, s0;
	s12 =	smul.u32 $0x50000, s24  }
0x8: {  	p0 =	seq.s32 s24, $0xF;
	s24 =	simm.s32 $0x2780;
	_ =	strace $0x8000004D  }
0x9: {  	s9 =	smul.u32 $0xA00, s3;
	s10 =	ssub.s32 $0x2, s3;
	[dreg:$0x6] =	wrdreg s8  }
0xa: {  	s14 =	sshrl.u32 s10, $0x1;
	s12 =	sshrl.u32 s12, $0x2;
	s19 =	sadd.s32 $0xA0, s11  }
0xb: {  	s20 =	sadd.s32 $0xF0, s11;
	s21 =	sadd.s32 $0x140, s11;
	s22 =	sadd.s32 $0x190, s11  }
0xc: {  	s0 =	ssub.s32 s10, s14;
	s9 =	sadd.s32 s6, s9;
	s10 =	sor.u32 $0x50, s11  }
0xd: {  	s28 =	sadd.s32 s12, s1;
	s16 =	sshll.u32 s19, $0x7;
	s17 =	sshll.u32 s20, $0x7  }
0xe: {  	s14 =	sshll.u32 s21, $0x7;
	s13 =	sshll.u32 s10, $0x7;
	s12 =	sadd.s32 s16, s1  }
0xf: {  	s18 =	sadd.s32 s17, s1;
	s14 =	sadd.s32 s14, s1;
	[dreg:$0x4] =	wrdreg s12  }
0x10: {  	s16 =	sadd.s32 $0x230, s11;
	s0 =	smax.u32 s0, $0x1;
	[dreg:$0x5] =	wrdreg s18  }
0x11: {  	s17 =	smul.u32 $0x2710, s3;
	s15 =	sadd.s32 s13, s1;
	[dreg:$0x10] =	wrdreg s0  }
0x12: {  	s18 =	sshll.u32 s22, $0x7;
	s0 =	simm.s32 $0x3;
	[dreg:$0x3] =	wrdreg s15  }
0x13: {  	s15 =	sadd.s32 $0x1E0, s11;
	s23 =	sadd.s32 s18, s1;
	s11 =	sadd.s32 s11, s17  }
0x14: {  	s10 =	sadd.s32 s17, s10;
	s12 =	sadd.s32 s17, s19;
	s20 =	sadd.s32 s17, s20  }
0x15: {  	s21 =	sadd.s32 s17, s21;
	s22 =	sadd.s32 s17, s22;
	[dreg:$0x7] =	wrdreg s23  }
0x16: {  	s25 =	sshll.u32 s15, $0x7;
	s23 =	sshll.u32 s16, $0x7;
	s13 =	sshll.u32 s10, $0x4  }
0x17: {  	s18 =	sshll.u32 s12, $0x4;
	s16 =	simm.s32 @p0 $0x27B0;
	s15 =	simm.s32 @p0 $0x2760  }
0x18: {  	s3 =	sadd.s32 s25, s1;
	s26 =	sadd.s32 s23, s1;
	s19 =	sadd.s32 s8, s18  }
0x19: {  	s23 =	sshll.u32 s21, $0x4;
	s25 =	sshll.u32 s22, $0x4;
	[dreg:$0x8] =	wrdreg s3  }
0x1a: {  	s21 =	simm.s32 $0x2;
	[dreg:$0x9] =	wrdreg s26;
	s3 =	sshll.u32 s11, $0x4  }
0x1b: {  	s22 =	simm.s32 $0x1380;
	[dreg:$0xc] =	wrdreg s19;
	s3 =	sadd.s32 s8, s3  }
0x1c: {  	s26 =	sadd.s32 s8, s25;
	[dreg:$0xa] =	wrdreg s3;
	s3 =	sadd.s32 s8, s13  }
0x1d: {  	s19 =	simm.s32 $0x6800;
	[dreg:$0xb] =	wrdreg s3;
	s3 =	sshll.u32 s20, $0x4  }
0x1e: {  	s25 =	simm.s32 $0x0;
	[dreg:$0xf] =	wrdreg s26;
	s3 =	sadd.s32 s8, s3  }
0x1f: {  	s20 =	simm.s32 $0x1;
	[dreg:$0xd] =	wrdreg s3;
	s3 =	sadd.s32 s8, s23  }
0x20: {  	v0 =	vimm.f32 $0.0e+00;
	s23 =	simm.s32 $0x2700;
	[dreg:$0xe] =	wrdreg s3;
	s3 =	simm.s32 $0x7D  }
.LBB2_1:
0x21: {  	s10 =	simm.s32 $0x0;
	s26 =	simm.s32 $0x200  }
.LBB2_2:
0x22: {  	p1 =	sne.s32 s26, $0x9E00;
	[tilespmem:s10+$0x2870] =	vst v0  }
0x23: {  	[tilespmem:s10+$0x2800] =	vst v0  }
0x24: {  	[tilespmem:s10+$0x2810] =	vst v0  }
.Ltmp0:
0x25: {  	[tilespmem:s10+$0x2820] =	vst v0;
	(pc) =	sbr.rel @p1 .LBB2_2-.Ltmp0, $4  }
0x26: {  	[tilespmem:s10+$0x2830] =	vst v0  }
0x27: {  	[tilespmem:s10+$0x2840] =	vst v0  }
0x28: {  	[tilespmem:s10+$0x2850] =	vst v0  }
0x29: {  	[tilespmem:s10+$0x2860] =	vst v0;
	s10 =	sshra.s32 s26, $0x2;
	s26 =	sadd.s32 $0x200, s26  }
0x2a: {  	[tilespmem:s10+$0x2870] =	vst v0  }
0x2b: {  	[tilespmem:s10+$0x2800] =	vst v0  }
0x2c: {  	[tilespmem:s10+$0x2810] =	vst v0  }
0x2d: {  	[tilespmem:s10+$0x2820] =	vst v0  }
0x2e: {  	[tilespmem:s10+$0x2830] =	vst v0  }
0x2f: {  	[tilespmem:s10+$0x2840] =	vst v0  }
0x30: {  	[tilespmem:s10+$0x2850] =	vst v0  }
0x31: {  	[tilespmem:s10+$0x2860] =	vst v0  }
0x32: {  	[spmem:s28] =	stream.linear.scatter [tilespmem:s29], [sflag:$0x4], $0x2800, $0x38;
	[tilespmem:$0x1E080] =	vst v63  }
0x33: {  	_ =	swait.ge [sflag:s30], $0x2800  }
0x34: {  	[sflag:s30] =	ssyncset.done $0x0  }
0x35: {  	s12 =	rddreg [dreg:$0x3];
	[sflag:s30] =	ssyncadd.s32 $0xFFFFD800  }
0x36: {  	[spmem:s12] =	stream.linear.scatter [tilespmem:s29], [sflag:$0x4], $0x2800, $0x38;
	[tilespmem:$0x1E080] =	vst v63  }
0x37: {  	_ =	swait.ge [sflag:s30], $0x2800  }
0x38: {  	[sflag:s30] =	ssyncset.done $0x0  }
0x39: {  	s13 =	rddreg [dreg:$0x4];
	[sflag:s30] =	ssyncadd.s32 $0xFFFFD800  }
0x3a: {  	[spmem:s13] =	stream.linear.scatter [tilespmem:s29], [sflag:$0x4], $0x2800, $0x38;
	[tilespmem:$0x1E080] =	vst v63  }
0x3b: {  	_ =	swait.ge [sflag:s30], $0x2800  }
0x3c: {  	[sflag:s30] =	ssyncset.done $0x0  }
0x3d: {  	s26 =	rddreg [dreg:$0x5];
	[sflag:s30] =	ssyncadd.s32 $0xFFFFD800  }
0x3e: {  	[spmem:s26] =	stream.linear.scatter [tilespmem:s29], [sflag:$0x4], $0x2800, $0x38;
	[tilespmem:$0x1E080] =	vst v63  }
0x3f: {  	_ =	swait.ge [sflag:s30], $0x2800  }
0x40: {  	[sflag:s30] =	ssyncset.done $0x0  }
0x41: {  	[sflag:s30] =	ssyncadd.s32 $0xFFFFD800  }
0x42: {  	[spmem:s14] =	stream.linear.scatter [tilespmem:s29], [sflag:$0x4], $0x2800, $0x38;
	[tilespmem:$0x1E080] =	vst v63  }
0x43: {  	_ =	swait.ge [sflag:s30], $0x2800  }
0x44: {  	[sflag:s30] =	ssyncset.done $0x0  }
0x45: {  	s10 =	simm.s32 @!p0 $0x2800;
	s11 =	rddreg [dreg:$0x7];
	[sflag:s30] =	ssyncadd.s32 $0xFFFFD800  }
0x46: {  	[spmem:s11] =	stream.linear.scatter @!p0 [tilespmem:s10], [sflag:$0x4], $0x2800, $0x38;
	[tilespmem:$0x1E080] =	vst v63  }
0x47: {  	s11 =	simm.s32 @!p0 $0x4  }
0x48: {  	_ =	swait.ge @!p0 [sflag:s11], $0x2800  }
0x49: {  	[sflag:s11] =	ssyncset.done @!p0 $0x0  }
0x4a: {  	s12 =	rddreg [dreg:$0x8];
	[sflag:s11] =	ssyncadd.s32 @!p0 $0xFFFFD800  }
0x4b: {  	[spmem:s12] =	stream.linear.scatter @!p0 [tilespmem:s10], [sflag:$0x4], $0x2800, $0x38;
	[tilespmem:$0x1E080] =	vst v63  }
0x4c: {  	_ =	swait.ge @!p0 [sflag:s11], $0x2800  }
0x4d: {  	[sflag:s11] =	ssyncset.done @!p0 $0x0  }
0x4e: {  	s12 =	rddreg [dreg:$0x9];
	[sflag:s11] =	ssyncadd.s32 @!p0 $0xFFFFD800  }
0x4f: {  	[spmem:s12] =	stream.linear.scatter @!p0 [tilespmem:s10], [sflag:$0x4], $0x2800, $0x38;
	[tilespmem:$0x1E080] =	vst v63  }
0x50: {  	_ =	swait.ge @!p0 [sflag:s11], $0x2800  }
0x51: {  	[sflag:s11] =	ssyncset.done @!p0 $0x0  }
0x52: {  	s18 =	smov.u32 s28;
	s8 =	smov.u32 s14;
	[sflag:s11] =	ssyncadd.s32 @!p0 $0xFFFFD800  }
0x53: {  	s28 =	simm.s32 $0x0;
	s26 =	simm.s32 $0x0;
	[bflag:$0x0] =	sbarrier.arrive $0xFFFF  }
.LBB2_4:
0x54: {  	s10 =	smul.u32 $0x28, s28;
	_ =	sdelay $0x1  }
0x55: {  	s11 =	sadd.s32 s10, s9  }
0x56: {  	s10 =	sadd.s32 s6, s10;
	s11 =	sshll.u32 s11, $0x4  }
0x57: {  	s10 =	sshll.u32 s10, $0x4;
	s11 =	sadd.s32 s5, s11  }
0x58: {  	[tilespmem:s26], [sflag:$0x3] =	stream.linear.gather [hbm4b:s11+s26], $0x1400, $0x38;
	[tilespmem:$0x1E080] =	vst v63  }
0x59: {  	s10 =	sadd.s32 s7, s10  }
0x5a: {  	[tilespmem:s31], [sflag:$0x3] =	stream.linear.gather [hbm4b:s10+s26], $0x1400, $0x38;
	[tilespmem:$0x1E080] =	vst v63  }
0x5b: {  	_ =	swait.ge [sflag:s0], $0x1400  }
0x5c: {  	[sflag:s0] =	ssyncset.done $0x0  }
0x5d: {  	[sflag:s0] =	ssyncadd.s32 $0xFFFFEC00  }
0x5e: {  	_ =	swait.ge [sflag:s0], $0x1400  }
0x5f: {  	[sflag:s0] =	ssyncset.done $0x0  }
0x60: {  	[sflag:s0] =	ssyncadd.s32 $0xFFFFEC00  }
0x61: {  	[tilespmem:s29], [sflag:$0x1] =	stream.indirect.gather [hbm4b:s4+s3], $0x80, s26, s3, $0xb8;
	[tilespmem:$0x1E080] =	vst v63  }
0x62: {  	s11 =	simm.s32 $0x80  }
0x63: {  	[tilespmem:s19], [sflag:$0x2] =	stream.indirect.gather [hbm4b:s4+s3], $0x80, s11, s3, $0xb8;
	[tilespmem:$0x1E080] =	vst v63  }
0x64: {  	_ =	swait.ge [sflag:s20], $0x3E80  }
0x65: {  	[sflag:s20] =	ssyncset.done $0x0  }
0x66: {  	s12 =	simm.s32 $0x1400;
	[sflag:s20] =	ssyncadd.s32 $0xFFFFC180  }
0x67: {  	[spmem:s1] =	stream.indirect.scatter.add.f32 [tilespmem:s29], [sflag:$0x4], $0x80, s12, s3, $0xb8;
	[tilespmem:$0x1E080] =	vst v63  }
0x68: {  	_ =	swait.ge [sflag:s30], $0x3E80  }
0x69: {  	[sflag:s30] =	ssyncset.done $0x0  }
0x6a: {  	s13 =	simm.s32 $0x100;
	[sflag:s30] =	ssyncadd.s32 $0xFFFFC180  }
0x6b: {  	[tilespmem:s29], [sflag:$0x1] =	stream.indirect.gather [hbm4b:s4+s3], $0x80, s13, s3, $0xb8;
	[tilespmem:$0x1E080] =	vst v63  }
0x6c: {  	_ =	swait.ge [sflag:s21], $0x3E80  }
0x6d: {  	[sflag:s21] =	ssyncset.done $0x0  }
0x6e: {  	s14 =	simm.s32 $0x1480;
	[sflag:s21] =	ssyncadd.s32 $0xFFFFC180  }
0x6f: {  	[spmem:s1] =	stream.indirect.scatter.add.f32 [tilespmem:s19], [sflag:$0x4], $0x80, s14, s3, $0xb8;
	[tilespmem:$0x1E080] =	vst v63  }
0x70: {  	_ =	swait.ge [sflag:s30], $0x3E80  }
0x71: {  	s10 =	simm.s32 $0x100;
	s11 =	simm.s32 $0x800;
	[sflag:s30] =	ssyncset.done $0x0  }
.LBB2_5:
0x72: {  	s12 =	sadd.s32 $0x80, s10  }
0x73: {  	[sflag:s30] =	ssyncadd.s32 $0xFFFFC180;
	s13 =	smov.u32 s11;
	s14 =	sadd.s32 $0x400, s11  }
0x74: {  	[tilespmem:s19], [sflag:$0x2] =	stream.indirect.gather [hbm4b:s4+s3], $0x80, s12, s3, $0xb8;
	[tilespmem:$0x1E080] =	vst v63  }
0x75: {  	p1 =	sne.s32 s11, $0x4800;
	_ =	swait.ge [sflag:s20], $0x3E80  }
0x76: {  	[sflag:s20] =	ssyncset.done $0x0  }
0x77: {  	s11 =	sadd.s32 $0x1400, s10;
	[sflag:s20] =	ssyncadd.s32 $0xFFFFC180  }
0x78: {  	[spmem:s1] =	stream.indirect.scatter.add.f32 [tilespmem:s29], [sflag:$0x4], $0x80, s11, s3, $0xb8;
	[tilespmem:$0x1E080] =	vst v63  }
0x79: {  	_ =	swait.ge [sflag:s30], $0x3E80  }
0x7a: {  	[sflag:s30] =	ssyncset.done $0x0  }
0x7b: {  	s11 =	sadd.s32 $0x100, s10;
	[sflag:s30] =	ssyncadd.s32 $0xFFFFC180  }
0x7c: {  	[tilespmem:s29], [sflag:$0x1] =	stream.indirect.gather [hbm4b:s4+s3], $0x80, s11, s3, $0xb8;
	[tilespmem:$0x1E080] =	vst v63  }
0x7d: {  	_ =	swait.ge [sflag:s21], $0x3E80  }
.Ltmp1:
0x7e: {  	[sflag:s21] =	ssyncset.done $0x0;
	(pc) =	sbr.rel @p1 .LBB2_5-.Ltmp1, $4  }
0x7f: {  	s10 =	sadd.s32 $0x1480, s10;
	[sflag:s21] =	ssyncadd.s32 $0xFFFFC180  }
0x80: {  	[spmem:s1] =	stream.indirect.scatter.add.f32 [tilespmem:s19], [sflag:$0x4], $0x80, s10, s3, $0xb8;
	[tilespmem:$0x1E080] =	vst v63  }
0x81: {  	_ =	swait.ge [sflag:s30], $0x3E80  }
0x82: {  	s11 =	smov.u32 s14;
	s10 =	sshra.s32 s13, $0x2;
	[sflag:s30] =	ssyncset.done $0x0  }
0x83: {  	s11 =	sadd.s32 $0x80, s10;
	[sflag:s30] =	ssyncadd.s32 $0xFFFFC180  }
0x84: {  	[tilespmem:s19], [sflag:$0x2] =	stream.indirect.gather [hbm4b:s4+s3], $0x80, s11, s3, $0xb8;
	[tilespmem:$0x1E080] =	vst v63  }
0x85: {  	_ =	swait.ge [sflag:s20], $0x3E80  }
0x86: {  	[sflag:s20] =	ssyncset.done $0x0  }
0x87: {  	s12 =	sadd.s32 $0x1400, s10;
	[sflag:s20] =	ssyncadd.s32 $0xFFFFC180  }
0x88: {  	[spmem:s1] =	stream.indirect.scatter.add.f32 [tilespmem:s29], [sflag:$0x4], $0x80, s12, s3, $0xb8;
	[tilespmem:$0x1E080] =	vst v63  }
0x89: {  	_ =	swait.ge [sflag:s30], $0x3E80  }
0x8a: {  	[sflag:s30] =	ssyncset.done $0x0  }
0x8b: {  	s13 =	sadd.s32 $0x100, s10;
	[sflag:s30] =	ssyncadd.s32 $0xFFFFC180  }
0x8c: {  	[tilespmem:s29], [sflag:$0x1] =	stream.indirect.gather [hbm4b:s4+s3], $0x80, s13, s3, $0xb8;
	[tilespmem:$0x1E080] =	vst v63  }
0x8d: {  	_ =	swait.ge [sflag:s21], $0x3E80  }
0x8e: {  	[sflag:s21] =	ssyncset.done $0x0  }
0x8f: {  	s14 =	sadd.s32 $0x1480, s10;
	[sflag:s21] =	ssyncadd.s32 $0xFFFFC180  }
0x90: {  	[spmem:s1] =	stream.indirect.scatter.add.f32 [tilespmem:s19], [sflag:$0x4], $0x80, s14, s3, $0xb8;
	[tilespmem:$0x1E080] =	vst v63  }
0x91: {  	_ =	swait.ge [sflag:s30], $0x3E80  }
0x92: {  	[sflag:s30] =	ssyncset.done $0x0  }
0x93: {  	[sflag:s30] =	ssyncadd.s32 $0xFFFFC180  }
0x94: {  	[tilespmem:s19], [sflag:$0x2] =	stream.indirect.gather [hbm4b:s4+s3], $0x80, s22, s3, $0xb8;
	[tilespmem:$0x1E080] =	vst v63  }
0x95: {  	_ =	swait.ge [sflag:s20], $0x3E80  }
0x96: {  	[sflag:s20] =	ssyncset.done $0x0  }
0x97: {  	[sflag:s20] =	ssyncadd.s32 $0xFFFFC180  }
0x98: {  	[spmem:s1] =	stream.indirect.scatter.add.f32 [tilespmem:s29], [sflag:$0x4], $0x80, s23, s3, $0xb8;
	[tilespmem:$0x1E080] =	vst v63  }
0x99: {  	_ =	swait.ge [sflag:s30], $0x3E80  }
0x9a: {  	[sflag:s30] =	ssyncset.done $0x0  }
0x9b: {  	[sflag:s30] =	ssyncadd.s32 $0xFFFFC180  }
0x9c: {  	s28 =	sadd.s32 $0x1, s28;
	_ =	swait.ge [sflag:s21], $0x3E80  }
0x9d: {  	p1 =	sne.s32 s28, $0x4;
	[sflag:s21] =	ssyncset.done $0x0  }
.Ltmp2:
0x9e: {  	[sflag:s21] =	ssyncadd.s32 $0xFFFFC180;
	(pc) =	sbr.rel @p1 .LBB2_4-.Ltmp2, $4  }
0x9f: {  	[spmem:s1] =	stream.indirect.scatter.add.f32 [tilespmem:s19], [sflag:$0x4], $0x80, s24, s3, $0xb8;
	[tilespmem:$0x1E080] =	vst v63  }
0xa0: {  	_ =	swait.ge [sflag:s30], $0x3E80  }
0xa1: {  	[sflag:s30] =	ssyncset.done $0x0  }
0xa2: {  	[sflag:s30] =	ssyncadd.s32 $0xFFFFC180  }
0xa3: {  	[bflag:$0x0] =	sbarrier.arrive $0xFFFF  }
0xa4: {  	[tilespmem:s29], [sflag:$0x4] =	stream.linear.gather [spmem:s18], $0x2800, $0x38;
	[tilespmem:$0x1E080] =	vst v63  }
0xa5: {  	_ =	swait.ge [sflag:s30], $0x2800  }
0xa6: {  	[sflag:s30] =	ssyncset.done $0x0  }
0xa7: {  	s10 =	rddreg [dreg:$0xa];
	[sflag:s30] =	ssyncadd.s32 $0xFFFFD800  }
0xa8: {  	[hbm4b:s10+s2] =	stream.linear.scatter [tilespmem:s29], [sflag:$0x4], $0x2800, $0x38;
	[tilespmem:$0x1E080] =	vst v63  }
0xa9: {  	_ =	swait.ge [sflag:s30], $0x2800  }
0xaa: {  	[sflag:s30] =	ssyncset.done $0x0  }
0xab: {  	s28 =	smov.u32 s18;
	s18 =	rddreg [dreg:$0x3];
	[sflag:s30] =	ssyncadd.s32 $0xFFFFD800  }
0xac: {  	[tilespmem:s29], [sflag:$0x4] =	stream.linear.gather [spmem:s18], $0x2800, $0x38;
	[tilespmem:$0x1E080] =	vst v63  }
0xad: {  	_ =	swait.ge [sflag:s30], $0x2800  }
0xae: {  	[sflag:s30] =	ssyncset.done $0x0  }
0xaf: {  	s26 =	rddreg [dreg:$0xb];
	[sflag:s30] =	ssyncadd.s32 $0xFFFFD800  }
0xb0: {  	[hbm4b:s26+s2] =	stream.linear.scatter [tilespmem:s29], [sflag:$0x4], $0x2800, $0x38;
	[tilespmem:$0x1E080] =	vst v63  }
0xb1: {  	_ =	swait.ge [sflag:s30], $0x2800  }
0xb2: {  	[sflag:s30] =	ssyncset.done $0x0  }
0xb3: {  	s11 =	rddreg [dreg:$0x4];
	[sflag:s30] =	ssyncadd.s32 $0xFFFFD800  }
0xb4: {  	[tilespmem:s29], [sflag:$0x4] =	stream.linear.gather [spmem:s11], $0x2800, $0x38;
	[tilespmem:$0x1E080] =	vst v63  }
0xb5: {  	_ =	swait.ge [sflag:s30], $0x2800  }
0xb6: {  	[sflag:s30] =	ssyncset.done $0x0  }
0xb7: {  	s12 =	rddreg [dreg:$0xc];
	[sflag:s30] =	ssyncadd.s32 $0xFFFFD800  }
0xb8: {  	[hbm4b:s12+s2] =	stream.linear.scatter [tilespmem:s29], [sflag:$0x4], $0x2800, $0x38;
	[tilespmem:$0x1E080] =	vst v63  }
0xb9: {  	_ =	swait.ge [sflag:s30], $0x2800  }
0xba: {  	[sflag:s30] =	ssyncset.done $0x0  }
0xbb: {  	s13 =	rddreg [dreg:$0x5];
	[sflag:s30] =	ssyncadd.s32 $0xFFFFD800  }
0xbc: {  	[tilespmem:s29], [sflag:$0x4] =	stream.linear.gather [spmem:s13], $0x2800, $0x38;
	[tilespmem:$0x1E080] =	vst v63  }
0xbd: {  	_ =	swait.ge [sflag:s30], $0x2800  }
0xbe: {  	[sflag:s30] =	ssyncset.done $0x0  }
0xbf: {  	s14 =	rddreg [dreg:$0xd];
	[sflag:s30] =	ssyncadd.s32 $0xFFFFD800  }
0xc0: {  	[hbm4b:s14+s2] =	stream.linear.scatter [tilespmem:s29], [sflag:$0x4], $0x2800, $0x38;
	[tilespmem:$0x1E080] =	vst v63  }
0xc1: {  	_ =	swait.ge [sflag:s30], $0x2800  }
0xc2: {  	[sflag:s30] =	ssyncset.done $0x0  }
0xc3: {  	[sflag:s30] =	ssyncadd.s32 $0xFFFFD800  }
0xc4: {  	[tilespmem:s29], [sflag:$0x4] =	stream.linear.gather [spmem:s8], $0x2800, $0x38;
	[tilespmem:$0x1E080] =	vst v63  }
0xc5: {  	_ =	swait.ge [sflag:s30], $0x2800  }
0xc6: {  	[sflag:s30] =	ssyncset.done $0x0  }
0xc7: {  	s18 =	rddreg [dreg:$0xe];
	[sflag:s30] =	ssyncadd.s32 $0xFFFFD800  }
0xc8: {  	[hbm4b:s18+s2] =	stream.linear.scatter [tilespmem:s29], [sflag:$0x4], $0x2800, $0x38;
	[tilespmem:$0x1E080] =	vst v63  }
0xc9: {  	_ =	swait.ge [sflag:s30], $0x2800  }
0xca: {  	s10 =	simm.s32 @!p0 $0x2800;
	s11 =	simm.s32 @!p0 $0x4;
	[sflag:s30] =	ssyncset.done $0x0  }
0xcb: {  	s14 =	smov.u32 s8;
	s8 =	rddreg [dreg:$0x7];
	[sflag:s30] =	ssyncadd.s32 $0xFFFFD800  }
0xcc: {  	[tilespmem:s10], [sflag:$0x4] =	stream.linear.gather @!p0 [spmem:s8], $0x2800, $0x38;
	[tilespmem:$0x1E080] =	vst v63  }
0xcd: {  	_ =	swait.ge @!p0 [sflag:s11], $0x2800  }
0xce: {  	[sflag:s11] =	ssyncset.done @!p0 $0x0  }
0xcf: {  	s12 =	simm.s32 @!p0 $0x0;
	s8 =	rddreg [dreg:$0xf];
	[sflag:s11] =	ssyncadd.s32 @!p0 $0xFFFFD800  }
0xd0: {  	[hbm4b:s8+s12] =	stream.linear.scatter @!p0 [tilespmem:s10], [sflag:$0x4], $0x2800, $0x38;
	[tilespmem:$0x1E080] =	vst v63  }
0xd1: {  	_ =	swait.ge @!p0 [sflag:s11], $0x2800  }
0xd2: {  	s13 =	sshll.u32 @!p0 s15, $0x7;
	[sflag:s11] =	ssyncset.done @!p0 $0x0  }
0xd3: {  	s13 =	sadd.s32 @!p0 s13, s1;
	[sflag:s11] =	ssyncadd.s32 @!p0 $0xFFFFD800  }
0xd4: {  	[tilespmem:s10], [sflag:$0x4] =	stream.linear.gather @!p0 [spmem:s13], $0x2800, $0x38;
	[tilespmem:$0x1E080] =	vst v63  }
0xd5: {  	s13 =	sadd.s32 @!p0 s17, s15;
	_ =	swait.ge @!p0 [sflag:s11], $0x2800  }
0xd6: {  	s13 =	sshll.u32 @!p0 s13, $0x4;
	[sflag:s11] =	ssyncset.done @!p0 $0x0;
	s8 =	rddreg [dreg:$0x6]  }
0xd7: {  	[sflag:s11] =	ssyncadd.s32 @!p0 $0xFFFFD800;
	s13 =	sadd.s32 @!p0 s8, s13  }
0xd8: {  	[hbm4b:s13+s12] =	stream.linear.scatter @!p0 [tilespmem:s10], [sflag:$0x4], $0x2800, $0x38;
	[tilespmem:$0x1E080] =	vst v63  }
0xd9: {  	_ =	swait.ge @!p0 [sflag:s11], $0x2800  }
0xda: {  	s13 =	sshll.u32 @!p0 s16, $0x7;
	[sflag:s11] =	ssyncset.done @!p0 $0x0  }
0xdb: {  	s13 =	sadd.s32 @!p0 s13, s1;
	[sflag:s11] =	ssyncadd.s32 @!p0 $0xFFFFD800  }
0xdc: {  	[tilespmem:s10], [sflag:$0x4] =	stream.linear.gather @!p0 [spmem:s13], $0x2800, $0x38;
	[tilespmem:$0x1E080] =	vst v63  }
0xdd: {  	s13 =	sadd.s32 @!p0 s17, s16;
	_ =	swait.ge @!p0 [sflag:s11], $0x2800  }
0xde: {  	s13 =	sshll.u32 @!p0 s13, $0x4;
	[sflag:s11] =	ssyncset.done @!p0 $0x0  }
0xdf: {  	s13 =	sadd.s32 @!p0 s8, s13;
	[sflag:s11] =	ssyncadd.s32 @!p0 $0xFFFFD800  }
0xe0: {  	[hbm4b:s13+s12] =	stream.linear.scatter @!p0 [tilespmem:s10], [sflag:$0x4], $0x2800, $0x38;
	[tilespmem:$0x1E080] =	vst v63  }
0xe1: {  	_ =	swait.ge @!p0 [sflag:s11], $0x2800  }
0xe2: {  	s25 =	sadd.s32 $0x1, s25;
	s26 =	rddreg [dreg:$0x10]  }
0xe3: {  	p1 =	sne.s32 s25, s26  }
.Ltmp3:
0xe4: {  	_ = 	snop;
	(pc) =	sbr.rel @p1 .LBB2_1-.Ltmp3, $3  }
0xe5: {  	_ =	sdelay $0x1  }
0xe6: {  	[sflag:s11] =	ssyncset.done @!p0 $0x0  }
0xe7: {  	[sflag:s11] =	ssyncadd.s32 @!p0 $0xFFFFD800  }
0xe8: {  	_ =	sfence.sel $0x180000  }
0xe9: {  	[bflag:$0x0] =	sbarrier.arrive $0xFFFF  }
0xea: {  	_ =	strace $0x9000004D  }
0xeb: {  	s0 =	stileid.u32;
	[bflag:$0x2] =	sbarrier.arrive $0xFFFF  }
0xec: {  	p0 =	sne.s32 s0, $0x0;
	s0 =	rddreg [dreg:$0x2]  }
0xed: {  	s0 =	sadd.s32 @!p0 $0x100000, s0  }
0xee: {  	[sflag:s0] =	ssyncadd.tile.s32 @!p0 $0x1;
	_ =	shalt  }
.Lfunc_end2:
_tile_overlayer_lowered:
.L_overlay_start_2:
0xef: {  	(tag) =	ssettag $0x2  }
0xf0: {  	s0 =	rddreg [dreg:$0x0];
	s2 =	stileid.u32  }
0xf1: {  	s1 =	rddreg [dreg:$0x1];
	p0 =	sne.s32 s2, $0x0  }
0xf2: {  	s3 =	rddreg [dreg:$0x2];
	[bflag:$0x3] =	sbarrier.arrive $0xFFFF;
	s2 =	simm.s32 @!p0 $0x1C04  }
0xf3: {  	[timem:s3], [sflag:s2] =	dma.local @!p0 [hbm:s0], s1  }
0xf4: {  	s0 =	simm.s32 @!p0 $0x4  }
0xf5: {  	_ =	swait.ge @!p0 [sflag:s0], s1  }
0xf6: {  	s1 =	ssub.s32 @!p0 $0x0, s1;
	[sflag:s0] =	ssyncset.done @!p0 $0x0  }
0xf7: {  	[sflag:s0] =	ssyncadd.s32 @!p0 s1  }
0xf8: {  	[bflag:$0x3] =	sbarrier.arrive $0xFFFF  }
0xf9: {  	_ =	shalt  }

// kernel: _encoder.8.cloned.1.call-start
scs
__scs_entry_jumppad:
0x0: {  	(pc) =	sbr.rel $0x88, $3  }
0x1: {  	(tag) =	ssettag $0x0;
	lr =	simm.s32 $0x1  }
0x2: {  	[smem:$0x3F89] =	sst lr;
	_ =	strace $0xD0000000  }
0x3: {  	_ = 	snop  }
0x4: {  	_ = 	snop  }
0x5: {  	_ = 	snop  }
0x6: {  	_ = 	snop  }
0x7: {  	_ = 	snop  }
__scs_overlays_trampoline_lowered:
0x8: {  	[smem:$0x3F98] =	sst s0  }
0x9: {  	[smem:$0x3F99] =	sst s1  }
0xa: {  	[smem:$0x3F9A] =	sst s2  }
0xb: {  	[smem:$0x3F9B] =	sst s3  }
0xc: {  	[smem:$0x3F9C] =	sst s4  }
0xd: {  	[smem:$0x3F9D] =	sst s5  }
0xe: {  	[smem:$0x3F9E] =	sst s6  }
0xf: {  	[smem:$0x3F9F] =	sst s7  }
0x10: {  	[smem:$0x3FA0] =	sst s8  }
0x11: {  	[smem:$0x3FA1] =	sst s9;
	s0 =	simm.s32 @!p0 $0x0  }
0x12: {  	s1 =	sld [smem:$0x3F87];
	s0 =	simm.s32 @p0 $0x1  }
0x13: {  	[smem:$0x3FA2] =	sst s0;
	s0 =	simm.s32 @!p1 $0x0  }
0x14: {  	s2 =	sld [smem:$0x3F86];
	s0 =	simm.s32 @p1 $0x1  }
0x15: {  	[smem:$0x3FA3] =	sst s0;
	s0 =	simm.s32 @!p2 $0x0  }
0x16: {  	s3 =	sld [smem:$0x3FDB];
	s0 =	simm.s32 @p2 $0x1  }
0x17: {  	s4 =	simm.s32 $0x1BF5;
	[smem:$0x3FA5] =	sst s0  }
0x18: {  	s0 =	sld [smem:$0x3F88];
	_ =	swait.ge [sflag:s4], $0x0  }
0x19: {  	s7 =	sld [smem:$0x3F89]  }
0x1a: {  	s8 =	sadd.s32 $0xFFFFE003, lr  }
0x1b: {  	s9 =	sadd.s32 $0xFFFFFEF7, lr;
	s5 =	simm.s32 $0xFFFFFFFF;
	p2 =	slt.u32 s8, $0xFFFFF086  }
0x1c: {  	p1 =	slt.u32 s9, $0xF7A;
	s5 =	simm.s32 @!p2 $0x0  }
0x1d: {  	s5 =	simm.s32 @p1 $0x1;
	p0 =	seq.s32 s7, s2  }
0x1e: {  	s7 =	smul.u32 @!p0 $0xF7A, s2;
	p2 =	seq.s32 @!p0 s5, $0x0  }
0x1f: {  	s9 =	smul.u32 $0xF7A, s1;
	s8 =	simm.s32 @!p0 $0x1BF5;
	p2 =	por !p2, p0  }
0x20: {  	[sflag:s8] =	ssyncset.s32 @!p0 $0xFFFFF086;
	s6 =	sadd.s32 @!p0 s3, s7;
	s7 =	simm.s32 @!p0 $0x108  }
0x21: {  	s3 =	sadd.s32 s3, s9;
	s6 =	sadd.s32 @!p0 $0x88, s6;
	s7 =	simm.s32 @p2 $0x1082  }
0x22: {  	[simem:s7], [sflag:s8] =	dma.local @!p0 [hbm:s6], $0xF7A  }
0x23: {  	s9 =	sor.u32 $0xD0000000, s2;
	s6 =	simm.s32 $0x108;
	_ =	swait.ge @!p0 [sflag:s8], $0x0  }
0x24: {  	s3 =	sadd.s32 $0x88, s3;
	s6 =	simm.s32 @!p1 $0x1082;
	[sflag:s4] =	ssyncset.s32 $0xFFFFF086  }
0x25: {  	[simem:s6], [sflag:s4] =	dma.local [hbm:s3], $0xF7A  }
0x26: {  	[smem:$0x3F89] =	sst s1;
	(tag) =	ssettag s2;
	_ =	strace s9  }
0x27: {  	s1 =	sld [smem:$0x3F99]  }
0x28: {  	s2 =	sld [smem:$0x3F9A]  }
0x29: {  	s4 =	sld [smem:$0x3F9C]  }
0x2a: {  	p0 =	seq.s32 s5, $0x0;
	s5 =	sld [smem:$0x3F9D]  }
0x2b: {  	s6 =	sld [smem:$0x3F9E]  }
0x2c: {  	s7 =	sld [smem:$0x3F9F]  }
0x2d: {  	s3 =	simm.s32 $0x108;
	s8 =	sld [smem:$0x3FA0]  }
0x2e: {  	s3 =	simm.s32 @!p0 $0x1082;
	s9 =	sld [smem:$0x3FA1]  }
0x2f: {  	lr =	sadd.s32 s0, s3;
	s0 =	sld [smem:$0x3F98]  }
0x30: {  	s3 =	sld [smem:$0x3F9B]  }
0x31: {  	[smem:$0x3FA4] =	sst s10  }
0x32: {  	s10 =	sld [smem:$0x3FA2];
	_ =	sdelay $0x3  }
0x33: {  	p0 =	seq.s32 s10, $0x1;
	s10 =	sld [smem:$0x3FA4];
	_ =	sdelay $0x3  }
0x34: {  	[smem:$0x3FA4] =	sst s10  }
0x35: {  	s10 =	sld [smem:$0x3FA3];
	_ =	sdelay $0x3  }
0x36: {  	p1 =	seq.s32 s10, $0x1;
	s10 =	sld [smem:$0x3FA4];
	_ =	sdelay $0x3  }
0x37: {  	[smem:$0x3FA4] =	sst s10  }
0x38: {  	s10 =	sld [smem:$0x3FA5]  }
0x39: {  	_ = 	snop;
	(pc) =	sbr.ind lr, $3  }
0x3a: {  	_ = 	snop  }
0x3b: {  	_ = 	snop  }
0x3c: {  	p2 =	seq.s32 s10, $0x1;
	s10 =	sld [smem:$0x3FA4]  }
0x3d: {  	_ =	shalt  }
0x3e: {  	_ =	shalt  }
0x3f: {  	_ =	shalt  }
0x40: {  	_ =	shalt  }
0x41: {  	_ =	shalt  }
0x42: {  	_ =	shalt  }
0x43: {  	_ =	shalt  }
0x44: {  	_ =	shalt  }
0x45: {  	_ =	shalt  }
0x46: {  	_ =	shalt  }
0x47: {  	_ =	shalt  }
0x48: {  	_ =	shalt  }
0x49: {  	_ =	shalt  }
0x4a: {  	_ =	shalt  }
0x4b: {  	_ =	shalt  }
0x4c: {  	_ =	shalt  }
0x4d: {  	_ =	shalt  }
0x4e: {  	_ =	shalt  }
0x4f: {  	_ =	shalt  }
0x50: {  	_ =	shalt  }
0x51: {  	_ =	shalt  }
0x52: {  	_ =	shalt  }
0x53: {  	_ =	shalt  }
0x54: {  	_ =	shalt  }
0x55: {  	_ =	shalt  }
0x56: {  	_ =	shalt  }
0x57: {  	_ =	shalt  }
0x58: {  	_ =	shalt  }
0x59: {  	_ =	shalt  }
0x5a: {  	_ =	shalt  }
0x5b: {  	_ =	shalt  }
0x5c: {  	_ =	shalt  }
0x5d: {  	_ =	shalt  }
0x5e: {  	_ =	shalt  }
0x5f: {  	_ =	shalt  }
0x60: {  	_ =	shalt  }
0x61: {  	_ =	shalt  }
0x62: {  	_ =	shalt  }
0x63: {  	_ =	shalt  }
0x64: {  	_ =	shalt  }
0x65: {  	_ =	shalt  }
0x66: {  	_ =	shalt  }
0x67: {  	_ =	shalt  }
0x68: {  	_ =	shalt  }
0x69: {  	_ =	shalt  }
0x6a: {  	_ =	shalt  }
0x6b: {  	_ =	shalt  }
0x6c: {  	_ =	shalt  }
0x6d: {  	_ =	shalt  }
0x6e: {  	_ =	shalt  }
0x6f: {  	_ =	shalt  }
0x70: {  	_ =	shalt  }
0x71: {  	_ =	shalt  }
0x72: {  	_ =	shalt  }
0x73: {  	_ =	shalt  }
0x74: {  	_ =	shalt  }
0x75: {  	_ =	shalt  }
0x76: {  	_ =	shalt  }
0x77: {  	_ =	shalt  }
0x78: {  	_ =	shalt  }
0x79: {  	_ =	shalt  }
0x7a: {  	_ =	shalt  }
0x7b: {  	_ =	shalt  }
0x7c: {  	_ =	shalt  }
0x7d: {  	_ =	shalt  }
0x7e: {  	_ =	shalt  }
0x7f: {  	_ =	shalt  }
0x80: {  	_ =	shalt  }
0x81: {  	_ =	shalt  }
0x82: {  	_ =	shalt  }
0x83: {  	_ =	shalt  }
0x84: {  	_ =	shalt  }
0x85: {  	_ =	shalt  }
0x86: {  	_ =	shalt  }
0x87: {  	_ =	shalt  }
.Lfunc_end0:
.L_simem_size_0:
called_computation_lowered:
.L_overlay_start_0:
0x88: {  	s2 =	sld [smem:$0x3FD9]  }
0x89: {  	s3 =	sld [smem:$0x3FFE];
	_ =	sdelay $0x1  }
0x8a: {  	s1 =	srdreg.scid  }
0x8b: {  	s0 =	sand.u32 $0x1, s1  }
0x8c: {  	s14 =	sshll.u32 s0, $0xA;
	s2 =	sadd.s32 s3, s2  }
0x8d: {  	s2 =	sadd.s32 s2, s14  }
0x8e: {  	[smem:$0x3FB0] =	sst s2  }
0x8f: {  	_ = 	snop  }
0x90: {  	s2 =	sld [smem:$0x3FD0];
	_ =	sdelay $0x2  }
0x91: {  	s4 =	simm.s32 $0xA;
	s5 =	simm.s32 $0x10;
	s15 =	sld [smem:$0x3FC9]  }
0x92: {  	[smem:s5], [sflag:s4] =	dma.local [hbm:s2], $0x1  }
0x93: {  	_ =	swait.eq [sflag:s4], $0x1  }
0x94: {  	[sflag:s4] =	ssyncset.done $0x0  }
0x95: {  	[sflag:s4] =	ssyncadd.s32 $0xFFFFFFFF  }
0x96: {  	s16 =	sld [smem:$0x11];
	(tm) =	ssettm $0x1  }
0x97: {  	s17 =	sld [smem:$0x3FFB];
	_ =	sdelay $0x3  }
0x98: {  	_ =	strace s17  }
0x99: {  	s4 =	sld [smem:$0x3FFC];
	_ =	sdelay $0x3  }
0x9a: {  	_ =	strace s4  }
0x9b: {  	s4 =	sld [smem:$0x3FFD];
	_ =	sdelay $0x3  }
0x9c: {  	_ =	strace s4  }
0x9d: {  	_ =	strace $0x8FFFFFFF  }
0x9e: {  	s18 =	sld [smem:$0x3FDB];
	_ =	sdelay $0x1  }
0x9f: {  	s19 =	simm.s32 $_scs_section_size  }
0xa0: {  	s6 =	simm.s32 $_size__tile_overlayer_lowered;
	s7 =	simm.s32 $_tile_overlayer_lowered  }
0xa1: {  	s22 =	simm.s32 $0x1BFF;
	s21 =	sshll.u32 s7, $0x1;
	s4 =	sadd.s32 s19, s18  }
0xa2: {  	s8 =	simm.s32 $0x0;
	s20 =	sshll.u32 s6, $0x1;
	s6 =	sadd.s32 s21, s4  }
0xa3: {  	[timem:s8], [sflag:s22] =	dma.local [hbm:s6], s20  }
0xa4: {  	_ =	swait.ge [sflag:s22], s20  }
0xa5: {  	s5 =	ssub.s32 $0x0, s20;
	[sflag:s22] =	ssyncset.done $0x0  }
0xa6: {  	[sflag:s22] =	ssyncadd.s32 s5;
	_ =	sdelay $0x1  }
0xa7: {  	s23 =	simm.s32 $0x1B8B  }
0xa8: {  	_ =	swait.ge [sflag:s23], $0x1  }
0xa9: {  	[sflag:s23] =	ssyncset.done $0x0  }
0xaa: {  	s25 =	simm.s32 $0x1B8E;
	s24 =	sld [smem:$0x3FFE];
	[sflag:s23] =	ssyncadd.s32 $0xFFFFFFFF  }
0xab: {  	s26 =	simm.s32 $execute0_lowered;
	[smem:$0x3FD2] =	sst s25  }
0xac: {  	s6 =	sshll.u32 s26, $0x1;
	_ =	strace $0x80000046;
	[dreg:$0x1] =	wrdreg $0xFFFFFFFF  }
0xad: {  	s28 =	simm.s32 $_size_execute0_lowered;
	s4 =	sadd.s32 s4, s6;
	[dreg:$0x0] =	wrdreg $0x0  }
0xae: {  	s6 =	sshll.u32 s28, $0x1;
	[dreg:$0x2] =	wrdreg s4  }
0xaf: {  	[dreg:$0x3] =	wrdreg s6  }
0xb0: {  	[dreg:$0x4] =	wrdreg $0xC0  }
0xb1: {  	_ =	task [dreg:s8], $0x5FFFF  }
0xb2: {  	[dreg:$0x1] =	wrdreg $0xFFFFFFFF  }
0xb3: {  	[dreg:$0x0] =	wrdreg $0x60  }
0xb4: {  	[dreg:$0x2] =	wrdreg s15  }
0xb5: {  	[dreg:$0x3] =	wrdreg s24  }
0xb6: {  	[dreg:$0x4] =	wrdreg s16  }
0xb7: {  	[dreg:$0x5] =	wrdreg $0xA8000  }
0xb8: {  	[dreg:$0x6] =	wrdreg $0x9  }
0xb9: {  	_ =	task.clear_ibuf [dreg:s8], $0x7FFFF;
	_ =	strace $0x90000046  }
0xba: {  	s29 =	simm.s32 $0x9;
	_ =	strace $0x80000048  }
0xbb: {  	_ =	swait.ge [sflag:s29], $0x1  }
0xbc: {  	[sflag:s29] =	ssyncadd.s32 $0xFFFFFFFF  }
0xbd: {  	_ =	strace $0x90000048  }
0xbe: {  	_ =	sfence  }
0xbf: {  	s30 =	sld [smem:$0x0];
	_ =	sdelay $0x2  }
0xc0: {  	s31 =	sshll.u32 s1, $0xD;
	s1 =	sshrl.u32 s1, $0x2  }
0xc1: {  	s3 =	sand.u32 $0x4000, s31;
	s1 =	sadd.s32 s1, s30  }
0xc2: {  	s0 =	sor.u32 s3, s0;
	s1 =	sshll.u32 s1, $0x11  }
0xc3: {  	s0 =	sor.u32 s1, s0  }
0xc4: {  	s0 =	sadd.s32 $0x8F2B, s0  }
0xc5: {  	[sflag:s0] =	ssyncadd.remote.s32 $0x1  }
0xc6: {  	_ =	sfence.sel $0xFFFF  }
0xc7: {  	[dreg:$0x0] =	wrdreg $0xFFFFFFFF;
	(pc) =	sbr.abs _section_cstart, $3  }
0xc8: {  	[dreg:$0x1] =	wrdreg $0xFFFFFFFF  }
0xc9: {  	_ =	task.clear_ibuf [dreg:s8], $0x2FFFF;
	_ =	strace $0x9FFFFFFF  }
0xca: {  	(tm) =	ssettm $0x7FFFFFFF  }
0xcb: {  	_ =	shalt  }
tec
execute0_lowered:
.L_overlay_start_1:
0x0: {  	(tag) =	ssettag $0x1  }
0x1: {  	s1 =	rddreg [dreg:$0x0]  }
0x2: {  	s0 =	rddreg [dreg:$0x1]  }
0x3: {  	s23 =	rddreg [dreg:$0x2]  }
0x4: {  	s3 =	rddreg [dreg:$0x3];
	s5 =	simm.s32 $0x0  }
0x5: {  	s2 =	srdreg.scid;
	s24 =	stileid.u32;
	s29 =	simm.s32 $0x2800  }
0x6: {  	s30 =	simm.s32 $0x4;
	s31 =	simm.s32 $0x1400;
	s12 =	smul.u32 $0x280, s24  }
0x7: {  	[smem:$0x7FF] =	sst s5;
	s2 =	sand.u32 $0x1, s2;
	s7 =	smul.u32 $0x50000, s24  }
0x8: {  	s13 =	sadd.s32 $0x5600, s0;
	s0 =	sadd.s32 $0xF600, s0;
	s9 =	smul.u32 $0x50, s24  }
0x9: {  	p0 =	seq.s32 s24, $0xF;
	s4 =	smul.u32 $0x500, s2;
	s6 =	ssub.s32 $0x2, s2  }
0xa: {  	_ =	strace $0x80000047;
	s8 =	sshrl.u32 s6, $0x1;
	s20 =	sshrl.u32 s7, $0x2  }
0xb: {  	s15 =	sor.u32 $0x50, s12;
	s19 =	sadd.s32 $0xA0, s12;
	s11 =	sadd.s32 $0x1E0, s12  }
0xc: {  	s14 =	ssub.s32 s6, s8;
	s4 =	sadd.s32 s9, s4;
	s6 =	sadd.s32 s20, s3  }
0xd: {  	s21 =	sshll.u32 s15, $0x7;
	s20 =	sadd.s32 $0xF0, s12;
	s22 =	sshll.u32 s19, $0x7  }
0xe: {  	s7 =	sadd.s32 s21, s3;
	s25 =	sshll.u32 s20, $0x7;
	s21 =	sadd.s32 $0x140, s12  }
0xf: {  	s8 =	sadd.s32 s22, s3;
	s22 =	sadd.s32 $0x190, s12;
	s4 =	sshll.u32 s4, $0x4  }
0x10: {  	s28 =	smax.u32 s14, $0x1;
	s14 =	simm.s32 $0x1380;
	s9 =	sadd.s32 s25, s3  }
0x11: {  	s10 =	sshll.u32 s21, $0x7;
	s18 =	sshll.u32 s22, $0x7;
	s17 =	sadd.s32 s13, s4  }
0x12: {  	s16 =	sadd.s32 $0x280, s4;
	s4 =	sadd.s32 s0, s4;
	[dreg:$0x5] =	wrdreg s17  }
0x13: {  	s10 =	sadd.s32 s10, s3;
	[dreg:$0x6] =	wrdreg s4;
	s26 =	sadd.s32 s13, s16  }
0x14: {  	s0 =	sadd.s32 s0, s16;
	s16 =	sadd.s32 $0x230, s12;
	s17 =	smul.u32 $0x2710, s2  }
0x15: {  	s18 =	sadd.s32 s18, s3;
	s13 =	sshll.u32 s11, $0x7;
	[dreg:$0x7] =	wrdreg s26  }
0x16: {  	s11 =	simm.s32 @p0 $0x2760;
	[dreg:$0x8] =	wrdreg s0;
	s0 =	sadd.s32 s13, s3  }
0x17: {  	s25 =	sshll.u32 s16, $0x7;
	s16 =	simm.s32 @p0 $0x27B0;
	[dreg:$0x9] =	wrdreg s0  }
0x18: {  	s26 =	sadd.s32 s25, s3;
	s2 =	sadd.s32 s12, s17;
	s4 =	sadd.s32 s17, s15  }
0x19: {  	s12 =	sadd.s32 s17, s19;
	s20 =	sadd.s32 s17, s20;
	s21 =	sadd.s32 s17, s21  }
0x1a: {  	s22 =	sadd.s32 s17, s22;
	[dreg:$0xa] =	wrdreg s26;
	s0 =	sshll.u32 s2, $0x4  }
0x1b: {  	s13 =	sshll.u32 s4, $0x4;
	s15 =	sshll.u32 s12, $0x4;
	s25 =	sshll.u32 s21, $0x4  }
0x1c: {  	s26 =	sshll.u32 s22, $0x4;
	s4 =	simm.s32 $0x7D;
	s2 =	simm.s32 $0x6800  }
0x1d: {  	s12 =	simm.s32 $0x1;
	s0 =	sadd.s32 s23, s0;
	s19 =	sadd.s32 s23, s15  }
0x1e: {  	s26 =	sadd.s32 s23, s26;
	[dreg:$0xb] =	wrdreg s0;
	s0 =	sadd.s32 s23, s13  }
0x1f: {  	s15 =	simm.s32 $0x2700;
	[dreg:$0xc] =	wrdreg s0;
	s0 =	sshll.u32 s20, $0x4  }
0x20: {  	[dreg:$0xd] =	wrdreg s19;
	s13 =	simm.s32 $0x2;
	s0 =	sadd.s32 s23, s0  }
0x21: {  	s19 =	simm.s32 $0x2780;
	[dreg:$0xe] =	wrdreg s0;
	s0 =	sadd.s32 s23, s25  }
0x22: {  	v0 =	vimm.f32 $0.0e+00;
	s20 =	simm.s32 $0x0;
	[dreg:$0xf] =	wrdreg s0;
	s0 =	simm.s32 $0x3  }
.LBB2_1:
0x23: {  	s21 =	simm.s32 $0x0;
	s22 =	simm.s32 $0x200  }
.LBB2_2:
0x24: {  	p1 =	sne.s32 s22, $0x9E00;
	[tilespmem:s21+$0x2870] =	vst v0  }
0x25: {  	[tilespmem:s21+$0x2800] =	vst v0  }
0x26: {  	[tilespmem:s21+$0x2810] =	vst v0  }
.Ltmp0:
0x27: {  	[tilespmem:s21+$0x2820] =	vst v0;
	(pc) =	sbr.rel @p1 .LBB2_2-.Ltmp0, $4  }
0x28: {  	[tilespmem:s21+$0x2830] =	vst v0  }
0x29: {  	[tilespmem:s21+$0x2840] =	vst v0  }
0x2a: {  	[tilespmem:s21+$0x2850] =	vst v0  }
0x2b: {  	[tilespmem:s21+$0x2860] =	vst v0;
	s21 =	sshra.s32 s22, $0x2;
	s22 =	sadd.s32 $0x200, s22  }
0x2c: {  	[tilespmem:s21+$0x2870] =	vst v0  }
0x2d: {  	[tilespmem:s21+$0x2800] =	vst v0  }
0x2e: {  	[tilespmem:s21+$0x2810] =	vst v0  }
0x2f: {  	[tilespmem:s21+$0x2820] =	vst v0  }
0x30: {  	[tilespmem:s21+$0x2830] =	vst v0  }
0x31: {  	[tilespmem:s21+$0x2840] =	vst v0  }
0x32: {  	[tilespmem:s21+$0x2850] =	vst v0  }
0x33: {  	[tilespmem:s21+$0x2860] =	vst v0  }
0x34: {  	[spmem:s6] =	stream.linear.scatter [tilespmem:s29], [sflag:$0x4], $0x2800, $0x38;
	[tilespmem:$0x1E080] =	vst v63  }
0x35: {  	_ =	swait.ge [sflag:s30], $0x2800  }
0x36: {  	[sflag:s30] =	ssyncset.done $0x0  }
0x37: {  	[sflag:s30] =	ssyncadd.s32 $0xFFFFD800  }
0x38: {  	[spmem:s7] =	stream.linear.scatter [tilespmem:s29], [sflag:$0x4], $0x2800, $0x38;
	[tilespmem:$0x1E080] =	vst v63  }
0x39: {  	_ =	swait.ge [sflag:s30], $0x2800  }
0x3a: {  	[sflag:s30] =	ssyncset.done $0x0  }
0x3b: {  	[sflag:s30] =	ssyncadd.s32 $0xFFFFD800  }
0x3c: {  	[spmem:s8] =	stream.linear.scatter [tilespmem:s29], [sflag:$0x4], $0x2800, $0x38;
	[tilespmem:$0x1E080] =	vst v63  }
0x3d: {  	_ =	swait.ge [sflag:s30], $0x2800  }
0x3e: {  	[sflag:s30] =	ssyncset.done $0x0  }
0x3f: {  	[sflag:s30] =	ssyncadd.s32 $0xFFFFD800  }
0x40: {  	[spmem:s9] =	stream.linear.scatter [tilespmem:s29], [sflag:$0x4], $0x2800, $0x38;
	[tilespmem:$0x1E080] =	vst v63  }
0x41: {  	_ =	swait.ge [sflag:s30], $0x2800  }
0x42: {  	[sflag:s30] =	ssyncset.done $0x0  }
0x43: {  	[sflag:s30] =	ssyncadd.s32 $0xFFFFD800  }
0x44: {  	[spmem:s10] =	stream.linear.scatter [tilespmem:s29], [sflag:$0x4], $0x2800, $0x38;
	[tilespmem:$0x1E080] =	vst v63  }
0x45: {  	_ =	swait.ge [sflag:s30], $0x2800  }
0x46: {  	[sflag:s30] =	ssyncset.done $0x0  }
0x47: {  	s21 =	simm.s32 @!p0 $0x2800;
	s22 =	simm.s32 @!p0 $0x4;
	[sflag:s30] =	ssyncadd.s32 $0xFFFFD800  }
0x48: {  	[spmem:s18] =	stream.linear.scatter @!p0 [tilespmem:s21], [sflag:$0x4], $0x2800, $0x38;
	[tilespmem:$0x1E080] =	vst v63  }
0x49: {  	_ =	swait.ge @!p0 [sflag:s22], $0x2800  }
0x4a: {  	[sflag:s22] =	ssyncset.done @!p0 $0x0  }
0x4b: {  	s23 =	rddreg [dreg:$0x9];
	[sflag:s22] =	ssyncadd.s32 @!p0 $0xFFFFD800  }
0x4c: {  	[spmem:s23] =	stream.linear.scatter @!p0 [tilespmem:s21], [sflag:$0x4], $0x2800, $0x38;
	[tilespmem:$0x1E080] =	vst v63  }
0x4d: {  	_ =	swait.ge @!p0 [sflag:s22], $0x2800  }
0x4e: {  	[sflag:s22] =	ssyncset.done @!p0 $0x0  }
0x4f: {  	s23 =	rddreg [dreg:$0xa];
	[sflag:s22] =	ssyncadd.s32 @!p0 $0xFFFFD800  }
0x50: {  	[spmem:s23] =	stream.linear.scatter @!p0 [tilespmem:s21], [sflag:$0x4], $0x2800, $0x38;
	[tilespmem:$0x1E080] =	vst v63  }
0x51: {  	_ =	swait.ge @!p0 [sflag:s22], $0x2800  }
0x52: {  	[sflag:s22] =	ssyncset.done @!p0 $0x0  }
0x53: {  	[sflag:s22] =	ssyncadd.s32 @!p0 $0xFFFFD800  }
0x54: {  	[bflag:$0x0] =	sbarrier.arrive $0xFFFF  }
0x55: {  	s23 =	simm.s32 $0x0;
	s24 =	rddreg [dreg:$0x5]  }
0x56: {  	[tilespmem:s23], [sflag:$0x3] =	stream.linear.gather [hbm4b:s24+s23], $0x1400, $0x38;
	[tilespmem:$0x1E080] =	vst v63  }
0x57: {  	s25 =	rddreg [dreg:$0x6]  }
0x58: {  	[tilespmem:s31], [sflag:$0x3] =	stream.linear.gather [hbm4b:s25+s23], $0x1400, $0x38;
	[tilespmem:$0x1E080] =	vst v63  }
0x59: {  	_ =	swait.ge [sflag:s0], $0x1400  }
0x5a: {  	[sflag:s0] =	ssyncset.done $0x0  }
0x5b: {  	[sflag:s0] =	ssyncadd.s32 $0xFFFFEC00  }
0x5c: {  	_ =	swait.ge [sflag:s0], $0x1400  }
0x5d: {  	[sflag:s0] =	ssyncset.done $0x0  }
0x5e: {  	[sflag:s0] =	ssyncadd.s32 $0xFFFFEC00  }
0x5f: {  	[tilespmem:s29], [sflag:$0x1] =	stream.indirect.gather [hbm4b:s1+s4], $0x80, s23, s4, $0xb8;
	[tilespmem:$0x1E080] =	vst v63  }
0x60: {  	s22 =	simm.s32 $0x80  }
0x61: {  	[tilespmem:s2], [sflag:$0x2] =	stream.indirect.gather [hbm4b:s1+s4], $0x80, s22, s4, $0xb8;
	[tilespmem:$0x1E080] =	vst v63  }
0x62: {  	_ =	swait.ge [sflag:s12], $0x3E80  }
0x63: {  	[sflag:s12] =	ssyncset.done $0x0  }
0x64: {  	s23 =	simm.s32 $0x1400;
	[sflag:s12] =	ssyncadd.s32 $0xFFFFC180  }
0x65: {  	[spmem:s3] =	stream.indirect.scatter.add.f32 [tilespmem:s29], [sflag:$0x4], $0x80, s23, s4, $0xb8;
	[tilespmem:$0x1E080] =	vst v63  }
0x66: {  	_ =	swait.ge [sflag:s30], $0x3E80  }
0x67: {  	[sflag:s30] =	ssyncset.done $0x0  }
0x68: {  	s24 =	simm.s32 $0x100;
	[sflag:s30] =	ssyncadd.s32 $0xFFFFC180  }
0x69: {  	[tilespmem:s29], [sflag:$0x1] =	stream.indirect.gather [hbm4b:s1+s4], $0x80, s24, s4, $0xb8;
	[tilespmem:$0x1E080] =	vst v63  }
0x6a: {  	_ =	swait.ge [sflag:s13], $0x3E80  }
0x6b: {  	[sflag:s13] =	ssyncset.done $0x0  }
0x6c: {  	s25 =	simm.s32 $0x1480;
	[sflag:s13] =	ssyncadd.s32 $0xFFFFC180  }
0x6d: {  	[spmem:s3] =	stream.indirect.scatter.add.f32 [tilespmem:s2], [sflag:$0x4], $0x80, s25, s4, $0xb8;
	[tilespmem:$0x1E080] =	vst v63  }
0x6e: {  	_ =	swait.ge [sflag:s30], $0x3E80  }
0x6f: {  	s21 =	simm.s32 $0x100;
	s22 =	simm.s32 $0x800;
	[sflag:s30] =	ssyncset.done $0x0  }
.LBB2_4:
0x70: {  	s23 =	sadd.s32 $0x80, s21  }
0x71: {  	[sflag:s30] =	ssyncadd.s32 $0xFFFFC180;
	s24 =	smov.u32 s22;
	s25 =	sadd.s32 $0x400, s22  }
0x72: {  	[tilespmem:s2], [sflag:$0x2] =	stream.indirect.gather [hbm4b:s1+s4], $0x80, s23, s4, $0xb8;
	[tilespmem:$0x1E080] =	vst v63  }
0x73: {  	p1 =	sne.s32 s22, $0x4800;
	_ =	swait.ge [sflag:s12], $0x3E80  }
0x74: {  	[sflag:s12] =	ssyncset.done $0x0  }
0x75: {  	s22 =	sadd.s32 $0x1400, s21;
	[sflag:s12] =	ssyncadd.s32 $0xFFFFC180  }
0x76: {  	[spmem:s3] =	stream.indirect.scatter.add.f32 [tilespmem:s29], [sflag:$0x4], $0x80, s22, s4, $0xb8;
	[tilespmem:$0x1E080] =	vst v63  }
0x77: {  	_ =	swait.ge [sflag:s30], $0x3E80  }
0x78: {  	[sflag:s30] =	ssyncset.done $0x0  }
0x79: {  	s22 =	sadd.s32 $0x100, s21;
	[sflag:s30] =	ssyncadd.s32 $0xFFFFC180  }
0x7a: {  	[tilespmem:s29], [sflag:$0x1] =	stream.indirect.gather [hbm4b:s1+s4], $0x80, s22, s4, $0xb8;
	[tilespmem:$0x1E080] =	vst v63  }
0x7b: {  	_ =	swait.ge [sflag:s13], $0x3E80  }
.Ltmp1:
0x7c: {  	[sflag:s13] =	ssyncset.done $0x0;
	(pc) =	sbr.rel @p1 .LBB2_4-.Ltmp1, $4  }
0x7d: {  	s21 =	sadd.s32 $0x1480, s21;
	[sflag:s13] =	ssyncadd.s32 $0xFFFFC180  }
0x7e: {  	[spmem:s3] =	stream.indirect.scatter.add.f32 [tilespmem:s2], [sflag:$0x4], $0x80, s21, s4, $0xb8;
	[tilespmem:$0x1E080] =	vst v63  }
0x7f: {  	_ =	swait.ge [sflag:s30], $0x3E80  }
0x80: {  	s22 =	smov.u32 s25;
	s21 =	sshra.s32 s24, $0x2;
	[sflag:s30] =	ssyncset.done $0x0  }
0x81: {  	s22 =	sadd.s32 $0x80, s21;
	[sflag:s30] =	ssyncadd.s32 $0xFFFFC180  }
0x82: {  	[tilespmem:s2], [sflag:$0x2] =	stream.indirect.gather [hbm4b:s1+s4], $0x80, s22, s4, $0xb8;
	[tilespmem:$0x1E080] =	vst v63  }
0x83: {  	_ =	swait.ge [sflag:s12], $0x3E80  }
0x84: {  	[sflag:s12] =	ssyncset.done $0x0  }
0x85: {  	s24 =	sadd.s32 $0x1400, s21;
	[sflag:s12] =	ssyncadd.s32 $0xFFFFC180  }
0x86: {  	[spmem:s3] =	stream.indirect.scatter.add.f32 [tilespmem:s29], [sflag:$0x4], $0x80, s24, s4, $0xb8;
	[tilespmem:$0x1E080] =	vst v63  }
0x87: {  	_ =	swait.ge [sflag:s30], $0x3E80  }
0x88: {  	[sflag:s30] =	ssyncset.done $0x0  }
0x89: {  	s25 =	sadd.s32 $0x100, s21;
	[sflag:s30] =	ssyncadd.s32 $0xFFFFC180  }
0x8a: {  	[tilespmem:s29], [sflag:$0x1] =	stream.indirect.gather [hbm4b:s1+s4], $0x80, s25, s4, $0xb8;
	[tilespmem:$0x1E080] =	vst v63  }
0x8b: {  	_ =	swait.ge [sflag:s13], $0x3E80  }
0x8c: {  	[sflag:s13] =	ssyncset.done $0x0  }
0x8d: {  	s22 =	sadd.s32 $0x1480, s21;
	[sflag:s13] =	ssyncadd.s32 $0xFFFFC180  }
0x8e: {  	[spmem:s3] =	stream.indirect.scatter.add.f32 [tilespmem:s2], [sflag:$0x4], $0x80, s22, s4, $0xb8;
	[tilespmem:$0x1E080] =	vst v63  }
0x8f: {  	_ =	swait.ge [sflag:s30], $0x3E80  }
0x90: {  	[sflag:s30] =	ssyncset.done $0x0  }
0x91: {  	[sflag:s30] =	ssyncadd.s32 $0xFFFFC180  }
0x92: {  	[tilespmem:s2], [sflag:$0x2] =	stream.indirect.gather [hbm4b:s1+s4], $0x80, s14, s4, $0xb8;
	[tilespmem:$0x1E080] =	vst v63  }
0x93: {  	_ =	swait.ge [sflag:s12], $0x3E80  }
0x94: {  	[sflag:s12] =	ssyncset.done $0x0  }
0x95: {  	[sflag:s12] =	ssyncadd.s32 $0xFFFFC180  }
0x96: {  	[spmem:s3] =	stream.indirect.scatter.add.f32 [tilespmem:s29], [sflag:$0x4], $0x80, s15, s4, $0xb8;
	[tilespmem:$0x1E080] =	vst v63  }
0x97: {  	_ =	swait.ge [sflag:s30], $0x3E80  }
0x98: {  	[sflag:s30] =	ssyncset.done $0x0  }
0x99: {  	[sflag:s30] =	ssyncadd.s32 $0xFFFFC180  }
0x9a: {  	_ =	swait.ge [sflag:s13], $0x3E80  }
0x9b: {  	[sflag:s13] =	ssyncset.done $0x0  }
0x9c: {  	[sflag:s13] =	ssyncadd.s32 $0xFFFFC180  }
0x9d: {  	[spmem:s3] =	stream.indirect.scatter.add.f32 [tilespmem:s2], [sflag:$0x4], $0x80, s19, s4, $0xb8;
	[tilespmem:$0x1E080] =	vst v63  }
0x9e: {  	_ =	swait.ge [sflag:s30], $0x3E80  }
0x9f: {  	[sflag:s30] =	ssyncset.done $0x0  }
0xa0: {  	s23 =	simm.s32 $0x0;
	s24 =	rddreg [dreg:$0x7];
	[sflag:s30] =	ssyncadd.s32 $0xFFFFC180  }
0xa1: {  	[tilespmem:s23], [sflag:$0x3] =	stream.linear.gather [hbm4b:s24+s23], $0x1400, $0x38;
	[tilespmem:$0x1E080] =	vst v63  }
0xa2: {  	s25 =	rddreg [dreg:$0x8]  }
0xa3: {  	[tilespmem:s31], [sflag:$0x3] =	stream.linear.gather [hbm4b:s25+s23], $0x1400, $0x38;
	[tilespmem:$0x1E080] =	vst v63  }
0xa4: {  	_ =	swait.ge [sflag:s0], $0x1400  }
0xa5: {  	[sflag:s0] =	ssyncset.done $0x0  }
0xa6: {  	[sflag:s0] =	ssyncadd.s32 $0xFFFFEC00  }
0xa7: {  	_ =	swait.ge [sflag:s0], $0x1400  }
0xa8: {  	[sflag:s0] =	ssyncset.done $0x0  }
0xa9: {  	[sflag:s0] =	ssyncadd.s32 $0xFFFFEC00  }
0xaa: {  	[tilespmem:s29], [sflag:$0x1] =	stream.indirect.gather [hbm4b:s1+s4], $0x80, s23, s4, $0xb8;
	[tilespmem:$0x1E080] =	vst v63  }
0xab: {  	s22 =	simm.s32 $0x80  }
0xac: {  	[tilespmem:s2], [sflag:$0x2] =	stream.indirect.gather [hbm4b:s1+s4], $0x80, s22, s4, $0xb8;
	[tilespmem:$0x1E080] =	vst v63  }
0xad: {  	_ =	swait.ge [sflag:s12], $0x3E80  }
0xae: {  	[sflag:s12] =	ssyncset.done $0x0  }
0xaf: {  	s23 =	simm.s32 $0x1400;
	[sflag:s12] =	ssyncadd.s32 $0xFFFFC180  }
0xb0: {  	[spmem:s3] =	stream.indirect.scatter.add.f32 [tilespmem:s29], [sflag:$0x4], $0x80, s23, s4, $0xb8;
	[tilespmem:$0x1E080] =	vst v63  }
0xb1: {  	_ =	swait.ge [sflag:s30], $0x3E80  }
0xb2: {  	[sflag:s30] =	ssyncset.done $0x0  }
0xb3: {  	s24 =	simm.s32 $0x100;
	[sflag:s30] =	ssyncadd.s32 $0xFFFFC180  }
0xb4: {  	[tilespmem:s29], [sflag:$0x1] =	stream.indirect.gather [hbm4b:s1+s4], $0x80, s24, s4, $0xb8;
	[tilespmem:$0x1E080] =	vst v63  }
0xb5: {  	_ =	swait.ge [sflag:s13], $0x3E80  }
0xb6: {  	[sflag:s13] =	ssyncset.done $0x0  }
0xb7: {  	s25 =	simm.s32 $0x1480;
	[sflag:s13] =	ssyncadd.s32 $0xFFFFC180  }
0xb8: {  	[spmem:s3] =	stream.indirect.scatter.add.f32 [tilespmem:s2], [sflag:$0x4], $0x80, s25, s4, $0xb8;
	[tilespmem:$0x1E080] =	vst v63  }
0xb9: {  	_ =	swait.ge [sflag:s30], $0x3E80  }
0xba: {  	s21 =	simm.s32 $0x100;
	s22 =	simm.s32 $0x800;
	[sflag:s30] =	ssyncset.done $0x0  }
.LBB2_6:
0xbb: {  	s23 =	sadd.s32 $0x80, s21  }
0xbc: {  	[sflag:s30] =	ssyncadd.s32 $0xFFFFC180;
	s24 =	smov.u32 s22;
	s25 =	sadd.s32 $0x400, s22  }
0xbd: {  	[tilespmem:s2], [sflag:$0x2] =	stream.indirect.gather [hbm4b:s1+s4], $0x80, s23, s4, $0xb8;
	[tilespmem:$0x1E080] =	vst v63  }
0xbe: {  	p1 =	sne.s32 s22, $0x4800;
	_ =	swait.ge [sflag:s12], $0x3E80  }
0xbf: {  	[sflag:s12] =	ssyncset.done $0x0  }
0xc0: {  	s22 =	sadd.s32 $0x1400, s21;
	[sflag:s12] =	ssyncadd.s32 $0xFFFFC180  }
0xc1: {  	[spmem:s3] =	stream.indirect.scatter.add.f32 [tilespmem:s29], [sflag:$0x4], $0x80, s22, s4, $0xb8;
	[tilespmem:$0x1E080] =	vst v63  }
0xc2: {  	_ =	swait.ge [sflag:s30], $0x3E80  }
0xc3: {  	[sflag:s30] =	ssyncset.done $0x0  }
0xc4: {  	s22 =	sadd.s32 $0x100, s21;
	[sflag:s30] =	ssyncadd.s32 $0xFFFFC180  }
0xc5: {  	[tilespmem:s29], [sflag:$0x1] =	stream.indirect.gather [hbm4b:s1+s4], $0x80, s22, s4, $0xb8;
	[tilespmem:$0x1E080] =	vst v63  }
0xc6: {  	_ =	swait.ge [sflag:s13], $0x3E80  }
.Ltmp2:
0xc7: {  	[sflag:s13] =	ssyncset.done $0x0;
	(pc) =	sbr.rel @p1 .LBB2_6-.Ltmp2, $4  }
0xc8: {  	s21 =	sadd.s32 $0x1480, s21;
	[sflag:s13] =	ssyncadd.s32 $0xFFFFC180  }
0xc9: {  	[spmem:s3] =	stream.indirect.scatter.add.f32 [tilespmem:s2], [sflag:$0x4], $0x80, s21, s4, $0xb8;
	[tilespmem:$0x1E080] =	vst v63  }
0xca: {  	_ =	swait.ge [sflag:s30], $0x3E80  }
0xcb: {  	s22 =	smov.u32 s25;
	s21 =	sshra.s32 s24, $0x2;
	[sflag:s30] =	ssyncset.done $0x0  }
0xcc: {  	s22 =	sadd.s32 $0x80, s21;
	[sflag:s30] =	ssyncadd.s32 $0xFFFFC180  }
0xcd: {  	[tilespmem:s2], [sflag:$0x2] =	stream.indirect.gather [hbm4b:s1+s4], $0x80, s22, s4, $0xb8;
	[tilespmem:$0x1E080] =	vst v63  }
0xce: {  	_ =	swait.ge [sflag:s12], $0x3E80  }
0xcf: {  	[sflag:s12] =	ssyncset.done $0x0  }
0xd0: {  	s25 =	sadd.s32 $0x1400, s21;
	[sflag:s12] =	ssyncadd.s32 $0xFFFFC180  }
0xd1: {  	[spmem:s3] =	stream.indirect.scatter.add.f32 [tilespmem:s29], [sflag:$0x4], $0x80, s25, s4, $0xb8;
	[tilespmem:$0x1E080] =	vst v63  }
0xd2: {  	_ =	swait.ge [sflag:s30], $0x3E80  }
0xd3: {  	[sflag:s30] =	ssyncset.done $0x0  }
0xd4: {  	s23 =	sadd.s32 $0x100, s21;
	[sflag:s30] =	ssyncadd.s32 $0xFFFFC180  }
0xd5: {  	[tilespmem:s29], [sflag:$0x1] =	stream.indirect.gather [hbm4b:s1+s4], $0x80, s23, s4, $0xb8;
	[tilespmem:$0x1E080] =	vst v63  }
0xd6: {  	_ =	swait.ge [sflag:s13], $0x3E80  }
0xd7: {  	[sflag:s13] =	ssyncset.done $0x0  }
0xd8: {  	s24 =	sadd.s32 $0x1480, s21;
	[sflag:s13] =	ssyncadd.s32 $0xFFFFC180  }
0xd9: {  	[spmem:s3] =	stream.indirect.scatter.add.f32 [tilespmem:s2], [sflag:$0x4], $0x80, s24, s4, $0xb8;
	[tilespmem:$0x1E080] =	vst v63  }
0xda: {  	_ =	swait.ge [sflag:s30], $0x3E80  }
0xdb: {  	[sflag:s30] =	ssyncset.done $0x0  }
0xdc: {  	[sflag:s30] =	ssyncadd.s32 $0xFFFFC180  }
0xdd: {  	[tilespmem:s2], [sflag:$0x2] =	stream.indirect.gather [hbm4b:s1+s4], $0x80, s14, s4, $0xb8;
	[tilespmem:$0x1E080] =	vst v63  }
0xde: {  	_ =	swait.ge [sflag:s12], $0x3E80  }
0xdf: {  	[sflag:s12] =	ssyncset.done $0x0  }
0xe0: {  	[sflag:s12] =	ssyncadd.s32 $0xFFFFC180  }
0xe1: {  	[spmem:s3] =	stream.indirect.scatter.add.f32 [tilespmem:s29], [sflag:$0x4], $0x80, s15, s4, $0xb8;
	[tilespmem:$0x1E080] =	vst v63  }
0xe2: {  	_ =	swait.ge [sflag:s30], $0x3E80  }
0xe3: {  	[sflag:s30] =	ssyncset.done $0x0  }
0xe4: {  	[sflag:s30] =	ssyncadd.s32 $0xFFFFC180  }
0xe5: {  	_ =	swait.ge [sflag:s13], $0x3E80  }
0xe6: {  	[sflag:s13] =	ssyncset.done $0x0  }
0xe7: {  	[sflag:s13] =	ssyncadd.s32 $0xFFFFC180  }
0xe8: {  	[spmem:s3] =	stream.indirect.scatter.add.f32 [tilespmem:s2], [sflag:$0x4], $0x80, s19, s4, $0xb8;
	[tilespmem:$0x1E080] =	vst v63  }
0xe9: {  	_ =	swait.ge [sflag:s30], $0x3E80  }
0xea: {  	[sflag:s30] =	ssyncset.done $0x0  }
0xeb: {  	[sflag:s30] =	ssyncadd.s32 $0xFFFFC180  }
0xec: {  	[bflag:$0x0] =	sbarrier.arrive $0xFFFF  }
0xed: {  	[tilespmem:s29], [sflag:$0x4] =	stream.linear.gather [spmem:s6], $0x2800, $0x38;
	[tilespmem:$0x1E080] =	vst v63  }
0xee: {  	_ =	swait.ge [sflag:s30], $0x2800  }
0xef: {  	[sflag:s30] =	ssyncset.done $0x0  }
0xf0: {  	s25 =	rddreg [dreg:$0xb];
	[sflag:s30] =	ssyncadd.s32 $0xFFFFD800  }
0xf1: {  	[hbm4b:s25+s5] =	stream.linear.scatter [tilespmem:s29], [sflag:$0x4], $0x2800, $0x38;
	[tilespmem:$0x1E080] =	vst v63  }
0xf2: {  	_ =	swait.ge [sflag:s30], $0x2800  }
0xf3: {  	[sflag:s30] =	ssyncset.done $0x0  }
0xf4: {  	[sflag:s30] =	ssyncadd.s32 $0xFFFFD800  }
0xf5: {  	[tilespmem:s29], [sflag:$0x4] =	stream.linear.gather [spmem:s7], $0x2800, $0x38;
	[tilespmem:$0x1E080] =	vst v63  }
0xf6: {  	_ =	swait.ge [sflag:s30], $0x2800  }
0xf7: {  	[sflag:s30] =	ssyncset.done $0x0  }
0xf8: {  	s22 =	rddreg [dreg:$0xc];
	[sflag:s30] =	ssyncadd.s32 $0xFFFFD800  }
0xf9: {  	[hbm4b:s22+s5] =	stream.linear.scatter [tilespmem:s29], [sflag:$0x4], $0x2800, $0x38;
	[tilespmem:$0x1E080] =	vst v63  }
0xfa: {  	_ =	swait.ge [sflag:s30], $0x2800  }
0xfb: {  	[sflag:s30] =	ssyncset.done $0x0  }
0xfc: {  	[sflag:s30] =	ssyncadd.s32 $0xFFFFD800  }
0xfd: {  	[tilespmem:s29], [sflag:$0x4] =	stream.linear.gather [spmem:s8], $0x2800, $0x38;
	[tilespmem:$0x1E080] =	vst v63  }
0xfe: {  	_ =	swait.ge [sflag:s30], $0x2800  }
0xff: {  	[sflag:s30] =	ssyncset.done $0x0  }
0x100: {  	s23 =	rddreg [dreg:$0xd];
	[sflag:s30] =	ssyncadd.s32 $0xFFFFD800  }
0x101: {  	[hbm4b:s23+s5] =	stream.linear.scatter [tilespmem:s29], [sflag:$0x4], $0x2800, $0x38;
	[tilespmem:$0x1E080] =	vst v63  }
0x102: {  	_ =	swait.ge [sflag:s30], $0x2800  }
0x103: {  	[sflag:s30] =	ssyncset.done $0x0  }
0x104: {  	[sflag:s30] =	ssyncadd.s32 $0xFFFFD800  }
0x105: {  	[tilespmem:s29], [sflag:$0x4] =	stream.linear.gather [spmem:s9], $0x2800, $0x38;
	[tilespmem:$0x1E080] =	vst v63  }
0x106: {  	_ =	swait.ge [sflag:s30], $0x2800  }
0x107: {  	[sflag:s30] =	ssyncset.done $0x0  }
0x108: {  	s24 =	rddreg [dreg:$0xe];
	[sflag:s30] =	ssyncadd.s32 $0xFFFFD800  }
0x109: {  	[hbm4b:s24+s5] =	stream.linear.scatter [tilespmem:s29], [sflag:$0x4], $0x2800, $0x38;
	[tilespmem:$0x1E080] =	vst v63  }
0x10a: {  	_ =	swait.ge [sflag:s30], $0x2800  }
0x10b: {  	[sflag:s30] =	ssyncset.done $0x0  }
0x10c: {  	[sflag:s30] =	ssyncadd.s32 $0xFFFFD800  }
0x10d: {  	[tilespmem:s29], [sflag:$0x4] =	stream.linear.gather [spmem:s10], $0x2800, $0x38;
	[tilespmem:$0x1E080] =	vst v63  }
0x10e: {  	_ =	swait.ge [sflag:s30], $0x2800  }
0x10f: {  	[sflag:s30] =	ssyncset.done $0x0  }
0x110: {  	s25 =	rddreg [dreg:$0xf];
	[sflag:s30] =	ssyncadd.s32 $0xFFFFD800  }
0x111: {  	[hbm4b:s25+s5] =	stream.linear.scatter [tilespmem:s29], [sflag:$0x4], $0x2800, $0x38;
	[tilespmem:$0x1E080] =	vst v63  }
0x112: {  	_ =	swait.ge [sflag:s30], $0x2800  }
0x113: {  	[sflag:s30] =	ssyncset.done $0x0  }
0x114: {  	s21 =	simm.s32 @!p0 $0x2800;
	s22 =	simm.s32 @!p0 $0x4;
	[sflag:s30] =	ssyncadd.s32 $0xFFFFD800  }
0x115: {  	[tilespmem:s21], [sflag:$0x4] =	stream.linear.gather @!p0 [spmem:s18], $0x2800, $0x38;
	[tilespmem:$0x1E080] =	vst v63  }
0x116: {  	_ =	swait.ge @!p0 [sflag:s22], $0x2800  }
0x117: {  	[sflag:s22] =	ssyncset.done @!p0 $0x0  }
0x118: {  	s23 =	simm.s32 @!p0 $0x0;
	[sflag:s22] =	ssyncadd.s32 @!p0 $0xFFFFD800  }
0x119: {  	[hbm4b:s26+s23] =	stream.linear.scatter @!p0 [tilespmem:s21], [sflag:$0x4], $0x2800, $0x38;
	[tilespmem:$0x1E080] =	vst v63  }
0x11a: {  	_ =	swait.ge @!p0 [sflag:s22], $0x2800  }
0x11b: {  	s24 =	sshll.u32 @!p0 s11, $0x7;
	[sflag:s22] =	ssyncset.done @!p0 $0x0  }
0x11c: {  	s24 =	sadd.s32 @!p0 s24, s3;
	[sflag:s22] =	ssyncadd.s32 @!p0 $0xFFFFD800  }
0x11d: {  	[tilespmem:s21], [sflag:$0x4] =	stream.linear.gather @!p0 [spmem:s24], $0x2800, $0x38;
	[tilespmem:$0x1E080] =	vst v63  }
0x11e: {  	_ =	swait.ge @!p0 [sflag:s22], $0x2800  }
0x11f: {  	[sflag:s22] =	ssyncset.done @!p0 $0x0  }
0x120: {  	s24 =	sadd.s32 @!p0 s17, s11;
	[sflag:s22] =	ssyncadd.s32 @!p0 $0xFFFFD800  }
0x121: {  	s24 =	sshll.u32 @!p0 s24, $0x4;
	s25 =	rddreg [dreg:$0x2]  }
0x122: {  	s24 =	sadd.s32 @!p0 s25, s24  }
0x123: {  	[hbm4b:s24+s23] =	stream.linear.scatter @!p0 [tilespmem:s21], [sflag:$0x4], $0x2800, $0x38;
	[tilespmem:$0x1E080] =	vst v63  }
0x124: {  	_ =	swait.ge @!p0 [sflag:s22], $0x2800  }
0x125: {  	s24 =	sshll.u32 @!p0 s16, $0x7;
	[sflag:s22] =	ssyncset.done @!p0 $0x0  }
0x126: {  	s24 =	sadd.s32 @!p0 s24, s3;
	[sflag:s22] =	ssyncadd.s32 @!p0 $0xFFFFD800  }
0x127: {  	[tilespmem:s21], [sflag:$0x4] =	stream.linear.gather @!p0 [spmem:s24], $0x2800, $0x38;
	[tilespmem:$0x1E080] =	vst v63  }
0x128: {  	s20 =	sadd.s32 $0x1, s20;
	s24 =	sadd.s32 @!p0 s17, s16;
	_ =	swait.ge @!p0 [sflag:s22], $0x2800  }
0x129: {  	p1 =	sne.s32 s20, s28;
	s24 =	sshll.u32 @!p0 s24, $0x4;
	[sflag:s22] =	ssyncset.done @!p0 $0x0  }
.Ltmp3:
0x12a: {  	s24 =	sadd.s32 @!p0 s25, s24;
	[sflag:s22] =	ssyncadd.s32 @!p0 $0xFFFFD800;
	(pc) =	sbr.rel @p1 .LBB2_1-.Ltmp3, $4  }
0x12b: {  	[hbm4b:s24+s23] =	stream.linear.scatter @!p0 [tilespmem:s21], [sflag:$0x4], $0x2800, $0x38;
	[tilespmem:$0x1E080] =	vst v63  }
0x12c: {  	_ =	swait.ge @!p0 [sflag:s22], $0x2800  }
0x12d: {  	[sflag:s22] =	ssyncset.done @!p0 $0x0  }
0x12e: {  	[sflag:s22] =	ssyncadd.s32 @!p0 $0xFFFFD800  }
0x12f: {  	_ =	sfence.sel $0x180000  }
0x130: {  	[bflag:$0x0] =	sbarrier.arrive $0xFFFF  }
0x131: {  	_ =	strace $0x90000047  }
0x132: {  	s0 =	stileid.u32;
	[bflag:$0x2] =	sbarrier.arrive $0xFFFF  }
0x133: {  	p0 =	sne.s32 s0, $0x0;
	s0 =	rddreg [dreg:$0x4]  }
0x134: {  	s0 =	sadd.s32 @!p0 $0x100000, s0  }
0x135: {  	[sflag:s0] =	ssyncadd.tile.s32 @!p0 $0x1;
	_ =	shalt  }
.Lfunc_end2:
_tile_overlayer_lowered:
.L_overlay_start_2:
0x136: {  	(tag) =	ssettag $0x2  }
0x137: {  	s0 =	rddreg [dreg:$0x0];
	s2 =	stileid.u32  }
0x138: {  	s1 =	rddreg [dreg:$0x1];
	p0 =	sne.s32 s2, $0x0  }
0x139: {  	s3 =	rddreg [dreg:$0x2];
	[bflag:$0x3] =	sbarrier.arrive $0xFFFF;
	s2 =	simm.s32 @!p0 $0x1C04  }
0x13a: {  	[timem:s3], [sflag:s2] =	dma.local @!p0 [hbm:s0], s1  }
0x13b: {  	s0 =	simm.s32 @!p0 $0x4  }
0x13c: {  	_ =	swait.ge @!p0 [sflag:s0], s1  }
0x13d: {  	s1 =	ssub.s32 @!p0 $0x0, s1;
	[sflag:s0] =	ssyncset.done @!p0 $0x0  }
0x13e: {  	[sflag:s0] =	ssyncadd.s32 @!p0 s1  }
0x13f: {  	[bflag:$0x3] =	sbarrier.arrive $0xFFFF  }
0x140: {  	_ =	shalt  }

</sc_bundles>
